<compile_context>
chip_gen: v7x
topology: tpu7x:2x2x1
jax: 0.10.2.dev20260603
libtpu: 0.0.44.dev20260713+nightly
codegen_flags: <defaults>
</compile_context>

<pallas_src>
import functools

import jax
import jax.numpy as jnp
from jax import lax
from jax.experimental import pallas as pl
from jax.experimental.pallas import tpu as pltpu
from jax.experimental.pallas import tpu_sc as plsc

N = 10000
D = 128
DH = D // 2
E = 320000
NC, NS = 2, 16
NW = NC * NS
CH = 80
CHA = 80
EPT = E // NS
NCH_A = EPT // CHA
EPW = E // NW
NCH_D = EPW // CH
NPAD = 10240
RPT = NPAD // NS
NBUF = 5

_MESH = plsc.VectorSubcoreMesh(
    core_axis_name="c", subcore_axis_name="s", num_cores=NC, num_subcores=NS)
_SC_PARAMS = pltpu.CompilerParams(use_tc_tiling_on_sc=False)


@functools.partial(
    pl.kernel,
    out_type=jax.ShapeDtypeStruct((NC, NPAD), jnp.float32),
    mesh=_MESH,
    scratch_types=[
        pltpu.VMEM((NCH_D, CH), jnp.int32),
        pltpu.VMEM((CH,), jnp.float32),
        pltpu.VMEM((RPT,), jnp.float32),
        pltpu.VMEM_SHARED((NPAD,), jnp.float32),
    ] + [pltpu.SemaphoreType.DMA] * NBUF,
    compiler_params=_SC_PARAMS,
)
def _sc_degree(dst_hbm, out_hbm, dst_v, ones_v, zbuf_v, deg_sh, *dsem):
    cid = lax.axis_index("c")
    sid = lax.axis_index("s")
    wid = sid * NC + cid
    one = jnp.ones((16,), jnp.float32)
    zero = jnp.zeros((16,), jnp.float32)
    for k in range(CH // 16):
        ones_v[pl.ds(k * 16, 16)] = one
    for k in range(RPT // 16):
        zbuf_v[pl.ds(k * 16, 16)] = zero
    pltpu.sync_copy(zbuf_v, deg_sh.at[pl.ds(sid * RPT, RPT)])
    pltpu.sync_copy(dst_hbm.at[wid], dst_v)
    plsc.subcore_barrier()

    def fire_deg(j, b):
        pltpu.async_copy(ones_v, deg_sh.at[dst_v.at[j]], dsem[b], add=True)

    def wait_deg(b):
        pltpu.make_async_copy(ones_v, deg_sh.at[dst_v.at[0]], dsem[b]).wait()

    for b in range(NBUF):
        fire_deg(b, b)

    def body(i, carry):
        for b in range(NBUF):
            wait_deg(b)
            fire_deg((i + 1) * NBUF + b, b)
        return carry

    lax.fori_loop(0, NCH_D // NBUF - 1, body, 0)
    for b in range(NBUF):
        wait_deg(b)
    plsc.subcore_barrier()
    pltpu.sync_copy(deg_sh.at[pl.ds(sid * RPT, RPT)],
                    out_hbm.at[cid, pl.ds(sid * RPT, RPT)])


@functools.partial(
    pl.kernel,
    out_type=jax.ShapeDtypeStruct((NC, NPAD, DH), jnp.float32),
    mesh=_MESH,
    scratch_types=[
        pltpu.VMEM((NCH_A, CHA), jnp.int32),
        pltpu.VMEM((NCH_A, CHA), jnp.int32),
        pltpu.VMEM((NBUF, CHA, DH), jnp.float32),
        pltpu.VMEM((128, DH), jnp.float32),
        pltpu.VMEM_SHARED((NPAD, DH), jnp.float32),
    ] + [pltpu.SemaphoreType.DMA] * (2 * NBUF),
    compiler_params=_SC_PARAMS,
)
def _sc_agg(gl_hbm, gr_hbm, src_hbm, dst_hbm, out_hbm,
            src_v, dst_v, rows_v, zbuf_v, acc_sh, *sems):
    gsem = sems[:NBUF]
    ssem = sems[NBUF:]
    cid = lax.axis_index("c")
    sid = lax.axis_index("s")
    zero = jnp.zeros((16,), jnp.float32)

    def zrow(i, carry):
        for k in range(DH // 16):
            zbuf_v[i, pl.ds(k * 16, 16)] = zero
        return carry

    lax.fori_loop(0, 128, zrow, 0)
    for k in range(RPT // 128):
        pltpu.sync_copy(zbuf_v, acc_sh.at[pl.ds(sid * RPT + k * 128, 128)])
    pltpu.sync_copy(src_hbm.at[sid], src_v)
    pltpu.sync_copy(dst_hbm.at[sid], dst_v)
    plsc.subcore_barrier()

    def fire_gather(j, b):
        @pl.when(cid == 0)
        def _():
            pltpu.async_copy(gl_hbm.at[src_v.at[j]], rows_v.at[b], gsem[b])

        @pl.when(cid == 1)
        def _():
            pltpu.async_copy(gr_hbm.at[src_v.at[j]], rows_v.at[b], gsem[b])

    def wait_gather(b):
        pltpu.make_async_copy(gl_hbm.at[src_v.at[0]], rows_v.at[b],
                              gsem[b]).wait()

    for b in range(NBUF):
        fire_gather(b, b)

    def body(i, carry):
        base = i * NBUF
        for b in range(NBUF):
            wait_gather(b)
            pltpu.async_copy(rows_v.at[b], acc_sh.at[dst_v.at[base + b]],
                             ssem[b], add=True)
        for b in range(NBUF):
            pltpu.make_async_copy(rows_v.at[b], acc_sh.at[dst_v.at[0]],
                                  ssem[b]).wait()
            fire_gather(jnp.minimum(base + b + NBUF, NCH_A - 1), b)
        return carry

    lax.fori_loop(0, NCH_A // NBUF, body, 0)
    for b in range(NBUF):
        wait_gather(b)
    plsc.subcore_barrier()
    pltpu.sync_copy(acc_sh.at[pl.ds(sid * RPT, RPT)],
                    out_hbm.at[cid, pl.ds(sid * RPT, RPT)])


_RB = 2000
_GRID = N // _RB


def _tc1_body(x_ref, w_ref, deg_ref, gl_ref, gr_ref):
    dinv = lax.rsqrt(deg_ref[...])
    h = jnp.dot(x_ref[...], w_ref[...], preferred_element_type=jnp.float32)
    g = h * dinv
    gl_ref[...] = g[:, :DH]
    gr_ref[...] = g[:, DH:]


def _tc1(x, W1, degsum):
    return pl.pallas_call(
        _tc1_body,
        grid=(_GRID,),
        in_specs=[
            pl.BlockSpec((_RB, D), lambda i: (i, 0)),
            pl.BlockSpec((D, D), lambda i: (0, 0)),
            pl.BlockSpec((_RB, 1), lambda i: (i, 0)),
        ],
        out_specs=[
            pl.BlockSpec((_RB, DH), lambda i: (i, 0)),
            pl.BlockSpec((_RB, DH), lambda i: (i, 0)),
        ],
        out_shape=[
            jax.ShapeDtypeStruct((N, DH), jnp.float32),
            jax.ShapeDtypeStruct((N, DH), jnp.float32),
        ],
    )(x, W1, degsum)


def _tc2_body(accl_ref, accr_ref, gl_ref, gr_ref, deg_ref, b_ref, a_ref,
              w2_ref, ol_ref, or_ref):
    dinv = lax.rsqrt(deg_ref[...])
    zl = dinv * (accl_ref[0] + gl_ref[...]) + b_ref[:, :DH]
    zr = dinv * (accr_ref[0] + gr_ref[...]) + b_ref[:, DH:]
    hl = jnp.where(zl >= 0, zl, a_ref[:, :DH] * zl)
    hr = jnp.where(zr >= 0, zr, a_ref[:, DH:] * zr)
    h2 = (jnp.dot(hl, w2_ref[:DH, :], preferred_element_type=jnp.float32)
          + jnp.dot(hr, w2_ref[DH:, :], preferred_element_type=jnp.float32))
    g2 = h2 * dinv
    ol_ref[...] = g2[:, :DH]
    or_ref[...] = g2[:, DH:]


def _tc2(acc, gl1, gr1, degsum, b1, a1, W2):
    return pl.pallas_call(
        _tc2_body,
        grid=(_GRID,),
        in_specs=[
            pl.BlockSpec((1, _RB, DH), lambda i: (0, i, 0)),
            pl.BlockSpec((1, _RB, DH), lambda i: (1, i, 0)),
            pl.BlockSpec((_RB, DH), lambda i: (i, 0)),
            pl.BlockSpec((_RB, DH), lambda i: (i, 0)),
            pl.BlockSpec((_RB, 1), lambda i: (i, 0)),
            pl.BlockSpec((1, D), lambda i: (0, 0)),
            pl.BlockSpec((1, D), lambda i: (0, 0)),
            pl.BlockSpec((D, D), lambda i: (0, 0)),
        ],
        out_specs=[
            pl.BlockSpec((_RB, DH), lambda i: (i, 0)),
            pl.BlockSpec((_RB, DH), lambda i: (i, 0)),
        ],
        out_shape=[
            jax.ShapeDtypeStruct((N, DH), jnp.float32),
            jax.ShapeDtypeStruct((N, DH), jnp.float32),
        ],
    )(acc, acc, gl1, gr1, degsum, b1, a1, W2)


def _tc3_body(accl_ref, accr_ref, gl_ref, gr_ref, deg_ref, b_ref, out_ref):
    dinv = lax.rsqrt(deg_ref[...])
    out_ref[:, :DH] = dinv * (accl_ref[0] + gl_ref[...]) + b_ref[:, :DH]
    out_ref[:, DH:] = dinv * (accr_ref[0] + gr_ref[...]) + b_ref[:, DH:]


def _tc3(acc, gl2, gr2, degsum, b2):
    return pl.pallas_call(
        _tc3_body,
        grid=(_GRID,),
        in_specs=[
            pl.BlockSpec((1, _RB, DH), lambda i: (0, i, 0)),
            pl.BlockSpec((1, _RB, DH), lambda i: (1, i, 0)),
            pl.BlockSpec((_RB, DH), lambda i: (i, 0)),
            pl.BlockSpec((_RB, DH), lambda i: (i, 0)),
            pl.BlockSpec((_RB, 1), lambda i: (i, 0)),
            pl.BlockSpec((1, D), lambda i: (0, 0)),
        ],
        out_specs=pl.BlockSpec((_RB, D), lambda i: (i, 0)),
        out_shape=jax.ShapeDtypeStruct((N, D), jnp.float32),
    )(acc, acc, gl2, gr2, degsum, b2)


def kernel(x, edge_index, W1, b1, a1, W2, b2):
    ei = edge_index.astype(jnp.int32)
    src_a = ei[0].reshape(NS, NCH_A, CHA)
    dst_a = ei[1].reshape(NS, NCH_A, CHA)
    dst_d = ei[1].reshape(NW, NCH_D, CH)

    deg2 = _sc_degree(dst_d)
    degsum = (deg2[0, :N] + deg2[1, :N] + 1.0).reshape(N, 1)

    gl1, gr1 = _tc1(x, W1, degsum)
    acc1 = _sc_agg(gl1, gr1, src_a, dst_a)
    gl2, gr2 = _tc2(acc1, gl1, gr1, degsum,
                    b1.reshape(1, D), a1.reshape(1, D), W2)
    acc2 = _sc_agg(gl2, gr2, src_a, dst_a)
    out = _tc3(acc2, gl2, gr2, degsum, b2.reshape(1, D))
    return out

# --- scband reference (transcript-rebuilt; emitter-appended) ---
"""Pipeline reference for scband-encoder-24704651886797 (READ-ONLY COPY).

The authoritative reference and input builder live on the scoring server;
editing this copy changes nothing except your own understanding.
"""

import jax, jax.numpy as jnp
import numpy as np

N_NODES = 10000
D_IN = 128
D_HID = 128
D_OUT = 128
N_EDGES = 320000


def gcn_conv(x, edge_index, W, b):
    num_nodes = x.shape[0]
    h = x @ W
    src = edge_index[0]
    dst = edge_index[1]
    loop = jnp.arange(num_nodes, dtype=src.dtype)
    src = jnp.concatenate([src, loop])
    dst = jnp.concatenate([dst, loop])
    deg = jnp.zeros((num_nodes,), dtype=h.dtype).at[dst].add(1.0)
    dinv = jax.lax.rsqrt(jnp.maximum(deg, 1.0))
    norm = dinv[src] * dinv[dst]
    msg = h[src] * norm[:, None]
    out = jnp.zeros((num_nodes, h.shape[1]), dtype=h.dtype).at[dst].add(msg)
    return out + b


def prelu(x, a):
    return jnp.where(x >= 0, x, a[None, :] * x)


def setup_inputs(seed: int = 0) -> dict:
    key = jax.random.key(seed)
    k_x, k_ei, k_w1, k_b1, k_w2, k_b2 = jax.random.split(key, 6)
    x = jax.random.normal(k_x, (N_NODES, D_IN), dtype=jnp.float32)
    edge_index = jax.random.randint(k_ei, (2, N_EDGES), 0, N_NODES, dtype=jnp.int64)
    s1 = 1.0 / np.sqrt(D_IN)
    W1 = jax.random.uniform(k_w1, (D_IN, D_HID), minval=-s1, maxval=s1, dtype=jnp.float32)
    b1 = jax.random.uniform(k_b1, (D_HID,), minval=-s1, maxval=s1, dtype=jnp.float32)
    a1 = jnp.full((D_HID,), 0.25, dtype=jnp.float32)
    s2 = 1.0 / np.sqrt(D_HID)
    W2 = jax.random.uniform(k_w2, (D_HID, D_OUT), minval=-s2, maxval=s2, dtype=jnp.float32)
    b2 = jax.random.uniform(k_b2, (D_OUT,), minval=-s2, maxval=s2, dtype=jnp.float32)
    return {"x": x, "edge_index": edge_index, "W1": W1, "b1": b1, "a1": a1, "W2": W2, "b2": b2}


def reference(x, edge_index, W1, b1, a1, W2, b2):
    # dropout(p=0.5) is identity in eval mode
    h = gcn_conv(x, edge_index, W1, b1)
    h = prelu(h, a1)
    out = gcn_conv(h, edge_index, W2, b2)
    return out

if __name__ == "__main__":
    import jax
    _d = setup_inputs()
    print(jax.jit(kernel)(*tuple(_d.values())))

</pallas_src>

<mosaic_0001>
#map = affine_map<(d0, d1) -> (0, 0, 0)>
#map1 = affine_map<(d0, d1) -> (0, 0)>
module attributes {stable_mosaic.version = 14 : i64} {
  func.func @_sc_degree(%arg0: i32, %arg1: i32, %arg2: memref<32x125x80xi32, #tpu.memory_space<hbm>>, %arg3: memref<2x10240xf32, #tpu.memory_space<hbm>>, %arg4: memref<125x80xi32, #tpu.memory_space<vmem>>, %arg5: memref<80xf32, #tpu.memory_space<vmem>>, %arg6: memref<640xf32, #tpu.memory_space<vmem>>, %arg7: memref<10240xf32, #tpu.memory_space<vmem_shared>>, %arg8: memref<!tpu.dma_semaphore, #tpu.memory_space<semaphore_mem>>, %arg9: memref<!tpu.dma_semaphore, #tpu.memory_space<semaphore_mem>>, %arg10: memref<!tpu.dma_semaphore, #tpu.memory_space<semaphore_mem>>, %arg11: memref<!tpu.dma_semaphore, #tpu.memory_space<semaphore_mem>>, %arg12: memref<!tpu.dma_semaphore, #tpu.memory_space<semaphore_mem>>) attributes {dimension_semantics = [#tpu.dimension_semantics<core_parallel>, #tpu.dimension_semantics<subcore_parallel>], iteration_bounds = array<i64: 2, 16>, scalar_prefetch = 0 : i64, scratch_operands = 9 : i64, tpu.core_type = #tpu.core_type<sc_vector_subcore>, window_params = [{transform_indices = #map}, {transform_indices = #map1}]} {
    %mul3A = arith.constant 2 : i32
    %mul3A_0 = arith.muli %arg1, %mul3A : i32
    %add3A = arith.addi %mul3A_0, %arg0 : i32
    %broadcast_in_dim3A = arith.constant 1.000000e+00 : f32
    %broadcast_in_dim3A_1 = vector.broadcast %broadcast_in_dim3A : f32 to vector<16xf32>
    %broadcast_in_dim3A_2 = arith.constant 0.000000e+00 : f32
    %broadcast_in_dim3A_3 = vector.broadcast %broadcast_in_dim3A_2 : f32 to vector<16xf32>
    %swap3A = arith.constant 0 : index
    %swap3A_4 = tpu.vector_load %arg5[%swap3A] {strides = array<i32>} : memref<80xf32, #tpu.memory_space<vmem>>, vector<16xf32>,
    %swap3A_5 = vector.shape_cast %swap3A_4 : vector<16xf32> to vector<16xf32>
    %swap3A_6 = vector.shape_cast %broadcast_in_dim3A_1 : vector<16xf32> to vector<16xf32>
    tpu.vector_store %arg5[%swap3A], %swap3A_6 {strides = array<i32>} : memref<80xf32, #tpu.memory_space<vmem>>, vector<16xf32>,
    %swap3A_7 = arith.constant 16 : index
    %swap3A_8 = tpu.vector_load %arg5[%swap3A_7] {strides = array<i32>} : memref<80xf32, #tpu.memory_space<vmem>>, vector<16xf32>,
    %swap3A_9 = vector.shape_cast %swap3A_8 : vector<16xf32> to vector<16xf32>
    %swap3A_10 = vector.shape_cast %broadcast_in_dim3A_1 : vector<16xf32> to vector<16xf32>
    tpu.vector_store %arg5[%swap3A_7], %swap3A_10 {strides = array<i32>} : memref<80xf32, #tpu.memory_space<vmem>>, vector<16xf32>,
    %swap3A_11 = arith.constant 32 : index
    %swap3A_12 = tpu.vector_load %arg5[%swap3A_11] {strides = array<i32>} : memref<80xf32, #tpu.memory_space<vmem>>, vector<16xf32>,
    %swap3A_13 = vector.shape_cast %swap3A_12 : vector<16xf32> to vector<16xf32>
    %swap3A_14 = vector.shape_cast %broadcast_in_dim3A_1 : vector<16xf32> to vector<16xf32>
    tpu.vector_store %arg5[%swap3A_11], %swap3A_14 {strides = array<i32>} : memref<80xf32, #tpu.memory_space<vmem>>, vector<16xf32>,
    %swap3A_15 = arith.constant 48 : index
    %swap3A_16 = tpu.vector_load %arg5[%swap3A_15] {strides = array<i32>} : memref<80xf32, #tpu.memory_space<vmem>>, vector<16xf32>,
    %swap3A_17 = vector.shape_cast %swap3A_16 : vector<16xf32> to vector<16xf32>
    %swap3A_18 = vector.shape_cast %broadcast_in_dim3A_1 : vector<16xf32> to vector<16xf32>
    tpu.vector_store %arg5[%swap3A_15], %swap3A_18 {strides = array<i32>} : memref<80xf32, #tpu.memory_space<vmem>>, vector<16xf32>,
    %swap3A_19 = arith.constant 64 : index
    %swap3A_20 = tpu.vector_load %arg5[%swap3A_19] {strides = array<i32>} : memref<80xf32, #tpu.memory_space<vmem>>, vector<16xf32>,
    %swap3A_21 = vector.shape_cast %swap3A_20 : vector<16xf32> to vector<16xf32>
    %swap3A_22 = vector.shape_cast %broadcast_in_dim3A_1 : vector<16xf32> to vector<16xf32>
    tpu.vector_store %arg5[%swap3A_19], %swap3A_22 {strides = array<i32>} : memref<80xf32, #tpu.memory_space<vmem>>, vector<16xf32>,
    %swap3A_23 = arith.constant 0 : index
    %swap3A_24 = tpu.vector_load %arg6[%swap3A_23] {strides = array<i32>} : memref<640xf32, #tpu.memory_space<vmem>>, vector<16xf32>,
    %swap3A_25 = vector.shape_cast %swap3A_24 : vector<16xf32> to vector<16xf32>
    %swap3A_26 = vector.shape_cast %broadcast_in_dim3A_3 : vector<16xf32> to vector<16xf32>
    tpu.vector_store %arg6[%swap3A_23], %swap3A_26 {strides = array<i32>} : memref<640xf32, #tpu.memory_space<vmem>>, vector<16xf32>,
    %swap3A_27 = arith.constant 16 : index
    %swap3A_28 = tpu.vector_load %arg6[%swap3A_27] {strides = array<i32>} : memref<640xf32, #tpu.memory_space<vmem>>, vector<16xf32>,
    %swap3A_29 = vector.shape_cast %swap3A_28 : vector<16xf32> to vector<16xf32>
    %swap3A_30 = vector.shape_cast %broadcast_in_dim3A_3 : vector<16xf32> to vector<16xf32>
    tpu.vector_store %arg6[%swap3A_27], %swap3A_30 {strides = array<i32>} : memref<640xf32, #tpu.memory_space<vmem>>, vector<16xf32>,
    %swap3A_31 = arith.constant 32 : index
    %swap3A_32 = tpu.vector_load %arg6[%swap3A_31] {strides = array<i32>} : memref<640xf32, #tpu.memory_space<vmem>>, vector<16xf32>,
    %swap3A_33 = vector.shape_cast %swap3A_32 : vector<16xf32> to vector<16xf32>
    %swap3A_34 = vector.shape_cast %broadcast_in_dim3A_3 : vector<16xf32> to vector<16xf32>
    tpu.vector_store %arg6[%swap3A_31], %swap3A_34 {strides = array<i32>} : memref<640xf32, #tpu.memory_space<vmem>>, vector<16xf32>,
    %swap3A_35 = arith.constant 48 : index
    %swap3A_36 = tpu.vector_load %arg6[%swap3A_35] {strides = array<i32>} : memref<640xf32, #tpu.memory_space<vmem>>, vector<16xf32>,
    %swap3A_37 = vector.shape_cast %swap3A_36 : vector<16xf32> to vector<16xf32>
    %swap3A_38 = vector.shape_cast %broadcast_in_dim3A_3 : vector<16xf32> to vector<16xf32>
    tpu.vector_store %arg6[%swap3A_35], %swap3A_38 {strides = array<i32>} : memref<640xf32, #tpu.memory_space<vmem>>, vector<16xf32>,
    %swap3A_39 = arith.constant 64 : index
    %swap3A_40 = tpu.vector_load %arg6[%swap3A_39] {strides = array<i32>} : memref<640xf32, #tpu.memory_space<vmem>>, vector<16xf32>,
    %swap3A_41 = vector.shape_cast %swap3A_40 : vector<16xf32> to vector<16xf32>
    %swap3A_42 = vector.shape_cast %broadcast_in_dim3A_3 : vector<16xf32> to vector<16xf32>
    tpu.vector_store %arg6[%swap3A_39], %swap3A_42 {strides = array<i32>} : memref<640xf32, #tpu.memory_space<vmem>>, vector<16xf32>,
    %swap3A_43 = arith.constant 80 : index
    %swap3A_44 = tpu.vector_load %arg6[%swap3A_43] {strides = array<i32>} : memref<640xf32, #tpu.memory_space<vmem>>, vector<16xf32>,
    %swap3A_45 = vector.shape_cast %swap3A_44 : vector<16xf32> to vector<16xf32>
    %swap3A_46 = vector.shape_cast %broadcast_in_dim3A_3 : vector<16xf32> to vector<16xf32>
    tpu.vector_store %arg6[%swap3A_43], %swap3A_46 {strides = array<i32>} : memref<640xf32, #tpu.memory_space<vmem>>, vector<16xf32>,
    %swap3A_47 = arith.constant 96 : index
    %swap3A_48 = tpu.vector_load %arg6[%swap3A_47] {strides = array<i32>} : memref<640xf32, #tpu.memory_space<vmem>>, vector<16xf32>,
    %swap3A_49 = vector.shape_cast %swap3A_48 : vector<16xf32> to vector<16xf32>
    %swap3A_50 = vector.shape_cast %broadcast_in_dim3A_3 : vector<16xf32> to vector<16xf32>
    tpu.vector_store %arg6[%swap3A_47], %swap3A_50 {strides = array<i32>} : memref<640xf32, #tpu.memory_space<vmem>>, vector<16xf32>,
    %swap3A_51 = arith.constant 112 : index
    %swap3A_52 = tpu.vector_load %arg6[%swap3A_51] {strides = array<i32>} : memref<640xf32, #tpu.memory_space<vmem>>, vector<16xf32>,
    %swap3A_53 = vector.shape_cast %swap3A_52 : vector<16xf32> to vector<16xf32>
    %swap3A_54 = vector.shape_cast %broadcast_in_dim3A_3 : vector<16xf32> to vector<16xf32>
    tpu.vector_store %arg6[%swap3A_51], %swap3A_54 {strides = array<i32>} : memref<640xf32, #tpu.memory_space<vmem>>, vector<16xf32>,
    %swap3A_55 = arith.constant 128 : index
    %swap3A_56 = tpu.vector_load %arg6[%swap3A_55] {strides = array<i32>} : memref<640xf32, #tpu.memory_space<vmem>>, vector<16xf32>,
    %swap3A_57 = vector.shape_cast %swap3A_56 : vector<16xf32> to vector<16xf32>
    %swap3A_58 = vector.shape_cast %broadcast_in_dim3A_3 : vector<16xf32> to vector<16xf32>
    tpu.vector_store %arg6[%swap3A_55], %swap3A_58 {strides = array<i32>} : memref<640xf32, #tpu.memory_space<vmem>>, vector<16xf32>,
    %swap3A_59 = arith.constant 144 : index
    %swap3A_60 = tpu.vector_load %arg6[%swap3A_59] {strides = array<i32>} : memref<640xf32, #tpu.memory_space<vmem>>, vector<16xf32>,
    %swap3A_61 = vector.shape_cast %swap3A_60 : vector<16xf32> to vector<16xf32>
    %swap3A_62 = vector.shape_cast %broadcast_in_dim3A_3 : vector<16xf32> to vector<16xf32>
    tpu.vector_store %arg6[%swap3A_59], %swap3A_62 {strides = array<i32>} : memref<640xf32, #tpu.memory_space<vmem>>, vector<16xf32>,
    %swap3A_63 = arith.constant 160 : index
    %swap3A_64 = tpu.vector_load %arg6[%swap3A_63] {strides = array<i32>} : memref<640xf32, #tpu.memory_space<vmem>>, vector<16xf32>,
    %swap3A_65 = vector.shape_cast %swap3A_64 : vector<16xf32> to vector<16xf32>
    %swap3A_66 = vector.shape_cast %broadcast_in_dim3A_3 : vector<16xf32> to vector<16xf32>
    tpu.vector_store %arg6[%swap3A_63], %swap3A_66 {strides = array<i32>} : memref<640xf32, #tpu.memory_space<vmem>>, vector<16xf32>,
    %swap3A_67 = arith.constant 176 : index
    %swap3A_68 = tpu.vector_load %arg6[%swap3A_67] {strides = array<i32>} : memref<640xf32, #tpu.memory_space<vmem>>, vector<16xf32>,
    %swap3A_69 = vector.shape_cast %swap3A_68 : vector<16xf32> to vector<16xf32>
    %swap3A_70 = vector.shape_cast %broadcast_in_dim3A_3 : vector<16xf32> to vector<16xf32>
    tpu.vector_store %arg6[%swap3A_67], %swap3A_70 {strides = array<i32>} : memref<640xf32, #tpu.memory_space<vmem>>, vector<16xf32>,
    %swap3A_71 = arith.constant 192 : index
    %swap3A_72 = tpu.vector_load %arg6[%swap3A_71] {strides = array<i32>} : memref<640xf32, #tpu.memory_space<vmem>>, vector<16xf32>,
    %swap3A_73 = vector.shape_cast %swap3A_72 : vector<16xf32> to vector<16xf32>
    %swap3A_74 = vector.shape_cast %broadcast_in_dim3A_3 : vector<16xf32> to vector<16xf32>
    tpu.vector_store %arg6[%swap3A_71], %swap3A_74 {strides = array<i32>} : memref<640xf32, #tpu.memory_space<vmem>>, vector<16xf32>,
    %swap3A_75 = arith.constant 208 : index
    %swap3A_76 = tpu.vector_load %arg6[%swap3A_75] {strides = array<i32>} : memref<640xf32, #tpu.memory_space<vmem>>, vector<16xf32>,
    %swap3A_77 = vector.shape_cast %swap3A_76 : vector<16xf32> to vector<16xf32>
    %swap3A_78 = vector.shape_cast %broadcast_in_dim3A_3 : vector<16xf32> to vector<16xf32>
    tpu.vector_store %arg6[%swap3A_75], %swap3A_78 {strides = array<i32>} : memref<640xf32, #tpu.memory_space<vmem>>, vector<16xf32>,
    %swap3A_79 = arith.constant 224 : index
    %swap3A_80 = tpu.vector_load %arg6[%swap3A_79] {strides = array<i32>} : memref<640xf32, #tpu.memory_space<vmem>>, vector<16xf32>,
    %swap3A_81 = vector.shape_cast %swap3A_80 : vector<16xf32> to vector<16xf32>
    %swap3A_82 = vector.shape_cast %broadcast_in_dim3A_3 : vector<16xf32> to vector<16xf32>
    tpu.vector_store %arg6[%swap3A_79], %swap3A_82 {strides = array<i32>} : memref<640xf32, #tpu.memory_space<vmem>>, vector<16xf32>,
    %swap3A_83 = arith.constant 240 : index
    %swap3A_84 = tpu.vector_load %arg6[%swap3A_83] {strides = array<i32>} : memref<640xf32, #tpu.memory_space<vmem>>, vector<16xf32>,
    %swap3A_85 = vector.shape_cast %swap3A_84 : vector<16xf32> to vector<16xf32>
    %swap3A_86 = vector.shape_cast %broadcast_in_dim3A_3 : vector<16xf32> to vector<16xf32>
    tpu.vector_store %arg6[%swap3A_83], %swap3A_86 {strides = array<i32>} : memref<640xf32, #tpu.memory_space<vmem>>, vector<16xf32>,
    %swap3A_87 = arith.constant 256 : index
    %swap3A_88 = tpu.vector_load %arg6[%swap3A_87] {strides = array<i32>} : memref<640xf32, #tpu.memory_space<vmem>>, vector<16xf32>,
    %swap3A_89 = vector.shape_cast %swap3A_88 : vector<16xf32> to vector<16xf32>
    %swap3A_90 = vector.shape_cast %broadcast_in_dim3A_3 : vector<16xf32> to vector<16xf32>
    tpu.vector_store %arg6[%swap3A_87], %swap3A_90 {strides = array<i32>} : memref<640xf32, #tpu.memory_space<vmem>>, vector<16xf32>,
    %swap3A_91 = arith.constant 272 : index
    %swap3A_92 = tpu.vector_load %arg6[%swap3A_91] {strides = array<i32>} : memref<640xf32, #tpu.memory_space<vmem>>, vector<16xf32>,
    %swap3A_93 = vector.shape_cast %swap3A_92 : vector<16xf32> to vector<16xf32>
    %swap3A_94 = vector.shape_cast %broadcast_in_dim3A_3 : vector<16xf32> to vector<16xf32>
    tpu.vector_store %arg6[%swap3A_91], %swap3A_94 {strides = array<i32>} : memref<640xf32, #tpu.memory_space<vmem>>, vector<16xf32>,
    %swap3A_95 = arith.constant 288 : index
    %swap3A_96 = tpu.vector_load %arg6[%swap3A_95] {strides = array<i32>} : memref<640xf32, #tpu.memory_space<vmem>>, vector<16xf32>,
    %swap3A_97 = vector.shape_cast %swap3A_96 : vector<16xf32> to vector<16xf32>
    %swap3A_98 = vector.shape_cast %broadcast_in_dim3A_3 : vector<16xf32> to vector<16xf32>
    tpu.vector_store %arg6[%swap3A_95], %swap3A_98 {strides = array<i32>} : memref<640xf32, #tpu.memory_space<vmem>>, vector<16xf32>,
    %swap3A_99 = arith.constant 304 : index
    %swap3A_100 = tpu.vector_load %arg6[%swap3A_99] {strides = array<i32>} : memref<640xf32, #tpu.memory_space<vmem>>, vector<16xf32>,
    %swap3A_101 = vector.shape_cast %swap3A_100 : vector<16xf32> to vector<16xf32>
    %swap3A_102 = vector.shape_cast %broadcast_in_dim3A_3 : vector<16xf32> to vector<16xf32>
    tpu.vector_store %arg6[%swap3A_99], %swap3A_102 {strides = array<i32>} : memref<640xf32, #tpu.memory_space<vmem>>, vector<16xf32>,
    %swap3A_103 = arith.constant 320 : index
    %swap3A_104 = tpu.vector_load %arg6[%swap3A_103] {strides = array<i32>} : memref<640xf32, #tpu.memory_space<vmem>>, vector<16xf32>,
    %swap3A_105 = vector.shape_cast %swap3A_104 : vector<16xf32> to vector<16xf32>
    %swap3A_106 = vector.shape_cast %broadcast_in_dim3A_3 : vector<16xf32> to vector<16xf32>
    tpu.vector_store %arg6[%swap3A_103], %swap3A_106 {strides = array<i32>} : memref<640xf32, #tpu.memory_space<vmem>>, vector<16xf32>,
    %swap3A_107 = arith.constant 336 : index
    %swap3A_108 = tpu.vector_load %arg6[%swap3A_107] {strides = array<i32>} : memref<640xf32, #tpu.memory_space<vmem>>, vector<16xf32>,
    %swap3A_109 = vector.shape_cast %swap3A_108 : vector<16xf32> to vector<16xf32>
    %swap3A_110 = vector.shape_cast %broadcast_in_dim3A_3 : vector<16xf32> to vector<16xf32>
    tpu.vector_store %arg6[%swap3A_107], %swap3A_110 {strides = array<i32>} : memref<640xf32, #tpu.memory_space<vmem>>, vector<16xf32>,
    %swap3A_111 = arith.constant 352 : index
    %swap3A_112 = tpu.vector_load %arg6[%swap3A_111] {strides = array<i32>} : memref<640xf32, #tpu.memory_space<vmem>>, vector<16xf32>,
    %swap3A_113 = vector.shape_cast %swap3A_112 : vector<16xf32> to vector<16xf32>
    %swap3A_114 = vector.shape_cast %broadcast_in_dim3A_3 : vector<16xf32> to vector<16xf32>
    tpu.vector_store %arg6[%swap3A_111], %swap3A_114 {strides = array<i32>} : memref<640xf32, #tpu.memory_space<vmem>>, vector<16xf32>,
    %swap3A_115 = arith.constant 368 : index
    %swap3A_116 = tpu.vector_load %arg6[%swap3A_115] {strides = array<i32>} : memref<640xf32, #tpu.memory_space<vmem>>, vector<16xf32>,
    %swap3A_117 = vector.shape_cast %swap3A_116 : vector<16xf32> to vector<16xf32>
    %swap3A_118 = vector.shape_cast %broadcast_in_dim3A_3 : vector<16xf32> to vector<16xf32>
    tpu.vector_store %arg6[%swap3A_115], %swap3A_118 {strides = array<i32>} : memref<640xf32, #tpu.memory_space<vmem>>, vector<16xf32>,
    %swap3A_119 = arith.constant 384 : index
    %swap3A_120 = tpu.vector_load %arg6[%swap3A_119] {strides = array<i32>} : memref<640xf32, #tpu.memory_space<vmem>>, vector<16xf32>,
    %swap3A_121 = vector.shape_cast %swap3A_120 : vector<16xf32> to vector<16xf32>
    %swap3A_122 = vector.shape_cast %broadcast_in_dim3A_3 : vector<16xf32> to vector<16xf32>
    tpu.vector_store %arg6[%swap3A_119], %swap3A_122 {strides = array<i32>} : memref<640xf32, #tpu.memory_space<vmem>>, vector<16xf32>,
    %swap3A_123 = arith.constant 400 : index
    %swap3A_124 = tpu.vector_load %arg6[%swap3A_123] {strides = array<i32>} : memref<640xf32, #tpu.memory_space<vmem>>, vector<16xf32>,
    %swap3A_125 = vector.shape_cast %swap3A_124 : vector<16xf32> to vector<16xf32>
    %swap3A_126 = vector.shape_cast %broadcast_in_dim3A_3 : vector<16xf32> to vector<16xf32>
    tpu.vector_store %arg6[%swap3A_123], %swap3A_126 {strides = array<i32>} : memref<640xf32, #tpu.memory_space<vmem>>, vector<16xf32>,
    %swap3A_127 = arith.constant 416 : index
    %swap3A_128 = tpu.vector_load %arg6[%swap3A_127] {strides = array<i32>} : memref<640xf32, #tpu.memory_space<vmem>>, vector<16xf32>,
    %swap3A_129 = vector.shape_cast %swap3A_128 : vector<16xf32> to vector<16xf32>
    %swap3A_130 = vector.shape_cast %broadcast_in_dim3A_3 : vector<16xf32> to vector<16xf32>
    tpu.vector_store %arg6[%swap3A_127], %swap3A_130 {strides = array<i32>} : memref<640xf32, #tpu.memory_space<vmem>>, vector<16xf32>,
    %swap3A_131 = arith.constant 432 : index
    %swap3A_132 = tpu.vector_load %arg6[%swap3A_131] {strides = array<i32>} : memref<640xf32, #tpu.memory_space<vmem>>, vector<16xf32>,
    %swap3A_133 = vector.shape_cast %swap3A_132 : vector<16xf32> to vector<16xf32>
    %swap3A_134 = vector.shape_cast %broadcast_in_dim3A_3 : vector<16xf32> to vector<16xf32>
    tpu.vector_store %arg6[%swap3A_131], %swap3A_134 {strides = array<i32>} : memref<640xf32, #tpu.memory_space<vmem>>, vector<16xf32>,
    %swap3A_135 = arith.constant 448 : index
    %swap3A_136 = tpu.vector_load %arg6[%swap3A_135] {strides = array<i32>} : memref<640xf32, #tpu.memory_space<vmem>>, vector<16xf32>,
    %swap3A_137 = vector.shape_cast %swap3A_136 : vector<16xf32> to vector<16xf32>
    %swap3A_138 = vector.shape_cast %broadcast_in_dim3A_3 : vector<16xf32> to vector<16xf32>
    tpu.vector_store %arg6[%swap3A_135], %swap3A_138 {strides = array<i32>} : memref<640xf32, #tpu.memory_space<vmem>>, vector<16xf32>,
    %swap3A_139 = arith.constant 464 : index
    %swap3A_140 = tpu.vector_load %arg6[%swap3A_139] {strides = array<i32>} : memref<640xf32, #tpu.memory_space<vmem>>, vector<16xf32>,
    %swap3A_141 = vector.shape_cast %swap3A_140 : vector<16xf32> to vector<16xf32>
    %swap3A_142 = vector.shape_cast %broadcast_in_dim3A_3 : vector<16xf32> to vector<16xf32>
    tpu.vector_store %arg6[%swap3A_139], %swap3A_142 {strides = array<i32>} : memref<640xf32, #tpu.memory_space<vmem>>, vector<16xf32>,
    %swap3A_143 = arith.constant 480 : index
    %swap3A_144 = tpu.vector_load %arg6[%swap3A_143] {strides = array<i32>} : memref<640xf32, #tpu.memory_space<vmem>>, vector<16xf32>,
    %swap3A_145 = vector.shape_cast %swap3A_144 : vector<16xf32> to vector<16xf32>
    %swap3A_146 = vector.shape_cast %broadcast_in_dim3A_3 : vector<16xf32> to vector<16xf32>
    tpu.vector_store %arg6[%swap3A_143], %swap3A_146 {strides = array<i32>} : memref<640xf32, #tpu.memory_space<vmem>>, vector<16xf32>,
    %swap3A_147 = arith.constant 496 : index
    %swap3A_148 = tpu.vector_load %arg6[%swap3A_147] {strides = array<i32>} : memref<640xf32, #tpu.memory_space<vmem>>, vector<16xf32>,
    %swap3A_149 = vector.shape_cast %swap3A_148 : vector<16xf32> to vector<16xf32>
    %swap3A_150 = vector.shape_cast %broadcast_in_dim3A_3 : vector<16xf32> to vector<16xf32>
    tpu.vector_store %arg6[%swap3A_147], %swap3A_150 {strides = array<i32>} : memref<640xf32, #tpu.memory_space<vmem>>, vector<16xf32>,
    %swap3A_151 = arith.constant 512 : index
    %swap3A_152 = tpu.vector_load %arg6[%swap3A_151] {strides = array<i32>} : memref<640xf32, #tpu.memory_space<vmem>>, vector<16xf32>,
    %swap3A_153 = vector.shape_cast %swap3A_152 : vector<16xf32> to vector<16xf32>
    %swap3A_154 = vector.shape_cast %broadcast_in_dim3A_3 : vector<16xf32> to vector<16xf32>
    tpu.vector_store %arg6[%swap3A_151], %swap3A_154 {strides = array<i32>} : memref<640xf32, #tpu.memory_space<vmem>>, vector<16xf32>,
    %swap3A_155 = arith.constant 528 : index
    %swap3A_156 = tpu.vector_load %arg6[%swap3A_155] {strides = array<i32>} : memref<640xf32, #tpu.memory_space<vmem>>, vector<16xf32>,
    %swap3A_157 = vector.shape_cast %swap3A_156 : vector<16xf32> to vector<16xf32>
    %swap3A_158 = vector.shape_cast %broadcast_in_dim3A_3 : vector<16xf32> to vector<16xf32>
    tpu.vector_store %arg6[%swap3A_155], %swap3A_158 {strides = array<i32>} : memref<640xf32, #tpu.memory_space<vmem>>, vector<16xf32>,
    %swap3A_159 = arith.constant 544 : index
    %swap3A_160 = tpu.vector_load %arg6[%swap3A_159] {strides = array<i32>} : memref<640xf32, #tpu.memory_space<vmem>>, vector<16xf32>,
    %swap3A_161 = vector.shape_cast %swap3A_160 : vector<16xf32> to vector<16xf32>
    %swap3A_162 = vector.shape_cast %broadcast_in_dim3A_3 : vector<16xf32> to vector<16xf32>
    tpu.vector_store %arg6[%swap3A_159], %swap3A_162 {strides = array<i32>} : memref<640xf32, #tpu.memory_space<vmem>>, vector<16xf32>,
    %swap3A_163 = arith.constant 560 : index
    %swap3A_164 = tpu.vector_load %arg6[%swap3A_163] {strides = array<i32>} : memref<640xf32, #tpu.memory_space<vmem>>, vector<16xf32>,
    %swap3A_165 = vector.shape_cast %swap3A_164 : vector<16xf32> to vector<16xf32>
    %swap3A_166 = vector.shape_cast %broadcast_in_dim3A_3 : vector<16xf32> to vector<16xf32>
    tpu.vector_store %arg6[%swap3A_163], %swap3A_166 {strides = array<i32>} : memref<640xf32, #tpu.memory_space<vmem>>, vector<16xf32>,
    %swap3A_167 = arith.constant 576 : index
    %swap3A_168 = tpu.vector_load %arg6[%swap3A_167] {strides = array<i32>} : memref<640xf32, #tpu.memory_space<vmem>>, vector<16xf32>,
    %swap3A_169 = vector.shape_cast %swap3A_168 : vector<16xf32> to vector<16xf32>
    %swap3A_170 = vector.shape_cast %broadcast_in_dim3A_3 : vector<16xf32> to vector<16xf32>
    tpu.vector_store %arg6[%swap3A_167], %swap3A_170 {strides = array<i32>} : memref<640xf32, #tpu.memory_space<vmem>>, vector<16xf32>,
    %swap3A_171 = arith.constant 592 : index
    %swap3A_172 = tpu.vector_load %arg6[%swap3A_171] {strides = array<i32>} : memref<640xf32, #tpu.memory_space<vmem>>, vector<16xf32>,
    %swap3A_173 = vector.shape_cast %swap3A_172 : vector<16xf32> to vector<16xf32>
    %swap3A_174 = vector.shape_cast %broadcast_in_dim3A_3 : vector<16xf32> to vector<16xf32>
    tpu.vector_store %arg6[%swap3A_171], %swap3A_174 {strides = array<i32>} : memref<640xf32, #tpu.memory_space<vmem>>, vector<16xf32>,
    %swap3A_175 = arith.constant 608 : index
    %swap3A_176 = tpu.vector_load %arg6[%swap3A_175] {strides = array<i32>} : memref<640xf32, #tpu.memory_space<vmem>>, vector<16xf32>,
    %swap3A_177 = vector.shape_cast %swap3A_176 : vector<16xf32> to vector<16xf32>
    %swap3A_178 = vector.shape_cast %broadcast_in_dim3A_3 : vector<16xf32> to vector<16xf32>
    tpu.vector_store %arg6[%swap3A_175], %swap3A_178 {strides = array<i32>} : memref<640xf32, #tpu.memory_space<vmem>>, vector<16xf32>,
    %swap3A_179 = arith.constant 624 : index
    %swap3A_180 = tpu.vector_load %arg6[%swap3A_179] {strides = array<i32>} : memref<640xf32, #tpu.memory_space<vmem>>, vector<16xf32>,
    %swap3A_181 = vector.shape_cast %swap3A_180 : vector<16xf32> to vector<16xf32>
    %swap3A_182 = vector.shape_cast %broadcast_in_dim3A_3 : vector<16xf32> to vector<16xf32>
    tpu.vector_store %arg6[%swap3A_179], %swap3A_182 {strides = array<i32>} : memref<640xf32, #tpu.memory_space<vmem>>, vector<16xf32>,
    %mul3A_183 = arith.constant 640 : i32
    %mul3A_184 = arith.muli %arg1, %mul3A_183 : i32
    "tpu.region"() ({
      %run_scoped3A = tpu.sem_alloc : memref<!tpu.dma_semaphore, #tpu.memory_space<semaphore_mem>>
      %dma_start3A_253 = tpu.memref_slice %arg7[%mul3A_184] : memref<10240xf32, #tpu.memory_space<vmem_shared>> -> memref<640xf32, #tpu.memory_space<vmem_shared>>
      %dma_start3A_254 = tpu.memref_slice %arg7[%mul3A_184] : memref<10240xf32, #tpu.memory_space<vmem_shared>> -> memref<640xf32, #tpu.memory_space<vmem_shared>>
      tpu.enqueue_dma source(%arg6 : memref<640xf32, #tpu.memory_space<vmem>>) target(%dma_start3A_254 : memref<640xf32, #tpu.memory_space<vmem_shared>>) target_semaphore(%run_scoped3A : memref<!tpu.dma_semaphore, #tpu.memory_space<semaphore_mem>>)
      %dma_wait3A_255 = tpu.memref_slice %arg7[%mul3A_184] : memref<10240xf32, #tpu.memory_space<vmem_shared>> -> memref<640xf32, #tpu.memory_space<vmem_shared>>
      %dma_wait3A_256 = tpu.memref_slice %arg7[%mul3A_184] : memref<10240xf32, #tpu.memory_space<vmem_shared>> -> memref<640xf32, #tpu.memory_space<vmem_shared>>
      tpu.wait_dma2 semaphore(%run_scoped3A : memref<!tpu.dma_semaphore, #tpu.memory_space<semaphore_mem>>) src(%arg6 : memref<640xf32, #tpu.memory_space<vmem>>) dst(%dma_wait3A_256 : memref<640xf32, #tpu.memory_space<vmem_shared>>)
      tpu.yield
    }) : () -> ()
    "tpu.region"() ({
      %run_scoped3A = tpu.sem_alloc : memref<!tpu.dma_semaphore, #tpu.memory_space<semaphore_mem>>
      %dma_start3A_253 = arith.constant 0 : i32
      %dma_start3A_254 = arith.constant 0 : i32
      %dma_start3A_255 = tpu.memref_slice %arg2[%add3A, %dma_start3A_253, %dma_start3A_254] : memref<32x125x80xi32, #tpu.memory_space<hbm>> -> memref<1x125x80xi32, #tpu.memory_space<hbm>>
      %dma_start3A_256 = tpu.memref_squeeze %dma_start3A_255 : memref<1x125x80xi32, #tpu.memory_space<hbm>> -> memref<125x80xi32, #tpu.memory_space<hbm>>
      %dma_start3A_257 = arith.constant 0 : i32
      %dma_start3A_258 = arith.constant 0 : i32
      %dma_start3A_259 = tpu.memref_slice %arg2[%add3A, %dma_start3A_257, %dma_start3A_258] : memref<32x125x80xi32, #tpu.memory_space<hbm>> -> memref<1x125x80xi32, #tpu.memory_space<hbm>>
      %dma_start3A_260 = tpu.memref_squeeze %dma_start3A_259 : memref<1x125x80xi32, #tpu.memory_space<hbm>> -> memref<125x80xi32, #tpu.memory_space<hbm>>
      tpu.enqueue_dma source(%dma_start3A_260 : memref<125x80xi32, #tpu.memory_space<hbm>>) target(%arg4 : memref<125x80xi32, #tpu.memory_space<vmem>>) target_semaphore(%run_scoped3A : memref<!tpu.dma_semaphore, #tpu.memory_space<semaphore_mem>>)
      %dma_wait3A_261 = arith.constant 0 : i32
      %dma_wait3A_262 = arith.constant 0 : i32
      %dma_wait3A_263 = tpu.memref_slice %arg2[%add3A, %dma_wait3A_261, %dma_wait3A_262] : memref<32x125x80xi32, #tpu.memory_space<hbm>> -> memref<1x125x80xi32, #tpu.memory_space<hbm>>
      %dma_wait3A_264 = tpu.memref_squeeze %dma_wait3A_263 : memref<1x125x80xi32, #tpu.memory_space<hbm>> -> memref<125x80xi32, #tpu.memory_space<hbm>>
      %dma_wait3A_265 = arith.constant 0 : i32
      %dma_wait3A_266 = arith.constant 0 : i32
      %dma_wait3A_267 = tpu.memref_slice %arg2[%add3A, %dma_wait3A_265, %dma_wait3A_266] : memref<32x125x80xi32, #tpu.memory_space<hbm>> -> memref<1x125x80xi32, #tpu.memory_space<hbm>>
      %dma_wait3A_268 = tpu.memref_squeeze %dma_wait3A_267 : memref<1x125x80xi32, #tpu.memory_space<hbm>> -> memref<125x80xi32, #tpu.memory_space<hbm>>
      tpu.wait_dma2 semaphore(%run_scoped3A : memref<!tpu.dma_semaphore, #tpu.memory_space<semaphore_mem>>) src(%dma_wait3A_268 : memref<125x80xi32, #tpu.memory_space<hbm>>) dst(%arg4 : memref<125x80xi32, #tpu.memory_space<vmem>>)
      tpu.yield
    }) : () -> ()
    %barrier3A = arith.constant 0 : index
    tpu.barrier barrier_id(%barrier3A)
    %dma_start3A = arith.constant 0 : i32
    %dma_start3A_185 = arith.constant 0 : i32
    %dma_start3A_186 = tpu.memref_slice %arg4[%dma_start3A, %dma_start3A_185] : memref<125x80xi32, #tpu.memory_space<vmem>> -> memref<1x80xi32, #tpu.memory_space<vmem>>
    %dma_start3A_187 = tpu.memref_squeeze %dma_start3A_186 : memref<1x80xi32, #tpu.memory_space<vmem>> -> memref<80xi32, #tpu.memory_space<vmem>>
    %dma_start3A_188 = arith.constant 0 : i32
    %dma_start3A_189 = tpu.memref_slice %arg7[%dma_start3A_188] : memref<10240xf32, #tpu.memory_space<vmem_shared>> -> memref<10240xf32, #tpu.memory_space<vmem_shared>>
    tpu.enqueue_indirect_dma source(%arg5 : memref<80xf32, #tpu.memory_space<vmem>>) target(%dma_start3A_189 : memref<10240xf32, #tpu.memory_space<vmem_shared>>) offsets(%dma_start3A_187 : memref<80xi32, #tpu.memory_space<vmem>>) semaphore(%arg8 : memref<!tpu.dma_semaphore, #tpu.memory_space<semaphore_mem>>) {add = true}
    %dma_start3A_190 = arith.constant 1 : i32
    %dma_start3A_191 = arith.constant 0 : i32
    %dma_start3A_192 = tpu.memref_slice %arg4[%dma_start3A_190, %dma_start3A_191] : memref<125x80xi32, #tpu.memory_space<vmem>> -> memref<1x80xi32, #tpu.memory_space<vmem>>
    %dma_start3A_193 = tpu.memref_squeeze %dma_start3A_192 : memref<1x80xi32, #tpu.memory_space<vmem>> -> memref<80xi32, #tpu.memory_space<vmem>>
    %dma_start3A_194 = arith.constant 0 : i32
    %dma_start3A_195 = tpu.memref_slice %arg7[%dma_start3A_194] : memref<10240xf32, #tpu.memory_space<vmem_shared>> -> memref<10240xf32, #tpu.memory_space<vmem_shared>>
    tpu.enqueue_indirect_dma source(%arg5 : memref<80xf32, #tpu.memory_space<vmem>>) target(%dma_start3A_195 : memref<10240xf32, #tpu.memory_space<vmem_shared>>) offsets(%dma_start3A_193 : memref<80xi32, #tpu.memory_space<vmem>>) semaphore(%arg9 : memref<!tpu.dma_semaphore, #tpu.memory_space<semaphore_mem>>) {add = true}
    %dma_start3A_196 = arith.constant 2 : i32
    %dma_start3A_197 = arith.constant 0 : i32
    %dma_start3A_198 = tpu.memref_slice %arg4[%dma_start3A_196, %dma_start3A_197] : memref<125x80xi32, #tpu.memory_space<vmem>> -> memref<1x80xi32, #tpu.memory_space<vmem>>
    %dma_start3A_199 = tpu.memref_squeeze %dma_start3A_198 : memref<1x80xi32, #tpu.memory_space<vmem>> -> memref<80xi32, #tpu.memory_space<vmem>>
    %dma_start3A_200 = arith.constant 0 : i32
    %dma_start3A_201 = tpu.memref_slice %arg7[%dma_start3A_200] : memref<10240xf32, #tpu.memory_space<vmem_shared>> -> memref<10240xf32, #tpu.memory_space<vmem_shared>>
    tpu.enqueue_indirect_dma source(%arg5 : memref<80xf32, #tpu.memory_space<vmem>>) target(%dma_start3A_201 : memref<10240xf32, #tpu.memory_space<vmem_shared>>) offsets(%dma_start3A_199 : memref<80xi32, #tpu.memory_space<vmem>>) semaphore(%arg10 : memref<!tpu.dma_semaphore, #tpu.memory_space<semaphore_mem>>) {add = true}
    %dma_start3A_202 = arith.constant 3 : i32
    %dma_start3A_203 = arith.constant 0 : i32
    %dma_start3A_204 = tpu.memref_slice %arg4[%dma_start3A_202, %dma_start3A_203] : memref<125x80xi32, #tpu.memory_space<vmem>> -> memref<1x80xi32, #tpu.memory_space<vmem>>
    %dma_start3A_205 = tpu.memref_squeeze %dma_start3A_204 : memref<1x80xi32, #tpu.memory_space<vmem>> -> memref<80xi32, #tpu.memory_space<vmem>>
    %dma_start3A_206 = arith.constant 0 : i32
    %dma_start3A_207 = tpu.memref_slice %arg7[%dma_start3A_206] : memref<10240xf32, #tpu.memory_space<vmem_shared>> -> memref<10240xf32, #tpu.memory_space<vmem_shared>>
    tpu.enqueue_indirect_dma source(%arg5 : memref<80xf32, #tpu.memory_space<vmem>>) target(%dma_start3A_207 : memref<10240xf32, #tpu.memory_space<vmem_shared>>) offsets(%dma_start3A_205 : memref<80xi32, #tpu.memory_space<vmem>>) semaphore(%arg11 : memref<!tpu.dma_semaphore, #tpu.memory_space<semaphore_mem>>) {add = true}
    %dma_start3A_208 = arith.constant 4 : i32
    %dma_start3A_209 = arith.constant 0 : i32
    %dma_start3A_210 = tpu.memref_slice %arg4[%dma_start3A_208, %dma_start3A_209] : memref<125x80xi32, #tpu.memory_space<vmem>> -> memref<1x80xi32, #tpu.memory_space<vmem>>
    %dma_start3A_211 = tpu.memref_squeeze %dma_start3A_210 : memref<1x80xi32, #tpu.memory_space<vmem>> -> memref<80xi32, #tpu.memory_space<vmem>>
    %dma_start3A_212 = arith.constant 0 : i32
    %dma_start3A_213 = tpu.memref_slice %arg7[%dma_start3A_212] : memref<10240xf32, #tpu.memory_space<vmem_shared>> -> memref<10240xf32, #tpu.memory_space<vmem_shared>>
    tpu.enqueue_indirect_dma source(%arg5 : memref<80xf32, #tpu.memory_space<vmem>>) target(%dma_start3A_213 : memref<10240xf32, #tpu.memory_space<vmem_shared>>) offsets(%dma_start3A_211 : memref<80xi32, #tpu.memory_space<vmem>>) semaphore(%arg12 : memref<!tpu.dma_semaphore, #tpu.memory_space<semaphore_mem>>) {add = true}
    %scan3A = arith.constant 0 : i32
    %scan3A_214 = arith.constant 0 : i32
    %scan3A_215 = arith.constant 24 : i32
    %scan3A_216 = arith.addi %scan3A_214, %scan3A_215 : i32
    %scan3A_217 = arith.constant 1 : i32
    scf.for %scan3A_253 = %scan3A_214 to %scan3A_216 step %scan3A_217  : i32 {
      %dma_wait3A_254 = arith.constant 0 : i32
      %dma_wait3A_255 = arith.constant 0 : i32
      %dma_wait3A_256 = tpu.memref_slice %arg4[%dma_wait3A_254, %dma_wait3A_255] : memref<125x80xi32, #tpu.memory_space<vmem>> -> memref<1x80xi32, #tpu.memory_space<vmem>>
      %dma_wait3A_257 = tpu.memref_squeeze %dma_wait3A_256 : memref<1x80xi32, #tpu.memory_space<vmem>> -> memref<80xi32, #tpu.memory_space<vmem>>
      %dma_wait3A_258 = arith.constant 0 : i32
      %dma_wait3A_259 = tpu.memref_slice %arg7[%dma_wait3A_258] : memref<10240xf32, #tpu.memory_space<vmem_shared>> -> memref<10240xf32, #tpu.memory_space<vmem_shared>>
      tpu.wait_indirect_dma semaphore(%arg8 : memref<!tpu.dma_semaphore, #tpu.memory_space<semaphore_mem>>) src(%arg5 : memref<80xf32, #tpu.memory_space<vmem>>) dst(%dma_wait3A_259 : memref<10240xf32, #tpu.memory_space<vmem_shared>>)
      %add3A_260 = arith.constant 1 : i32
      %add3A_261 = arith.addi %scan3A_253, %add3A_260 : i32
      %mul3A_262 = arith.constant 5 : i32
      %mul3A_263 = arith.muli %add3A_261, %mul3A_262 : i32
      %add3A_264 = arith.constant 0 : i32
      %add3A_265 = arith.addi %mul3A_263, %add3A_264 : i32
      %dma_start3A_266 = arith.constant 0 : i32
      %dma_start3A_267 = tpu.memref_slice %arg4[%add3A_265, %dma_start3A_266] : memref<125x80xi32, #tpu.memory_space<vmem>> -> memref<1x80xi32, #tpu.memory_space<vmem>>
      %dma_start3A_268 = tpu.memref_squeeze %dma_start3A_267 : memref<1x80xi32, #tpu.memory_space<vmem>> -> memref<80xi32, #tpu.memory_space<vmem>>
      %dma_start3A_269 = arith.constant 0 : i32
      %dma_start3A_270 = tpu.memref_slice %arg7[%dma_start3A_269] : memref<10240xf32, #tpu.memory_space<vmem_shared>> -> memref<10240xf32, #tpu.memory_space<vmem_shared>>
      tpu.enqueue_indirect_dma source(%arg5 : memref<80xf32, #tpu.memory_space<vmem>>) target(%dma_start3A_270 : memref<10240xf32, #tpu.memory_space<vmem_shared>>) offsets(%dma_start3A_268 : memref<80xi32, #tpu.memory_space<vmem>>) semaphore(%arg8 : memref<!tpu.dma_semaphore, #tpu.memory_space<semaphore_mem>>) {add = true}
      %dma_wait3A_271 = arith.constant 0 : i32
      %dma_wait3A_272 = arith.constant 0 : i32
      %dma_wait3A_273 = tpu.memref_slice %arg4[%dma_wait3A_271, %dma_wait3A_272] : memref<125x80xi32, #tpu.memory_space<vmem>> -> memref<1x80xi32, #tpu.memory_space<vmem>>
      %dma_wait3A_274 = tpu.memref_squeeze %dma_wait3A_273 : memref<1x80xi32, #tpu.memory_space<vmem>> -> memref<80xi32, #tpu.memory_space<vmem>>
      %dma_wait3A_275 = arith.constant 0 : i32
      %dma_wait3A_276 = tpu.memref_slice %arg7[%dma_wait3A_275] : memref<10240xf32, #tpu.memory_space<vmem_shared>> -> memref<10240xf32, #tpu.memory_space<vmem_shared>>
      tpu.wait_indirect_dma semaphore(%arg9 : memref<!tpu.dma_semaphore, #tpu.memory_space<semaphore_mem>>) src(%arg5 : memref<80xf32, #tpu.memory_space<vmem>>) dst(%dma_wait3A_276 : memref<10240xf32, #tpu.memory_space<vmem_shared>>)
      %add3A_277 = arith.constant 1 : i32
      %add3A_278 = arith.addi %scan3A_253, %add3A_277 : i32
      %mul3A_279 = arith.constant 5 : i32
      %mul3A_280 = arith.muli %add3A_278, %mul3A_279 : i32
      %add3A_281 = arith.constant 1 : i32
      %add3A_282 = arith.addi %mul3A_280, %add3A_281 : i32
      %dma_start3A_283 = arith.constant 0 : i32
      %dma_start3A_284 = tpu.memref_slice %arg4[%add3A_282, %dma_start3A_283] : memref<125x80xi32, #tpu.memory_space<vmem>> -> memref<1x80xi32, #tpu.memory_space<vmem>>
      %dma_start3A_285 = tpu.memref_squeeze %dma_start3A_284 : memref<1x80xi32, #tpu.memory_space<vmem>> -> memref<80xi32, #tpu.memory_space<vmem>>
      %dma_start3A_286 = arith.constant 0 : i32
      %dma_start3A_287 = tpu.memref_slice %arg7[%dma_start3A_286] : memref<10240xf32, #tpu.memory_space<vmem_shared>> -> memref<10240xf32, #tpu.memory_space<vmem_shared>>
      tpu.enqueue_indirect_dma source(%arg5 : memref<80xf32, #tpu.memory_space<vmem>>) target(%dma_start3A_287 : memref<10240xf32, #tpu.memory_space<vmem_shared>>) offsets(%dma_start3A_285 : memref<80xi32, #tpu.memory_space<vmem>>) semaphore(%arg9 : memref<!tpu.dma_semaphore, #tpu.memory_space<semaphore_mem>>) {add = true}
      %dma_wait3A_288 = arith.constant 0 : i32
      %dma_wait3A_289 = arith.constant 0 : i32
      %dma_wait3A_290 = tpu.memref_slice %arg4[%dma_wait3A_288, %dma_wait3A_289] : memref<125x80xi32, #tpu.memory_space<vmem>> -> memref<1x80xi32, #tpu.memory_space<vmem>>
      %dma_wait3A_291 = tpu.memref_squeeze %dma_wait3A_290 : memref<1x80xi32, #tpu.memory_space<vmem>> -> memref<80xi32, #tpu.memory_space<vmem>>
      %dma_wait3A_292 = arith.constant 0 : i32
      %dma_wait3A_293 = tpu.memref_slice %arg7[%dma_wait3A_292] : memref<10240xf32, #tpu.memory_space<vmem_shared>> -> memref<10240xf32, #tpu.memory_space<vmem_shared>>
      tpu.wait_indirect_dma semaphore(%arg10 : memref<!tpu.dma_semaphore, #tpu.memory_space<semaphore_mem>>) src(%arg5 : memref<80xf32, #tpu.memory_space<vmem>>) dst(%dma_wait3A_293 : memref<10240xf32, #tpu.memory_space<vmem_shared>>)
      %add3A_294 = arith.constant 1 : i32
      %add3A_295 = arith.addi %scan3A_253, %add3A_294 : i32
      %mul3A_296 = arith.constant 5 : i32
      %mul3A_297 = arith.muli %add3A_295, %mul3A_296 : i32
      %add3A_298 = arith.constant 2 : i32
      %add3A_299 = arith.addi %mul3A_297, %add3A_298 : i32
      %dma_start3A_300 = arith.constant 0 : i32
      %dma_start3A_301 = tpu.memref_slice %arg4[%add3A_299, %dma_start3A_300] : memref<125x80xi32, #tpu.memory_space<vmem>> -> memref<1x80xi32, #tpu.memory_space<vmem>>
      %dma_start3A_302 = tpu.memref_squeeze %dma_start3A_301 : memref<1x80xi32, #tpu.memory_space<vmem>> -> memref<80xi32, #tpu.memory_space<vmem>>
      %dma_start3A_303 = arith.constant 0 : i32
      %dma_start3A_304 = tpu.memref_slice %arg7[%dma_start3A_303] : memref<10240xf32, #tpu.memory_space<vmem_shared>> -> memref<10240xf32, #tpu.memory_space<vmem_shared>>
      tpu.enqueue_indirect_dma source(%arg5 : memref<80xf32, #tpu.memory_space<vmem>>) target(%dma_start3A_304 : memref<10240xf32, #tpu.memory_space<vmem_shared>>) offsets(%dma_start3A_302 : memref<80xi32, #tpu.memory_space<vmem>>) semaphore(%arg10 : memref<!tpu.dma_semaphore, #tpu.memory_space<semaphore_mem>>) {add = true}
      %dma_wait3A_305 = arith.constant 0 : i32
      %dma_wait3A_306 = arith.constant 0 : i32
      %dma_wait3A_307 = tpu.memref_slice %arg4[%dma_wait3A_305, %dma_wait3A_306] : memref<125x80xi32, #tpu.memory_space<vmem>> -> memref<1x80xi32, #tpu.memory_space<vmem>>
      %dma_wait3A_308 = tpu.memref_squeeze %dma_wait3A_307 : memref<1x80xi32, #tpu.memory_space<vmem>> -> memref<80xi32, #tpu.memory_space<vmem>>
      %dma_wait3A_309 = arith.constant 0 : i32
      %dma_wait3A_310 = tpu.memref_slice %arg7[%dma_wait3A_309] : memref<10240xf32, #tpu.memory_space<vmem_shared>> -> memref<10240xf32, #tpu.memory_space<vmem_shared>>
      tpu.wait_indirect_dma semaphore(%arg11 : memref<!tpu.dma_semaphore, #tpu.memory_space<semaphore_mem>>) src(%arg5 : memref<80xf32, #tpu.memory_space<vmem>>) dst(%dma_wait3A_310 : memref<10240xf32, #tpu.memory_space<vmem_shared>>)
      %add3A_311 = arith.constant 1 : i32
      %add3A_312 = arith.addi %scan3A_253, %add3A_311 : i32
      %mul3A_313 = arith.constant 5 : i32
      %mul3A_314 = arith.muli %add3A_312, %mul3A_313 : i32
      %add3A_315 = arith.constant 3 : i32
      %add3A_316 = arith.addi %mul3A_314, %add3A_315 : i32
      %dma_start3A_317 = arith.constant 0 : i32
      %dma_start3A_318 = tpu.memref_slice %arg4[%add3A_316, %dma_start3A_317] : memref<125x80xi32, #tpu.memory_space<vmem>> -> memref<1x80xi32, #tpu.memory_space<vmem>>
      %dma_start3A_319 = tpu.memref_squeeze %dma_start3A_318 : memref<1x80xi32, #tpu.memory_space<vmem>> -> memref<80xi32, #tpu.memory_space<vmem>>
      %dma_start3A_320 = arith.constant 0 : i32
      %dma_start3A_321 = tpu.memref_slice %arg7[%dma_start3A_320] : memref<10240xf32, #tpu.memory_space<vmem_shared>> -> memref<10240xf32, #tpu.memory_space<vmem_shared>>
      tpu.enqueue_indirect_dma source(%arg5 : memref<80xf32, #tpu.memory_space<vmem>>) target(%dma_start3A_321 : memref<10240xf32, #tpu.memory_space<vmem_shared>>) offsets(%dma_start3A_319 : memref<80xi32, #tpu.memory_space<vmem>>) semaphore(%arg11 : memref<!tpu.dma_semaphore, #tpu.memory_space<semaphore_mem>>) {add = true}
      %dma_wait3A_322 = arith.constant 0 : i32
      %dma_wait3A_323 = arith.constant 0 : i32
      %dma_wait3A_324 = tpu.memref_slice %arg4[%dma_wait3A_322, %dma_wait3A_323] : memref<125x80xi32, #tpu.memory_space<vmem>> -> memref<1x80xi32, #tpu.memory_space<vmem>>
      %dma_wait3A_325 = tpu.memref_squeeze %dma_wait3A_324 : memref<1x80xi32, #tpu.memory_space<vmem>> -> memref<80xi32, #tpu.memory_space<vmem>>
      %dma_wait3A_326 = arith.constant 0 : i32
      %dma_wait3A_327 = tpu.memref_slice %arg7[%dma_wait3A_326] : memref<10240xf32, #tpu.memory_space<vmem_shared>> -> memref<10240xf32, #tpu.memory_space<vmem_shared>>
      tpu.wait_indirect_dma semaphore(%arg12 : memref<!tpu.dma_semaphore, #tpu.memory_space<semaphore_mem>>) src(%arg5 : memref<80xf32, #tpu.memory_space<vmem>>) dst(%dma_wait3A_327 : memref<10240xf32, #tpu.memory_space<vmem_shared>>)
      %add3A_328 = arith.constant 1 : i32
      %add3A_329 = arith.addi %scan3A_253, %add3A_328 : i32
      %mul3A_330 = arith.constant 5 : i32
      %mul3A_331 = arith.muli %add3A_329, %mul3A_330 : i32
      %add3A_332 = arith.constant 4 : i32
      %add3A_333 = arith.addi %mul3A_331, %add3A_332 : i32
      %dma_start3A_334 = arith.constant 0 : i32
      %dma_start3A_335 = tpu.memref_slice %arg4[%add3A_333, %dma_start3A_334] : memref<125x80xi32, #tpu.memory_space<vmem>> -> memref<1x80xi32, #tpu.memory_space<vmem>>
      %dma_start3A_336 = tpu.memref_squeeze %dma_start3A_335 : memref<1x80xi32, #tpu.memory_space<vmem>> -> memref<80xi32, #tpu.memory_space<vmem>>
      %dma_start3A_337 = arith.constant 0 : i32
      %dma_start3A_338 = tpu.memref_slice %arg7[%dma_start3A_337] : memref<10240xf32, #tpu.memory_space<vmem_shared>> -> memref<10240xf32, #tpu.memory_space<vmem_shared>>
      tpu.enqueue_indirect_dma source(%arg5 : memref<80xf32, #tpu.memory_space<vmem>>) target(%dma_start3A_338 : memref<10240xf32, #tpu.memory_space<vmem_shared>>) offsets(%dma_start3A_336 : memref<80xi32, #tpu.memory_space<vmem>>) semaphore(%arg12 : memref<!tpu.dma_semaphore, #tpu.memory_space<semaphore_mem>>) {add = true}
    }
    %scan3A_218 = arith.constant 24 : i32
    %dma_wait3A = arith.constant 0 : i32
    %dma_wait3A_219 = arith.constant 0 : i32
    %dma_wait3A_220 = tpu.memref_slice %arg4[%dma_wait3A, %dma_wait3A_219] : memref<125x80xi32, #tpu.memory_space<vmem>> -> memref<1x80xi32, #tpu.memory_space<vmem>>
    %dma_wait3A_221 = tpu.memref_squeeze %dma_wait3A_220 : memref<1x80xi32, #tpu.memory_space<vmem>> -> memref<80xi32, #tpu.memory_space<vmem>>
    %dma_wait3A_222 = arith.constant 0 : i32
    %dma_wait3A_223 = tpu.memref_slice %arg7[%dma_wait3A_222] : memref<10240xf32, #tpu.memory_space<vmem_shared>> -> memref<10240xf32, #tpu.memory_space<vmem_shared>>
    tpu.wait_indirect_dma semaphore(%arg8 : memref<!tpu.dma_semaphore, #tpu.memory_space<semaphore_mem>>) src(%arg5 : memref<80xf32, #tpu.memory_space<vmem>>) dst(%dma_wait3A_223 : memref<10240xf32, #tpu.memory_space<vmem_shared>>)
    %dma_wait3A_224 = arith.constant 0 : i32
    %dma_wait3A_225 = arith.constant 0 : i32
    %dma_wait3A_226 = tpu.memref_slice %arg4[%dma_wait3A_224, %dma_wait3A_225] : memref<125x80xi32, #tpu.memory_space<vmem>> -> memref<1x80xi32, #tpu.memory_space<vmem>>
    %dma_wait3A_227 = tpu.memref_squeeze %dma_wait3A_226 : memref<1x80xi32, #tpu.memory_space<vmem>> -> memref<80xi32, #tpu.memory_space<vmem>>
    %dma_wait3A_228 = arith.constant 0 : i32
    %dma_wait3A_229 = tpu.memref_slice %arg7[%dma_wait3A_228] : memref<10240xf32, #tpu.memory_space<vmem_shared>> -> memref<10240xf32, #tpu.memory_space<vmem_shared>>
    tpu.wait_indirect_dma semaphore(%arg9 : memref<!tpu.dma_semaphore, #tpu.memory_space<semaphore_mem>>) src(%arg5 : memref<80xf32, #tpu.memory_space<vmem>>) dst(%dma_wait3A_229 : memref<10240xf32, #tpu.memory_space<vmem_shared>>)
    %dma_wait3A_230 = arith.constant 0 : i32
    %dma_wait3A_231 = arith.constant 0 : i32
    %dma_wait3A_232 = tpu.memref_slice %arg4[%dma_wait3A_230, %dma_wait3A_231] : memref<125x80xi32, #tpu.memory_space<vmem>> -> memref<1x80xi32, #tpu.memory_space<vmem>>
    %dma_wait3A_233 = tpu.memref_squeeze %dma_wait3A_232 : memref<1x80xi32, #tpu.memory_space<vmem>> -> memref<80xi32, #tpu.memory_space<vmem>>
    %dma_wait3A_234 = arith.constant 0 : i32
    %dma_wait3A_235 = tpu.memref_slice %arg7[%dma_wait3A_234] : memref<10240xf32, #tpu.memory_space<vmem_shared>> -> memref<10240xf32, #tpu.memory_space<vmem_shared>>
    tpu.wait_indirect_dma semaphore(%arg10 : memref<!tpu.dma_semaphore, #tpu.memory_space<semaphore_mem>>) src(%arg5 : memref<80xf32, #tpu.memory_space<vmem>>) dst(%dma_wait3A_235 : memref<10240xf32, #tpu.memory_space<vmem_shared>>)
    %dma_wait3A_236 = arith.constant 0 : i32
    %dma_wait3A_237 = arith.constant 0 : i32
    %dma_wait3A_238 = tpu.memref_slice %arg4[%dma_wait3A_236, %dma_wait3A_237] : memref<125x80xi32, #tpu.memory_space<vmem>> -> memref<1x80xi32, #tpu.memory_space<vmem>>
    %dma_wait3A_239 = tpu.memref_squeeze %dma_wait3A_238 : memref<1x80xi32, #tpu.memory_space<vmem>> -> memref<80xi32, #tpu.memory_space<vmem>>
    %dma_wait3A_240 = arith.constant 0 : i32
    %dma_wait3A_241 = tpu.memref_slice %arg7[%dma_wait3A_240] : memref<10240xf32, #tpu.memory_space<vmem_shared>> -> memref<10240xf32, #tpu.memory_space<vmem_shared>>
    tpu.wait_indirect_dma semaphore(%arg11 : memref<!tpu.dma_semaphore, #tpu.memory_space<semaphore_mem>>) src(%arg5 : memref<80xf32, #tpu.memory_space<vmem>>) dst(%dma_wait3A_241 : memref<10240xf32, #tpu.memory_space<vmem_shared>>)
    %dma_wait3A_242 = arith.constant 0 : i32
    %dma_wait3A_243 = arith.constant 0 : i32
    %dma_wait3A_244 = tpu.memref_slice %arg4[%dma_wait3A_242, %dma_wait3A_243] : memref<125x80xi32, #tpu.memory_space<vmem>> -> memref<1x80xi32, #tpu.memory_space<vmem>>
    %dma_wait3A_245 = tpu.memref_squeeze %dma_wait3A_244 : memref<1x80xi32, #tpu.memory_space<vmem>> -> memref<80xi32, #tpu.memory_space<vmem>>
    %dma_wait3A_246 = arith.constant 0 : i32
    %dma_wait3A_247 = tpu.memref_slice %arg7[%dma_wait3A_246] : memref<10240xf32, #tpu.memory_space<vmem_shared>> -> memref<10240xf32, #tpu.memory_space<vmem_shared>>
    tpu.wait_indirect_dma semaphore(%arg12 : memref<!tpu.dma_semaphore, #tpu.memory_space<semaphore_mem>>) src(%arg5 : memref<80xf32, #tpu.memory_space<vmem>>) dst(%dma_wait3A_247 : memref<10240xf32, #tpu.memory_space<vmem_shared>>)
    %barrier3A_248 = arith.constant 0 : index
    tpu.barrier barrier_id(%barrier3A_248)
    %mul3A_249 = arith.constant 640 : i32
    %mul3A_250 = arith.muli %arg1, %mul3A_249 : i32
    %mul3A_251 = arith.constant 640 : i32
    %mul3A_252 = arith.muli %arg1, %mul3A_251 : i32
    "tpu.region"() ({
      %run_scoped3A = tpu.sem_alloc : memref<!tpu.dma_semaphore, #tpu.memory_space<semaphore_mem>>
      %dma_start3A_253 = tpu.memref_slice %arg3[%arg0, %mul3A_252] : memref<2x10240xf32, #tpu.memory_space<hbm>> -> memref<1x640xf32, #tpu.memory_space<hbm>>
      %dma_start3A_254 = tpu.memref_squeeze %dma_start3A_253 : memref<1x640xf32, #tpu.memory_space<hbm>> -> memref<640xf32, #tpu.memory_space<hbm>>
      %dma_start3A_255 = tpu.memref_slice %arg7[%mul3A_250] : memref<10240xf32, #tpu.memory_space<vmem_shared>> -> memref<640xf32, #tpu.memory_space<vmem_shared>>
      tpu.enqueue_dma source(%dma_start3A_255 : memref<640xf32, #tpu.memory_space<vmem_shared>>) target(%dma_start3A_254 : memref<640xf32, #tpu.memory_space<hbm>>) target_semaphore(%run_scoped3A : memref<!tpu.dma_semaphore, #tpu.memory_space<semaphore_mem>>)
      %dma_wait3A_256 = tpu.memref_slice %arg3[%arg0, %mul3A_252] : memref<2x10240xf32, #tpu.memory_space<hbm>> -> memref<1x640xf32, #tpu.memory_space<hbm>>
      %dma_wait3A_257 = tpu.memref_squeeze %dma_wait3A_256 : memref<1x640xf32, #tpu.memory_space<hbm>> -> memref<640xf32, #tpu.memory_space<hbm>>
      %dma_wait3A_258 = tpu.memref_slice %arg7[%mul3A_250] : memref<10240xf32, #tpu.memory_space<vmem_shared>> -> memref<640xf32, #tpu.memory_space<vmem_shared>>
      tpu.wait_dma2 semaphore(%run_scoped3A : memref<!tpu.dma_semaphore, #tpu.memory_space<semaphore_mem>>) src(%dma_wait3A_258 : memref<640xf32, #tpu.memory_space<vmem_shared>>) dst(%dma_wait3A_257 : memref<640xf32, #tpu.memory_space<hbm>>)
      tpu.yield
    }) : () -> ()
    return
  }
}

#map = affine_map<(d0, d1) -> (0, 0)>
#map1 = affine_map<(d0, d1) -> (0, 0, 0)>
module attributes {stable_mosaic.version = 14 : i64} {
  func.func @_sc_agg(%arg0: i32, %arg1: i32, %arg2: memref<10000x64xf32, #tpu.memory_space<hbm>>, %arg3: memref<10000x64xf32, #tpu.memory_space<hbm>>, %arg4: memref<16x250x80xi32, #tpu.memory_space<hbm>>, %arg5: memref<16x250x80xi32, #tpu.memory_space<hbm>>, %arg6: memref<2x10240x64xf32, #tpu.memory_space<hbm>>, %arg7: memref<250x80xi32, #tpu.memory_space<vmem>>, %arg8: memref<250x80xi32, #tpu.memory_space<vmem>>, %arg9: memref<5x80x64xf32, #tpu.memory_space<vmem>>, %arg10: memref<128x64xf32, #tpu.memory_space<vmem>>, %arg11: memref<10240x64xf32, #tpu.memory_space<vmem_shared>>, %arg12: memref<!tpu.dma_semaphore, #tpu.memory_space<semaphore_mem>>, %arg13: memref<!tpu.dma_semaphore, #tpu.memory_space<semaphore_mem>>, %arg14: memref<!tpu.dma_semaphore, #tpu.memory_space<semaphore_mem>>, %arg15: memref<!tpu.dma_semaphore, #tpu.memory_space<semaphore_mem>>, %arg16: memref<!tpu.dma_semaphore, #tpu.memory_space<semaphore_mem>>, %arg17: memref<!tpu.dma_semaphore, #tpu.memory_space<semaphore_mem>>, %arg18: memref<!tpu.dma_semaphore, #tpu.memory_space<semaphore_mem>>, %arg19: memref<!tpu.dma_semaphore, #tpu.memory_space<semaphore_mem>>, %arg20: memref<!tpu.dma_semaphore, #tpu.memory_space<semaphore_mem>>, %arg21: memref<!tpu.dma_semaphore, #tpu.memory_space<semaphore_mem>>) attributes {dimension_semantics = [#tpu.dimension_semantics<core_parallel>, #tpu.dimension_semantics<subcore_parallel>], iteration_bounds = array<i64: 2, 16>, scalar_prefetch = 0 : i64, scratch_operands = 15 : i64, tpu.core_type = #tpu.core_type<sc_vector_subcore>, window_params = [{transform_indices = #map}, {transform_indices = #map}, {transform_indices = #map1}, {transform_indices = #map1}, {transform_indices = #map1}]} {
    %broadcast_in_dim3A = arith.constant 0.000000e+00 : f32
    %broadcast_in_dim3A_0 = vector.broadcast %broadcast_in_dim3A : f32 to vector<16xf32>
    %scan3A = arith.constant 0 : i32
    %scan3A_1 = arith.constant 0 : i32
    %scan3A_2 = arith.constant 128 : i32
    %scan3A_3 = arith.addi %scan3A_1, %scan3A_2 : i32
    %scan3A_4 = arith.constant 1 : i32
    scf.for %scan3A_141 = %scan3A_1 to %scan3A_3 step %scan3A_4  : i32 {
      %swap3A = arith.index_cast %scan3A_141 : i32 to index
      %swap3A_142 = arith.constant 0 : index
      %swap3A_143 = tpu.vector_load %arg10[%swap3A, %swap3A_142] {strides = array<i32>} : memref<128x64xf32, #tpu.memory_space<vmem>>, vector<1x16xf32>,
      %swap3A_144 = vector.shape_cast %swap3A_143 : vector<1x16xf32> to vector<16xf32>
      %swap3A_145 = vector.shape_cast %broadcast_in_dim3A_0 : vector<16xf32> to vector<1x16xf32>
      tpu.vector_store %arg10[%swap3A, %swap3A_142], %swap3A_145 {strides = array<i32>} : memref<128x64xf32, #tpu.memory_space<vmem>>, vector<1x16xf32>,
      %swap3A_146 = arith.index_cast %scan3A_141 : i32 to index
      %swap3A_147 = arith.constant 16 : index
      %swap3A_148 = tpu.vector_load %arg10[%swap3A_146, %swap3A_147] {strides = array<i32>} : memref<128x64xf32, #tpu.memory_space<vmem>>, vector<1x16xf32>,
      %swap3A_149 = vector.shape_cast %swap3A_148 : vector<1x16xf32> to vector<16xf32>
      %swap3A_150 = vector.shape_cast %broadcast_in_dim3A_0 : vector<16xf32> to vector<1x16xf32>
      tpu.vector_store %arg10[%swap3A_146, %swap3A_147], %swap3A_150 {strides = array<i32>} : memref<128x64xf32, #tpu.memory_space<vmem>>, vector<1x16xf32>,
      %swap3A_151 = arith.index_cast %scan3A_141 : i32 to index
      %swap3A_152 = arith.constant 32 : index
      %swap3A_153 = tpu.vector_load %arg10[%swap3A_151, %swap3A_152] {strides = array<i32>} : memref<128x64xf32, #tpu.memory_space<vmem>>, vector<1x16xf32>,
      %swap3A_154 = vector.shape_cast %swap3A_153 : vector<1x16xf32> to vector<16xf32>
      %swap3A_155 = vector.shape_cast %broadcast_in_dim3A_0 : vector<16xf32> to vector<1x16xf32>
      tpu.vector_store %arg10[%swap3A_151, %swap3A_152], %swap3A_155 {strides = array<i32>} : memref<128x64xf32, #tpu.memory_space<vmem>>, vector<1x16xf32>,
      %swap3A_156 = arith.index_cast %scan3A_141 : i32 to index
      %swap3A_157 = arith.constant 48 : index
      %swap3A_158 = tpu.vector_load %arg10[%swap3A_156, %swap3A_157] {strides = array<i32>} : memref<128x64xf32, #tpu.memory_space<vmem>>, vector<1x16xf32>,
      %swap3A_159 = vector.shape_cast %swap3A_158 : vector<1x16xf32> to vector<16xf32>
      %swap3A_160 = vector.shape_cast %broadcast_in_dim3A_0 : vector<16xf32> to vector<1x16xf32>
      tpu.vector_store %arg10[%swap3A_156, %swap3A_157], %swap3A_160 {strides = array<i32>} : memref<128x64xf32, #tpu.memory_space<vmem>>, vector<1x16xf32>,
    }
    %scan3A_5 = arith.constant 128 : i32
    %mul3A = arith.constant 640 : i32
    %mul3A_6 = arith.muli %arg1, %mul3A : i32
    %add3A = arith.constant 0 : i32
    %add3A_7 = arith.addi %mul3A_6, %add3A : i32
    "tpu.region"() ({
      %run_scoped3A = tpu.sem_alloc : memref<!tpu.dma_semaphore, #tpu.memory_space<semaphore_mem>>
      %dma_start3A = arith.constant 0 : i32
      %dma_start3A_141 = tpu.memref_slice %arg11[%add3A_7, %dma_start3A] : memref<10240x64xf32, #tpu.memory_space<vmem_shared>> -> memref<128x64xf32, #tpu.memory_space<vmem_shared>>
      %dma_start3A_142 = arith.constant 0 : i32
      %dma_start3A_143 = tpu.memref_slice %arg11[%add3A_7, %dma_start3A_142] : memref<10240x64xf32, #tpu.memory_space<vmem_shared>> -> memref<128x64xf32, #tpu.memory_space<vmem_shared>>
      tpu.enqueue_dma source(%arg10 : memref<128x64xf32, #tpu.memory_space<vmem>>) target(%dma_start3A_143 : memref<128x64xf32, #tpu.memory_space<vmem_shared>>) target_semaphore(%run_scoped3A : memref<!tpu.dma_semaphore, #tpu.memory_space<semaphore_mem>>)
      %dma_wait3A_144 = arith.constant 0 : i32
      %dma_wait3A_145 = tpu.memref_slice %arg11[%add3A_7, %dma_wait3A_144] : memref<10240x64xf32, #tpu.memory_space<vmem_shared>> -> memref<128x64xf32, #tpu.memory_space<vmem_shared>>
      %dma_wait3A_146 = arith.constant 0 : i32
      %dma_wait3A_147 = tpu.memref_slice %arg11[%add3A_7, %dma_wait3A_146] : memref<10240x64xf32, #tpu.memory_space<vmem_shared>> -> memref<128x64xf32, #tpu.memory_space<vmem_shared>>
      tpu.wait_dma2 semaphore(%run_scoped3A : memref<!tpu.dma_semaphore, #tpu.memory_space<semaphore_mem>>) src(%arg10 : memref<128x64xf32, #tpu.memory_space<vmem>>) dst(%dma_wait3A_147 : memref<128x64xf32, #tpu.memory_space<vmem_shared>>)
      tpu.yield
    }) : () -> ()
    %mul3A_8 = arith.constant 640 : i32
    %mul3A_9 = arith.muli %arg1, %mul3A_8 : i32
    %add3A_10 = arith.constant 128 : i32
    %add3A_11 = arith.addi %mul3A_9, %add3A_10 : i32
    "tpu.region"() ({
      %run_scoped3A = tpu.sem_alloc : memref<!tpu.dma_semaphore, #tpu.memory_space<semaphore_mem>>
      %dma_start3A = arith.constant 0 : i32
      %dma_start3A_141 = tpu.memref_slice %arg11[%add3A_11, %dma_start3A] : memref<10240x64xf32, #tpu.memory_space<vmem_shared>> -> memref<128x64xf32, #tpu.memory_space<vmem_shared>>
      %dma_start3A_142 = arith.constant 0 : i32
      %dma_start3A_143 = tpu.memref_slice %arg11[%add3A_11, %dma_start3A_142] : memref<10240x64xf32, #tpu.memory_space<vmem_shared>> -> memref<128x64xf32, #tpu.memory_space<vmem_shared>>
      tpu.enqueue_dma source(%arg10 : memref<128x64xf32, #tpu.memory_space<vmem>>) target(%dma_start3A_143 : memref<128x64xf32, #tpu.memory_space<vmem_shared>>) target_semaphore(%run_scoped3A : memref<!tpu.dma_semaphore, #tpu.memory_space<semaphore_mem>>)
      %dma_wait3A_144 = arith.constant 0 : i32
      %dma_wait3A_145 = tpu.memref_slice %arg11[%add3A_11, %dma_wait3A_144] : memref<10240x64xf32, #tpu.memory_space<vmem_shared>> -> memref<128x64xf32, #tpu.memory_space<vmem_shared>>
      %dma_wait3A_146 = arith.constant 0 : i32
      %dma_wait3A_147 = tpu.memref_slice %arg11[%add3A_11, %dma_wait3A_146] : memref<10240x64xf32, #tpu.memory_space<vmem_shared>> -> memref<128x64xf32, #tpu.memory_space<vmem_shared>>
      tpu.wait_dma2 semaphore(%run_scoped3A : memref<!tpu.dma_semaphore, #tpu.memory_space<semaphore_mem>>) src(%arg10 : memref<128x64xf32, #tpu.memory_space<vmem>>) dst(%dma_wait3A_147 : memref<128x64xf32, #tpu.memory_space<vmem_shared>>)
      tpu.yield
    }) : () -> ()
    %mul3A_12 = arith.constant 640 : i32
    %mul3A_13 = arith.muli %arg1, %mul3A_12 : i32
    %add3A_14 = arith.constant 256 : i32
    %add3A_15 = arith.addi %mul3A_13, %add3A_14 : i32
    "tpu.region"() ({
      %run_scoped3A = tpu.sem_alloc : memref<!tpu.dma_semaphore, #tpu.memory_space<semaphore_mem>>
      %dma_start3A = arith.constant 0 : i32
      %dma_start3A_141 = tpu.memref_slice %arg11[%add3A_15, %dma_start3A] : memref<10240x64xf32, #tpu.memory_space<vmem_shared>> -> memref<128x64xf32, #tpu.memory_space<vmem_shared>>
      %dma_start3A_142 = arith.constant 0 : i32
      %dma_start3A_143 = tpu.memref_slice %arg11[%add3A_15, %dma_start3A_142] : memref<10240x64xf32, #tpu.memory_space<vmem_shared>> -> memref<128x64xf32, #tpu.memory_space<vmem_shared>>
      tpu.enqueue_dma source(%arg10 : memref<128x64xf32, #tpu.memory_space<vmem>>) target(%dma_start3A_143 : memref<128x64xf32, #tpu.memory_space<vmem_shared>>) target_semaphore(%run_scoped3A : memref<!tpu.dma_semaphore, #tpu.memory_space<semaphore_mem>>)
      %dma_wait3A_144 = arith.constant 0 : i32
      %dma_wait3A_145 = tpu.memref_slice %arg11[%add3A_15, %dma_wait3A_144] : memref<10240x64xf32, #tpu.memory_space<vmem_shared>> -> memref<128x64xf32, #tpu.memory_space<vmem_shared>>
      %dma_wait3A_146 = arith.constant 0 : i32
      %dma_wait3A_147 = tpu.memref_slice %arg11[%add3A_15, %dma_wait3A_146] : memref<10240x64xf32, #tpu.memory_space<vmem_shared>> -> memref<128x64xf32, #tpu.memory_space<vmem_shared>>
      tpu.wait_dma2 semaphore(%run_scoped3A : memref<!tpu.dma_semaphore, #tpu.memory_space<semaphore_mem>>) src(%arg10 : memref<128x64xf32, #tpu.memory_space<vmem>>) dst(%dma_wait3A_147 : memref<128x64xf32, #tpu.memory_space<vmem_shared>>)
      tpu.yield
    }) : () -> ()
    %mul3A_16 = arith.constant 640 : i32
    %mul3A_17 = arith.muli %arg1, %mul3A_16 : i32
    %add3A_18 = arith.constant 384 : i32
    %add3A_19 = arith.addi %mul3A_17, %add3A_18 : i32
    "tpu.region"() ({
      %run_scoped3A = tpu.sem_alloc : memref<!tpu.dma_semaphore, #tpu.memory_space<semaphore_mem>>
      %dma_start3A = arith.constant 0 : i32
      %dma_start3A_141 = tpu.memref_slice %arg11[%add3A_19, %dma_start3A] : memref<10240x64xf32, #tpu.memory_space<vmem_shared>> -> memref<128x64xf32, #tpu.memory_space<vmem_shared>>
      %dma_start3A_142 = arith.constant 0 : i32
      %dma_start3A_143 = tpu.memref_slice %arg11[%add3A_19, %dma_start3A_142] : memref<10240x64xf32, #tpu.memory_space<vmem_shared>> -> memref<128x64xf32, #tpu.memory_space<vmem_shared>>
      tpu.enqueue_dma source(%arg10 : memref<128x64xf32, #tpu.memory_space<vmem>>) target(%dma_start3A_143 : memref<128x64xf32, #tpu.memory_space<vmem_shared>>) target_semaphore(%run_scoped3A : memref<!tpu.dma_semaphore, #tpu.memory_space<semaphore_mem>>)
      %dma_wait3A_144 = arith.constant 0 : i32
      %dma_wait3A_145 = tpu.memref_slice %arg11[%add3A_19, %dma_wait3A_144] : memref<10240x64xf32, #tpu.memory_space<vmem_shared>> -> memref<128x64xf32, #tpu.memory_space<vmem_shared>>
      %dma_wait3A_146 = arith.constant 0 : i32
      %dma_wait3A_147 = tpu.memref_slice %arg11[%add3A_19, %dma_wait3A_146] : memref<10240x64xf32, #tpu.memory_space<vmem_shared>> -> memref<128x64xf32, #tpu.memory_space<vmem_shared>>
      tpu.wait_dma2 semaphore(%run_scoped3A : memref<!tpu.dma_semaphore, #tpu.memory_space<semaphore_mem>>) src(%arg10 : memref<128x64xf32, #tpu.memory_space<vmem>>) dst(%dma_wait3A_147 : memref<128x64xf32, #tpu.memory_space<vmem_shared>>)
      tpu.yield
    }) : () -> ()
    %mul3A_20 = arith.constant 640 : i32
    %mul3A_21 = arith.muli %arg1, %mul3A_20 : i32
    %add3A_22 = arith.constant 512 : i32
    %add3A_23 = arith.addi %mul3A_21, %add3A_22 : i32
    "tpu.region"() ({
      %run_scoped3A = tpu.sem_alloc : memref<!tpu.dma_semaphore, #tpu.memory_space<semaphore_mem>>
      %dma_start3A = arith.constant 0 : i32
      %dma_start3A_141 = tpu.memref_slice %arg11[%add3A_23, %dma_start3A] : memref<10240x64xf32, #tpu.memory_space<vmem_shared>> -> memref<128x64xf32, #tpu.memory_space<vmem_shared>>
      %dma_start3A_142 = arith.constant 0 : i32
      %dma_start3A_143 = tpu.memref_slice %arg11[%add3A_23, %dma_start3A_142] : memref<10240x64xf32, #tpu.memory_space<vmem_shared>> -> memref<128x64xf32, #tpu.memory_space<vmem_shared>>
      tpu.enqueue_dma source(%arg10 : memref<128x64xf32, #tpu.memory_space<vmem>>) target(%dma_start3A_143 : memref<128x64xf32, #tpu.memory_space<vmem_shared>>) target_semaphore(%run_scoped3A : memref<!tpu.dma_semaphore, #tpu.memory_space<semaphore_mem>>)
      %dma_wait3A_144 = arith.constant 0 : i32
      %dma_wait3A_145 = tpu.memref_slice %arg11[%add3A_23, %dma_wait3A_144] : memref<10240x64xf32, #tpu.memory_space<vmem_shared>> -> memref<128x64xf32, #tpu.memory_space<vmem_shared>>
      %dma_wait3A_146 = arith.constant 0 : i32
      %dma_wait3A_147 = tpu.memref_slice %arg11[%add3A_23, %dma_wait3A_146] : memref<10240x64xf32, #tpu.memory_space<vmem_shared>> -> memref<128x64xf32, #tpu.memory_space<vmem_shared>>
      tpu.wait_dma2 semaphore(%run_scoped3A : memref<!tpu.dma_semaphore, #tpu.memory_space<semaphore_mem>>) src(%arg10 : memref<128x64xf32, #tpu.memory_space<vmem>>) dst(%dma_wait3A_147 : memref<128x64xf32, #tpu.memory_space<vmem_shared>>)
      tpu.yield
    }) : () -> ()
    "tpu.region"() ({
      %run_scoped3A = tpu.sem_alloc : memref<!tpu.dma_semaphore, #tpu.memory_space<semaphore_mem>>
      %dma_start3A = arith.constant 0 : i32
      %dma_start3A_141 = arith.constant 0 : i32
      %dma_start3A_142 = tpu.memref_slice %arg4[%arg1, %dma_start3A, %dma_start3A_141] : memref<16x250x80xi32, #tpu.memory_space<hbm>> -> memref<1x250x80xi32, #tpu.memory_space<hbm>>
      %dma_start3A_143 = tpu.memref_squeeze %dma_start3A_142 : memref<1x250x80xi32, #tpu.memory_space<hbm>> -> memref<250x80xi32, #tpu.memory_space<hbm>>
      %dma_start3A_144 = arith.constant 0 : i32
      %dma_start3A_145 = arith.constant 0 : i32
      %dma_start3A_146 = tpu.memref_slice %arg4[%arg1, %dma_start3A_144, %dma_start3A_145] : memref<16x250x80xi32, #tpu.memory_space<hbm>> -> memref<1x250x80xi32, #tpu.memory_space<hbm>>
      %dma_start3A_147 = tpu.memref_squeeze %dma_start3A_146 : memref<1x250x80xi32, #tpu.memory_space<hbm>> -> memref<250x80xi32, #tpu.memory_space<hbm>>
      tpu.enqueue_dma source(%dma_start3A_147 : memref<250x80xi32, #tpu.memory_space<hbm>>) target(%arg7 : memref<250x80xi32, #tpu.memory_space<vmem>>) target_semaphore(%run_scoped3A : memref<!tpu.dma_semaphore, #tpu.memory_space<semaphore_mem>>)
      %dma_wait3A_148 = arith.constant 0 : i32
      %dma_wait3A_149 = arith.constant 0 : i32
      %dma_wait3A_150 = tpu.memref_slice %arg4[%arg1, %dma_wait3A_148, %dma_wait3A_149] : memref<16x250x80xi32, #tpu.memory_space<hbm>> -> memref<1x250x80xi32, #tpu.memory_space<hbm>>
      %dma_wait3A_151 = tpu.memref_squeeze %dma_wait3A_150 : memref<1x250x80xi32, #tpu.memory_space<hbm>> -> memref<250x80xi32, #tpu.memory_space<hbm>>
      %dma_wait3A_152 = arith.constant 0 : i32
      %dma_wait3A_153 = arith.constant 0 : i32
      %dma_wait3A_154 = tpu.memref_slice %arg4[%arg1, %dma_wait3A_152, %dma_wait3A_153] : memref<16x250x80xi32, #tpu.memory_space<hbm>> -> memref<1x250x80xi32, #tpu.memory_space<hbm>>
      %dma_wait3A_155 = tpu.memref_squeeze %dma_wait3A_154 : memref<1x250x80xi32, #tpu.memory_space<hbm>> -> memref<250x80xi32, #tpu.memory_space<hbm>>
      tpu.wait_dma2 semaphore(%run_scoped3A : memref<!tpu.dma_semaphore, #tpu.memory_space<semaphore_mem>>) src(%dma_wait3A_155 : memref<250x80xi32, #tpu.memory_space<hbm>>) dst(%arg7 : memref<250x80xi32, #tpu.memory_space<vmem>>)
      tpu.yield
    }) : () -> ()
    "tpu.region"() ({
      %run_scoped3A = tpu.sem_alloc : memref<!tpu.dma_semaphore, #tpu.memory_space<semaphore_mem>>
      %dma_start3A = arith.constant 0 : i32
      %dma_start3A_141 = arith.constant 0 : i32
      %dma_start3A_142 = tpu.memref_slice %arg5[%arg1, %dma_start3A, %dma_start3A_141] : memref<16x250x80xi32, #tpu.memory_space<hbm>> -> memref<1x250x80xi32, #tpu.memory_space<hbm>>
      %dma_start3A_143 = tpu.memref_squeeze %dma_start3A_142 : memref<1x250x80xi32, #tpu.memory_space<hbm>> -> memref<250x80xi32, #tpu.memory_space<hbm>>
      %dma_start3A_144 = arith.constant 0 : i32
      %dma_start3A_145 = arith.constant 0 : i32
      %dma_start3A_146 = tpu.memref_slice %arg5[%arg1, %dma_start3A_144, %dma_start3A_145] : memref<16x250x80xi32, #tpu.memory_space<hbm>> -> memref<1x250x80xi32, #tpu.memory_space<hbm>>
      %dma_start3A_147 = tpu.memref_squeeze %dma_start3A_146 : memref<1x250x80xi32, #tpu.memory_space<hbm>> -> memref<250x80xi32, #tpu.memory_space<hbm>>
      tpu.enqueue_dma source(%dma_start3A_147 : memref<250x80xi32, #tpu.memory_space<hbm>>) target(%arg8 : memref<250x80xi32, #tpu.memory_space<vmem>>) target_semaphore(%run_scoped3A : memref<!tpu.dma_semaphore, #tpu.memory_space<semaphore_mem>>)
      %dma_wait3A_148 = arith.constant 0 : i32
      %dma_wait3A_149 = arith.constant 0 : i32
      %dma_wait3A_150 = tpu.memref_slice %arg5[%arg1, %dma_wait3A_148, %dma_wait3A_149] : memref<16x250x80xi32, #tpu.memory_space<hbm>> -> memref<1x250x80xi32, #tpu.memory_space<hbm>>
      %dma_wait3A_151 = tpu.memref_squeeze %dma_wait3A_150 : memref<1x250x80xi32, #tpu.memory_space<hbm>> -> memref<250x80xi32, #tpu.memory_space<hbm>>
      %dma_wait3A_152 = arith.constant 0 : i32
      %dma_wait3A_153 = arith.constant 0 : i32
      %dma_wait3A_154 = tpu.memref_slice %arg5[%arg1, %dma_wait3A_152, %dma_wait3A_153] : memref<16x250x80xi32, #tpu.memory_space<hbm>> -> memref<1x250x80xi32, #tpu.memory_space<hbm>>
      %dma_wait3A_155 = tpu.memref_squeeze %dma_wait3A_154 : memref<1x250x80xi32, #tpu.memory_space<hbm>> -> memref<250x80xi32, #tpu.memory_space<hbm>>
      tpu.wait_dma2 semaphore(%run_scoped3A : memref<!tpu.dma_semaphore, #tpu.memory_space<semaphore_mem>>) src(%dma_wait3A_155 : memref<250x80xi32, #tpu.memory_space<hbm>>) dst(%arg8 : memref<250x80xi32, #tpu.memory_space<vmem>>)
      tpu.yield
    }) : () -> ()
    %barrier3A = arith.constant 0 : index
    tpu.barrier barrier_id(%barrier3A)
    %eq3A = arith.constant 0 : i32
    %eq3A_24 = arith.cmpi eq, %arg0, %eq3A : i32
    %convert_element_type3A = arith.extui %eq3A_24 : i1 to i32
    %cond3A = arith.constant 0 : i32
    %cond3A_25 = arith.cmpi ne, %convert_element_type3A, %cond3A : i32
    scf.if %cond3A_25 {
      %dma_start3A = arith.constant 0 : i32
      %dma_start3A_141 = arith.constant 0 : i32
      %dma_start3A_142 = arith.constant 0 : i32
      %dma_start3A_143 = arith.constant 0 : i32
      %dma_start3A_144 = tpu.memref_slice %arg9[%dma_start3A_141, %dma_start3A_142, %dma_start3A_143] : memref<5x80x64xf32, #tpu.memory_space<vmem>> -> memref<1x80x64xf32, #tpu.memory_space<vmem>>
      %dma_start3A_145 = tpu.memref_squeeze %dma_start3A_144 : memref<1x80x64xf32, #tpu.memory_space<vmem>> -> memref<80x64xf32, #tpu.memory_space<vmem>>
      %dma_start3A_146 = arith.constant 0 : i32
      %dma_start3A_147 = tpu.memref_slice %arg7[%dma_start3A, %dma_start3A_146] : memref<250x80xi32, #tpu.memory_space<vmem>> -> memref<1x80xi32, #tpu.memory_space<vmem>>
      %dma_start3A_148 = tpu.memref_squeeze %dma_start3A_147 : memref<1x80xi32, #tpu.memory_space<vmem>> -> memref<80xi32, #tpu.memory_space<vmem>>
      %dma_start3A_149 = arith.constant 0 : i32
      %dma_start3A_150 = arith.constant 0 : i32
      %dma_start3A_151 = tpu.memref_slice %arg2[%dma_start3A_149, %dma_start3A_150] : memref<10000x64xf32, #tpu.memory_space<hbm>> -> memref<10000x64xf32, #tpu.memory_space<hbm>>
      tpu.enqueue_indirect_dma source(%dma_start3A_151 : memref<10000x64xf32, #tpu.memory_space<hbm>>) target(%dma_start3A_145 : memref<80x64xf32, #tpu.memory_space<vmem>>) offsets(%dma_start3A_148 : memref<80xi32, #tpu.memory_space<vmem>>) semaphore(%arg12 : memref<!tpu.dma_semaphore, #tpu.memory_space<semaphore_mem>>)
    } else {
    }
    %eq3A_26 = arith.constant 1 : i32
    %eq3A_27 = arith.cmpi eq, %arg0, %eq3A_26 : i32
    %convert_element_type3A_28 = arith.extui %eq3A_27 : i1 to i32
    %cond3A_29 = arith.constant 0 : i32
    %cond3A_30 = arith.cmpi ne, %convert_element_type3A_28, %cond3A_29 : i32
    scf.if %cond3A_30 {
      %dma_start3A = arith.constant 0 : i32
      %dma_start3A_141 = arith.constant 0 : i32
      %dma_start3A_142 = arith.constant 0 : i32
      %dma_start3A_143 = arith.constant 0 : i32
      %dma_start3A_144 = tpu.memref_slice %arg9[%dma_start3A_141, %dma_start3A_142, %dma_start3A_143] : memref<5x80x64xf32, #tpu.memory_space<vmem>> -> memref<1x80x64xf32, #tpu.memory_space<vmem>>
      %dma_start3A_145 = tpu.memref_squeeze %dma_start3A_144 : memref<1x80x64xf32, #tpu.memory_space<vmem>> -> memref<80x64xf32, #tpu.memory_space<vmem>>
      %dma_start3A_146 = arith.constant 0 : i32
      %dma_start3A_147 = tpu.memref_slice %arg7[%dma_start3A, %dma_start3A_146] : memref<250x80xi32, #tpu.memory_space<vmem>> -> memref<1x80xi32, #tpu.memory_space<vmem>>
      %dma_start3A_148 = tpu.memref_squeeze %dma_start3A_147 : memref<1x80xi32, #tpu.memory_space<vmem>> -> memref<80xi32, #tpu.memory_space<vmem>>
      %dma_start3A_149 = arith.constant 0 : i32
      %dma_start3A_150 = arith.constant 0 : i32
      %dma_start3A_151 = tpu.memref_slice %arg3[%dma_start3A_149, %dma_start3A_150] : memref<10000x64xf32, #tpu.memory_space<hbm>> -> memref<10000x64xf32, #tpu.memory_space<hbm>>
      tpu.enqueue_indirect_dma source(%dma_start3A_151 : memref<10000x64xf32, #tpu.memory_space<hbm>>) target(%dma_start3A_145 : memref<80x64xf32, #tpu.memory_space<vmem>>) offsets(%dma_start3A_148 : memref<80xi32, #tpu.memory_space<vmem>>) semaphore(%arg12 : memref<!tpu.dma_semaphore, #tpu.memory_space<semaphore_mem>>)
    } else {
    }
    %eq3A_31 = arith.constant 0 : i32
    %eq3A_32 = arith.cmpi eq, %arg0, %eq3A_31 : i32
    %convert_element_type3A_33 = arith.extui %eq3A_32 : i1 to i32
    %cond3A_34 = arith.constant 0 : i32
    %cond3A_35 = arith.cmpi ne, %convert_element_type3A_33, %cond3A_34 : i32
    scf.if %cond3A_35 {
      %dma_start3A = arith.constant 1 : i32
      %dma_start3A_141 = arith.constant 1 : i32
      %dma_start3A_142 = arith.constant 0 : i32
      %dma_start3A_143 = arith.constant 0 : i32
      %dma_start3A_144 = tpu.memref_slice %arg9[%dma_start3A_141, %dma_start3A_142, %dma_start3A_143] : memref<5x80x64xf32, #tpu.memory_space<vmem>> -> memref<1x80x64xf32, #tpu.memory_space<vmem>>
      %dma_start3A_145 = tpu.memref_squeeze %dma_start3A_144 : memref<1x80x64xf32, #tpu.memory_space<vmem>> -> memref<80x64xf32, #tpu.memory_space<vmem>>
      %dma_start3A_146 = arith.constant 0 : i32
      %dma_start3A_147 = tpu.memref_slice %arg7[%dma_start3A, %dma_start3A_146] : memref<250x80xi32, #tpu.memory_space<vmem>> -> memref<1x80xi32, #tpu.memory_space<vmem>>
      %dma_start3A_148 = tpu.memref_squeeze %dma_start3A_147 : memref<1x80xi32, #tpu.memory_space<vmem>> -> memref<80xi32, #tpu.memory_space<vmem>>
      %dma_start3A_149 = arith.constant 0 : i32
      %dma_start3A_150 = arith.constant 0 : i32
      %dma_start3A_151 = tpu.memref_slice %arg2[%dma_start3A_149, %dma_start3A_150] : memref<10000x64xf32, #tpu.memory_space<hbm>> -> memref<10000x64xf32, #tpu.memory_space<hbm>>
      tpu.enqueue_indirect_dma source(%dma_start3A_151 : memref<10000x64xf32, #tpu.memory_space<hbm>>) target(%dma_start3A_145 : memref<80x64xf32, #tpu.memory_space<vmem>>) offsets(%dma_start3A_148 : memref<80xi32, #tpu.memory_space<vmem>>) semaphore(%arg13 : memref<!tpu.dma_semaphore, #tpu.memory_space<semaphore_mem>>)
    } else {
    }
    %eq3A_36 = arith.constant 1 : i32
    %eq3A_37 = arith.cmpi eq, %arg0, %eq3A_36 : i32
    %convert_element_type3A_38 = arith.extui %eq3A_37 : i1 to i32
    %cond3A_39 = arith.constant 0 : i32
    %cond3A_40 = arith.cmpi ne, %convert_element_type3A_38, %cond3A_39 : i32
    scf.if %cond3A_40 {
      %dma_start3A = arith.constant 1 : i32
      %dma_start3A_141 = arith.constant 1 : i32
      %dma_start3A_142 = arith.constant 0 : i32
      %dma_start3A_143 = arith.constant 0 : i32
      %dma_start3A_144 = tpu.memref_slice %arg9[%dma_start3A_141, %dma_start3A_142, %dma_start3A_143] : memref<5x80x64xf32, #tpu.memory_space<vmem>> -> memref<1x80x64xf32, #tpu.memory_space<vmem>>
      %dma_start3A_145 = tpu.memref_squeeze %dma_start3A_144 : memref<1x80x64xf32, #tpu.memory_space<vmem>> -> memref<80x64xf32, #tpu.memory_space<vmem>>
      %dma_start3A_146 = arith.constant 0 : i32
      %dma_start3A_147 = tpu.memref_slice %arg7[%dma_start3A, %dma_start3A_146] : memref<250x80xi32, #tpu.memory_space<vmem>> -> memref<1x80xi32, #tpu.memory_space<vmem>>
      %dma_start3A_148 = tpu.memref_squeeze %dma_start3A_147 : memref<1x80xi32, #tpu.memory_space<vmem>> -> memref<80xi32, #tpu.memory_space<vmem>>
      %dma_start3A_149 = arith.constant 0 : i32
      %dma_start3A_150 = arith.constant 0 : i32
      %dma_start3A_151 = tpu.memref_slice %arg3[%dma_start3A_149, %dma_start3A_150] : memref<10000x64xf32, #tpu.memory_space<hbm>> -> memref<10000x64xf32, #tpu.memory_space<hbm>>
      tpu.enqueue_indirect_dma source(%dma_start3A_151 : memref<10000x64xf32, #tpu.memory_space<hbm>>) target(%dma_start3A_145 : memref<80x64xf32, #tpu.memory_space<vmem>>) offsets(%dma_start3A_148 : memref<80xi32, #tpu.memory_space<vmem>>) semaphore(%arg13 : memref<!tpu.dma_semaphore, #tpu.memory_space<semaphore_mem>>)
    } else {
    }
    %eq3A_41 = arith.constant 0 : i32
    %eq3A_42 = arith.cmpi eq, %arg0, %eq3A_41 : i32
    %convert_element_type3A_43 = arith.extui %eq3A_42 : i1 to i32
    %cond3A_44 = arith.constant 0 : i32
    %cond3A_45 = arith.cmpi ne, %convert_element_type3A_43, %cond3A_44 : i32
    scf.if %cond3A_45 {
      %dma_start3A = arith.constant 2 : i32
      %dma_start3A_141 = arith.constant 2 : i32
      %dma_start3A_142 = arith.constant 0 : i32
      %dma_start3A_143 = arith.constant 0 : i32
      %dma_start3A_144 = tpu.memref_slice %arg9[%dma_start3A_141, %dma_start3A_142, %dma_start3A_143] : memref<5x80x64xf32, #tpu.memory_space<vmem>> -> memref<1x80x64xf32, #tpu.memory_space<vmem>>
      %dma_start3A_145 = tpu.memref_squeeze %dma_start3A_144 : memref<1x80x64xf32, #tpu.memory_space<vmem>> -> memref<80x64xf32, #tpu.memory_space<vmem>>
      %dma_start3A_146 = arith.constant 0 : i32
      %dma_start3A_147 = tpu.memref_slice %arg7[%dma_start3A, %dma_start3A_146] : memref<250x80xi32, #tpu.memory_space<vmem>> -> memref<1x80xi32, #tpu.memory_space<vmem>>
      %dma_start3A_148 = tpu.memref_squeeze %dma_start3A_147 : memref<1x80xi32, #tpu.memory_space<vmem>> -> memref<80xi32, #tpu.memory_space<vmem>>
      %dma_start3A_149 = arith.constant 0 : i32
      %dma_start3A_150 = arith.constant 0 : i32
      %dma_start3A_151 = tpu.memref_slice %arg2[%dma_start3A_149, %dma_start3A_150] : memref<10000x64xf32, #tpu.memory_space<hbm>> -> memref<10000x64xf32, #tpu.memory_space<hbm>>
      tpu.enqueue_indirect_dma source(%dma_start3A_151 : memref<10000x64xf32, #tpu.memory_space<hbm>>) target(%dma_start3A_145 : memref<80x64xf32, #tpu.memory_space<vmem>>) offsets(%dma_start3A_148 : memref<80xi32, #tpu.memory_space<vmem>>) semaphore(%arg14 : memref<!tpu.dma_semaphore, #tpu.memory_space<semaphore_mem>>)
    } else {
    }
    %eq3A_46 = arith.constant 1 : i32
    %eq3A_47 = arith.cmpi eq, %arg0, %eq3A_46 : i32
    %convert_element_type3A_48 = arith.extui %eq3A_47 : i1 to i32
    %cond3A_49 = arith.constant 0 : i32
    %cond3A_50 = arith.cmpi ne, %convert_element_type3A_48, %cond3A_49 : i32
    scf.if %cond3A_50 {
      %dma_start3A = arith.constant 2 : i32
      %dma_start3A_141 = arith.constant 2 : i32
      %dma_start3A_142 = arith.constant 0 : i32
      %dma_start3A_143 = arith.constant 0 : i32
      %dma_start3A_144 = tpu.memref_slice %arg9[%dma_start3A_141, %dma_start3A_142, %dma_start3A_143] : memref<5x80x64xf32, #tpu.memory_space<vmem>> -> memref<1x80x64xf32, #tpu.memory_space<vmem>>
      %dma_start3A_145 = tpu.memref_squeeze %dma_start3A_144 : memref<1x80x64xf32, #tpu.memory_space<vmem>> -> memref<80x64xf32, #tpu.memory_space<vmem>>
      %dma_start3A_146 = arith.constant 0 : i32
      %dma_start3A_147 = tpu.memref_slice %arg7[%dma_start3A, %dma_start3A_146] : memref<250x80xi32, #tpu.memory_space<vmem>> -> memref<1x80xi32, #tpu.memory_space<vmem>>
      %dma_start3A_148 = tpu.memref_squeeze %dma_start3A_147 : memref<1x80xi32, #tpu.memory_space<vmem>> -> memref<80xi32, #tpu.memory_space<vmem>>
      %dma_start3A_149 = arith.constant 0 : i32
      %dma_start3A_150 = arith.constant 0 : i32
      %dma_start3A_151 = tpu.memref_slice %arg3[%dma_start3A_149, %dma_start3A_150] : memref<10000x64xf32, #tpu.memory_space<hbm>> -> memref<10000x64xf32, #tpu.memory_space<hbm>>
      tpu.enqueue_indirect_dma source(%dma_start3A_151 : memref<10000x64xf32, #tpu.memory_space<hbm>>) target(%dma_start3A_145 : memref<80x64xf32, #tpu.memory_space<vmem>>) offsets(%dma_start3A_148 : memref<80xi32, #tpu.memory_space<vmem>>) semaphore(%arg14 : memref<!tpu.dma_semaphore, #tpu.memory_space<semaphore_mem>>)
    } else {
    }
    %eq3A_51 = arith.constant 0 : i32
    %eq3A_52 = arith.cmpi eq, %arg0, %eq3A_51 : i32
    %convert_element_type3A_53 = arith.extui %eq3A_52 : i1 to i32
    %cond3A_54 = arith.constant 0 : i32
    %cond3A_55 = arith.cmpi ne, %convert_element_type3A_53, %cond3A_54 : i32
    scf.if %cond3A_55 {
      %dma_start3A = arith.constant 3 : i32
      %dma_start3A_141 = arith.constant 3 : i32
      %dma_start3A_142 = arith.constant 0 : i32
      %dma_start3A_143 = arith.constant 0 : i32
      %dma_start3A_144 = tpu.memref_slice %arg9[%dma_start3A_141, %dma_start3A_142, %dma_start3A_143] : memref<5x80x64xf32, #tpu.memory_space<vmem>> -> memref<1x80x64xf32, #tpu.memory_space<vmem>>
      %dma_start3A_145 = tpu.memref_squeeze %dma_start3A_144 : memref<1x80x64xf32, #tpu.memory_space<vmem>> -> memref<80x64xf32, #tpu.memory_space<vmem>>
      %dma_start3A_146 = arith.constant 0 : i32
      %dma_start3A_147 = tpu.memref_slice %arg7[%dma_start3A, %dma_start3A_146] : memref<250x80xi32, #tpu.memory_space<vmem>> -> memref<1x80xi32, #tpu.memory_space<vmem>>
      %dma_start3A_148 = tpu.memref_squeeze %dma_start3A_147 : memref<1x80xi32, #tpu.memory_space<vmem>> -> memref<80xi32, #tpu.memory_space<vmem>>
      %dma_start3A_149 = arith.constant 0 : i32
      %dma_start3A_150 = arith.constant 0 : i32
      %dma_start3A_151 = tpu.memref_slice %arg2[%dma_start3A_149, %dma_start3A_150] : memref<10000x64xf32, #tpu.memory_space<hbm>> -> memref<10000x64xf32, #tpu.memory_space<hbm>>
      tpu.enqueue_indirect_dma source(%dma_start3A_151 : memref<10000x64xf32, #tpu.memory_space<hbm>>) target(%dma_start3A_145 : memref<80x64xf32, #tpu.memory_space<vmem>>) offsets(%dma_start3A_148 : memref<80xi32, #tpu.memory_space<vmem>>) semaphore(%arg15 : memref<!tpu.dma_semaphore, #tpu.memory_space<semaphore_mem>>)
    } else {
    }
    %eq3A_56 = arith.constant 1 : i32
    %eq3A_57 = arith.cmpi eq, %arg0, %eq3A_56 : i32
    %convert_element_type3A_58 = arith.extui %eq3A_57 : i1 to i32
    %cond3A_59 = arith.constant 0 : i32
    %cond3A_60 = arith.cmpi ne, %convert_element_type3A_58, %cond3A_59 : i32
    scf.if %cond3A_60 {
      %dma_start3A = arith.constant 3 : i32
      %dma_start3A_141 = arith.constant 3 : i32
      %dma_start3A_142 = arith.constant 0 : i32
      %dma_start3A_143 = arith.constant 0 : i32
      %dma_start3A_144 = tpu.memref_slice %arg9[%dma_start3A_141, %dma_start3A_142, %dma_start3A_143] : memref<5x80x64xf32, #tpu.memory_space<vmem>> -> memref<1x80x64xf32, #tpu.memory_space<vmem>>
      %dma_start3A_145 = tpu.memref_squeeze %dma_start3A_144 : memref<1x80x64xf32, #tpu.memory_space<vmem>> -> memref<80x64xf32, #tpu.memory_space<vmem>>
      %dma_start3A_146 = arith.constant 0 : i32
      %dma_start3A_147 = tpu.memref_slice %arg7[%dma_start3A, %dma_start3A_146] : memref<250x80xi32, #tpu.memory_space<vmem>> -> memref<1x80xi32, #tpu.memory_space<vmem>>
      %dma_start3A_148 = tpu.memref_squeeze %dma_start3A_147 : memref<1x80xi32, #tpu.memory_space<vmem>> -> memref<80xi32, #tpu.memory_space<vmem>>
      %dma_start3A_149 = arith.constant 0 : i32
      %dma_start3A_150 = arith.constant 0 : i32
      %dma_start3A_151 = tpu.memref_slice %arg3[%dma_start3A_149, %dma_start3A_150] : memref<10000x64xf32, #tpu.memory_space<hbm>> -> memref<10000x64xf32, #tpu.memory_space<hbm>>
      tpu.enqueue_indirect_dma source(%dma_start3A_151 : memref<10000x64xf32, #tpu.memory_space<hbm>>) target(%dma_start3A_145 : memref<80x64xf32, #tpu.memory_space<vmem>>) offsets(%dma_start3A_148 : memref<80xi32, #tpu.memory_space<vmem>>) semaphore(%arg15 : memref<!tpu.dma_semaphore, #tpu.memory_space<semaphore_mem>>)
    } else {
    }
    %eq3A_61 = arith.constant 0 : i32
    %eq3A_62 = arith.cmpi eq, %arg0, %eq3A_61 : i32
    %convert_element_type3A_63 = arith.extui %eq3A_62 : i1 to i32
    %cond3A_64 = arith.constant 0 : i32
    %cond3A_65 = arith.cmpi ne, %convert_element_type3A_63, %cond3A_64 : i32
    scf.if %cond3A_65 {
      %dma_start3A = arith.constant 4 : i32
      %dma_start3A_141 = arith.constant 4 : i32
      %dma_start3A_142 = arith.constant 0 : i32
      %dma_start3A_143 = arith.constant 0 : i32
      %dma_start3A_144 = tpu.memref_slice %arg9[%dma_start3A_141, %dma_start3A_142, %dma_start3A_143] : memref<5x80x64xf32, #tpu.memory_space<vmem>> -> memref<1x80x64xf32, #tpu.memory_space<vmem>>
      %dma_start3A_145 = tpu.memref_squeeze %dma_start3A_144 : memref<1x80x64xf32, #tpu.memory_space<vmem>> -> memref<80x64xf32, #tpu.memory_space<vmem>>
      %dma_start3A_146 = arith.constant 0 : i32
      %dma_start3A_147 = tpu.memref_slice %arg7[%dma_start3A, %dma_start3A_146] : memref<250x80xi32, #tpu.memory_space<vmem>> -> memref<1x80xi32, #tpu.memory_space<vmem>>
      %dma_start3A_148 = tpu.memref_squeeze %dma_start3A_147 : memref<1x80xi32, #tpu.memory_space<vmem>> -> memref<80xi32, #tpu.memory_space<vmem>>
      %dma_start3A_149 = arith.constant 0 : i32
      %dma_start3A_150 = arith.constant 0 : i32
      %dma_start3A_151 = tpu.memref_slice %arg2[%dma_start3A_149, %dma_start3A_150] : memref<10000x64xf32, #tpu.memory_space<hbm>> -> memref<10000x64xf32, #tpu.memory_space<hbm>>
      tpu.enqueue_indirect_dma source(%dma_start3A_151 : memref<10000x64xf32, #tpu.memory_space<hbm>>) target(%dma_start3A_145 : memref<80x64xf32, #tpu.memory_space<vmem>>) offsets(%dma_start3A_148 : memref<80xi32, #tpu.memory_space<vmem>>) semaphore(%arg16 : memref<!tpu.dma_semaphore, #tpu.memory_space<semaphore_mem>>)
    } else {
    }
    %eq3A_66 = arith.constant 1 : i32
    %eq3A_67 = arith.cmpi eq, %arg0, %eq3A_66 : i32
    %convert_element_type3A_68 = arith.extui %eq3A_67 : i1 to i32
    %cond3A_69 = arith.constant 0 : i32
    %cond3A_70 = arith.cmpi ne, %convert_element_type3A_68, %cond3A_69 : i32
    scf.if %cond3A_70 {
      %dma_start3A = arith.constant 4 : i32
      %dma_start3A_141 = arith.constant 4 : i32
      %dma_start3A_142 = arith.constant 0 : i32
      %dma_start3A_143 = arith.constant 0 : i32
      %dma_start3A_144 = tpu.memref_slice %arg9[%dma_start3A_141, %dma_start3A_142, %dma_start3A_143] : memref<5x80x64xf32, #tpu.memory_space<vmem>> -> memref<1x80x64xf32, #tpu.memory_space<vmem>>
      %dma_start3A_145 = tpu.memref_squeeze %dma_start3A_144 : memref<1x80x64xf32, #tpu.memory_space<vmem>> -> memref<80x64xf32, #tpu.memory_space<vmem>>
      %dma_start3A_146 = arith.constant 0 : i32
      %dma_start3A_147 = tpu.memref_slice %arg7[%dma_start3A, %dma_start3A_146] : memref<250x80xi32, #tpu.memory_space<vmem>> -> memref<1x80xi32, #tpu.memory_space<vmem>>
      %dma_start3A_148 = tpu.memref_squeeze %dma_start3A_147 : memref<1x80xi32, #tpu.memory_space<vmem>> -> memref<80xi32, #tpu.memory_space<vmem>>
      %dma_start3A_149 = arith.constant 0 : i32
      %dma_start3A_150 = arith.constant 0 : i32
      %dma_start3A_151 = tpu.memref_slice %arg3[%dma_start3A_149, %dma_start3A_150] : memref<10000x64xf32, #tpu.memory_space<hbm>> -> memref<10000x64xf32, #tpu.memory_space<hbm>>
      tpu.enqueue_indirect_dma source(%dma_start3A_151 : memref<10000x64xf32, #tpu.memory_space<hbm>>) target(%dma_start3A_145 : memref<80x64xf32, #tpu.memory_space<vmem>>) offsets(%dma_start3A_148 : memref<80xi32, #tpu.memory_space<vmem>>) semaphore(%arg16 : memref<!tpu.dma_semaphore, #tpu.memory_space<semaphore_mem>>)
    } else {
    }
    %scan3A_71 = arith.constant 0 : i32
    %scan3A_72 = arith.constant 0 : i32
    %scan3A_73 = arith.constant 50 : i32
    %scan3A_74 = arith.addi %scan3A_72, %scan3A_73 : i32
    %scan3A_75 = arith.constant 1 : i32
    scf.for %scan3A_141 = %scan3A_72 to %scan3A_74 step %scan3A_75  : i32 {
      %mul3A_142 = arith.constant 5 : i32
      %mul3A_143 = arith.muli %scan3A_141, %mul3A_142 : i32
      %dma_wait3A_144 = arith.constant 0 : i32
      %dma_wait3A_145 = arith.constant 0 : i32
      %dma_wait3A_146 = arith.constant 0 : i32
      %dma_wait3A_147 = arith.constant 0 : i32
      %dma_wait3A_148 = tpu.memref_slice %arg9[%dma_wait3A_145, %dma_wait3A_146, %dma_wait3A_147] : memref<5x80x64xf32, #tpu.memory_space<vmem>> -> memref<1x80x64xf32, #tpu.memory_space<vmem>>
      %dma_wait3A_149 = tpu.memref_squeeze %dma_wait3A_148 : memref<1x80x64xf32, #tpu.memory_space<vmem>> -> memref<80x64xf32, #tpu.memory_space<vmem>>
      %dma_wait3A_150 = arith.constant 0 : i32
      %dma_wait3A_151 = tpu.memref_slice %arg7[%dma_wait3A_144, %dma_wait3A_150] : memref<250x80xi32, #tpu.memory_space<vmem>> -> memref<1x80xi32, #tpu.memory_space<vmem>>
      %dma_wait3A_152 = tpu.memref_squeeze %dma_wait3A_151 : memref<1x80xi32, #tpu.memory_space<vmem>> -> memref<80xi32, #tpu.memory_space<vmem>>
      %dma_wait3A_153 = arith.constant 0 : i32
      %dma_wait3A_154 = arith.constant 0 : i32
      %dma_wait3A_155 = tpu.memref_slice %arg2[%dma_wait3A_153, %dma_wait3A_154] : memref<10000x64xf32, #tpu.memory_space<hbm>> -> memref<10000x64xf32, #tpu.memory_space<hbm>>
      tpu.wait_indirect_dma semaphore(%arg12 : memref<!tpu.dma_semaphore, #tpu.memory_space<semaphore_mem>>) src(%dma_wait3A_155 : memref<10000x64xf32, #tpu.memory_space<hbm>>) dst(%dma_wait3A_149 : memref<80x64xf32, #tpu.memory_space<vmem>>)
      %add3A_156 = arith.constant 0 : i32
      %add3A_157 = arith.addi %mul3A_143, %add3A_156 : i32
      %dma_start3A = arith.constant 0 : i32
      %dma_start3A_158 = arith.constant 0 : i32
      %dma_start3A_159 = arith.constant 0 : i32
      %dma_start3A_160 = tpu.memref_slice %arg9[%dma_start3A, %dma_start3A_158, %dma_start3A_159] : memref<5x80x64xf32, #tpu.memory_space<vmem>> -> memref<1x80x64xf32, #tpu.memory_space<vmem>>
      %dma_start3A_161 = tpu.memref_squeeze %dma_start3A_160 : memref<1x80x64xf32, #tpu.memory_space<vmem>> -> memref<80x64xf32, #tpu.memory_space<vmem>>
      %dma_start3A_162 = arith.constant 0 : i32
      %dma_start3A_163 = tpu.memref_slice %arg8[%add3A_157, %dma_start3A_162] : memref<250x80xi32, #tpu.memory_space<vmem>> -> memref<1x80xi32, #tpu.memory_space<vmem>>
      %dma_start3A_164 = tpu.memref_squeeze %dma_start3A_163 : memref<1x80xi32, #tpu.memory_space<vmem>> -> memref<80xi32, #tpu.memory_space<vmem>>
      %dma_start3A_165 = arith.constant 0 : i32
      %dma_start3A_166 = arith.constant 0 : i32
      %dma_start3A_167 = tpu.memref_slice %arg11[%dma_start3A_165, %dma_start3A_166] : memref<10240x64xf32, #tpu.memory_space<vmem_shared>> -> memref<10240x64xf32, #tpu.memory_space<vmem_shared>>
      tpu.enqueue_indirect_dma source(%dma_start3A_161 : memref<80x64xf32, #tpu.memory_space<vmem>>) target(%dma_start3A_167 : memref<10240x64xf32, #tpu.memory_space<vmem_shared>>) offsets(%dma_start3A_164 : memref<80xi32, #tpu.memory_space<vmem>>) semaphore(%arg17 : memref<!tpu.dma_semaphore, #tpu.memory_space<semaphore_mem>>) {add = true}
      %dma_wait3A_168 = arith.constant 0 : i32
      %dma_wait3A_169 = arith.constant 1 : i32
      %dma_wait3A_170 = arith.constant 0 : i32
      %dma_wait3A_171 = arith.constant 0 : i32
      %dma_wait3A_172 = tpu.memref_slice %arg9[%dma_wait3A_169, %dma_wait3A_170, %dma_wait3A_171] : memref<5x80x64xf32, #tpu.memory_space<vmem>> -> memref<1x80x64xf32, #tpu.memory_space<vmem>>
      %dma_wait3A_173 = tpu.memref_squeeze %dma_wait3A_172 : memref<1x80x64xf32, #tpu.memory_space<vmem>> -> memref<80x64xf32, #tpu.memory_space<vmem>>
      %dma_wait3A_174 = arith.constant 0 : i32
      %dma_wait3A_175 = tpu.memref_slice %arg7[%dma_wait3A_168, %dma_wait3A_174] : memref<250x80xi32, #tpu.memory_space<vmem>> -> memref<1x80xi32, #tpu.memory_space<vmem>>
      %dma_wait3A_176 = tpu.memref_squeeze %dma_wait3A_175 : memref<1x80xi32, #tpu.memory_space<vmem>> -> memref<80xi32, #tpu.memory_space<vmem>>
      %dma_wait3A_177 = arith.constant 0 : i32
      %dma_wait3A_178 = arith.constant 0 : i32
      %dma_wait3A_179 = tpu.memref_slice %arg2[%dma_wait3A_177, %dma_wait3A_178] : memref<10000x64xf32, #tpu.memory_space<hbm>> -> memref<10000x64xf32, #tpu.memory_space<hbm>>
      tpu.wait_indirect_dma semaphore(%arg13 : memref<!tpu.dma_semaphore, #tpu.memory_space<semaphore_mem>>) src(%dma_wait3A_179 : memref<10000x64xf32, #tpu.memory_space<hbm>>) dst(%dma_wait3A_173 : memref<80x64xf32, #tpu.memory_space<vmem>>)
      %add3A_180 = arith.constant 1 : i32
      %add3A_181 = arith.addi %mul3A_143, %add3A_180 : i32
      %dma_start3A_182 = arith.constant 1 : i32
      %dma_start3A_183 = arith.constant 0 : i32
      %dma_start3A_184 = arith.constant 0 : i32
      %dma_start3A_185 = tpu.memref_slice %arg9[%dma_start3A_182, %dma_start3A_183, %dma_start3A_184] : memref<5x80x64xf32, #tpu.memory_space<vmem>> -> memref<1x80x64xf32, #tpu.memory_space<vmem>>
      %dma_start3A_186 = tpu.memref_squeeze %dma_start3A_185 : memref<1x80x64xf32, #tpu.memory_space<vmem>> -> memref<80x64xf32, #tpu.memory_space<vmem>>
      %dma_start3A_187 = arith.constant 0 : i32
      %dma_start3A_188 = tpu.memref_slice %arg8[%add3A_181, %dma_start3A_187] : memref<250x80xi32, #tpu.memory_space<vmem>> -> memref<1x80xi32, #tpu.memory_space<vmem>>
      %dma_start3A_189 = tpu.memref_squeeze %dma_start3A_188 : memref<1x80xi32, #tpu.memory_space<vmem>> -> memref<80xi32, #tpu.memory_space<vmem>>
      %dma_start3A_190 = arith.constant 0 : i32
      %dma_start3A_191 = arith.constant 0 : i32
      %dma_start3A_192 = tpu.memref_slice %arg11[%dma_start3A_190, %dma_start3A_191] : memref<10240x64xf32, #tpu.memory_space<vmem_shared>> -> memref<10240x64xf32, #tpu.memory_space<vmem_shared>>
      tpu.enqueue_indirect_dma source(%dma_start3A_186 : memref<80x64xf32, #tpu.memory_space<vmem>>) target(%dma_start3A_192 : memref<10240x64xf32, #tpu.memory_space<vmem_shared>>) offsets(%dma_start3A_189 : memref<80xi32, #tpu.memory_space<vmem>>) semaphore(%arg18 : memref<!tpu.dma_semaphore, #tpu.memory_space<semaphore_mem>>) {add = true}
      %dma_wait3A_193 = arith.constant 0 : i32
      %dma_wait3A_194 = arith.constant 2 : i32
      %dma_wait3A_195 = arith.constant 0 : i32
      %dma_wait3A_196 = arith.constant 0 : i32
      %dma_wait3A_197 = tpu.memref_slice %arg9[%dma_wait3A_194, %dma_wait3A_195, %dma_wait3A_196] : memref<5x80x64xf32, #tpu.memory_space<vmem>> -> memref<1x80x64xf32, #tpu.memory_space<vmem>>
      %dma_wait3A_198 = tpu.memref_squeeze %dma_wait3A_197 : memref<1x80x64xf32, #tpu.memory_space<vmem>> -> memref<80x64xf32, #tpu.memory_space<vmem>>
      %dma_wait3A_199 = arith.constant 0 : i32
      %dma_wait3A_200 = tpu.memref_slice %arg7[%dma_wait3A_193, %dma_wait3A_199] : memref<250x80xi32, #tpu.memory_space<vmem>> -> memref<1x80xi32, #tpu.memory_space<vmem>>
      %dma_wait3A_201 = tpu.memref_squeeze %dma_wait3A_200 : memref<1x80xi32, #tpu.memory_space<vmem>> -> memref<80xi32, #tpu.memory_space<vmem>>
      %dma_wait3A_202 = arith.constant 0 : i32
      %dma_wait3A_203 = arith.constant 0 : i32
      %dma_wait3A_204 = tpu.memref_slice %arg2[%dma_wait3A_202, %dma_wait3A_203] : memref<10000x64xf32, #tpu.memory_space<hbm>> -> memref<10000x64xf32, #tpu.memory_space<hbm>>
      tpu.wait_indirect_dma semaphore(%arg14 : memref<!tpu.dma_semaphore, #tpu.memory_space<semaphore_mem>>) src(%dma_wait3A_204 : memref<10000x64xf32, #tpu.memory_space<hbm>>) dst(%dma_wait3A_198 : memref<80x64xf32, #tpu.memory_space<vmem>>)
      %add3A_205 = arith.constant 2 : i32
      %add3A_206 = arith.addi %mul3A_143, %add3A_205 : i32
      %dma_start3A_207 = arith.constant 2 : i32
      %dma_start3A_208 = arith.constant 0 : i32
      %dma_start3A_209 = arith.constant 0 : i32
      %dma_start3A_210 = tpu.memref_slice %arg9[%dma_start3A_207, %dma_start3A_208, %dma_start3A_209] : memref<5x80x64xf32, #tpu.memory_space<vmem>> -> memref<1x80x64xf32, #tpu.memory_space<vmem>>
      %dma_start3A_211 = tpu.memref_squeeze %dma_start3A_210 : memref<1x80x64xf32, #tpu.memory_space<vmem>> -> memref<80x64xf32, #tpu.memory_space<vmem>>
      %dma_start3A_212 = arith.constant 0 : i32
      %dma_start3A_213 = tpu.memref_slice %arg8[%add3A_206, %dma_start3A_212] : memref<250x80xi32, #tpu.memory_space<vmem>> -> memref<1x80xi32, #tpu.memory_space<vmem>>
      %dma_start3A_214 = tpu.memref_squeeze %dma_start3A_213 : memref<1x80xi32, #tpu.memory_space<vmem>> -> memref<80xi32, #tpu.memory_space<vmem>>
      %dma_start3A_215 = arith.constant 0 : i32
      %dma_start3A_216 = arith.constant 0 : i32
      %dma_start3A_217 = tpu.memref_slice %arg11[%dma_start3A_215, %dma_start3A_216] : memref<10240x64xf32, #tpu.memory_space<vmem_shared>> -> memref<10240x64xf32, #tpu.memory_space<vmem_shared>>
      tpu.enqueue_indirect_dma source(%dma_start3A_211 : memref<80x64xf32, #tpu.memory_space<vmem>>) target(%dma_start3A_217 : memref<10240x64xf32, #tpu.memory_space<vmem_shared>>) offsets(%dma_start3A_214 : memref<80xi32, #tpu.memory_space<vmem>>) semaphore(%arg19 : memref<!tpu.dma_semaphore, #tpu.memory_space<semaphore_mem>>) {add = true}
      %dma_wait3A_218 = arith.constant 0 : i32
      %dma_wait3A_219 = arith.constant 3 : i32
      %dma_wait3A_220 = arith.constant 0 : i32
      %dma_wait3A_221 = arith.constant 0 : i32
      %dma_wait3A_222 = tpu.memref_slice %arg9[%dma_wait3A_219, %dma_wait3A_220, %dma_wait3A_221] : memref<5x80x64xf32, #tpu.memory_space<vmem>> -> memref<1x80x64xf32, #tpu.memory_space<vmem>>
      %dma_wait3A_223 = tpu.memref_squeeze %dma_wait3A_222 : memref<1x80x64xf32, #tpu.memory_space<vmem>> -> memref<80x64xf32, #tpu.memory_space<vmem>>
      %dma_wait3A_224 = arith.constant 0 : i32
      %dma_wait3A_225 = tpu.memref_slice %arg7[%dma_wait3A_218, %dma_wait3A_224] : memref<250x80xi32, #tpu.memory_space<vmem>> -> memref<1x80xi32, #tpu.memory_space<vmem>>
      %dma_wait3A_226 = tpu.memref_squeeze %dma_wait3A_225 : memref<1x80xi32, #tpu.memory_space<vmem>> -> memref<80xi32, #tpu.memory_space<vmem>>
      %dma_wait3A_227 = arith.constant 0 : i32
      %dma_wait3A_228 = arith.constant 0 : i32
      %dma_wait3A_229 = tpu.memref_slice %arg2[%dma_wait3A_227, %dma_wait3A_228] : memref<10000x64xf32, #tpu.memory_space<hbm>> -> memref<10000x64xf32, #tpu.memory_space<hbm>>
      tpu.wait_indirect_dma semaphore(%arg15 : memref<!tpu.dma_semaphore, #tpu.memory_space<semaphore_mem>>) src(%dma_wait3A_229 : memref<10000x64xf32, #tpu.memory_space<hbm>>) dst(%dma_wait3A_223 : memref<80x64xf32, #tpu.memory_space<vmem>>)
      %add3A_230 = arith.constant 3 : i32
      %add3A_231 = arith.addi %mul3A_143, %add3A_230 : i32
      %dma_start3A_232 = arith.constant 3 : i32
      %dma_start3A_233 = arith.constant 0 : i32
      %dma_start3A_234 = arith.constant 0 : i32
      %dma_start3A_235 = tpu.memref_slice %arg9[%dma_start3A_232, %dma_start3A_233, %dma_start3A_234] : memref<5x80x64xf32, #tpu.memory_space<vmem>> -> memref<1x80x64xf32, #tpu.memory_space<vmem>>
      %dma_start3A_236 = tpu.memref_squeeze %dma_start3A_235 : memref<1x80x64xf32, #tpu.memory_space<vmem>> -> memref<80x64xf32, #tpu.memory_space<vmem>>
      %dma_start3A_237 = arith.constant 0 : i32
      %dma_start3A_238 = tpu.memref_slice %arg8[%add3A_231, %dma_start3A_237] : memref<250x80xi32, #tpu.memory_space<vmem>> -> memref<1x80xi32, #tpu.memory_space<vmem>>
      %dma_start3A_239 = tpu.memref_squeeze %dma_start3A_238 : memref<1x80xi32, #tpu.memory_space<vmem>> -> memref<80xi32, #tpu.memory_space<vmem>>
      %dma_start3A_240 = arith.constant 0 : i32
      %dma_start3A_241 = arith.constant 0 : i32
      %dma_start3A_242 = tpu.memref_slice %arg11[%dma_start3A_240, %dma_start3A_241] : memref<10240x64xf32, #tpu.memory_space<vmem_shared>> -> memref<10240x64xf32, #tpu.memory_space<vmem_shared>>
      tpu.enqueue_indirect_dma source(%dma_start3A_236 : memref<80x64xf32, #tpu.memory_space<vmem>>) target(%dma_start3A_242 : memref<10240x64xf32, #tpu.memory_space<vmem_shared>>) offsets(%dma_start3A_239 : memref<80xi32, #tpu.memory_space<vmem>>) semaphore(%arg20 : memref<!tpu.dma_semaphore, #tpu.memory_space<semaphore_mem>>) {add = true}
      %dma_wait3A_243 = arith.constant 0 : i32
      %dma_wait3A_244 = arith.constant 4 : i32
      %dma_wait3A_245 = arith.constant 0 : i32
      %dma_wait3A_246 = arith.constant 0 : i32
      %dma_wait3A_247 = tpu.memref_slice %arg9[%dma_wait3A_244, %dma_wait3A_245, %dma_wait3A_246] : memref<5x80x64xf32, #tpu.memory_space<vmem>> -> memref<1x80x64xf32, #tpu.memory_space<vmem>>
      %dma_wait3A_248 = tpu.memref_squeeze %dma_wait3A_247 : memref<1x80x64xf32, #tpu.memory_space<vmem>> -> memref<80x64xf32, #tpu.memory_space<vmem>>
      %dma_wait3A_249 = arith.constant 0 : i32
      %dma_wait3A_250 = tpu.memref_slice %arg7[%dma_wait3A_243, %dma_wait3A_249] : memref<250x80xi32, #tpu.memory_space<vmem>> -> memref<1x80xi32, #tpu.memory_space<vmem>>
      %dma_wait3A_251 = tpu.memref_squeeze %dma_wait3A_250 : memref<1x80xi32, #tpu.memory_space<vmem>> -> memref<80xi32, #tpu.memory_space<vmem>>
      %dma_wait3A_252 = arith.constant 0 : i32
      %dma_wait3A_253 = arith.constant 0 : i32
      %dma_wait3A_254 = tpu.memref_slice %arg2[%dma_wait3A_252, %dma_wait3A_253] : memref<10000x64xf32, #tpu.memory_space<hbm>> -> memref<10000x64xf32, #tpu.memory_space<hbm>>
      tpu.wait_indirect_dma semaphore(%arg16 : memref<!tpu.dma_semaphore, #tpu.memory_space<semaphore_mem>>) src(%dma_wait3A_254 : memref<10000x64xf32, #tpu.memory_space<hbm>>) dst(%dma_wait3A_248 : memref<80x64xf32, #tpu.memory_space<vmem>>)
      %add3A_255 = arith.constant 4 : i32
      %add3A_256 = arith.addi %mul3A_143, %add3A_255 : i32
      %dma_start3A_257 = arith.constant 4 : i32
      %dma_start3A_258 = arith.constant 0 : i32
      %dma_start3A_259 = arith.constant 0 : i32
      %dma_start3A_260 = tpu.memref_slice %arg9[%dma_start3A_257, %dma_start3A_258, %dma_start3A_259] : memref<5x80x64xf32, #tpu.memory_space<vmem>> -> memref<1x80x64xf32, #tpu.memory_space<vmem>>
      %dma_start3A_261 = tpu.memref_squeeze %dma_start3A_260 : memref<1x80x64xf32, #tpu.memory_space<vmem>> -> memref<80x64xf32, #tpu.memory_space<vmem>>
      %dma_start3A_262 = arith.constant 0 : i32
      %dma_start3A_263 = tpu.memref_slice %arg8[%add3A_256, %dma_start3A_262] : memref<250x80xi32, #tpu.memory_space<vmem>> -> memref<1x80xi32, #tpu.memory_space<vmem>>
      %dma_start3A_264 = tpu.memref_squeeze %dma_start3A_263 : memref<1x80xi32, #tpu.memory_space<vmem>> -> memref<80xi32, #tpu.memory_space<vmem>>
      %dma_start3A_265 = arith.constant 0 : i32
      %dma_start3A_266 = arith.constant 0 : i32
      %dma_start3A_267 = tpu.memref_slice %arg11[%dma_start3A_265, %dma_start3A_266] : memref<10240x64xf32, #tpu.memory_space<vmem_shared>> -> memref<10240x64xf32, #tpu.memory_space<vmem_shared>>
      tpu.enqueue_indirect_dma source(%dma_start3A_261 : memref<80x64xf32, #tpu.memory_space<vmem>>) target(%dma_start3A_267 : memref<10240x64xf32, #tpu.memory_space<vmem_shared>>) offsets(%dma_start3A_264 : memref<80xi32, #tpu.memory_space<vmem>>) semaphore(%arg21 : memref<!tpu.dma_semaphore, #tpu.memory_space<semaphore_mem>>) {add = true}
      %dma_wait3A_268 = arith.constant 0 : i32
      %dma_wait3A_269 = arith.constant 0 : i32
      %dma_wait3A_270 = arith.constant 0 : i32
      %dma_wait3A_271 = arith.constant 0 : i32
      %dma_wait3A_272 = tpu.memref_slice %arg9[%dma_wait3A_268, %dma_wait3A_270, %dma_wait3A_271] : memref<5x80x64xf32, #tpu.memory_space<vmem>> -> memref<1x80x64xf32, #tpu.memory_space<vmem>>
      %dma_wait3A_273 = tpu.memref_squeeze %dma_wait3A_272 : memref<1x80x64xf32, #tpu.memory_space<vmem>> -> memref<80x64xf32, #tpu.memory_space<vmem>>
      %dma_wait3A_274 = arith.constant 0 : i32
      %dma_wait3A_275 = tpu.memref_slice %arg8[%dma_wait3A_269, %dma_wait3A_274] : memref<250x80xi32, #tpu.memory_space<vmem>> -> memref<1x80xi32, #tpu.memory_space<vmem>>
      %dma_wait3A_276 = tpu.memref_squeeze %dma_wait3A_275 : memref<1x80xi32, #tpu.memory_space<vmem>> -> memref<80xi32, #tpu.memory_space<vmem>>
      %dma_wait3A_277 = arith.constant 0 : i32
      %dma_wait3A_278 = arith.constant 0 : i32
      %dma_wait3A_279 = tpu.memref_slice %arg11[%dma_wait3A_277, %dma_wait3A_278] : memref<10240x64xf32, #tpu.memory_space<vmem_shared>> -> memref<10240x64xf32, #tpu.memory_space<vmem_shared>>
      tpu.wait_indirect_dma semaphore(%arg17 : memref<!tpu.dma_semaphore, #tpu.memory_space<semaphore_mem>>) src(%dma_wait3A_273 : memref<80x64xf32, #tpu.memory_space<vmem>>) dst(%dma_wait3A_279 : memref<10240x64xf32, #tpu.memory_space<vmem_shared>>)
      %add3A_280 = arith.constant 0 : i32
      %add3A_281 = arith.addi %mul3A_143, %add3A_280 : i32
      %add3A_282 = arith.constant 5 : i32
      %add3A_283 = arith.addi %add3A_281, %add3A_282 : i32
      %min3A = arith.constant 249 : i32
      %min3A_284 = arith.minsi %add3A_283, %min3A : i32
      %eq3A_285 = arith.constant 0 : i32
      %eq3A_286 = arith.cmpi eq, %arg0, %eq3A_285 : i32
      %convert_element_type3A_287 = arith.extui %eq3A_286 : i1 to i32
      %cond3A_288 = arith.constant 0 : i32
      %cond3A_289 = arith.cmpi ne, %convert_element_type3A_287, %cond3A_288 : i32
      scf.if %cond3A_289 {
        %dma_start3A_407 = arith.constant 0 : i32
        %dma_start3A_408 = arith.constant 0 : i32
        %dma_start3A_409 = arith.constant 0 : i32
        %dma_start3A_410 = tpu.memref_slice %arg9[%dma_start3A_407, %dma_start3A_408, %dma_start3A_409] : memref<5x80x64xf32, #tpu.memory_space<vmem>> -> memref<1x80x64xf32, #tpu.memory_space<vmem>>
        %dma_start3A_411 = tpu.memref_squeeze %dma_start3A_410 : memref<1x80x64xf32, #tpu.memory_space<vmem>> -> memref<80x64xf32, #tpu.memory_space<vmem>>
        %dma_start3A_412 = arith.constant 0 : i32
        %dma_start3A_413 = tpu.memref_slice %arg7[%min3A_284, %dma_start3A_412] : memref<250x80xi32, #tpu.memory_space<vmem>> -> memref<1x80xi32, #tpu.memory_space<vmem>>
        %dma_start3A_414 = tpu.memref_squeeze %dma_start3A_413 : memref<1x80xi32, #tpu.memory_space<vmem>> -> memref<80xi32, #tpu.memory_space<vmem>>
        %dma_start3A_415 = arith.constant 0 : i32
        %dma_start3A_416 = arith.constant 0 : i32
        %dma_start3A_417 = tpu.memref_slice %arg2[%dma_start3A_415, %dma_start3A_416] : memref<10000x64xf32, #tpu.memory_space<hbm>> -> memref<10000x64xf32, #tpu.memory_space<hbm>>
        tpu.enqueue_indirect_dma source(%dma_start3A_417 : memref<10000x64xf32, #tpu.memory_space<hbm>>) target(%dma_start3A_411 : memref<80x64xf32, #tpu.memory_space<vmem>>) offsets(%dma_start3A_414 : memref<80xi32, #tpu.memory_space<vmem>>) semaphore(%arg12 : memref<!tpu.dma_semaphore, #tpu.memory_space<semaphore_mem>>)
      } else {
      }
      %eq3A_290 = arith.constant 1 : i32
      %eq3A_291 = arith.cmpi eq, %arg0, %eq3A_290 : i32
      %convert_element_type3A_292 = arith.extui %eq3A_291 : i1 to i32
      %cond3A_293 = arith.constant 0 : i32
      %cond3A_294 = arith.cmpi ne, %convert_element_type3A_292, %cond3A_293 : i32
      scf.if %cond3A_294 {
        %dma_start3A_407 = arith.constant 0 : i32
        %dma_start3A_408 = arith.constant 0 : i32
        %dma_start3A_409 = arith.constant 0 : i32
        %dma_start3A_410 = tpu.memref_slice %arg9[%dma_start3A_407, %dma_start3A_408, %dma_start3A_409] : memref<5x80x64xf32, #tpu.memory_space<vmem>> -> memref<1x80x64xf32, #tpu.memory_space<vmem>>
        %dma_start3A_411 = tpu.memref_squeeze %dma_start3A_410 : memref<1x80x64xf32, #tpu.memory_space<vmem>> -> memref<80x64xf32, #tpu.memory_space<vmem>>
        %dma_start3A_412 = arith.constant 0 : i32
        %dma_start3A_413 = tpu.memref_slice %arg7[%min3A_284, %dma_start3A_412] : memref<250x80xi32, #tpu.memory_space<vmem>> -> memref<1x80xi32, #tpu.memory_space<vmem>>
        %dma_start3A_414 = tpu.memref_squeeze %dma_start3A_413 : memref<1x80xi32, #tpu.memory_space<vmem>> -> memref<80xi32, #tpu.memory_space<vmem>>
        %dma_start3A_415 = arith.constant 0 : i32
        %dma_start3A_416 = arith.constant 0 : i32
        %dma_start3A_417 = tpu.memref_slice %arg3[%dma_start3A_415, %dma_start3A_416] : memref<10000x64xf32, #tpu.memory_space<hbm>> -> memref<10000x64xf32, #tpu.memory_space<hbm>>
        tpu.enqueue_indirect_dma source(%dma_start3A_417 : memref<10000x64xf32, #tpu.memory_space<hbm>>) target(%dma_start3A_411 : memref<80x64xf32, #tpu.memory_space<vmem>>) offsets(%dma_start3A_414 : memref<80xi32, #tpu.memory_space<vmem>>) semaphore(%arg12 : memref<!tpu.dma_semaphore, #tpu.memory_space<semaphore_mem>>)
      } else {
      }
      %dma_wait3A_295 = arith.constant 1 : i32
      %dma_wait3A_296 = arith.constant 0 : i32
      %dma_wait3A_297 = arith.constant 0 : i32
      %dma_wait3A_298 = arith.constant 0 : i32
      %dma_wait3A_299 = tpu.memref_slice %arg9[%dma_wait3A_295, %dma_wait3A_297, %dma_wait3A_298] : memref<5x80x64xf32, #tpu.memory_space<vmem>> -> memref<1x80x64xf32, #tpu.memory_space<vmem>>
      %dma_wait3A_300 = tpu.memref_squeeze %dma_wait3A_299 : memref<1x80x64xf32, #tpu.memory_space<vmem>> -> memref<80x64xf32, #tpu.memory_space<vmem>>
      %dma_wait3A_301 = arith.constant 0 : i32
      %dma_wait3A_302 = tpu.memref_slice %arg8[%dma_wait3A_296, %dma_wait3A_301] : memref<250x80xi32, #tpu.memory_space<vmem>> -> memref<1x80xi32, #tpu.memory_space<vmem>>
      %dma_wait3A_303 = tpu.memref_squeeze %dma_wait3A_302 : memref<1x80xi32, #tpu.memory_space<vmem>> -> memref<80xi32, #tpu.memory_space<vmem>>
      %dma_wait3A_304 = arith.constant 0 : i32
      %dma_wait3A_305 = arith.constant 0 : i32
      %dma_wait3A_306 = tpu.memref_slice %arg11[%dma_wait3A_304, %dma_wait3A_305] : memref<10240x64xf32, #tpu.memory_space<vmem_shared>> -> memref<10240x64xf32, #tpu.memory_space<vmem_shared>>
      tpu.wait_indirect_dma semaphore(%arg18 : memref<!tpu.dma_semaphore, #tpu.memory_space<semaphore_mem>>) src(%dma_wait3A_300 : memref<80x64xf32, #tpu.memory_space<vmem>>) dst(%dma_wait3A_306 : memref<10240x64xf32, #tpu.memory_space<vmem_shared>>)
      %add3A_307 = arith.constant 1 : i32
      %add3A_308 = arith.addi %mul3A_143, %add3A_307 : i32
      %add3A_309 = arith.constant 5 : i32
      %add3A_310 = arith.addi %add3A_308, %add3A_309 : i32
      %min3A_311 = arith.constant 249 : i32
      %min3A_312 = arith.minsi %add3A_310, %min3A_311 : i32
      %eq3A_313 = arith.constant 0 : i32
      %eq3A_314 = arith.cmpi eq, %arg0, %eq3A_313 : i32
      %convert_element_type3A_315 = arith.extui %eq3A_314 : i1 to i32
      %cond3A_316 = arith.constant 0 : i32
      %cond3A_317 = arith.cmpi ne, %convert_element_type3A_315, %cond3A_316 : i32
      scf.if %cond3A_317 {
        %dma_start3A_407 = arith.constant 1 : i32
        %dma_start3A_408 = arith.constant 0 : i32
        %dma_start3A_409 = arith.constant 0 : i32
        %dma_start3A_410 = tpu.memref_slice %arg9[%dma_start3A_407, %dma_start3A_408, %dma_start3A_409] : memref<5x80x64xf32, #tpu.memory_space<vmem>> -> memref<1x80x64xf32, #tpu.memory_space<vmem>>
        %dma_start3A_411 = tpu.memref_squeeze %dma_start3A_410 : memref<1x80x64xf32, #tpu.memory_space<vmem>> -> memref<80x64xf32, #tpu.memory_space<vmem>>
        %dma_start3A_412 = arith.constant 0 : i32
        %dma_start3A_413 = tpu.memref_slice %arg7[%min3A_312, %dma_start3A_412] : memref<250x80xi32, #tpu.memory_space<vmem>> -> memref<1x80xi32, #tpu.memory_space<vmem>>
        %dma_start3A_414 = tpu.memref_squeeze %dma_start3A_413 : memref<1x80xi32, #tpu.memory_space<vmem>> -> memref<80xi32, #tpu.memory_space<vmem>>
        %dma_start3A_415 = arith.constant 0 : i32
        %dma_start3A_416 = arith.constant 0 : i32
        %dma_start3A_417 = tpu.memref_slice %arg2[%dma_start3A_415, %dma_start3A_416] : memref<10000x64xf32, #tpu.memory_space<hbm>> -> memref<10000x64xf32, #tpu.memory_space<hbm>>
        tpu.enqueue_indirect_dma source(%dma_start3A_417 : memref<10000x64xf32, #tpu.memory_space<hbm>>) target(%dma_start3A_411 : memref<80x64xf32, #tpu.memory_space<vmem>>) offsets(%dma_start3A_414 : memref<80xi32, #tpu.memory_space<vmem>>) semaphore(%arg13 : memref<!tpu.dma_semaphore, #tpu.memory_space<semaphore_mem>>)
      } else {
      }
      %eq3A_318 = arith.constant 1 : i32
      %eq3A_319 = arith.cmpi eq, %arg0, %eq3A_318 : i32
      %convert_element_type3A_320 = arith.extui %eq3A_319 : i1 to i32
      %cond3A_321 = arith.constant 0 : i32
      %cond3A_322 = arith.cmpi ne, %convert_element_type3A_320, %cond3A_321 : i32
      scf.if %cond3A_322 {
        %dma_start3A_407 = arith.constant 1 : i32
        %dma_start3A_408 = arith.constant 0 : i32
        %dma_start3A_409 = arith.constant 0 : i32
        %dma_start3A_410 = tpu.memref_slice %arg9[%dma_start3A_407, %dma_start3A_408, %dma_start3A_409] : memref<5x80x64xf32, #tpu.memory_space<vmem>> -> memref<1x80x64xf32, #tpu.memory_space<vmem>>
        %dma_start3A_411 = tpu.memref_squeeze %dma_start3A_410 : memref<1x80x64xf32, #tpu.memory_space<vmem>> -> memref<80x64xf32, #tpu.memory_space<vmem>>
        %dma_start3A_412 = arith.constant 0 : i32
        %dma_start3A_413 = tpu.memref_slice %arg7[%min3A_312, %dma_start3A_412] : memref<250x80xi32, #tpu.memory_space<vmem>> -> memref<1x80xi32, #tpu.memory_space<vmem>>
        %dma_start3A_414 = tpu.memref_squeeze %dma_start3A_413 : memref<1x80xi32, #tpu.memory_space<vmem>> -> memref<80xi32, #tpu.memory_space<vmem>>
        %dma_start3A_415 = arith.constant 0 : i32
        %dma_start3A_416 = arith.constant 0 : i32
        %dma_start3A_417 = tpu.memref_slice %arg3[%dma_start3A_415, %dma_start3A_416] : memref<10000x64xf32, #tpu.memory_space<hbm>> -> memref<10000x64xf32, #tpu.memory_space<hbm>>
        tpu.enqueue_indirect_dma source(%dma_start3A_417 : memref<10000x64xf32, #tpu.memory_space<hbm>>) target(%dma_start3A_411 : memref<80x64xf32, #tpu.memory_space<vmem>>) offsets(%dma_start3A_414 : memref<80xi32, #tpu.memory_space<vmem>>) semaphore(%arg13 : memref<!tpu.dma_semaphore, #tpu.memory_space<semaphore_mem>>)
      } else {
      }
      %dma_wait3A_323 = arith.constant 2 : i32
      %dma_wait3A_324 = arith.constant 0 : i32
      %dma_wait3A_325 = arith.constant 0 : i32
      %dma_wait3A_326 = arith.constant 0 : i32
      %dma_wait3A_327 = tpu.memref_slice %arg9[%dma_wait3A_323, %dma_wait3A_325, %dma_wait3A_326] : memref<5x80x64xf32, #tpu.memory_space<vmem>> -> memref<1x80x64xf32, #tpu.memory_space<vmem>>
      %dma_wait3A_328 = tpu.memref_squeeze %dma_wait3A_327 : memref<1x80x64xf32, #tpu.memory_space<vmem>> -> memref<80x64xf32, #tpu.memory_space<vmem>>
      %dma_wait3A_329 = arith.constant 0 : i32
      %dma_wait3A_330 = tpu.memref_slice %arg8[%dma_wait3A_324, %dma_wait3A_329] : memref<250x80xi32, #tpu.memory_space<vmem>> -> memref<1x80xi32, #tpu.memory_space<vmem>>
      %dma_wait3A_331 = tpu.memref_squeeze %dma_wait3A_330 : memref<1x80xi32, #tpu.memory_space<vmem>> -> memref<80xi32, #tpu.memory_space<vmem>>
      %dma_wait3A_332 = arith.constant 0 : i32
      %dma_wait3A_333 = arith.constant 0 : i32
      %dma_wait3A_334 = tpu.memref_slice %arg11[%dma_wait3A_332, %dma_wait3A_333] : memref<10240x64xf32, #tpu.memory_space<vmem_shared>> -> memref<10240x64xf32, #tpu.memory_space<vmem_shared>>
      tpu.wait_indirect_dma semaphore(%arg19 : memref<!tpu.dma_semaphore, #tpu.memory_space<semaphore_mem>>) src(%dma_wait3A_328 : memref<80x64xf32, #tpu.memory_space<vmem>>) dst(%dma_wait3A_334 : memref<10240x64xf32, #tpu.memory_space<vmem_shared>>)
      %add3A_335 = arith.constant 2 : i32
      %add3A_336 = arith.addi %mul3A_143, %add3A_335 : i32
      %add3A_337 = arith.constant 5 : i32
      %add3A_338 = arith.addi %add3A_336, %add3A_337 : i32
      %min3A_339 = arith.constant 249 : i32
      %min3A_340 = arith.minsi %add3A_338, %min3A_339 : i32
      %eq3A_341 = arith.constant 0 : i32
      %eq3A_342 = arith.cmpi eq, %arg0, %eq3A_341 : i32
      %convert_element_type3A_343 = arith.extui %eq3A_342 : i1 to i32
      %cond3A_344 = arith.constant 0 : i32
      %cond3A_345 = arith.cmpi ne, %convert_element_type3A_343, %cond3A_344 : i32
      scf.if %cond3A_345 {
        %dma_start3A_407 = arith.constant 2 : i32
        %dma_start3A_408 = arith.constant 0 : i32
        %dma_start3A_409 = arith.constant 0 : i32
        %dma_start3A_410 = tpu.memref_slice %arg9[%dma_start3A_407, %dma_start3A_408, %dma_start3A_409] : memref<5x80x64xf32, #tpu.memory_space<vmem>> -> memref<1x80x64xf32, #tpu.memory_space<vmem>>
        %dma_start3A_411 = tpu.memref_squeeze %dma_start3A_410 : memref<1x80x64xf32, #tpu.memory_space<vmem>> -> memref<80x64xf32, #tpu.memory_space<vmem>>
        %dma_start3A_412 = arith.constant 0 : i32
        %dma_start3A_413 = tpu.memref_slice %arg7[%min3A_340, %dma_start3A_412] : memref<250x80xi32, #tpu.memory_space<vmem>> -> memref<1x80xi32, #tpu.memory_space<vmem>>
        %dma_start3A_414 = tpu.memref_squeeze %dma_start3A_413 : memref<1x80xi32, #tpu.memory_space<vmem>> -> memref<80xi32, #tpu.memory_space<vmem>>
        %dma_start3A_415 = arith.constant 0 : i32
        %dma_start3A_416 = arith.constant 0 : i32
        %dma_start3A_417 = tpu.memref_slice %arg2[%dma_start3A_415, %dma_start3A_416] : memref<10000x64xf32, #tpu.memory_space<hbm>> -> memref<10000x64xf32, #tpu.memory_space<hbm>>
        tpu.enqueue_indirect_dma source(%dma_start3A_417 : memref<10000x64xf32, #tpu.memory_space<hbm>>) target(%dma_start3A_411 : memref<80x64xf32, #tpu.memory_space<vmem>>) offsets(%dma_start3A_414 : memref<80xi32, #tpu.memory_space<vmem>>) semaphore(%arg14 : memref<!tpu.dma_semaphore, #tpu.memory_space<semaphore_mem>>)
      } else {
      }
      %eq3A_346 = arith.constant 1 : i32
      %eq3A_347 = arith.cmpi eq, %arg0, %eq3A_346 : i32
      %convert_element_type3A_348 = arith.extui %eq3A_347 : i1 to i32
      %cond3A_349 = arith.constant 0 : i32
      %cond3A_350 = arith.cmpi ne, %convert_element_type3A_348, %cond3A_349 : i32
      scf.if %cond3A_350 {
        %dma_start3A_407 = arith.constant 2 : i32
        %dma_start3A_408 = arith.constant 0 : i32
        %dma_start3A_409 = arith.constant 0 : i32
        %dma_start3A_410 = tpu.memref_slice %arg9[%dma_start3A_407, %dma_start3A_408, %dma_start3A_409] : memref<5x80x64xf32, #tpu.memory_space<vmem>> -> memref<1x80x64xf32, #tpu.memory_space<vmem>>
        %dma_start3A_411 = tpu.memref_squeeze %dma_start3A_410 : memref<1x80x64xf32, #tpu.memory_space<vmem>> -> memref<80x64xf32, #tpu.memory_space<vmem>>
        %dma_start3A_412 = arith.constant 0 : i32
        %dma_start3A_413 = tpu.memref_slice %arg7[%min3A_340, %dma_start3A_412] : memref<250x80xi32, #tpu.memory_space<vmem>> -> memref<1x80xi32, #tpu.memory_space<vmem>>
        %dma_start3A_414 = tpu.memref_squeeze %dma_start3A_413 : memref<1x80xi32, #tpu.memory_space<vmem>> -> memref<80xi32, #tpu.memory_space<vmem>>
        %dma_start3A_415 = arith.constant 0 : i32
        %dma_start3A_416 = arith.constant 0 : i32
        %dma_start3A_417 = tpu.memref_slice %arg3[%dma_start3A_415, %dma_start3A_416] : memref<10000x64xf32, #tpu.memory_space<hbm>> -> memref<10000x64xf32, #tpu.memory_space<hbm>>
        tpu.enqueue_indirect_dma source(%dma_start3A_417 : memref<10000x64xf32, #tpu.memory_space<hbm>>) target(%dma_start3A_411 : memref<80x64xf32, #tpu.memory_space<vmem>>) offsets(%dma_start3A_414 : memref<80xi32, #tpu.memory_space<vmem>>) semaphore(%arg14 : memref<!tpu.dma_semaphore, #tpu.memory_space<semaphore_mem>>)
      } else {
      }
      %dma_wait3A_351 = arith.constant 3 : i32
      %dma_wait3A_352 = arith.constant 0 : i32
      %dma_wait3A_353 = arith.constant 0 : i32
      %dma_wait3A_354 = arith.constant 0 : i32
      %dma_wait3A_355 = tpu.memref_slice %arg9[%dma_wait3A_351, %dma_wait3A_353, %dma_wait3A_354] : memref<5x80x64xf32, #tpu.memory_space<vmem>> -> memref<1x80x64xf32, #tpu.memory_space<vmem>>
      %dma_wait3A_356 = tpu.memref_squeeze %dma_wait3A_355 : memref<1x80x64xf32, #tpu.memory_space<vmem>> -> memref<80x64xf32, #tpu.memory_space<vmem>>
      %dma_wait3A_357 = arith.constant 0 : i32
      %dma_wait3A_358 = tpu.memref_slice %arg8[%dma_wait3A_352, %dma_wait3A_357] : memref<250x80xi32, #tpu.memory_space<vmem>> -> memref<1x80xi32, #tpu.memory_space<vmem>>
      %dma_wait3A_359 = tpu.memref_squeeze %dma_wait3A_358 : memref<1x80xi32, #tpu.memory_space<vmem>> -> memref<80xi32, #tpu.memory_space<vmem>>
      %dma_wait3A_360 = arith.constant 0 : i32
      %dma_wait3A_361 = arith.constant 0 : i32
      %dma_wait3A_362 = tpu.memref_slice %arg11[%dma_wait3A_360, %dma_wait3A_361] : memref<10240x64xf32, #tpu.memory_space<vmem_shared>> -> memref<10240x64xf32, #tpu.memory_space<vmem_shared>>
      tpu.wait_indirect_dma semaphore(%arg20 : memref<!tpu.dma_semaphore, #tpu.memory_space<semaphore_mem>>) src(%dma_wait3A_356 : memref<80x64xf32, #tpu.memory_space<vmem>>) dst(%dma_wait3A_362 : memref<10240x64xf32, #tpu.memory_space<vmem_shared>>)
      %add3A_363 = arith.constant 3 : i32
      %add3A_364 = arith.addi %mul3A_143, %add3A_363 : i32
      %add3A_365 = arith.constant 5 : i32
      %add3A_366 = arith.addi %add3A_364, %add3A_365 : i32
      %min3A_367 = arith.constant 249 : i32
      %min3A_368 = arith.minsi %add3A_366, %min3A_367 : i32
      %eq3A_369 = arith.constant 0 : i32
      %eq3A_370 = arith.cmpi eq, %arg0, %eq3A_369 : i32
      %convert_element_type3A_371 = arith.extui %eq3A_370 : i1 to i32
      %cond3A_372 = arith.constant 0 : i32
      %cond3A_373 = arith.cmpi ne, %convert_element_type3A_371, %cond3A_372 : i32
      scf.if %cond3A_373 {
        %dma_start3A_407 = arith.constant 3 : i32
        %dma_start3A_408 = arith.constant 0 : i32
        %dma_start3A_409 = arith.constant 0 : i32
        %dma_start3A_410 = tpu.memref_slice %arg9[%dma_start3A_407, %dma_start3A_408, %dma_start3A_409] : memref<5x80x64xf32, #tpu.memory_space<vmem>> -> memref<1x80x64xf32, #tpu.memory_space<vmem>>
        %dma_start3A_411 = tpu.memref_squeeze %dma_start3A_410 : memref<1x80x64xf32, #tpu.memory_space<vmem>> -> memref<80x64xf32, #tpu.memory_space<vmem>>
        %dma_start3A_412 = arith.constant 0 : i32
        %dma_start3A_413 = tpu.memref_slice %arg7[%min3A_368, %dma_start3A_412] : memref<250x80xi32, #tpu.memory_space<vmem>> -> memref<1x80xi32, #tpu.memory_space<vmem>>
        %dma_start3A_414 = tpu.memref_squeeze %dma_start3A_413 : memref<1x80xi32, #tpu.memory_space<vmem>> -> memref<80xi32, #tpu.memory_space<vmem>>
        %dma_start3A_415 = arith.constant 0 : i32
        %dma_start3A_416 = arith.constant 0 : i32
        %dma_start3A_417 = tpu.memref_slice %arg2[%dma_start3A_415, %dma_start3A_416] : memref<10000x64xf32, #tpu.memory_space<hbm>> -> memref<10000x64xf32, #tpu.memory_space<hbm>>
        tpu.enqueue_indirect_dma source(%dma_start3A_417 : memref<10000x64xf32, #tpu.memory_space<hbm>>) target(%dma_start3A_411 : memref<80x64xf32, #tpu.memory_space<vmem>>) offsets(%dma_start3A_414 : memref<80xi32, #tpu.memory_space<vmem>>) semaphore(%arg15 : memref<!tpu.dma_semaphore, #tpu.memory_space<semaphore_mem>>)
      } else {
      }
      %eq3A_374 = arith.constant 1 : i32
      %eq3A_375 = arith.cmpi eq, %arg0, %eq3A_374 : i32
      %convert_element_type3A_376 = arith.extui %eq3A_375 : i1 to i32
      %cond3A_377 = arith.constant 0 : i32
      %cond3A_378 = arith.cmpi ne, %convert_element_type3A_376, %cond3A_377 : i32
      scf.if %cond3A_378 {
        %dma_start3A_407 = arith.constant 3 : i32
        %dma_start3A_408 = arith.constant 0 : i32
        %dma_start3A_409 = arith.constant 0 : i32
        %dma_start3A_410 = tpu.memref_slice %arg9[%dma_start3A_407, %dma_start3A_408, %dma_start3A_409] : memref<5x80x64xf32, #tpu.memory_space<vmem>> -> memref<1x80x64xf32, #tpu.memory_space<vmem>>
        %dma_start3A_411 = tpu.memref_squeeze %dma_start3A_410 : memref<1x80x64xf32, #tpu.memory_space<vmem>> -> memref<80x64xf32, #tpu.memory_space<vmem>>
        %dma_start3A_412 = arith.constant 0 : i32
        %dma_start3A_413 = tpu.memref_slice %arg7[%min3A_368, %dma_start3A_412] : memref<250x80xi32, #tpu.memory_space<vmem>> -> memref<1x80xi32, #tpu.memory_space<vmem>>
        %dma_start3A_414 = tpu.memref_squeeze %dma_start3A_413 : memref<1x80xi32, #tpu.memory_space<vmem>> -> memref<80xi32, #tpu.memory_space<vmem>>
        %dma_start3A_415 = arith.constant 0 : i32
        %dma_start3A_416 = arith.constant 0 : i32
        %dma_start3A_417 = tpu.memref_slice %arg3[%dma_start3A_415, %dma_start3A_416] : memref<10000x64xf32, #tpu.memory_space<hbm>> -> memref<10000x64xf32, #tpu.memory_space<hbm>>
        tpu.enqueue_indirect_dma source(%dma_start3A_417 : memref<10000x64xf32, #tpu.memory_space<hbm>>) target(%dma_start3A_411 : memref<80x64xf32, #tpu.memory_space<vmem>>) offsets(%dma_start3A_414 : memref<80xi32, #tpu.memory_space<vmem>>) semaphore(%arg15 : memref<!tpu.dma_semaphore, #tpu.memory_space<semaphore_mem>>)
      } else {
      }
      %dma_wait3A_379 = arith.constant 4 : i32
      %dma_wait3A_380 = arith.constant 0 : i32
      %dma_wait3A_381 = arith.constant 0 : i32
      %dma_wait3A_382 = arith.constant 0 : i32
      %dma_wait3A_383 = tpu.memref_slice %arg9[%dma_wait3A_379, %dma_wait3A_381, %dma_wait3A_382] : memref<5x80x64xf32, #tpu.memory_space<vmem>> -> memref<1x80x64xf32, #tpu.memory_space<vmem>>
      %dma_wait3A_384 = tpu.memref_squeeze %dma_wait3A_383 : memref<1x80x64xf32, #tpu.memory_space<vmem>> -> memref<80x64xf32, #tpu.memory_space<vmem>>
      %dma_wait3A_385 = arith.constant 0 : i32
      %dma_wait3A_386 = tpu.memref_slice %arg8[%dma_wait3A_380, %dma_wait3A_385] : memref<250x80xi32, #tpu.memory_space<vmem>> -> memref<1x80xi32, #tpu.memory_space<vmem>>
      %dma_wait3A_387 = tpu.memref_squeeze %dma_wait3A_386 : memref<1x80xi32, #tpu.memory_space<vmem>> -> memref<80xi32, #tpu.memory_space<vmem>>
      %dma_wait3A_388 = arith.constant 0 : i32
      %dma_wait3A_389 = arith.constant 0 : i32
      %dma_wait3A_390 = tpu.memref_slice %arg11[%dma_wait3A_388, %dma_wait3A_389] : memref<10240x64xf32, #tpu.memory_space<vmem_shared>> -> memref<10240x64xf32, #tpu.memory_space<vmem_shared>>
      tpu.wait_indirect_dma semaphore(%arg21 : memref<!tpu.dma_semaphore, #tpu.memory_space<semaphore_mem>>) src(%dma_wait3A_384 : memref<80x64xf32, #tpu.memory_space<vmem>>) dst(%dma_wait3A_390 : memref<10240x64xf32, #tpu.memory_space<vmem_shared>>)
      %add3A_391 = arith.constant 4 : i32
      %add3A_392 = arith.addi %mul3A_143, %add3A_391 : i32
      %add3A_393 = arith.constant 5 : i32
      %add3A_394 = arith.addi %add3A_392, %add3A_393 : i32
      %min3A_395 = arith.constant 249 : i32
      %min3A_396 = arith.minsi %add3A_394, %min3A_395 : i32
      %eq3A_397 = arith.constant 0 : i32
      %eq3A_398 = arith.cmpi eq, %arg0, %eq3A_397 : i32
      %convert_element_type3A_399 = arith.extui %eq3A_398 : i1 to i32
      %cond3A_400 = arith.constant 0 : i32
      %cond3A_401 = arith.cmpi ne, %convert_element_type3A_399, %cond3A_400 : i32
      scf.if %cond3A_401 {
        %dma_start3A_407 = arith.constant 4 : i32
        %dma_start3A_408 = arith.constant 0 : i32
        %dma_start3A_409 = arith.constant 0 : i32
        %dma_start3A_410 = tpu.memref_slice %arg9[%dma_start3A_407, %dma_start3A_408, %dma_start3A_409] : memref<5x80x64xf32, #tpu.memory_space<vmem>> -> memref<1x80x64xf32, #tpu.memory_space<vmem>>
        %dma_start3A_411 = tpu.memref_squeeze %dma_start3A_410 : memref<1x80x64xf32, #tpu.memory_space<vmem>> -> memref<80x64xf32, #tpu.memory_space<vmem>>
        %dma_start3A_412 = arith.constant 0 : i32
        %dma_start3A_413 = tpu.memref_slice %arg7[%min3A_396, %dma_start3A_412] : memref<250x80xi32, #tpu.memory_space<vmem>> -> memref<1x80xi32, #tpu.memory_space<vmem>>
        %dma_start3A_414 = tpu.memref_squeeze %dma_start3A_413 : memref<1x80xi32, #tpu.memory_space<vmem>> -> memref<80xi32, #tpu.memory_space<vmem>>
        %dma_start3A_415 = arith.constant 0 : i32
        %dma_start3A_416 = arith.constant 0 : i32
        %dma_start3A_417 = tpu.memref_slice %arg2[%dma_start3A_415, %dma_start3A_416] : memref<10000x64xf32, #tpu.memory_space<hbm>> -> memref<10000x64xf32, #tpu.memory_space<hbm>>
        tpu.enqueue_indirect_dma source(%dma_start3A_417 : memref<10000x64xf32, #tpu.memory_space<hbm>>) target(%dma_start3A_411 : memref<80x64xf32, #tpu.memory_space<vmem>>) offsets(%dma_start3A_414 : memref<80xi32, #tpu.memory_space<vmem>>) semaphore(%arg16 : memref<!tpu.dma_semaphore, #tpu.memory_space<semaphore_mem>>)
      } else {
      }
      %eq3A_402 = arith.constant 1 : i32
      %eq3A_403 = arith.cmpi eq, %arg0, %eq3A_402 : i32
      %convert_element_type3A_404 = arith.extui %eq3A_403 : i1 to i32
      %cond3A_405 = arith.constant 0 : i32
      %cond3A_406 = arith.cmpi ne, %convert_element_type3A_404, %cond3A_405 : i32
      scf.if %cond3A_406 {
        %dma_start3A_407 = arith.constant 4 : i32
        %dma_start3A_408 = arith.constant 0 : i32
        %dma_start3A_409 = arith.constant 0 : i32
        %dma_start3A_410 = tpu.memref_slice %arg9[%dma_start3A_407, %dma_start3A_408, %dma_start3A_409] : memref<5x80x64xf32, #tpu.memory_space<vmem>> -> memref<1x80x64xf32, #tpu.memory_space<vmem>>
        %dma_start3A_411 = tpu.memref_squeeze %dma_start3A_410 : memref<1x80x64xf32, #tpu.memory_space<vmem>> -> memref<80x64xf32, #tpu.memory_space<vmem>>
        %dma_start3A_412 = arith.constant 0 : i32
        %dma_start3A_413 = tpu.memref_slice %arg7[%min3A_396, %dma_start3A_412] : memref<250x80xi32, #tpu.memory_space<vmem>> -> memref<1x80xi32, #tpu.memory_space<vmem>>
        %dma_start3A_414 = tpu.memref_squeeze %dma_start3A_413 : memref<1x80xi32, #tpu.memory_space<vmem>> -> memref<80xi32, #tpu.memory_space<vmem>>
        %dma_start3A_415 = arith.constant 0 : i32
        %dma_start3A_416 = arith.constant 0 : i32
        %dma_start3A_417 = tpu.memref_slice %arg3[%dma_start3A_415, %dma_start3A_416] : memref<10000x64xf32, #tpu.memory_space<hbm>> -> memref<10000x64xf32, #tpu.memory_space<hbm>>
        tpu.enqueue_indirect_dma source(%dma_start3A_417 : memref<10000x64xf32, #tpu.memory_space<hbm>>) target(%dma_start3A_411 : memref<80x64xf32, #tpu.memory_space<vmem>>) offsets(%dma_start3A_414 : memref<80xi32, #tpu.memory_space<vmem>>) semaphore(%arg16 : memref<!tpu.dma_semaphore, #tpu.memory_space<semaphore_mem>>)
      } else {
      }
    }
    %scan3A_76 = arith.constant 50 : i32
    %dma_wait3A = arith.constant 0 : i32
    %dma_wait3A_77 = arith.constant 0 : i32
    %dma_wait3A_78 = arith.constant 0 : i32
    %dma_wait3A_79 = arith.constant 0 : i32
    %dma_wait3A_80 = tpu.memref_slice %arg9[%dma_wait3A_77, %dma_wait3A_78, %dma_wait3A_79] : memref<5x80x64xf32, #tpu.memory_space<vmem>> -> memref<1x80x64xf32, #tpu.memory_space<vmem>>
    %dma_wait3A_81 = tpu.memref_squeeze %dma_wait3A_80 : memref<1x80x64xf32, #tpu.memory_space<vmem>> -> memref<80x64xf32, #tpu.memory_space<vmem>>
    %dma_wait3A_82 = arith.constant 0 : i32
    %dma_wait3A_83 = tpu.memref_slice %arg7[%dma_wait3A, %dma_wait3A_82] : memref<250x80xi32, #tpu.memory_space<vmem>> -> memref<1x80xi32, #tpu.memory_space<vmem>>
    %dma_wait3A_84 = tpu.memref_squeeze %dma_wait3A_83 : memref<1x80xi32, #tpu.memory_space<vmem>> -> memref<80xi32, #tpu.memory_space<vmem>>
    %dma_wait3A_85 = arith.constant 0 : i32
    %dma_wait3A_86 = arith.constant 0 : i32
    %dma_wait3A_87 = tpu.memref_slice %arg2[%dma_wait3A_85, %dma_wait3A_86] : memref<10000x64xf32, #tpu.memory_space<hbm>> -> memref<10000x64xf32, #tpu.memory_space<hbm>>
    tpu.wait_indirect_dma semaphore(%arg12 : memref<!tpu.dma_semaphore, #tpu.memory_space<semaphore_mem>>) src(%dma_wait3A_87 : memref<10000x64xf32, #tpu.memory_space<hbm>>) dst(%dma_wait3A_81 : memref<80x64xf32, #tpu.memory_space<vmem>>)
    %dma_wait3A_88 = arith.constant 0 : i32
    %dma_wait3A_89 = arith.constant 1 : i32
    %dma_wait3A_90 = arith.constant 0 : i32
    %dma_wait3A_91 = arith.constant 0 : i32
    %dma_wait3A_92 = tpu.memref_slice %arg9[%dma_wait3A_89, %dma_wait3A_90, %dma_wait3A_91] : memref<5x80x64xf32, #tpu.memory_space<vmem>> -> memref<1x80x64xf32, #tpu.memory_space<vmem>>
    %dma_wait3A_93 = tpu.memref_squeeze %dma_wait3A_92 : memref<1x80x64xf32, #tpu.memory_space<vmem>> -> memref<80x64xf32, #tpu.memory_space<vmem>>
    %dma_wait3A_94 = arith.constant 0 : i32
    %dma_wait3A_95 = tpu.memref_slice %arg7[%dma_wait3A_88, %dma_wait3A_94] : memref<250x80xi32, #tpu.memory_space<vmem>> -> memref<1x80xi32, #tpu.memory_space<vmem>>
    %dma_wait3A_96 = tpu.memref_squeeze %dma_wait3A_95 : memref<1x80xi32, #tpu.memory_space<vmem>> -> memref<80xi32, #tpu.memory_space<vmem>>
    %dma_wait3A_97 = arith.constant 0 : i32
    %dma_wait3A_98 = arith.constant 0 : i32
    %dma_wait3A_99 = tpu.memref_slice %arg2[%dma_wait3A_97, %dma_wait3A_98] : memref<10000x64xf32, #tpu.memory_space<hbm>> -> memref<10000x64xf32, #tpu.memory_space<hbm>>
    tpu.wait_indirect_dma semaphore(%arg13 : memref<!tpu.dma_semaphore, #tpu.memory_space<semaphore_mem>>) src(%dma_wait3A_99 : memref<10000x64xf32, #tpu.memory_space<hbm>>) dst(%dma_wait3A_93 : memref<80x64xf32, #tpu.memory_space<vmem>>)
    %dma_wait3A_100 = arith.constant 0 : i32
    %dma_wait3A_101 = arith.constant 2 : i32
    %dma_wait3A_102 = arith.constant 0 : i32
    %dma_wait3A_103 = arith.constant 0 : i32
    %dma_wait3A_104 = tpu.memref_slice %arg9[%dma_wait3A_101, %dma_wait3A_102, %dma_wait3A_103] : memref<5x80x64xf32, #tpu.memory_space<vmem>> -> memref<1x80x64xf32, #tpu.memory_space<vmem>>
    %dma_wait3A_105 = tpu.memref_squeeze %dma_wait3A_104 : memref<1x80x64xf32, #tpu.memory_space<vmem>> -> memref<80x64xf32, #tpu.memory_space<vmem>>
    %dma_wait3A_106 = arith.constant 0 : i32
    %dma_wait3A_107 = tpu.memref_slice %arg7[%dma_wait3A_100, %dma_wait3A_106] : memref<250x80xi32, #tpu.memory_space<vmem>> -> memref<1x80xi32, #tpu.memory_space<vmem>>
    %dma_wait3A_108 = tpu.memref_squeeze %dma_wait3A_107 : memref<1x80xi32, #tpu.memory_space<vmem>> -> memref<80xi32, #tpu.memory_space<vmem>>
    %dma_wait3A_109 = arith.constant 0 : i32
    %dma_wait3A_110 = arith.constant 0 : i32
    %dma_wait3A_111 = tpu.memref_slice %arg2[%dma_wait3A_109, %dma_wait3A_110] : memref<10000x64xf32, #tpu.memory_space<hbm>> -> memref<10000x64xf32, #tpu.memory_space<hbm>>
    tpu.wait_indirect_dma semaphore(%arg14 : memref<!tpu.dma_semaphore, #tpu.memory_space<semaphore_mem>>) src(%dma_wait3A_111 : memref<10000x64xf32, #tpu.memory_space<hbm>>) dst(%dma_wait3A_105 : memref<80x64xf32, #tpu.memory_space<vmem>>)
    %dma_wait3A_112 = arith.constant 0 : i32
    %dma_wait3A_113 = arith.constant 3 : i32
    %dma_wait3A_114 = arith.constant 0 : i32
    %dma_wait3A_115 = arith.constant 0 : i32
    %dma_wait3A_116 = tpu.memref_slice %arg9[%dma_wait3A_113, %dma_wait3A_114, %dma_wait3A_115] : memref<5x80x64xf32, #tpu.memory_space<vmem>> -> memref<1x80x64xf32, #tpu.memory_space<vmem>>
    %dma_wait3A_117 = tpu.memref_squeeze %dma_wait3A_116 : memref<1x80x64xf32, #tpu.memory_space<vmem>> -> memref<80x64xf32, #tpu.memory_space<vmem>>
    %dma_wait3A_118 = arith.constant 0 : i32
    %dma_wait3A_119 = tpu.memref_slice %arg7[%dma_wait3A_112, %dma_wait3A_118] : memref<250x80xi32, #tpu.memory_space<vmem>> -> memref<1x80xi32, #tpu.memory_space<vmem>>
    %dma_wait3A_120 = tpu.memref_squeeze %dma_wait3A_119 : memref<1x80xi32, #tpu.memory_space<vmem>> -> memref<80xi32, #tpu.memory_space<vmem>>
    %dma_wait3A_121 = arith.constant 0 : i32
    %dma_wait3A_122 = arith.constant 0 : i32
    %dma_wait3A_123 = tpu.memref_slice %arg2[%dma_wait3A_121, %dma_wait3A_122] : memref<10000x64xf32, #tpu.memory_space<hbm>> -> memref<10000x64xf32, #tpu.memory_space<hbm>>
    tpu.wait_indirect_dma semaphore(%arg15 : memref<!tpu.dma_semaphore, #tpu.memory_space<semaphore_mem>>) src(%dma_wait3A_123 : memref<10000x64xf32, #tpu.memory_space<hbm>>) dst(%dma_wait3A_117 : memref<80x64xf32, #tpu.memory_space<vmem>>)
    %dma_wait3A_124 = arith.constant 0 : i32
    %dma_wait3A_125 = arith.constant 4 : i32
    %dma_wait3A_126 = arith.constant 0 : i32
    %dma_wait3A_127 = arith.constant 0 : i32
    %dma_wait3A_128 = tpu.memref_slice %arg9[%dma_wait3A_125, %dma_wait3A_126, %dma_wait3A_127] : memref<5x80x64xf32, #tpu.memory_space<vmem>> -> memref<1x80x64xf32, #tpu.memory_space<vmem>>
    %dma_wait3A_129 = tpu.memref_squeeze %dma_wait3A_128 : memref<1x80x64xf32, #tpu.memory_space<vmem>> -> memref<80x64xf32, #tpu.memory_space<vmem>>
    %dma_wait3A_130 = arith.constant 0 : i32
    %dma_wait3A_131 = tpu.memref_slice %arg7[%dma_wait3A_124, %dma_wait3A_130] : memref<250x80xi32, #tpu.memory_space<vmem>> -> memref<1x80xi32, #tpu.memory_space<vmem>>
    %dma_wait3A_132 = tpu.memref_squeeze %dma_wait3A_131 : memref<1x80xi32, #tpu.memory_space<vmem>> -> memref<80xi32, #tpu.memory_space<vmem>>
    %dma_wait3A_133 = arith.constant 0 : i32
    %dma_wait3A_134 = arith.constant 0 : i32
    %dma_wait3A_135 = tpu.memref_slice %arg2[%dma_wait3A_133, %dma_wait3A_134] : memref<10000x64xf32, #tpu.memory_space<hbm>> -> memref<10000x64xf32, #tpu.memory_space<hbm>>
    tpu.wait_indirect_dma semaphore(%arg16 : memref<!tpu.dma_semaphore, #tpu.memory_space<semaphore_mem>>) src(%dma_wait3A_135 : memref<10000x64xf32, #tpu.memory_space<hbm>>) dst(%dma_wait3A_129 : memref<80x64xf32, #tpu.memory_space<vmem>>)
    %barrier3A_136 = arith.constant 0 : index
    tpu.barrier barrier_id(%barrier3A_136)
    %mul3A_137 = arith.constant 640 : i32
    %mul3A_138 = arith.muli %arg1, %mul3A_137 : i32
    %mul3A_139 = arith.constant 640 : i32
    %mul3A_140 = arith.muli %arg1, %mul3A_139 : i32
    "tpu.region"() ({
      %run_scoped3A = tpu.sem_alloc : memref<!tpu.dma_semaphore, #tpu.memory_space<semaphore_mem>>
      %dma_start3A = arith.constant 0 : i32
      %dma_start3A_141 = tpu.memref_slice %arg6[%arg0, %mul3A_140, %dma_start3A] : memref<2x10240x64xf32, #tpu.memory_space<hbm>> -> memref<1x640x64xf32, #tpu.memory_space<hbm>>
      %dma_start3A_142 = tpu.memref_squeeze %dma_start3A_141 : memref<1x640x64xf32, #tpu.memory_space<hbm>> -> memref<640x64xf32, #tpu.memory_space<hbm>>
      %dma_start3A_143 = arith.constant 0 : i32
      %dma_start3A_144 = tpu.memref_slice %arg11[%mul3A_138, %dma_start3A_143] : memref<10240x64xf32, #tpu.memory_space<vmem_shared>> -> memref<640x64xf32, #tpu.memory_space<vmem_shared>>
      tpu.enqueue_dma source(%dma_start3A_144 : memref<640x64xf32, #tpu.memory_space<vmem_shared>>) target(%dma_start3A_142 : memref<640x64xf32, #tpu.memory_space<hbm>>) target_semaphore(%run_scoped3A : memref<!tpu.dma_semaphore, #tpu.memory_space<semaphore_mem>>)
      %dma_wait3A_145 = arith.constant 0 : i32
      %dma_wait3A_146 = tpu.memref_slice %arg6[%arg0, %mul3A_140, %dma_wait3A_145] : memref<2x10240x64xf32, #tpu.memory_space<hbm>> -> memref<1x640x64xf32, #tpu.memory_space<hbm>>
      %dma_wait3A_147 = tpu.memref_squeeze %dma_wait3A_146 : memref<1x640x64xf32, #tpu.memory_space<hbm>> -> memref<640x64xf32, #tpu.memory_space<hbm>>
      %dma_wait3A_148 = arith.constant 0 : i32
      %dma_wait3A_149 = tpu.memref_slice %arg11[%mul3A_138, %dma_wait3A_148] : memref<10240x64xf32, #tpu.memory_space<vmem_shared>> -> memref<640x64xf32, #tpu.memory_space<vmem_shared>>
      tpu.wait_dma2 semaphore(%run_scoped3A : memref<!tpu.dma_semaphore, #tpu.memory_space<semaphore_mem>>) src(%dma_wait3A_149 : memref<640x64xf32, #tpu.memory_space<vmem_shared>>) dst(%dma_wait3A_147 : memref<640x64xf32, #tpu.memory_space<hbm>>)
      tpu.yield
    }) : () -> ()
    return
  }
}

#map = affine_map<(d0, d1) -> (0, 0)>
#map1 = affine_map<(d0, d1) -> (0, 0, 0)>
module attributes {stable_mosaic.version = 14 : i64} {
  func.func @_sc_agg(%arg0: i32, %arg1: i32, %arg2: memref<10000x64xf32, #tpu.memory_space<hbm>>, %arg3: memref<10000x64xf32, #tpu.memory_space<hbm>>, %arg4: memref<16x250x80xi32, #tpu.memory_space<hbm>>, %arg5: memref<16x250x80xi32, #tpu.memory_space<hbm>>, %arg6: memref<2x10240x64xf32, #tpu.memory_space<hbm>>, %arg7: memref<250x80xi32, #tpu.memory_space<vmem>>, %arg8: memref<250x80xi32, #tpu.memory_space<vmem>>, %arg9: memref<5x80x64xf32, #tpu.memory_space<vmem>>, %arg10: memref<128x64xf32, #tpu.memory_space<vmem>>, %arg11: memref<10240x64xf32, #tpu.memory_space<vmem_shared>>, %arg12: memref<!tpu.dma_semaphore, #tpu.memory_space<semaphore_mem>>, %arg13: memref<!tpu.dma_semaphore, #tpu.memory_space<semaphore_mem>>, %arg14: memref<!tpu.dma_semaphore, #tpu.memory_space<semaphore_mem>>, %arg15: memref<!tpu.dma_semaphore, #tpu.memory_space<semaphore_mem>>, %arg16: memref<!tpu.dma_semaphore, #tpu.memory_space<semaphore_mem>>, %arg17: memref<!tpu.dma_semaphore, #tpu.memory_space<semaphore_mem>>, %arg18: memref<!tpu.dma_semaphore, #tpu.memory_space<semaphore_mem>>, %arg19: memref<!tpu.dma_semaphore, #tpu.memory_space<semaphore_mem>>, %arg20: memref<!tpu.dma_semaphore, #tpu.memory_space<semaphore_mem>>, %arg21: memref<!tpu.dma_semaphore, #tpu.memory_space<semaphore_mem>>) attributes {dimension_semantics = [#tpu.dimension_semantics<core_parallel>, #tpu.dimension_semantics<subcore_parallel>], iteration_bounds = array<i64: 2, 16>, scalar_prefetch = 0 : i64, scratch_operands = 15 : i64, tpu.core_type = #tpu.core_type<sc_vector_subcore>, window_params = [{transform_indices = #map}, {transform_indices = #map}, {transform_indices = #map1}, {transform_indices = #map1}, {transform_indices = #map1}]} {
    %broadcast_in_dim3A = arith.constant 0.000000e+00 : f32
    %broadcast_in_dim3A_0 = vector.broadcast %broadcast_in_dim3A : f32 to vector<16xf32>
    %scan3A = arith.constant 0 : i32
    %scan3A_1 = arith.constant 0 : i32
    %scan3A_2 = arith.constant 128 : i32
    %scan3A_3 = arith.addi %scan3A_1, %scan3A_2 : i32
    %scan3A_4 = arith.constant 1 : i32
    scf.for %scan3A_141 = %scan3A_1 to %scan3A_3 step %scan3A_4  : i32 {
      %swap3A = arith.index_cast %scan3A_141 : i32 to index
      %swap3A_142 = arith.constant 0 : index
      %swap3A_143 = tpu.vector_load %arg10[%swap3A, %swap3A_142] {strides = array<i32>} : memref<128x64xf32, #tpu.memory_space<vmem>>, vector<1x16xf32>,
      %swap3A_144 = vector.shape_cast %swap3A_143 : vector<1x16xf32> to vector<16xf32>
      %swap3A_145 = vector.shape_cast %broadcast_in_dim3A_0 : vector<16xf32> to vector<1x16xf32>
      tpu.vector_store %arg10[%swap3A, %swap3A_142], %swap3A_145 {strides = array<i32>} : memref<128x64xf32, #tpu.memory_space<vmem>>, vector<1x16xf32>,
      %swap3A_146 = arith.index_cast %scan3A_141 : i32 to index
      %swap3A_147 = arith.constant 16 : index
      %swap3A_148 = tpu.vector_load %arg10[%swap3A_146, %swap3A_147] {strides = array<i32>} : memref<128x64xf32, #tpu.memory_space<vmem>>, vector<1x16xf32>,
      %swap3A_149 = vector.shape_cast %swap3A_148 : vector<1x16xf32> to vector<16xf32>
      %swap3A_150 = vector.shape_cast %broadcast_in_dim3A_0 : vector<16xf32> to vector<1x16xf32>
      tpu.vector_store %arg10[%swap3A_146, %swap3A_147], %swap3A_150 {strides = array<i32>} : memref<128x64xf32, #tpu.memory_space<vmem>>, vector<1x16xf32>,
      %swap3A_151 = arith.index_cast %scan3A_141 : i32 to index
      %swap3A_152 = arith.constant 32 : index
      %swap3A_153 = tpu.vector_load %arg10[%swap3A_151, %swap3A_152] {strides = array<i32>} : memref<128x64xf32, #tpu.memory_space<vmem>>, vector<1x16xf32>,
      %swap3A_154 = vector.shape_cast %swap3A_153 : vector<1x16xf32> to vector<16xf32>
      %swap3A_155 = vector.shape_cast %broadcast_in_dim3A_0 : vector<16xf32> to vector<1x16xf32>
      tpu.vector_store %arg10[%swap3A_151, %swap3A_152], %swap3A_155 {strides = array<i32>} : memref<128x64xf32, #tpu.memory_space<vmem>>, vector<1x16xf32>,
      %swap3A_156 = arith.index_cast %scan3A_141 : i32 to index
      %swap3A_157 = arith.constant 48 : index
      %swap3A_158 = tpu.vector_load %arg10[%swap3A_156, %swap3A_157] {strides = array<i32>} : memref<128x64xf32, #tpu.memory_space<vmem>>, vector<1x16xf32>,
      %swap3A_159 = vector.shape_cast %swap3A_158 : vector<1x16xf32> to vector<16xf32>
      %swap3A_160 = vector.shape_cast %broadcast_in_dim3A_0 : vector<16xf32> to vector<1x16xf32>
      tpu.vector_store %arg10[%swap3A_156, %swap3A_157], %swap3A_160 {strides = array<i32>} : memref<128x64xf32, #tpu.memory_space<vmem>>, vector<1x16xf32>,
    }
    %scan3A_5 = arith.constant 128 : i32
    %mul3A = arith.constant 640 : i32
    %mul3A_6 = arith.muli %arg1, %mul3A : i32
    %add3A = arith.constant 0 : i32
    %add3A_7 = arith.addi %mul3A_6, %add3A : i32
    "tpu.region"() ({
      %run_scoped3A = tpu.sem_alloc : memref<!tpu.dma_semaphore, #tpu.memory_space<semaphore_mem>>
      %dma_start3A = arith.constant 0 : i32
      %dma_start3A_141 = tpu.memref_slice %arg11[%add3A_7, %dma_start3A] : memref<10240x64xf32, #tpu.memory_space<vmem_shared>> -> memref<128x64xf32, #tpu.memory_space<vmem_shared>>
      %dma_start3A_142 = arith.constant 0 : i32
      %dma_start3A_143 = tpu.memref_slice %arg11[%add3A_7, %dma_start3A_142] : memref<10240x64xf32, #tpu.memory_space<vmem_shared>> -> memref<128x64xf32, #tpu.memory_space<vmem_shared>>
      tpu.enqueue_dma source(%arg10 : memref<128x64xf32, #tpu.memory_space<vmem>>) target(%dma_start3A_143 : memref<128x64xf32, #tpu.memory_space<vmem_shared>>) target_semaphore(%run_scoped3A : memref<!tpu.dma_semaphore, #tpu.memory_space<semaphore_mem>>)
      %dma_wait3A_144 = arith.constant 0 : i32
      %dma_wait3A_145 = tpu.memref_slice %arg11[%add3A_7, %dma_wait3A_144] : memref<10240x64xf32, #tpu.memory_space<vmem_shared>> -> memref<128x64xf32, #tpu.memory_space<vmem_shared>>
      %dma_wait3A_146 = arith.constant 0 : i32
      %dma_wait3A_147 = tpu.memref_slice %arg11[%add3A_7, %dma_wait3A_146] : memref<10240x64xf32, #tpu.memory_space<vmem_shared>> -> memref<128x64xf32, #tpu.memory_space<vmem_shared>>
      tpu.wait_dma2 semaphore(%run_scoped3A : memref<!tpu.dma_semaphore, #tpu.memory_space<semaphore_mem>>) src(%arg10 : memref<128x64xf32, #tpu.memory_space<vmem>>) dst(%dma_wait3A_147 : memref<128x64xf32, #tpu.memory_space<vmem_shared>>)
      tpu.yield
    }) : () -> ()
    %mul3A_8 = arith.constant 640 : i32
    %mul3A_9 = arith.muli %arg1, %mul3A_8 : i32
    %add3A_10 = arith.constant 128 : i32
    %add3A_11 = arith.addi %mul3A_9, %add3A_10 : i32
    "tpu.region"() ({
      %run_scoped3A = tpu.sem_alloc : memref<!tpu.dma_semaphore, #tpu.memory_space<semaphore_mem>>
      %dma_start3A = arith.constant 0 : i32
      %dma_start3A_141 = tpu.memref_slice %arg11[%add3A_11, %dma_start3A] : memref<10240x64xf32, #tpu.memory_space<vmem_shared>> -> memref<128x64xf32, #tpu.memory_space<vmem_shared>>
      %dma_start3A_142 = arith.constant 0 : i32
      %dma_start3A_143 = tpu.memref_slice %arg11[%add3A_11, %dma_start3A_142] : memref<10240x64xf32, #tpu.memory_space<vmem_shared>> -> memref<128x64xf32, #tpu.memory_space<vmem_shared>>
      tpu.enqueue_dma source(%arg10 : memref<128x64xf32, #tpu.memory_space<vmem>>) target(%dma_start3A_143 : memref<128x64xf32, #tpu.memory_space<vmem_shared>>) target_semaphore(%run_scoped3A : memref<!tpu.dma_semaphore, #tpu.memory_space<semaphore_mem>>)
      %dma_wait3A_144 = arith.constant 0 : i32
      %dma_wait3A_145 = tpu.memref_slice %arg11[%add3A_11, %dma_wait3A_144] : memref<10240x64xf32, #tpu.memory_space<vmem_shared>> -> memref<128x64xf32, #tpu.memory_space<vmem_shared>>
      %dma_wait3A_146 = arith.constant 0 : i32
      %dma_wait3A_147 = tpu.memref_slice %arg11[%add3A_11, %dma_wait3A_146] : memref<10240x64xf32, #tpu.memory_space<vmem_shared>> -> memref<128x64xf32, #tpu.memory_space<vmem_shared>>
      tpu.wait_dma2 semaphore(%run_scoped3A : memref<!tpu.dma_semaphore, #tpu.memory_space<semaphore_mem>>) src(%arg10 : memref<128x64xf32, #tpu.memory_space<vmem>>) dst(%dma_wait3A_147 : memref<128x64xf32, #tpu.memory_space<vmem_shared>>)
      tpu.yield
    }) : () -> ()
    %mul3A_12 = arith.constant 640 : i32
    %mul3A_13 = arith.muli %arg1, %mul3A_12 : i32
    %add3A_14 = arith.constant 256 : i32
    %add3A_15 = arith.addi %mul3A_13, %add3A_14 : i32
    "tpu.region"() ({
      %run_scoped3A = tpu.sem_alloc : memref<!tpu.dma_semaphore, #tpu.memory_space<semaphore_mem>>
      %dma_start3A = arith.constant 0 : i32
      %dma_start3A_141 = tpu.memref_slice %arg11[%add3A_15, %dma_start3A] : memref<10240x64xf32, #tpu.memory_space<vmem_shared>> -> memref<128x64xf32, #tpu.memory_space<vmem_shared>>
      %dma_start3A_142 = arith.constant 0 : i32
      %dma_start3A_143 = tpu.memref_slice %arg11[%add3A_15, %dma_start3A_142] : memref<10240x64xf32, #tpu.memory_space<vmem_shared>> -> memref<128x64xf32, #tpu.memory_space<vmem_shared>>
      tpu.enqueue_dma source(%arg10 : memref<128x64xf32, #tpu.memory_space<vmem>>) target(%dma_start3A_143 : memref<128x64xf32, #tpu.memory_space<vmem_shared>>) target_semaphore(%run_scoped3A : memref<!tpu.dma_semaphore, #tpu.memory_space<semaphore_mem>>)
      %dma_wait3A_144 = arith.constant 0 : i32
      %dma_wait3A_145 = tpu.memref_slice %arg11[%add3A_15, %dma_wait3A_144] : memref<10240x64xf32, #tpu.memory_space<vmem_shared>> -> memref<128x64xf32, #tpu.memory_space<vmem_shared>>
      %dma_wait3A_146 = arith.constant 0 : i32
      %dma_wait3A_147 = tpu.memref_slice %arg11[%add3A_15, %dma_wait3A_146] : memref<10240x64xf32, #tpu.memory_space<vmem_shared>> -> memref<128x64xf32, #tpu.memory_space<vmem_shared>>
      tpu.wait_dma2 semaphore(%run_scoped3A : memref<!tpu.dma_semaphore, #tpu.memory_space<semaphore_mem>>) src(%arg10 : memref<128x64xf32, #tpu.memory_space<vmem>>) dst(%dma_wait3A_147 : memref<128x64xf32, #tpu.memory_space<vmem_shared>>)
      tpu.yield
    }) : () -> ()
    %mul3A_16 = arith.constant 640 : i32
    %mul3A_17 = arith.muli %arg1, %mul3A_16 : i32
    %add3A_18 = arith.constant 384 : i32
    %add3A_19 = arith.addi %mul3A_17, %add3A_18 : i32
    "tpu.region"() ({
      %run_scoped3A = tpu.sem_alloc : memref<!tpu.dma_semaphore, #tpu.memory_space<semaphore_mem>>
      %dma_start3A = arith.constant 0 : i32
      %dma_start3A_141 = tpu.memref_slice %arg11[%add3A_19, %dma_start3A] : memref<10240x64xf32, #tpu.memory_space<vmem_shared>> -> memref<128x64xf32, #tpu.memory_space<vmem_shared>>
      %dma_start3A_142 = arith.constant 0 : i32
      %dma_start3A_143 = tpu.memref_slice %arg11[%add3A_19, %dma_start3A_142] : memref<10240x64xf32, #tpu.memory_space<vmem_shared>> -> memref<128x64xf32, #tpu.memory_space<vmem_shared>>
      tpu.enqueue_dma source(%arg10 : memref<128x64xf32, #tpu.memory_space<vmem>>) target(%dma_start3A_143 : memref<128x64xf32, #tpu.memory_space<vmem_shared>>) target_semaphore(%run_scoped3A : memref<!tpu.dma_semaphore, #tpu.memory_space<semaphore_mem>>)
      %dma_wait3A_144 = arith.constant 0 : i32
      %dma_wait3A_145 = tpu.memref_slice %arg11[%add3A_19, %dma_wait3A_144] : memref<10240x64xf32, #tpu.memory_space<vmem_shared>> -> memref<128x64xf32, #tpu.memory_space<vmem_shared>>
      %dma_wait3A_146 = arith.constant 0 : i32
      %dma_wait3A_147 = tpu.memref_slice %arg11[%add3A_19, %dma_wait3A_146] : memref<10240x64xf32, #tpu.memory_space<vmem_shared>> -> memref<128x64xf32, #tpu.memory_space<vmem_shared>>
      tpu.wait_dma2 semaphore(%run_scoped3A : memref<!tpu.dma_semaphore, #tpu.memory_space<semaphore_mem>>) src(%arg10 : memref<128x64xf32, #tpu.memory_space<vmem>>) dst(%dma_wait3A_147 : memref<128x64xf32, #tpu.memory_space<vmem_shared>>)
      tpu.yield
    }) : () -> ()
    %mul3A_20 = arith.constant 640 : i32
    %mul3A_21 = arith.muli %arg1, %mul3A_20 : i32
    %add3A_22 = arith.constant 512 : i32
    %add3A_23 = arith.addi %mul3A_21, %add3A_22 : i32
    "tpu.region"() ({
      %run_scoped3A = tpu.sem_alloc : memref<!tpu.dma_semaphore, #tpu.memory_space<semaphore_mem>>
      %dma_start3A = arith.constant 0 : i32
      %dma_start3A_141 = tpu.memref_slice %arg11[%add3A_23, %dma_start3A] : memref<10240x64xf32, #tpu.memory_space<vmem_shared>> -> memref<128x64xf32, #tpu.memory_space<vmem_shared>>
      %dma_start3A_142 = arith.constant 0 : i32
      %dma_start3A_143 = tpu.memref_slice %arg11[%add3A_23, %dma_start3A_142] : memref<10240x64xf32, #tpu.memory_space<vmem_shared>> -> memref<128x64xf32, #tpu.memory_space<vmem_shared>>
      tpu.enqueue_dma source(%arg10 : memref<128x64xf32, #tpu.memory_space<vmem>>) target(%dma_start3A_143 : memref<128x64xf32, #tpu.memory_space<vmem_shared>>) target_semaphore(%run_scoped3A : memref<!tpu.dma_semaphore, #tpu.memory_space<semaphore_mem>>)
      %dma_wait3A_144 = arith.constant 0 : i32
      %dma_wait3A_145 = tpu.memref_slice %arg11[%add3A_23, %dma_wait3A_144] : memref<10240x64xf32, #tpu.memory_space<vmem_shared>> -> memref<128x64xf32, #tpu.memory_space<vmem_shared>>
      %dma_wait3A_146 = arith.constant 0 : i32
      %dma_wait3A_147 = tpu.memref_slice %arg11[%add3A_23, %dma_wait3A_146] : memref<10240x64xf32, #tpu.memory_space<vmem_shared>> -> memref<128x64xf32, #tpu.memory_space<vmem_shared>>
      tpu.wait_dma2 semaphore(%run_scoped3A : memref<!tpu.dma_semaphore, #tpu.memory_space<semaphore_mem>>) src(%arg10 : memref<128x64xf32, #tpu.memory_space<vmem>>) dst(%dma_wait3A_147 : memref<128x64xf32, #tpu.memory_space<vmem_shared>>)
      tpu.yield
    }) : () -> ()
    "tpu.region"() ({
      %run_scoped3A = tpu.sem_alloc : memref<!tpu.dma_semaphore, #tpu.memory_space<semaphore_mem>>
      %dma_start3A = arith.constant 0 : i32
      %dma_start3A_141 = arith.constant 0 : i32
      %dma_start3A_142 = tpu.memref_slice %arg4[%arg1, %dma_start3A, %dma_start3A_141] : memref<16x250x80xi32, #tpu.memory_space<hbm>> -> memref<1x250x80xi32, #tpu.memory_space<hbm>>
      %dma_start3A_143 = tpu.memref_squeeze %dma_start3A_142 : memref<1x250x80xi32, #tpu.memory_space<hbm>> -> memref<250x80xi32, #tpu.memory_space<hbm>>
      %dma_start3A_144 = arith.constant 0 : i32
      %dma_start3A_145 = arith.constant 0 : i32
      %dma_start3A_146 = tpu.memref_slice %arg4[%arg1, %dma_start3A_144, %dma_start3A_145] : memref<16x250x80xi32, #tpu.memory_space<hbm>> -> memref<1x250x80xi32, #tpu.memory_space<hbm>>
      %dma_start3A_147 = tpu.memref_squeeze %dma_start3A_146 : memref<1x250x80xi32, #tpu.memory_space<hbm>> -> memref<250x80xi32, #tpu.memory_space<hbm>>
      tpu.enqueue_dma source(%dma_start3A_147 : memref<250x80xi32, #tpu.memory_space<hbm>>) target(%arg7 : memref<250x80xi32, #tpu.memory_space<vmem>>) target_semaphore(%run_scoped3A : memref<!tpu.dma_semaphore, #tpu.memory_space<semaphore_mem>>)
      %dma_wait3A_148 = arith.constant 0 : i32
      %dma_wait3A_149 = arith.constant 0 : i32
      %dma_wait3A_150 = tpu.memref_slice %arg4[%arg1, %dma_wait3A_148, %dma_wait3A_149] : memref<16x250x80xi32, #tpu.memory_space<hbm>> -> memref<1x250x80xi32, #tpu.memory_space<hbm>>
      %dma_wait3A_151 = tpu.memref_squeeze %dma_wait3A_150 : memref<1x250x80xi32, #tpu.memory_space<hbm>> -> memref<250x80xi32, #tpu.memory_space<hbm>>
      %dma_wait3A_152 = arith.constant 0 : i32
      %dma_wait3A_153 = arith.constant 0 : i32
      %dma_wait3A_154 = tpu.memref_slice %arg4[%arg1, %dma_wait3A_152, %dma_wait3A_153] : memref<16x250x80xi32, #tpu.memory_space<hbm>> -> memref<1x250x80xi32, #tpu.memory_space<hbm>>
      %dma_wait3A_155 = tpu.memref_squeeze %dma_wait3A_154 : memref<1x250x80xi32, #tpu.memory_space<hbm>> -> memref<250x80xi32, #tpu.memory_space<hbm>>
      tpu.wait_dma2 semaphore(%run_scoped3A : memref<!tpu.dma_semaphore, #tpu.memory_space<semaphore_mem>>) src(%dma_wait3A_155 : memref<250x80xi32, #tpu.memory_space<hbm>>) dst(%arg7 : memref<250x80xi32, #tpu.memory_space<vmem>>)
      tpu.yield
    }) : () -> ()
    "tpu.region"() ({
      %run_scoped3A = tpu.sem_alloc : memref<!tpu.dma_semaphore, #tpu.memory_space<semaphore_mem>>
      %dma_start3A = arith.constant 0 : i32
      %dma_start3A_141 = arith.constant 0 : i32
      %dma_start3A_142 = tpu.memref_slice %arg5[%arg1, %dma_start3A, %dma_start3A_141] : memref<16x250x80xi32, #tpu.memory_space<hbm>> -> memref<1x250x80xi32, #tpu.memory_space<hbm>>
      %dma_start3A_143 = tpu.memref_squeeze %dma_start3A_142 : memref<1x250x80xi32, #tpu.memory_space<hbm>> -> memref<250x80xi32, #tpu.memory_space<hbm>>
      %dma_start3A_144 = arith.constant 0 : i32
      %dma_start3A_145 = arith.constant 0 : i32
      %dma_start3A_146 = tpu.memref_slice %arg5[%arg1, %dma_start3A_144, %dma_start3A_145] : memref<16x250x80xi32, #tpu.memory_space<hbm>> -> memref<1x250x80xi32, #tpu.memory_space<hbm>>
      %dma_start3A_147 = tpu.memref_squeeze %dma_start3A_146 : memref<1x250x80xi32, #tpu.memory_space<hbm>> -> memref<250x80xi32, #tpu.memory_space<hbm>>
      tpu.enqueue_dma source(%dma_start3A_147 : memref<250x80xi32, #tpu.memory_space<hbm>>) target(%arg8 : memref<250x80xi32, #tpu.memory_space<vmem>>) target_semaphore(%run_scoped3A : memref<!tpu.dma_semaphore, #tpu.memory_space<semaphore_mem>>)
      %dma_wait3A_148 = arith.constant 0 : i32
      %dma_wait3A_149 = arith.constant 0 : i32
      %dma_wait3A_150 = tpu.memref_slice %arg5[%arg1, %dma_wait3A_148, %dma_wait3A_149] : memref<16x250x80xi32, #tpu.memory_space<hbm>> -> memref<1x250x80xi32, #tpu.memory_space<hbm>>
      %dma_wait3A_151 = tpu.memref_squeeze %dma_wait3A_150 : memref<1x250x80xi32, #tpu.memory_space<hbm>> -> memref<250x80xi32, #tpu.memory_space<hbm>>
      %dma_wait3A_152 = arith.constant 0 : i32
      %dma_wait3A_153 = arith.constant 0 : i32
      %dma_wait3A_154 = tpu.memref_slice %arg5[%arg1, %dma_wait3A_152, %dma_wait3A_153] : memref<16x250x80xi32, #tpu.memory_space<hbm>> -> memref<1x250x80xi32, #tpu.memory_space<hbm>>
      %dma_wait3A_155 = tpu.memref_squeeze %dma_wait3A_154 : memref<1x250x80xi32, #tpu.memory_space<hbm>> -> memref<250x80xi32, #tpu.memory_space<hbm>>
      tpu.wait_dma2 semaphore(%run_scoped3A : memref<!tpu.dma_semaphore, #tpu.memory_space<semaphore_mem>>) src(%dma_wait3A_155 : memref<250x80xi32, #tpu.memory_space<hbm>>) dst(%arg8 : memref<250x80xi32, #tpu.memory_space<vmem>>)
      tpu.yield
    }) : () -> ()
    %barrier3A = arith.constant 0 : index
    tpu.barrier barrier_id(%barrier3A)
    %eq3A = arith.constant 0 : i32
    %eq3A_24 = arith.cmpi eq, %arg0, %eq3A : i32
    %convert_element_type3A = arith.extui %eq3A_24 : i1 to i32
    %cond3A = arith.constant 0 : i32
    %cond3A_25 = arith.cmpi ne, %convert_element_type3A, %cond3A : i32
    scf.if %cond3A_25 {
      %dma_start3A = arith.constant 0 : i32
      %dma_start3A_141 = arith.constant 0 : i32
      %dma_start3A_142 = arith.constant 0 : i32
      %dma_start3A_143 = arith.constant 0 : i32
      %dma_start3A_144 = tpu.memref_slice %arg9[%dma_start3A_141, %dma_start3A_142, %dma_start3A_143] : memref<5x80x64xf32, #tpu.memory_space<vmem>> -> memref<1x80x64xf32, #tpu.memory_space<vmem>>
      %dma_start3A_145 = tpu.memref_squeeze %dma_start3A_144 : memref<1x80x64xf32, #tpu.memory_space<vmem>> -> memref<80x64xf32, #tpu.memory_space<vmem>>
      %dma_start3A_146 = arith.constant 0 : i32
      %dma_start3A_147 = tpu.memref_slice %arg7[%dma_start3A, %dma_start3A_146] : memref<250x80xi32, #tpu.memory_space<vmem>> -> memref<1x80xi32, #tpu.memory_space<vmem>>
      %dma_start3A_148 = tpu.memref_squeeze %dma_start3A_147 : memref<1x80xi32, #tpu.memory_space<vmem>> -> memref<80xi32, #tpu.memory_space<vmem>>
      %dma_start3A_149 = arith.constant 0 : i32
      %dma_start3A_150 = arith.constant 0 : i32
      %dma_start3A_151 = tpu.memref_slice %arg2[%dma_start3A_149, %dma_start3A_150] : memref<10000x64xf32, #tpu.memory_space<hbm>> -> memref<10000x64xf32, #tpu.memory_space<hbm>>
      tpu.enqueue_indirect_dma source(%dma_start3A_151 : memref<10000x64xf32, #tpu.memory_space<hbm>>) target(%dma_start3A_145 : memref<80x64xf32, #tpu.memory_space<vmem>>) offsets(%dma_start3A_148 : memref<80xi32, #tpu.memory_space<vmem>>) semaphore(%arg12 : memref<!tpu.dma_semaphore, #tpu.memory_space<semaphore_mem>>)
    } else {
    }
    %eq3A_26 = arith.constant 1 : i32
    %eq3A_27 = arith.cmpi eq, %arg0, %eq3A_26 : i32
    %convert_element_type3A_28 = arith.extui %eq3A_27 : i1 to i32
    %cond3A_29 = arith.constant 0 : i32
    %cond3A_30 = arith.cmpi ne, %convert_element_type3A_28, %cond3A_29 : i32
    scf.if %cond3A_30 {
      %dma_start3A = arith.constant 0 : i32
      %dma_start3A_141 = arith.constant 0 : i32
      %dma_start3A_142 = arith.constant 0 : i32
      %dma_start3A_143 = arith.constant 0 : i32
      %dma_start3A_144 = tpu.memref_slice %arg9[%dma_start3A_141, %dma_start3A_142, %dma_start3A_143] : memref<5x80x64xf32, #tpu.memory_space<vmem>> -> memref<1x80x64xf32, #tpu.memory_space<vmem>>
      %dma_start3A_145 = tpu.memref_squeeze %dma_start3A_144 : memref<1x80x64xf32, #tpu.memory_space<vmem>> -> memref<80x64xf32, #tpu.memory_space<vmem>>
      %dma_start3A_146 = arith.constant 0 : i32
      %dma_start3A_147 = tpu.memref_slice %arg7[%dma_start3A, %dma_start3A_146] : memref<250x80xi32, #tpu.memory_space<vmem>> -> memref<1x80xi32, #tpu.memory_space<vmem>>
      %dma_start3A_148 = tpu.memref_squeeze %dma_start3A_147 : memref<1x80xi32, #tpu.memory_space<vmem>> -> memref<80xi32, #tpu.memory_space<vmem>>
      %dma_start3A_149 = arith.constant 0 : i32
      %dma_start3A_150 = arith.constant 0 : i32
      %dma_start3A_151 = tpu.memref_slice %arg3[%dma_start3A_149, %dma_start3A_150] : memref<10000x64xf32, #tpu.memory_space<hbm>> -> memref<10000x64xf32, #tpu.memory_space<hbm>>
      tpu.enqueue_indirect_dma source(%dma_start3A_151 : memref<10000x64xf32, #tpu.memory_space<hbm>>) target(%dma_start3A_145 : memref<80x64xf32, #tpu.memory_space<vmem>>) offsets(%dma_start3A_148 : memref<80xi32, #tpu.memory_space<vmem>>) semaphore(%arg12 : memref<!tpu.dma_semaphore, #tpu.memory_space<semaphore_mem>>)
    } else {
    }
    %eq3A_31 = arith.constant 0 : i32
    %eq3A_32 = arith.cmpi eq, %arg0, %eq3A_31 : i32
    %convert_element_type3A_33 = arith.extui %eq3A_32 : i1 to i32
    %cond3A_34 = arith.constant 0 : i32
    %cond3A_35 = arith.cmpi ne, %convert_element_type3A_33, %cond3A_34 : i32
    scf.if %cond3A_35 {
      %dma_start3A = arith.constant 1 : i32
      %dma_start3A_141 = arith.constant 1 : i32
      %dma_start3A_142 = arith.constant 0 : i32
      %dma_start3A_143 = arith.constant 0 : i32
      %dma_start3A_144 = tpu.memref_slice %arg9[%dma_start3A_141, %dma_start3A_142, %dma_start3A_143] : memref<5x80x64xf32, #tpu.memory_space<vmem>> -> memref<1x80x64xf32, #tpu.memory_space<vmem>>
      %dma_start3A_145 = tpu.memref_squeeze %dma_start3A_144 : memref<1x80x64xf32, #tpu.memory_space<vmem>> -> memref<80x64xf32, #tpu.memory_space<vmem>>
      %dma_start3A_146 = arith.constant 0 : i32
      %dma_start3A_147 = tpu.memref_slice %arg7[%dma_start3A, %dma_start3A_146] : memref<250x80xi32, #tpu.memory_space<vmem>> -> memref<1x80xi32, #tpu.memory_space<vmem>>
      %dma_start3A_148 = tpu.memref_squeeze %dma_start3A_147 : memref<1x80xi32, #tpu.memory_space<vmem>> -> memref<80xi32, #tpu.memory_space<vmem>>
      %dma_start3A_149 = arith.constant 0 : i32
      %dma_start3A_150 = arith.constant 0 : i32
      %dma_start3A_151 = tpu.memref_slice %arg2[%dma_start3A_149, %dma_start3A_150] : memref<10000x64xf32, #tpu.memory_space<hbm>> -> memref<10000x64xf32, #tpu.memory_space<hbm>>
      tpu.enqueue_indirect_dma source(%dma_start3A_151 : memref<10000x64xf32, #tpu.memory_space<hbm>>) target(%dma_start3A_145 : memref<80x64xf32, #tpu.memory_space<vmem>>) offsets(%dma_start3A_148 : memref<80xi32, #tpu.memory_space<vmem>>) semaphore(%arg13 : memref<!tpu.dma_semaphore, #tpu.memory_space<semaphore_mem>>)
    } else {
    }
    %eq3A_36 = arith.constant 1 : i32
    %eq3A_37 = arith.cmpi eq, %arg0, %eq3A_36 : i32
    %convert_element_type3A_38 = arith.extui %eq3A_37 : i1 to i32
    %cond3A_39 = arith.constant 0 : i32
    %cond3A_40 = arith.cmpi ne, %convert_element_type3A_38, %cond3A_39 : i32
    scf.if %cond3A_40 {
      %dma_start3A = arith.constant 1 : i32
      %dma_start3A_141 = arith.constant 1 : i32
      %dma_start3A_142 = arith.constant 0 : i32
      %dma_start3A_143 = arith.constant 0 : i32
      %dma_start3A_144 = tpu.memref_slice %arg9[%dma_start3A_141, %dma_start3A_142, %dma_start3A_143] : memref<5x80x64xf32, #tpu.memory_space<vmem>> -> memref<1x80x64xf32, #tpu.memory_space<vmem>>
      %dma_start3A_145 = tpu.memref_squeeze %dma_start3A_144 : memref<1x80x64xf32, #tpu.memory_space<vmem>> -> memref<80x64xf32, #tpu.memory_space<vmem>>
      %dma_start3A_146 = arith.constant 0 : i32
      %dma_start3A_147 = tpu.memref_slice %arg7[%dma_start3A, %dma_start3A_146] : memref<250x80xi32, #tpu.memory_space<vmem>> -> memref<1x80xi32, #tpu.memory_space<vmem>>
      %dma_start3A_148 = tpu.memref_squeeze %dma_start3A_147 : memref<1x80xi32, #tpu.memory_space<vmem>> -> memref<80xi32, #tpu.memory_space<vmem>>
      %dma_start3A_149 = arith.constant 0 : i32
      %dma_start3A_150 = arith.constant 0 : i32
      %dma_start3A_151 = tpu.memref_slice %arg3[%dma_start3A_149, %dma_start3A_150] : memref<10000x64xf32, #tpu.memory_space<hbm>> -> memref<10000x64xf32, #tpu.memory_space<hbm>>
      tpu.enqueue_indirect_dma source(%dma_start3A_151 : memref<10000x64xf32, #tpu.memory_space<hbm>>) target(%dma_start3A_145 : memref<80x64xf32, #tpu.memory_space<vmem>>) offsets(%dma_start3A_148 : memref<80xi32, #tpu.memory_space<vmem>>) semaphore(%arg13 : memref<!tpu.dma_semaphore, #tpu.memory_space<semaphore_mem>>)
    } else {
    }
    %eq3A_41 = arith.constant 0 : i32
    %eq3A_42 = arith.cmpi eq, %arg0, %eq3A_41 : i32
    %convert_element_type3A_43 = arith.extui %eq3A_42 : i1 to i32
    %cond3A_44 = arith.constant 0 : i32
    %cond3A_45 = arith.cmpi ne, %convert_element_type3A_43, %cond3A_44 : i32
    scf.if %cond3A_45 {
      %dma_start3A = arith.constant 2 : i32
      %dma_start3A_141 = arith.constant 2 : i32
      %dma_start3A_142 = arith.constant 0 : i32
      %dma_start3A_143 = arith.constant 0 : i32
      %dma_start3A_144 = tpu.memref_slice %arg9[%dma_start3A_141, %dma_start3A_142, %dma_start3A_143] : memref<5x80x64xf32, #tpu.memory_space<vmem>> -> memref<1x80x64xf32, #tpu.memory_space<vmem>>
      %dma_start3A_145 = tpu.memref_squeeze %dma_start3A_144 : memref<1x80x64xf32, #tpu.memory_space<vmem>> -> memref<80x64xf32, #tpu.memory_space<vmem>>
      %dma_start3A_146 = arith.constant 0 : i32
      %dma_start3A_147 = tpu.memref_slice %arg7[%dma_start3A, %dma_start3A_146] : memref<250x80xi32, #tpu.memory_space<vmem>> -> memref<1x80xi32, #tpu.memory_space<vmem>>
      %dma_start3A_148 = tpu.memref_squeeze %dma_start3A_147 : memref<1x80xi32, #tpu.memory_space<vmem>> -> memref<80xi32, #tpu.memory_space<vmem>>
      %dma_start3A_149 = arith.constant 0 : i32
      %dma_start3A_150 = arith.constant 0 : i32
      %dma_start3A_151 = tpu.memref_slice %arg2[%dma_start3A_149, %dma_start3A_150] : memref<10000x64xf32, #tpu.memory_space<hbm>> -> memref<10000x64xf32, #tpu.memory_space<hbm>>
      tpu.enqueue_indirect_dma source(%dma_start3A_151 : memref<10000x64xf32, #tpu.memory_space<hbm>>) target(%dma_start3A_145 : memref<80x64xf32, #tpu.memory_space<vmem>>) offsets(%dma_start3A_148 : memref<80xi32, #tpu.memory_space<vmem>>) semaphore(%arg14 : memref<!tpu.dma_semaphore, #tpu.memory_space<semaphore_mem>>)
    } else {
    }
    %eq3A_46 = arith.constant 1 : i32
    %eq3A_47 = arith.cmpi eq, %arg0, %eq3A_46 : i32
    %convert_element_type3A_48 = arith.extui %eq3A_47 : i1 to i32
    %cond3A_49 = arith.constant 0 : i32
    %cond3A_50 = arith.cmpi ne, %convert_element_type3A_48, %cond3A_49 : i32
    scf.if %cond3A_50 {
      %dma_start3A = arith.constant 2 : i32
      %dma_start3A_141 = arith.constant 2 : i32
      %dma_start3A_142 = arith.constant 0 : i32
      %dma_start3A_143 = arith.constant 0 : i32
      %dma_start3A_144 = tpu.memref_slice %arg9[%dma_start3A_141, %dma_start3A_142, %dma_start3A_143] : memref<5x80x64xf32, #tpu.memory_space<vmem>> -> memref<1x80x64xf32, #tpu.memory_space<vmem>>
      %dma_start3A_145 = tpu.memref_squeeze %dma_start3A_144 : memref<1x80x64xf32, #tpu.memory_space<vmem>> -> memref<80x64xf32, #tpu.memory_space<vmem>>
      %dma_start3A_146 = arith.constant 0 : i32
      %dma_start3A_147 = tpu.memref_slice %arg7[%dma_start3A, %dma_start3A_146] : memref<250x80xi32, #tpu.memory_space<vmem>> -> memref<1x80xi32, #tpu.memory_space<vmem>>
      %dma_start3A_148 = tpu.memref_squeeze %dma_start3A_147 : memref<1x80xi32, #tpu.memory_space<vmem>> -> memref<80xi32, #tpu.memory_space<vmem>>
      %dma_start3A_149 = arith.constant 0 : i32
      %dma_start3A_150 = arith.constant 0 : i32
      %dma_start3A_151 = tpu.memref_slice %arg3[%dma_start3A_149, %dma_start3A_150] : memref<10000x64xf32, #tpu.memory_space<hbm>> -> memref<10000x64xf32, #tpu.memory_space<hbm>>
      tpu.enqueue_indirect_dma source(%dma_start3A_151 : memref<10000x64xf32, #tpu.memory_space<hbm>>) target(%dma_start3A_145 : memref<80x64xf32, #tpu.memory_space<vmem>>) offsets(%dma_start3A_148 : memref<80xi32, #tpu.memory_space<vmem>>) semaphore(%arg14 : memref<!tpu.dma_semaphore, #tpu.memory_space<semaphore_mem>>)
    } else {
    }
    %eq3A_51 = arith.constant 0 : i32
    %eq3A_52 = arith.cmpi eq, %arg0, %eq3A_51 : i32
    %convert_element_type3A_53 = arith.extui %eq3A_52 : i1 to i32
    %cond3A_54 = arith.constant 0 : i32
    %cond3A_55 = arith.cmpi ne, %convert_element_type3A_53, %cond3A_54 : i32
    scf.if %cond3A_55 {
      %dma_start3A = arith.constant 3 : i32
      %dma_start3A_141 = arith.constant 3 : i32
      %dma_start3A_142 = arith.constant 0 : i32
      %dma_start3A_143 = arith.constant 0 : i32
      %dma_start3A_144 = tpu.memref_slice %arg9[%dma_start3A_141, %dma_start3A_142, %dma_start3A_143] : memref<5x80x64xf32, #tpu.memory_space<vmem>> -> memref<1x80x64xf32, #tpu.memory_space<vmem>>
      %dma_start3A_145 = tpu.memref_squeeze %dma_start3A_144 : memref<1x80x64xf32, #tpu.memory_space<vmem>> -> memref<80x64xf32, #tpu.memory_space<vmem>>
      %dma_start3A_146 = arith.constant 0 : i32
      %dma_start3A_147 = tpu.memref_slice %arg7[%dma_start3A, %dma_start3A_146] : memref<250x80xi32, #tpu.memory_space<vmem>> -> memref<1x80xi32, #tpu.memory_space<vmem>>
      %dma_start3A_148 = tpu.memref_squeeze %dma_start3A_147 : memref<1x80xi32, #tpu.memory_space<vmem>> -> memref<80xi32, #tpu.memory_space<vmem>>
      %dma_start3A_149 = arith.constant 0 : i32
      %dma_start3A_150 = arith.constant 0 : i32
      %dma_start3A_151 = tpu.memref_slice %arg2[%dma_start3A_149, %dma_start3A_150] : memref<10000x64xf32, #tpu.memory_space<hbm>> -> memref<10000x64xf32, #tpu.memory_space<hbm>>
      tpu.enqueue_indirect_dma source(%dma_start3A_151 : memref<10000x64xf32, #tpu.memory_space<hbm>>) target(%dma_start3A_145 : memref<80x64xf32, #tpu.memory_space<vmem>>) offsets(%dma_start3A_148 : memref<80xi32, #tpu.memory_space<vmem>>) semaphore(%arg15 : memref<!tpu.dma_semaphore, #tpu.memory_space<semaphore_mem>>)
    } else {
    }
    %eq3A_56 = arith.constant 1 : i32
    %eq3A_57 = arith.cmpi eq, %arg0, %eq3A_56 : i32
    %convert_element_type3A_58 = arith.extui %eq3A_57 : i1 to i32
    %cond3A_59 = arith.constant 0 : i32
    %cond3A_60 = arith.cmpi ne, %convert_element_type3A_58, %cond3A_59 : i32
    scf.if %cond3A_60 {
      %dma_start3A = arith.constant 3 : i32
      %dma_start3A_141 = arith.constant 3 : i32
      %dma_start3A_142 = arith.constant 0 : i32
      %dma_start3A_143 = arith.constant 0 : i32
      %dma_start3A_144 = tpu.memref_slice %arg9[%dma_start3A_141, %dma_start3A_142, %dma_start3A_143] : memref<5x80x64xf32, #tpu.memory_space<vmem>> -> memref<1x80x64xf32, #tpu.memory_space<vmem>>
      %dma_start3A_145 = tpu.memref_squeeze %dma_start3A_144 : memref<1x80x64xf32, #tpu.memory_space<vmem>> -> memref<80x64xf32, #tpu.memory_space<vmem>>
      %dma_start3A_146 = arith.constant 0 : i32
      %dma_start3A_147 = tpu.memref_slice %arg7[%dma_start3A, %dma_start3A_146] : memref<250x80xi32, #tpu.memory_space<vmem>> -> memref<1x80xi32, #tpu.memory_space<vmem>>
      %dma_start3A_148 = tpu.memref_squeeze %dma_start3A_147 : memref<1x80xi32, #tpu.memory_space<vmem>> -> memref<80xi32, #tpu.memory_space<vmem>>
      %dma_start3A_149 = arith.constant 0 : i32
      %dma_start3A_150 = arith.constant 0 : i32
      %dma_start3A_151 = tpu.memref_slice %arg3[%dma_start3A_149, %dma_start3A_150] : memref<10000x64xf32, #tpu.memory_space<hbm>> -> memref<10000x64xf32, #tpu.memory_space<hbm>>
      tpu.enqueue_indirect_dma source(%dma_start3A_151 : memref<10000x64xf32, #tpu.memory_space<hbm>>) target(%dma_start3A_145 : memref<80x64xf32, #tpu.memory_space<vmem>>) offsets(%dma_start3A_148 : memref<80xi32, #tpu.memory_space<vmem>>) semaphore(%arg15 : memref<!tpu.dma_semaphore, #tpu.memory_space<semaphore_mem>>)
    } else {
    }
    %eq3A_61 = arith.constant 0 : i32
    %eq3A_62 = arith.cmpi eq, %arg0, %eq3A_61 : i32
    %convert_element_type3A_63 = arith.extui %eq3A_62 : i1 to i32
    %cond3A_64 = arith.constant 0 : i32
    %cond3A_65 = arith.cmpi ne, %convert_element_type3A_63, %cond3A_64 : i32
    scf.if %cond3A_65 {
      %dma_start3A = arith.constant 4 : i32
      %dma_start3A_141 = arith.constant 4 : i32
      %dma_start3A_142 = arith.constant 0 : i32
      %dma_start3A_143 = arith.constant 0 : i32
      %dma_start3A_144 = tpu.memref_slice %arg9[%dma_start3A_141, %dma_start3A_142, %dma_start3A_143] : memref<5x80x64xf32, #tpu.memory_space<vmem>> -> memref<1x80x64xf32, #tpu.memory_space<vmem>>
      %dma_start3A_145 = tpu.memref_squeeze %dma_start3A_144 : memref<1x80x64xf32, #tpu.memory_space<vmem>> -> memref<80x64xf32, #tpu.memory_space<vmem>>
      %dma_start3A_146 = arith.constant 0 : i32
      %dma_start3A_147 = tpu.memref_slice %arg7[%dma_start3A, %dma_start3A_146] : memref<250x80xi32, #tpu.memory_space<vmem>> -> memref<1x80xi32, #tpu.memory_space<vmem>>
      %dma_start3A_148 = tpu.memref_squeeze %dma_start3A_147 : memref<1x80xi32, #tpu.memory_space<vmem>> -> memref<80xi32, #tpu.memory_space<vmem>>
      %dma_start3A_149 = arith.constant 0 : i32
      %dma_start3A_150 = arith.constant 0 : i32
      %dma_start3A_151 = tpu.memref_slice %arg2[%dma_start3A_149, %dma_start3A_150] : memref<10000x64xf32, #tpu.memory_space<hbm>> -> memref<10000x64xf32, #tpu.memory_space<hbm>>
      tpu.enqueue_indirect_dma source(%dma_start3A_151 : memref<10000x64xf32, #tpu.memory_space<hbm>>) target(%dma_start3A_145 : memref<80x64xf32, #tpu.memory_space<vmem>>) offsets(%dma_start3A_148 : memref<80xi32, #tpu.memory_space<vmem>>) semaphore(%arg16 : memref<!tpu.dma_semaphore, #tpu.memory_space<semaphore_mem>>)
    } else {
    }
    %eq3A_66 = arith.constant 1 : i32
    %eq3A_67 = arith.cmpi eq, %arg0, %eq3A_66 : i32
    %convert_element_type3A_68 = arith.extui %eq3A_67 : i1 to i32
    %cond3A_69 = arith.constant 0 : i32
    %cond3A_70 = arith.cmpi ne, %convert_element_type3A_68, %cond3A_69 : i32
    scf.if %cond3A_70 {
      %dma_start3A = arith.constant 4 : i32
      %dma_start3A_141 = arith.constant 4 : i32
      %dma_start3A_142 = arith.constant 0 : i32
      %dma_start3A_143 = arith.constant 0 : i32
      %dma_start3A_144 = tpu.memref_slice %arg9[%dma_start3A_141, %dma_start3A_142, %dma_start3A_143] : memref<5x80x64xf32, #tpu.memory_space<vmem>> -> memref<1x80x64xf32, #tpu.memory_space<vmem>>
      %dma_start3A_145 = tpu.memref_squeeze %dma_start3A_144 : memref<1x80x64xf32, #tpu.memory_space<vmem>> -> memref<80x64xf32, #tpu.memory_space<vmem>>
      %dma_start3A_146 = arith.constant 0 : i32
      %dma_start3A_147 = tpu.memref_slice %arg7[%dma_start3A, %dma_start3A_146] : memref<250x80xi32, #tpu.memory_space<vmem>> -> memref<1x80xi32, #tpu.memory_space<vmem>>
      %dma_start3A_148 = tpu.memref_squeeze %dma_start3A_147 : memref<1x80xi32, #tpu.memory_space<vmem>> -> memref<80xi32, #tpu.memory_space<vmem>>
      %dma_start3A_149 = arith.constant 0 : i32
      %dma_start3A_150 = arith.constant 0 : i32
      %dma_start3A_151 = tpu.memref_slice %arg3[%dma_start3A_149, %dma_start3A_150] : memref<10000x64xf32, #tpu.memory_space<hbm>> -> memref<10000x64xf32, #tpu.memory_space<hbm>>
      tpu.enqueue_indirect_dma source(%dma_start3A_151 : memref<10000x64xf32, #tpu.memory_space<hbm>>) target(%dma_start3A_145 : memref<80x64xf32, #tpu.memory_space<vmem>>) offsets(%dma_start3A_148 : memref<80xi32, #tpu.memory_space<vmem>>) semaphore(%arg16 : memref<!tpu.dma_semaphore, #tpu.memory_space<semaphore_mem>>)
    } else {
    }
    %scan3A_71 = arith.constant 0 : i32
    %scan3A_72 = arith.constant 0 : i32
    %scan3A_73 = arith.constant 50 : i32
    %scan3A_74 = arith.addi %scan3A_72, %scan3A_73 : i32
    %scan3A_75 = arith.constant 1 : i32
    scf.for %scan3A_141 = %scan3A_72 to %scan3A_74 step %scan3A_75  : i32 {
      %mul3A_142 = arith.constant 5 : i32
      %mul3A_143 = arith.muli %scan3A_141, %mul3A_142 : i32
      %dma_wait3A_144 = arith.constant 0 : i32
      %dma_wait3A_145 = arith.constant 0 : i32
      %dma_wait3A_146 = arith.constant 0 : i32
      %dma_wait3A_147 = arith.constant 0 : i32
      %dma_wait3A_148 = tpu.memref_slice %arg9[%dma_wait3A_145, %dma_wait3A_146, %dma_wait3A_147] : memref<5x80x64xf32, #tpu.memory_space<vmem>> -> memref<1x80x64xf32, #tpu.memory_space<vmem>>
      %dma_wait3A_149 = tpu.memref_squeeze %dma_wait3A_148 : memref<1x80x64xf32, #tpu.memory_space<vmem>> -> memref<80x64xf32, #tpu.memory_space<vmem>>
      %dma_wait3A_150 = arith.constant 0 : i32
      %dma_wait3A_151 = tpu.memref_slice %arg7[%dma_wait3A_144, %dma_wait3A_150] : memref<250x80xi32, #tpu.memory_space<vmem>> -> memref<1x80xi32, #tpu.memory_space<vmem>>
      %dma_wait3A_152 = tpu.memref_squeeze %dma_wait3A_151 : memref<1x80xi32, #tpu.memory_space<vmem>> -> memref<80xi32, #tpu.memory_space<vmem>>
      %dma_wait3A_153 = arith.constant 0 : i32
      %dma_wait3A_154 = arith.constant 0 : i32
      %dma_wait3A_155 = tpu.memref_slice %arg2[%dma_wait3A_153, %dma_wait3A_154] : memref<10000x64xf32, #tpu.memory_space<hbm>> -> memref<10000x64xf32, #tpu.memory_space<hbm>>
      tpu.wait_indirect_dma semaphore(%arg12 : memref<!tpu.dma_semaphore, #tpu.memory_space<semaphore_mem>>) src(%dma_wait3A_155 : memref<10000x64xf32, #tpu.memory_space<hbm>>) dst(%dma_wait3A_149 : memref<80x64xf32, #tpu.memory_space<vmem>>)
      %add3A_156 = arith.constant 0 : i32
      %add3A_157 = arith.addi %mul3A_143, %add3A_156 : i32
      %dma_start3A = arith.constant 0 : i32
      %dma_start3A_158 = arith.constant 0 : i32
      %dma_start3A_159 = arith.constant 0 : i32
      %dma_start3A_160 = tpu.memref_slice %arg9[%dma_start3A, %dma_start3A_158, %dma_start3A_159] : memref<5x80x64xf32, #tpu.memory_space<vmem>> -> memref<1x80x64xf32, #tpu.memory_space<vmem>>
      %dma_start3A_161 = tpu.memref_squeeze %dma_start3A_160 : memref<1x80x64xf32, #tpu.memory_space<vmem>> -> memref<80x64xf32, #tpu.memory_space<vmem>>
      %dma_start3A_162 = arith.constant 0 : i32
      %dma_start3A_163 = tpu.memref_slice %arg8[%add3A_157, %dma_start3A_162] : memref<250x80xi32, #tpu.memory_space<vmem>> -> memref<1x80xi32, #tpu.memory_space<vmem>>
      %dma_start3A_164 = tpu.memref_squeeze %dma_start3A_163 : memref<1x80xi32, #tpu.memory_space<vmem>> -> memref<80xi32, #tpu.memory_space<vmem>>
      %dma_start3A_165 = arith.constant 0 : i32
      %dma_start3A_166 = arith.constant 0 : i32
      %dma_start3A_167 = tpu.memref_slice %arg11[%dma_start3A_165, %dma_start3A_166] : memref<10240x64xf32, #tpu.memory_space<vmem_shared>> -> memref<10240x64xf32, #tpu.memory_space<vmem_shared>>
      tpu.enqueue_indirect_dma source(%dma_start3A_161 : memref<80x64xf32, #tpu.memory_space<vmem>>) target(%dma_start3A_167 : memref<10240x64xf32, #tpu.memory_space<vmem_shared>>) offsets(%dma_start3A_164 : memref<80xi32, #tpu.memory_space<vmem>>) semaphore(%arg17 : memref<!tpu.dma_semaphore, #tpu.memory_space<semaphore_mem>>) {add = true}
      %dma_wait3A_168 = arith.constant 0 : i32
      %dma_wait3A_169 = arith.constant 1 : i32
      %dma_wait3A_170 = arith.constant 0 : i32
      %dma_wait3A_171 = arith.constant 0 : i32
      %dma_wait3A_172 = tpu.memref_slice %arg9[%dma_wait3A_169, %dma_wait3A_170, %dma_wait3A_171] : memref<5x80x64xf32, #tpu.memory_space<vmem>> -> memref<1x80x64xf32, #tpu.memory_space<vmem>>
      %dma_wait3A_173 = tpu.memref_squeeze %dma_wait3A_172 : memref<1x80x64xf32, #tpu.memory_space<vmem>> -> memref<80x64xf32, #tpu.memory_space<vmem>>
      %dma_wait3A_174 = arith.constant 0 : i32
      %dma_wait3A_175 = tpu.memref_slice %arg7[%dma_wait3A_168, %dma_wait3A_174] : memref<250x80xi32, #tpu.memory_space<vmem>> -> memref<1x80xi32, #tpu.memory_space<vmem>>
      %dma_wait3A_176 = tpu.memref_squeeze %dma_wait3A_175 : memref<1x80xi32, #tpu.memory_space<vmem>> -> memref<80xi32, #tpu.memory_space<vmem>>
      %dma_wait3A_177 = arith.constant 0 : i32
      %dma_wait3A_178 = arith.constant 0 : i32
      %dma_wait3A_179 = tpu.memref_slice %arg2[%dma_wait3A_177, %dma_wait3A_178] : memref<10000x64xf32, #tpu.memory_space<hbm>> -> memref<10000x64xf32, #tpu.memory_space<hbm>>
      tpu.wait_indirect_dma semaphore(%arg13 : memref<!tpu.dma_semaphore, #tpu.memory_space<semaphore_mem>>) src(%dma_wait3A_179 : memref<10000x64xf32, #tpu.memory_space<hbm>>) dst(%dma_wait3A_173 : memref<80x64xf32, #tpu.memory_space<vmem>>)
      %add3A_180 = arith.constant 1 : i32
      %add3A_181 = arith.addi %mul3A_143, %add3A_180 : i32
      %dma_start3A_182 = arith.constant 1 : i32
      %dma_start3A_183 = arith.constant 0 : i32
      %dma_start3A_184 = arith.constant 0 : i32
      %dma_start3A_185 = tpu.memref_slice %arg9[%dma_start3A_182, %dma_start3A_183, %dma_start3A_184] : memref<5x80x64xf32, #tpu.memory_space<vmem>> -> memref<1x80x64xf32, #tpu.memory_space<vmem>>
      %dma_start3A_186 = tpu.memref_squeeze %dma_start3A_185 : memref<1x80x64xf32, #tpu.memory_space<vmem>> -> memref<80x64xf32, #tpu.memory_space<vmem>>
      %dma_start3A_187 = arith.constant 0 : i32
      %dma_start3A_188 = tpu.memref_slice %arg8[%add3A_181, %dma_start3A_187] : memref<250x80xi32, #tpu.memory_space<vmem>> -> memref<1x80xi32, #tpu.memory_space<vmem>>
      %dma_start3A_189 = tpu.memref_squeeze %dma_start3A_188 : memref<1x80xi32, #tpu.memory_space<vmem>> -> memref<80xi32, #tpu.memory_space<vmem>>
      %dma_start3A_190 = arith.constant 0 : i32
      %dma_start3A_191 = arith.constant 0 : i32
      %dma_start3A_192 = tpu.memref_slice %arg11[%dma_start3A_190, %dma_start3A_191] : memref<10240x64xf32, #tpu.memory_space<vmem_shared>> -> memref<10240x64xf32, #tpu.memory_space<vmem_shared>>
      tpu.enqueue_indirect_dma source(%dma_start3A_186 : memref<80x64xf32, #tpu.memory_space<vmem>>) target(%dma_start3A_192 : memref<10240x64xf32, #tpu.memory_space<vmem_shared>>) offsets(%dma_start3A_189 : memref<80xi32, #tpu.memory_space<vmem>>) semaphore(%arg18 : memref<!tpu.dma_semaphore, #tpu.memory_space<semaphore_mem>>) {add = true}
      %dma_wait3A_193 = arith.constant 0 : i32
      %dma_wait3A_194 = arith.constant 2 : i32
      %dma_wait3A_195 = arith.constant 0 : i32
      %dma_wait3A_196 = arith.constant 0 : i32
      %dma_wait3A_197 = tpu.memref_slice %arg9[%dma_wait3A_194, %dma_wait3A_195, %dma_wait3A_196] : memref<5x80x64xf32, #tpu.memory_space<vmem>> -> memref<1x80x64xf32, #tpu.memory_space<vmem>>
      %dma_wait3A_198 = tpu.memref_squeeze %dma_wait3A_197 : memref<1x80x64xf32, #tpu.memory_space<vmem>> -> memref<80x64xf32, #tpu.memory_space<vmem>>
      %dma_wait3A_199 = arith.constant 0 : i32
      %dma_wait3A_200 = tpu.memref_slice %arg7[%dma_wait3A_193, %dma_wait3A_199] : memref<250x80xi32, #tpu.memory_space<vmem>> -> memref<1x80xi32, #tpu.memory_space<vmem>>
      %dma_wait3A_201 = tpu.memref_squeeze %dma_wait3A_200 : memref<1x80xi32, #tpu.memory_space<vmem>> -> memref<80xi32, #tpu.memory_space<vmem>>
      %dma_wait3A_202 = arith.constant 0 : i32
      %dma_wait3A_203 = arith.constant 0 : i32
      %dma_wait3A_204 = tpu.memref_slice %arg2[%dma_wait3A_202, %dma_wait3A_203] : memref<10000x64xf32, #tpu.memory_space<hbm>> -> memref<10000x64xf32, #tpu.memory_space<hbm>>
      tpu.wait_indirect_dma semaphore(%arg14 : memref<!tpu.dma_semaphore, #tpu.memory_space<semaphore_mem>>) src(%dma_wait3A_204 : memref<10000x64xf32, #tpu.memory_space<hbm>>) dst(%dma_wait3A_198 : memref<80x64xf32, #tpu.memory_space<vmem>>)
      %add3A_205 = arith.constant 2 : i32
      %add3A_206 = arith.addi %mul3A_143, %add3A_205 : i32
      %dma_start3A_207 = arith.constant 2 : i32
      %dma_start3A_208 = arith.constant 0 : i32
      %dma_start3A_209 = arith.constant 0 : i32
      %dma_start3A_210 = tpu.memref_slice %arg9[%dma_start3A_207, %dma_start3A_208, %dma_start3A_209] : memref<5x80x64xf32, #tpu.memory_space<vmem>> -> memref<1x80x64xf32, #tpu.memory_space<vmem>>
      %dma_start3A_211 = tpu.memref_squeeze %dma_start3A_210 : memref<1x80x64xf32, #tpu.memory_space<vmem>> -> memref<80x64xf32, #tpu.memory_space<vmem>>
      %dma_start3A_212 = arith.constant 0 : i32
      %dma_start3A_213 = tpu.memref_slice %arg8[%add3A_206, %dma_start3A_212] : memref<250x80xi32, #tpu.memory_space<vmem>> -> memref<1x80xi32, #tpu.memory_space<vmem>>
      %dma_start3A_214 = tpu.memref_squeeze %dma_start3A_213 : memref<1x80xi32, #tpu.memory_space<vmem>> -> memref<80xi32, #tpu.memory_space<vmem>>
      %dma_start3A_215 = arith.constant 0 : i32
      %dma_start3A_216 = arith.constant 0 : i32
      %dma_start3A_217 = tpu.memref_slice %arg11[%dma_start3A_215, %dma_start3A_216] : memref<10240x64xf32, #tpu.memory_space<vmem_shared>> -> memref<10240x64xf32, #tpu.memory_space<vmem_shared>>
      tpu.enqueue_indirect_dma source(%dma_start3A_211 : memref<80x64xf32, #tpu.memory_space<vmem>>) target(%dma_start3A_217 : memref<10240x64xf32, #tpu.memory_space<vmem_shared>>) offsets(%dma_start3A_214 : memref<80xi32, #tpu.memory_space<vmem>>) semaphore(%arg19 : memref<!tpu.dma_semaphore, #tpu.memory_space<semaphore_mem>>) {add = true}
      %dma_wait3A_218 = arith.constant 0 : i32
      %dma_wait3A_219 = arith.constant 3 : i32
      %dma_wait3A_220 = arith.constant 0 : i32
      %dma_wait3A_221 = arith.constant 0 : i32
      %dma_wait3A_222 = tpu.memref_slice %arg9[%dma_wait3A_219, %dma_wait3A_220, %dma_wait3A_221] : memref<5x80x64xf32, #tpu.memory_space<vmem>> -> memref<1x80x64xf32, #tpu.memory_space<vmem>>
      %dma_wait3A_223 = tpu.memref_squeeze %dma_wait3A_222 : memref<1x80x64xf32, #tpu.memory_space<vmem>> -> memref<80x64xf32, #tpu.memory_space<vmem>>
      %dma_wait3A_224 = arith.constant 0 : i32
      %dma_wait3A_225 = tpu.memref_slice %arg7[%dma_wait3A_218, %dma_wait3A_224] : memref<250x80xi32, #tpu.memory_space<vmem>> -> memref<1x80xi32, #tpu.memory_space<vmem>>
      %dma_wait3A_226 = tpu.memref_squeeze %dma_wait3A_225 : memref<1x80xi32, #tpu.memory_space<vmem>> -> memref<80xi32, #tpu.memory_space<vmem>>
      %dma_wait3A_227 = arith.constant 0 : i32
      %dma_wait3A_228 = arith.constant 0 : i32
      %dma_wait3A_229 = tpu.memref_slice %arg2[%dma_wait3A_227, %dma_wait3A_228] : memref<10000x64xf32, #tpu.memory_space<hbm>> -> memref<10000x64xf32, #tpu.memory_space<hbm>>
      tpu.wait_indirect_dma semaphore(%arg15 : memref<!tpu.dma_semaphore, #tpu.memory_space<semaphore_mem>>) src(%dma_wait3A_229 : memref<10000x64xf32, #tpu.memory_space<hbm>>) dst(%dma_wait3A_223 : memref<80x64xf32, #tpu.memory_space<vmem>>)
      %add3A_230 = arith.constant 3 : i32
      %add3A_231 = arith.addi %mul3A_143, %add3A_230 : i32
      %dma_start3A_232 = arith.constant 3 : i32
      %dma_start3A_233 = arith.constant 0 : i32
      %dma_start3A_234 = arith.constant 0 : i32
      %dma_start3A_235 = tpu.memref_slice %arg9[%dma_start3A_232, %dma_start3A_233, %dma_start3A_234] : memref<5x80x64xf32, #tpu.memory_space<vmem>> -> memref<1x80x64xf32, #tpu.memory_space<vmem>>
      %dma_start3A_236 = tpu.memref_squeeze %dma_start3A_235 : memref<1x80x64xf32, #tpu.memory_space<vmem>> -> memref<80x64xf32, #tpu.memory_space<vmem>>
      %dma_start3A_237 = arith.constant 0 : i32
      %dma_start3A_238 = tpu.memref_slice %arg8[%add3A_231, %dma_start3A_237] : memref<250x80xi32, #tpu.memory_space<vmem>> -> memref<1x80xi32, #tpu.memory_space<vmem>>
      %dma_start3A_239 = tpu.memref_squeeze %dma_start3A_238 : memref<1x80xi32, #tpu.memory_space<vmem>> -> memref<80xi32, #tpu.memory_space<vmem>>
      %dma_start3A_240 = arith.constant 0 : i32
      %dma_start3A_241 = arith.constant 0 : i32
      %dma_start3A_242 = tpu.memref_slice %arg11[%dma_start3A_240, %dma_start3A_241] : memref<10240x64xf32, #tpu.memory_space<vmem_shared>> -> memref<10240x64xf32, #tpu.memory_space<vmem_shared>>
      tpu.enqueue_indirect_dma source(%dma_start3A_236 : memref<80x64xf32, #tpu.memory_space<vmem>>) target(%dma_start3A_242 : memref<10240x64xf32, #tpu.memory_space<vmem_shared>>) offsets(%dma_start3A_239 : memref<80xi32, #tpu.memory_space<vmem>>) semaphore(%arg20 : memref<!tpu.dma_semaphore, #tpu.memory_space<semaphore_mem>>) {add = true}
      %dma_wait3A_243 = arith.constant 0 : i32
      %dma_wait3A_244 = arith.constant 4 : i32
      %dma_wait3A_245 = arith.constant 0 : i32
      %dma_wait3A_246 = arith.constant 0 : i32
      %dma_wait3A_247 = tpu.memref_slice %arg9[%dma_wait3A_244, %dma_wait3A_245, %dma_wait3A_246] : memref<5x80x64xf32, #tpu.memory_space<vmem>> -> memref<1x80x64xf32, #tpu.memory_space<vmem>>
      %dma_wait3A_248 = tpu.memref_squeeze %dma_wait3A_247 : memref<1x80x64xf32, #tpu.memory_space<vmem>> -> memref<80x64xf32, #tpu.memory_space<vmem>>
      %dma_wait3A_249 = arith.constant 0 : i32
      %dma_wait3A_250 = tpu.memref_slice %arg7[%dma_wait3A_243, %dma_wait3A_249] : memref<250x80xi32, #tpu.memory_space<vmem>> -> memref<1x80xi32, #tpu.memory_space<vmem>>
      %dma_wait3A_251 = tpu.memref_squeeze %dma_wait3A_250 : memref<1x80xi32, #tpu.memory_space<vmem>> -> memref<80xi32, #tpu.memory_space<vmem>>
      %dma_wait3A_252 = arith.constant 0 : i32
      %dma_wait3A_253 = arith.constant 0 : i32
      %dma_wait3A_254 = tpu.memref_slice %arg2[%dma_wait3A_252, %dma_wait3A_253] : memref<10000x64xf32, #tpu.memory_space<hbm>> -> memref<10000x64xf32, #tpu.memory_space<hbm>>
      tpu.wait_indirect_dma semaphore(%arg16 : memref<!tpu.dma_semaphore, #tpu.memory_space<semaphore_mem>>) src(%dma_wait3A_254 : memref<10000x64xf32, #tpu.memory_space<hbm>>) dst(%dma_wait3A_248 : memref<80x64xf32, #tpu.memory_space<vmem>>)
      %add3A_255 = arith.constant 4 : i32
      %add3A_256 = arith.addi %mul3A_143, %add3A_255 : i32
      %dma_start3A_257 = arith.constant 4 : i32
      %dma_start3A_258 = arith.constant 0 : i32
      %dma_start3A_259 = arith.constant 0 : i32
      %dma_start3A_260 = tpu.memref_slice %arg9[%dma_start3A_257, %dma_start3A_258, %dma_start3A_259] : memref<5x80x64xf32, #tpu.memory_space<vmem>> -> memref<1x80x64xf32, #tpu.memory_space<vmem>>
      %dma_start3A_261 = tpu.memref_squeeze %dma_start3A_260 : memref<1x80x64xf32, #tpu.memory_space<vmem>> -> memref<80x64xf32, #tpu.memory_space<vmem>>
      %dma_start3A_262 = arith.constant 0 : i32
      %dma_start3A_263 = tpu.memref_slice %arg8[%add3A_256, %dma_start3A_262] : memref<250x80xi32, #tpu.memory_space<vmem>> -> memref<1x80xi32, #tpu.memory_space<vmem>>
      %dma_start3A_264 = tpu.memref_squeeze %dma_start3A_263 : memref<1x80xi32, #tpu.memory_space<vmem>> -> memref<80xi32, #tpu.memory_space<vmem>>
      %dma_start3A_265 = arith.constant 0 : i32
      %dma_start3A_266 = arith.constant 0 : i32
      %dma_start3A_267 = tpu.memref_slice %arg11[%dma_start3A_265, %dma_start3A_266] : memref<10240x64xf32, #tpu.memory_space<vmem_shared>> -> memref<10240x64xf32, #tpu.memory_space<vmem_shared>>
      tpu.enqueue_indirect_dma source(%dma_start3A_261 : memref<80x64xf32, #tpu.memory_space<vmem>>) target(%dma_start3A_267 : memref<10240x64xf32, #tpu.memory_space<vmem_shared>>) offsets(%dma_start3A_264 : memref<80xi32, #tpu.memory_space<vmem>>) semaphore(%arg21 : memref<!tpu.dma_semaphore, #tpu.memory_space<semaphore_mem>>) {add = true}
      %dma_wait3A_268 = arith.constant 0 : i32
      %dma_wait3A_269 = arith.constant 0 : i32
      %dma_wait3A_270 = arith.constant 0 : i32
      %dma_wait3A_271 = arith.constant 0 : i32
      %dma_wait3A_272 = tpu.memref_slice %arg9[%dma_wait3A_268, %dma_wait3A_270, %dma_wait3A_271] : memref<5x80x64xf32, #tpu.memory_space<vmem>> -> memref<1x80x64xf32, #tpu.memory_space<vmem>>
      %dma_wait3A_273 = tpu.memref_squeeze %dma_wait3A_272 : memref<1x80x64xf32, #tpu.memory_space<vmem>> -> memref<80x64xf32, #tpu.memory_space<vmem>>
      %dma_wait3A_274 = arith.constant 0 : i32
      %dma_wait3A_275 = tpu.memref_slice %arg8[%dma_wait3A_269, %dma_wait3A_274] : memref<250x80xi32, #tpu.memory_space<vmem>> -> memref<1x80xi32, #tpu.memory_space<vmem>>
      %dma_wait3A_276 = tpu.memref_squeeze %dma_wait3A_275 : memref<1x80xi32, #tpu.memory_space<vmem>> -> memref<80xi32, #tpu.memory_space<vmem>>
      %dma_wait3A_277 = arith.constant 0 : i32
      %dma_wait3A_278 = arith.constant 0 : i32
      %dma_wait3A_279 = tpu.memref_slice %arg11[%dma_wait3A_277, %dma_wait3A_278] : memref<10240x64xf32, #tpu.memory_space<vmem_shared>> -> memref<10240x64xf32, #tpu.memory_space<vmem_shared>>
      tpu.wait_indirect_dma semaphore(%arg17 : memref<!tpu.dma_semaphore, #tpu.memory_space<semaphore_mem>>) src(%dma_wait3A_273 : memref<80x64xf32, #tpu.memory_space<vmem>>) dst(%dma_wait3A_279 : memref<10240x64xf32, #tpu.memory_space<vmem_shared>>)
      %add3A_280 = arith.constant 0 : i32
      %add3A_281 = arith.addi %mul3A_143, %add3A_280 : i32
      %add3A_282 = arith.constant 5 : i32
      %add3A_283 = arith.addi %add3A_281, %add3A_282 : i32
      %min3A = arith.constant 249 : i32
      %min3A_284 = arith.minsi %add3A_283, %min3A : i32
      %eq3A_285 = arith.constant 0 : i32
      %eq3A_286 = arith.cmpi eq, %arg0, %eq3A_285 : i32
      %convert_element_type3A_287 = arith.extui %eq3A_286 : i1 to i32
      %cond3A_288 = arith.constant 0 : i32
      %cond3A_289 = arith.cmpi ne, %convert_element_type3A_287, %cond3A_288 : i32
      scf.if %cond3A_289 {
        %dma_start3A_407 = arith.constant 0 : i32
        %dma_start3A_408 = arith.constant 0 : i32
        %dma_start3A_409 = arith.constant 0 : i32
        %dma_start3A_410 = tpu.memref_slice %arg9[%dma_start3A_407, %dma_start3A_408, %dma_start3A_409] : memref<5x80x64xf32, #tpu.memory_space<vmem>> -> memref<1x80x64xf32, #tpu.memory_space<vmem>>
        %dma_start3A_411 = tpu.memref_squeeze %dma_start3A_410 : memref<1x80x64xf32, #tpu.memory_space<vmem>> -> memref<80x64xf32, #tpu.memory_space<vmem>>
        %dma_start3A_412 = arith.constant 0 : i32
        %dma_start3A_413 = tpu.memref_slice %arg7[%min3A_284, %dma_start3A_412] : memref<250x80xi32, #tpu.memory_space<vmem>> -> memref<1x80xi32, #tpu.memory_space<vmem>>
        %dma_start3A_414 = tpu.memref_squeeze %dma_start3A_413 : memref<1x80xi32, #tpu.memory_space<vmem>> -> memref<80xi32, #tpu.memory_space<vmem>>
        %dma_start3A_415 = arith.constant 0 : i32
        %dma_start3A_416 = arith.constant 0 : i32
        %dma_start3A_417 = tpu.memref_slice %arg2[%dma_start3A_415, %dma_start3A_416] : memref<10000x64xf32, #tpu.memory_space<hbm>> -> memref<10000x64xf32, #tpu.memory_space<hbm>>
        tpu.enqueue_indirect_dma source(%dma_start3A_417 : memref<10000x64xf32, #tpu.memory_space<hbm>>) target(%dma_start3A_411 : memref<80x64xf32, #tpu.memory_space<vmem>>) offsets(%dma_start3A_414 : memref<80xi32, #tpu.memory_space<vmem>>) semaphore(%arg12 : memref<!tpu.dma_semaphore, #tpu.memory_space<semaphore_mem>>)
      } else {
      }
      %eq3A_290 = arith.constant 1 : i32
      %eq3A_291 = arith.cmpi eq, %arg0, %eq3A_290 : i32
      %convert_element_type3A_292 = arith.extui %eq3A_291 : i1 to i32
      %cond3A_293 = arith.constant 0 : i32
      %cond3A_294 = arith.cmpi ne, %convert_element_type3A_292, %cond3A_293 : i32
      scf.if %cond3A_294 {
        %dma_start3A_407 = arith.constant 0 : i32
        %dma_start3A_408 = arith.constant 0 : i32
        %dma_start3A_409 = arith.constant 0 : i32
        %dma_start3A_410 = tpu.memref_slice %arg9[%dma_start3A_407, %dma_start3A_408, %dma_start3A_409] : memref<5x80x64xf32, #tpu.memory_space<vmem>> -> memref<1x80x64xf32, #tpu.memory_space<vmem>>
        %dma_start3A_411 = tpu.memref_squeeze %dma_start3A_410 : memref<1x80x64xf32, #tpu.memory_space<vmem>> -> memref<80x64xf32, #tpu.memory_space<vmem>>
        %dma_start3A_412 = arith.constant 0 : i32
        %dma_start3A_413 = tpu.memref_slice %arg7[%min3A_284, %dma_start3A_412] : memref<250x80xi32, #tpu.memory_space<vmem>> -> memref<1x80xi32, #tpu.memory_space<vmem>>
        %dma_start3A_414 = tpu.memref_squeeze %dma_start3A_413 : memref<1x80xi32, #tpu.memory_space<vmem>> -> memref<80xi32, #tpu.memory_space<vmem>>
        %dma_start3A_415 = arith.constant 0 : i32
        %dma_start3A_416 = arith.constant 0 : i32
        %dma_start3A_417 = tpu.memref_slice %arg3[%dma_start3A_415, %dma_start3A_416] : memref<10000x64xf32, #tpu.memory_space<hbm>> -> memref<10000x64xf32, #tpu.memory_space<hbm>>
        tpu.enqueue_indirect_dma source(%dma_start3A_417 : memref<10000x64xf32, #tpu.memory_space<hbm>>) target(%dma_start3A_411 : memref<80x64xf32, #tpu.memory_space<vmem>>) offsets(%dma_start3A_414 : memref<80xi32, #tpu.memory_space<vmem>>) semaphore(%arg12 : memref<!tpu.dma_semaphore, #tpu.memory_space<semaphore_mem>>)
      } else {
      }
      %dma_wait3A_295 = arith.constant 1 : i32
      %dma_wait3A_296 = arith.constant 0 : i32
      %dma_wait3A_297 = arith.constant 0 : i32
      %dma_wait3A_298 = arith.constant 0 : i32
      %dma_wait3A_299 = tpu.memref_slice %arg9[%dma_wait3A_295, %dma_wait3A_297, %dma_wait3A_298] : memref<5x80x64xf32, #tpu.memory_space<vmem>> -> memref<1x80x64xf32, #tpu.memory_space<vmem>>
      %dma_wait3A_300 = tpu.memref_squeeze %dma_wait3A_299 : memref<1x80x64xf32, #tpu.memory_space<vmem>> -> memref<80x64xf32, #tpu.memory_space<vmem>>
      %dma_wait3A_301 = arith.constant 0 : i32
      %dma_wait3A_302 = tpu.memref_slice %arg8[%dma_wait3A_296, %dma_wait3A_301] : memref<250x80xi32, #tpu.memory_space<vmem>> -> memref<1x80xi32, #tpu.memory_space<vmem>>
      %dma_wait3A_303 = tpu.memref_squeeze %dma_wait3A_302 : memref<1x80xi32, #tpu.memory_space<vmem>> -> memref<80xi32, #tpu.memory_space<vmem>>
      %dma_wait3A_304 = arith.constant 0 : i32
      %dma_wait3A_305 = arith.constant 0 : i32
      %dma_wait3A_306 = tpu.memref_slice %arg11[%dma_wait3A_304, %dma_wait3A_305] : memref<10240x64xf32, #tpu.memory_space<vmem_shared>> -> memref<10240x64xf32, #tpu.memory_space<vmem_shared>>
      tpu.wait_indirect_dma semaphore(%arg18 : memref<!tpu.dma_semaphore, #tpu.memory_space<semaphore_mem>>) src(%dma_wait3A_300 : memref<80x64xf32, #tpu.memory_space<vmem>>) dst(%dma_wait3A_306 : memref<10240x64xf32, #tpu.memory_space<vmem_shared>>)
      %add3A_307 = arith.constant 1 : i32
      %add3A_308 = arith.addi %mul3A_143, %add3A_307 : i32
      %add3A_309 = arith.constant 5 : i32
      %add3A_310 = arith.addi %add3A_308, %add3A_309 : i32
      %min3A_311 = arith.constant 249 : i32
      %min3A_312 = arith.minsi %add3A_310, %min3A_311 : i32
      %eq3A_313 = arith.constant 0 : i32
      %eq3A_314 = arith.cmpi eq, %arg0, %eq3A_313 : i32
      %convert_element_type3A_315 = arith.extui %eq3A_314 : i1 to i32
      %cond3A_316 = arith.constant 0 : i32
      %cond3A_317 = arith.cmpi ne, %convert_element_type3A_315, %cond3A_316 : i32
      scf.if %cond3A_317 {
        %dma_start3A_407 = arith.constant 1 : i32
        %dma_start3A_408 = arith.constant 0 : i32
        %dma_start3A_409 = arith.constant 0 : i32
        %dma_start3A_410 = tpu.memref_slice %arg9[%dma_start3A_407, %dma_start3A_408, %dma_start3A_409] : memref<5x80x64xf32, #tpu.memory_space<vmem>> -> memref<1x80x64xf32, #tpu.memory_space<vmem>>
        %dma_start3A_411 = tpu.memref_squeeze %dma_start3A_410 : memref<1x80x64xf32, #tpu.memory_space<vmem>> -> memref<80x64xf32, #tpu.memory_space<vmem>>
        %dma_start3A_412 = arith.constant 0 : i32
        %dma_start3A_413 = tpu.memref_slice %arg7[%min3A_312, %dma_start3A_412] : memref<250x80xi32, #tpu.memory_space<vmem>> -> memref<1x80xi32, #tpu.memory_space<vmem>>
        %dma_start3A_414 = tpu.memref_squeeze %dma_start3A_413 : memref<1x80xi32, #tpu.memory_space<vmem>> -> memref<80xi32, #tpu.memory_space<vmem>>
        %dma_start3A_415 = arith.constant 0 : i32
        %dma_start3A_416 = arith.constant 0 : i32
        %dma_start3A_417 = tpu.memref_slice %arg2[%dma_start3A_415, %dma_start3A_416] : memref<10000x64xf32, #tpu.memory_space<hbm>> -> memref<10000x64xf32, #tpu.memory_space<hbm>>
        tpu.enqueue_indirect_dma source(%dma_start3A_417 : memref<10000x64xf32, #tpu.memory_space<hbm>>) target(%dma_start3A_411 : memref<80x64xf32, #tpu.memory_space<vmem>>) offsets(%dma_start3A_414 : memref<80xi32, #tpu.memory_space<vmem>>) semaphore(%arg13 : memref<!tpu.dma_semaphore, #tpu.memory_space<semaphore_mem>>)
      } else {
      }
      %eq3A_318 = arith.constant 1 : i32
      %eq3A_319 = arith.cmpi eq, %arg0, %eq3A_318 : i32
      %convert_element_type3A_320 = arith.extui %eq3A_319 : i1 to i32
      %cond3A_321 = arith.constant 0 : i32
      %cond3A_322 = arith.cmpi ne, %convert_element_type3A_320, %cond3A_321 : i32
      scf.if %cond3A_322 {
        %dma_start3A_407 = arith.constant 1 : i32
        %dma_start3A_408 = arith.constant 0 : i32
        %dma_start3A_409 = arith.constant 0 : i32
        %dma_start3A_410 = tpu.memref_slice %arg9[%dma_start3A_407, %dma_start3A_408, %dma_start3A_409] : memref<5x80x64xf32, #tpu.memory_space<vmem>> -> memref<1x80x64xf32, #tpu.memory_space<vmem>>
        %dma_start3A_411 = tpu.memref_squeeze %dma_start3A_410 : memref<1x80x64xf32, #tpu.memory_space<vmem>> -> memref<80x64xf32, #tpu.memory_space<vmem>>
        %dma_start3A_412 = arith.constant 0 : i32
        %dma_start3A_413 = tpu.memref_slice %arg7[%min3A_312, %dma_start3A_412] : memref<250x80xi32, #tpu.memory_space<vmem>> -> memref<1x80xi32, #tpu.memory_space<vmem>>
        %dma_start3A_414 = tpu.memref_squeeze %dma_start3A_413 : memref<1x80xi32, #tpu.memory_space<vmem>> -> memref<80xi32, #tpu.memory_space<vmem>>
        %dma_start3A_415 = arith.constant 0 : i32
        %dma_start3A_416 = arith.constant 0 : i32
        %dma_start3A_417 = tpu.memref_slice %arg3[%dma_start3A_415, %dma_start3A_416] : memref<10000x64xf32, #tpu.memory_space<hbm>> -> memref<10000x64xf32, #tpu.memory_space<hbm>>
        tpu.enqueue_indirect_dma source(%dma_start3A_417 : memref<10000x64xf32, #tpu.memory_space<hbm>>) target(%dma_start3A_411 : memref<80x64xf32, #tpu.memory_space<vmem>>) offsets(%dma_start3A_414 : memref<80xi32, #tpu.memory_space<vmem>>) semaphore(%arg13 : memref<!tpu.dma_semaphore, #tpu.memory_space<semaphore_mem>>)
      } else {
      }
      %dma_wait3A_323 = arith.constant 2 : i32
      %dma_wait3A_324 = arith.constant 0 : i32
      %dma_wait3A_325 = arith.constant 0 : i32
      %dma_wait3A_326 = arith.constant 0 : i32
      %dma_wait3A_327 = tpu.memref_slice %arg9[%dma_wait3A_323, %dma_wait3A_325, %dma_wait3A_326] : memref<5x80x64xf32, #tpu.memory_space<vmem>> -> memref<1x80x64xf32, #tpu.memory_space<vmem>>
      %dma_wait3A_328 = tpu.memref_squeeze %dma_wait3A_327 : memref<1x80x64xf32, #tpu.memory_space<vmem>> -> memref<80x64xf32, #tpu.memory_space<vmem>>
      %dma_wait3A_329 = arith.constant 0 : i32
      %dma_wait3A_330 = tpu.memref_slice %arg8[%dma_wait3A_324, %dma_wait3A_329] : memref<250x80xi32, #tpu.memory_space<vmem>> -> memref<1x80xi32, #tpu.memory_space<vmem>>
      %dma_wait3A_331 = tpu.memref_squeeze %dma_wait3A_330 : memref<1x80xi32, #tpu.memory_space<vmem>> -> memref<80xi32, #tpu.memory_space<vmem>>
      %dma_wait3A_332 = arith.constant 0 : i32
      %dma_wait3A_333 = arith.constant 0 : i32
      %dma_wait3A_334 = tpu.memref_slice %arg11[%dma_wait3A_332, %dma_wait3A_333] : memref<10240x64xf32, #tpu.memory_space<vmem_shared>> -> memref<10240x64xf32, #tpu.memory_space<vmem_shared>>
      tpu.wait_indirect_dma semaphore(%arg19 : memref<!tpu.dma_semaphore, #tpu.memory_space<semaphore_mem>>) src(%dma_wait3A_328 : memref<80x64xf32, #tpu.memory_space<vmem>>) dst(%dma_wait3A_334 : memref<10240x64xf32, #tpu.memory_space<vmem_shared>>)
      %add3A_335 = arith.constant 2 : i32
      %add3A_336 = arith.addi %mul3A_143, %add3A_335 : i32
      %add3A_337 = arith.constant 5 : i32
      %add3A_338 = arith.addi %add3A_336, %add3A_337 : i32
      %min3A_339 = arith.constant 249 : i32
      %min3A_340 = arith.minsi %add3A_338, %min3A_339 : i32
      %eq3A_341 = arith.constant 0 : i32
      %eq3A_342 = arith.cmpi eq, %arg0, %eq3A_341 : i32
      %convert_element_type3A_343 = arith.extui %eq3A_342 : i1 to i32
      %cond3A_344 = arith.constant 0 : i32
      %cond3A_345 = arith.cmpi ne, %convert_element_type3A_343, %cond3A_344 : i32
      scf.if %cond3A_345 {
        %dma_start3A_407 = arith.constant 2 : i32
        %dma_start3A_408 = arith.constant 0 : i32
        %dma_start3A_409 = arith.constant 0 : i32
        %dma_start3A_410 = tpu.memref_slice %arg9[%dma_start3A_407, %dma_start3A_408, %dma_start3A_409] : memref<5x80x64xf32, #tpu.memory_space<vmem>> -> memref<1x80x64xf32, #tpu.memory_space<vmem>>
        %dma_start3A_411 = tpu.memref_squeeze %dma_start3A_410 : memref<1x80x64xf32, #tpu.memory_space<vmem>> -> memref<80x64xf32, #tpu.memory_space<vmem>>
        %dma_start3A_412 = arith.constant 0 : i32
        %dma_start3A_413 = tpu.memref_slice %arg7[%min3A_340, %dma_start3A_412] : memref<250x80xi32, #tpu.memory_space<vmem>> -> memref<1x80xi32, #tpu.memory_space<vmem>>
        %dma_start3A_414 = tpu.memref_squeeze %dma_start3A_413 : memref<1x80xi32, #tpu.memory_space<vmem>> -> memref<80xi32, #tpu.memory_space<vmem>>
        %dma_start3A_415 = arith.constant 0 : i32
        %dma_start3A_416 = arith.constant 0 : i32
        %dma_start3A_417 = tpu.memref_slice %arg2[%dma_start3A_415, %dma_start3A_416] : memref<10000x64xf32, #tpu.memory_space<hbm>> -> memref<10000x64xf32, #tpu.memory_space<hbm>>
        tpu.enqueue_indirect_dma source(%dma_start3A_417 : memref<10000x64xf32, #tpu.memory_space<hbm>>) target(%dma_start3A_411 : memref<80x64xf32, #tpu.memory_space<vmem>>) offsets(%dma_start3A_414 : memref<80xi32, #tpu.memory_space<vmem>>) semaphore(%arg14 : memref<!tpu.dma_semaphore, #tpu.memory_space<semaphore_mem>>)
      } else {
      }
      %eq3A_346 = arith.constant 1 : i32
      %eq3A_347 = arith.cmpi eq, %arg0, %eq3A_346 : i32
      %convert_element_type3A_348 = arith.extui %eq3A_347 : i1 to i32
      %cond3A_349 = arith.constant 0 : i32
      %cond3A_350 = arith.cmpi ne, %convert_element_type3A_348, %cond3A_349 : i32
      scf.if %cond3A_350 {
        %dma_start3A_407 = arith.constant 2 : i32
        %dma_start3A_408 = arith.constant 0 : i32
        %dma_start3A_409 = arith.constant 0 : i32
        %dma_start3A_410 = tpu.memref_slice %arg9[%dma_start3A_407, %dma_start3A_408, %dma_start3A_409] : memref<5x80x64xf32, #tpu.memory_space<vmem>> -> memref<1x80x64xf32, #tpu.memory_space<vmem>>
        %dma_start3A_411 = tpu.memref_squeeze %dma_start3A_410 : memref<1x80x64xf32, #tpu.memory_space<vmem>> -> memref<80x64xf32, #tpu.memory_space<vmem>>
        %dma_start3A_412 = arith.constant 0 : i32
        %dma_start3A_413 = tpu.memref_slice %arg7[%min3A_340, %dma_start3A_412] : memref<250x80xi32, #tpu.memory_space<vmem>> -> memref<1x80xi32, #tpu.memory_space<vmem>>
        %dma_start3A_414 = tpu.memref_squeeze %dma_start3A_413 : memref<1x80xi32, #tpu.memory_space<vmem>> -> memref<80xi32, #tpu.memory_space<vmem>>
        %dma_start3A_415 = arith.constant 0 : i32
        %dma_start3A_416 = arith.constant 0 : i32
        %dma_start3A_417 = tpu.memref_slice %arg3[%dma_start3A_415, %dma_start3A_416] : memref<10000x64xf32, #tpu.memory_space<hbm>> -> memref<10000x64xf32, #tpu.memory_space<hbm>>
        tpu.enqueue_indirect_dma source(%dma_start3A_417 : memref<10000x64xf32, #tpu.memory_space<hbm>>) target(%dma_start3A_411 : memref<80x64xf32, #tpu.memory_space<vmem>>) offsets(%dma_start3A_414 : memref<80xi32, #tpu.memory_space<vmem>>) semaphore(%arg14 : memref<!tpu.dma_semaphore, #tpu.memory_space<semaphore_mem>>)
      } else {
      }
      %dma_wait3A_351 = arith.constant 3 : i32
      %dma_wait3A_352 = arith.constant 0 : i32
      %dma_wait3A_353 = arith.constant 0 : i32
      %dma_wait3A_354 = arith.constant 0 : i32
      %dma_wait3A_355 = tpu.memref_slice %arg9[%dma_wait3A_351, %dma_wait3A_353, %dma_wait3A_354] : memref<5x80x64xf32, #tpu.memory_space<vmem>> -> memref<1x80x64xf32, #tpu.memory_space<vmem>>
      %dma_wait3A_356 = tpu.memref_squeeze %dma_wait3A_355 : memref<1x80x64xf32, #tpu.memory_space<vmem>> -> memref<80x64xf32, #tpu.memory_space<vmem>>
      %dma_wait3A_357 = arith.constant 0 : i32
      %dma_wait3A_358 = tpu.memref_slice %arg8[%dma_wait3A_352, %dma_wait3A_357] : memref<250x80xi32, #tpu.memory_space<vmem>> -> memref<1x80xi32, #tpu.memory_space<vmem>>
      %dma_wait3A_359 = tpu.memref_squeeze %dma_wait3A_358 : memref<1x80xi32, #tpu.memory_space<vmem>> -> memref<80xi32, #tpu.memory_space<vmem>>
      %dma_wait3A_360 = arith.constant 0 : i32
      %dma_wait3A_361 = arith.constant 0 : i32
      %dma_wait3A_362 = tpu.memref_slice %arg11[%dma_wait3A_360, %dma_wait3A_361] : memref<10240x64xf32, #tpu.memory_space<vmem_shared>> -> memref<10240x64xf32, #tpu.memory_space<vmem_shared>>
      tpu.wait_indirect_dma semaphore(%arg20 : memref<!tpu.dma_semaphore, #tpu.memory_space<semaphore_mem>>) src(%dma_wait3A_356 : memref<80x64xf32, #tpu.memory_space<vmem>>) dst(%dma_wait3A_362 : memref<10240x64xf32, #tpu.memory_space<vmem_shared>>)
      %add3A_363 = arith.constant 3 : i32
      %add3A_364 = arith.addi %mul3A_143, %add3A_363 : i32
      %add3A_365 = arith.constant 5 : i32
      %add3A_366 = arith.addi %add3A_364, %add3A_365 : i32
      %min3A_367 = arith.constant 249 : i32
      %min3A_368 = arith.minsi %add3A_366, %min3A_367 : i32
      %eq3A_369 = arith.constant 0 : i32
      %eq3A_370 = arith.cmpi eq, %arg0, %eq3A_369 : i32
      %convert_element_type3A_371 = arith.extui %eq3A_370 : i1 to i32
      %cond3A_372 = arith.constant 0 : i32
      %cond3A_373 = arith.cmpi ne, %convert_element_type3A_371, %cond3A_372 : i32
      scf.if %cond3A_373 {
        %dma_start3A_407 = arith.constant 3 : i32
        %dma_start3A_408 = arith.constant 0 : i32
        %dma_start3A_409 = arith.constant 0 : i32
        %dma_start3A_410 = tpu.memref_slice %arg9[%dma_start3A_407, %dma_start3A_408, %dma_start3A_409] : memref<5x80x64xf32, #tpu.memory_space<vmem>> -> memref<1x80x64xf32, #tpu.memory_space<vmem>>
        %dma_start3A_411 = tpu.memref_squeeze %dma_start3A_410 : memref<1x80x64xf32, #tpu.memory_space<vmem>> -> memref<80x64xf32, #tpu.memory_space<vmem>>
        %dma_start3A_412 = arith.constant 0 : i32
        %dma_start3A_413 = tpu.memref_slice %arg7[%min3A_368, %dma_start3A_412] : memref<250x80xi32, #tpu.memory_space<vmem>> -> memref<1x80xi32, #tpu.memory_space<vmem>>
        %dma_start3A_414 = tpu.memref_squeeze %dma_start3A_413 : memref<1x80xi32, #tpu.memory_space<vmem>> -> memref<80xi32, #tpu.memory_space<vmem>>
        %dma_start3A_415 = arith.constant 0 : i32
        %dma_start3A_416 = arith.constant 0 : i32
        %dma_start3A_417 = tpu.memref_slice %arg2[%dma_start3A_415, %dma_start3A_416] : memref<10000x64xf32, #tpu.memory_space<hbm>> -> memref<10000x64xf32, #tpu.memory_space<hbm>>
        tpu.enqueue_indirect_dma source(%dma_start3A_417 : memref<10000x64xf32, #tpu.memory_space<hbm>>) target(%dma_start3A_411 : memref<80x64xf32, #tpu.memory_space<vmem>>) offsets(%dma_start3A_414 : memref<80xi32, #tpu.memory_space<vmem>>) semaphore(%arg15 : memref<!tpu.dma_semaphore, #tpu.memory_space<semaphore_mem>>)
      } else {
      }
      %eq3A_374 = arith.constant 1 : i32
      %eq3A_375 = arith.cmpi eq, %arg0, %eq3A_374 : i32
      %convert_element_type3A_376 = arith.extui %eq3A_375 : i1 to i32
      %cond3A_377 = arith.constant 0 : i32
      %cond3A_378 = arith.cmpi ne, %convert_element_type3A_376, %cond3A_377 : i32
      scf.if %cond3A_378 {
        %dma_start3A_407 = arith.constant 3 : i32
        %dma_start3A_408 = arith.constant 0 : i32
        %dma_start3A_409 = arith.constant 0 : i32
        %dma_start3A_410 = tpu.memref_slice %arg9[%dma_start3A_407, %dma_start3A_408, %dma_start3A_409] : memref<5x80x64xf32, #tpu.memory_space<vmem>> -> memref<1x80x64xf32, #tpu.memory_space<vmem>>
        %dma_start3A_411 = tpu.memref_squeeze %dma_start3A_410 : memref<1x80x64xf32, #tpu.memory_space<vmem>> -> memref<80x64xf32, #tpu.memory_space<vmem>>
        %dma_start3A_412 = arith.constant 0 : i32
        %dma_start3A_413 = tpu.memref_slice %arg7[%min3A_368, %dma_start3A_412] : memref<250x80xi32, #tpu.memory_space<vmem>> -> memref<1x80xi32, #tpu.memory_space<vmem>>
        %dma_start3A_414 = tpu.memref_squeeze %dma_start3A_413 : memref<1x80xi32, #tpu.memory_space<vmem>> -> memref<80xi32, #tpu.memory_space<vmem>>
        %dma_start3A_415 = arith.constant 0 : i32
        %dma_start3A_416 = arith.constant 0 : i32
        %dma_start3A_417 = tpu.memref_slice %arg3[%dma_start3A_415, %dma_start3A_416] : memref<10000x64xf32, #tpu.memory_space<hbm>> -> memref<10000x64xf32, #tpu.memory_space<hbm>>
        tpu.enqueue_indirect_dma source(%dma_start3A_417 : memref<10000x64xf32, #tpu.memory_space<hbm>>) target(%dma_start3A_411 : memref<80x64xf32, #tpu.memory_space<vmem>>) offsets(%dma_start3A_414 : memref<80xi32, #tpu.memory_space<vmem>>) semaphore(%arg15 : memref<!tpu.dma_semaphore, #tpu.memory_space<semaphore_mem>>)
      } else {
      }
      %dma_wait3A_379 = arith.constant 4 : i32
      %dma_wait3A_380 = arith.constant 0 : i32
      %dma_wait3A_381 = arith.constant 0 : i32
      %dma_wait3A_382 = arith.constant 0 : i32
      %dma_wait3A_383 = tpu.memref_slice %arg9[%dma_wait3A_379, %dma_wait3A_381, %dma_wait3A_382] : memref<5x80x64xf32, #tpu.memory_space<vmem>> -> memref<1x80x64xf32, #tpu.memory_space<vmem>>
      %dma_wait3A_384 = tpu.memref_squeeze %dma_wait3A_383 : memref<1x80x64xf32, #tpu.memory_space<vmem>> -> memref<80x64xf32, #tpu.memory_space<vmem>>
      %dma_wait3A_385 = arith.constant 0 : i32
      %dma_wait3A_386 = tpu.memref_slice %arg8[%dma_wait3A_380, %dma_wait3A_385] : memref<250x80xi32, #tpu.memory_space<vmem>> -> memref<1x80xi32, #tpu.memory_space<vmem>>
      %dma_wait3A_387 = tpu.memref_squeeze %dma_wait3A_386 : memref<1x80xi32, #tpu.memory_space<vmem>> -> memref<80xi32, #tpu.memory_space<vmem>>
      %dma_wait3A_388 = arith.constant 0 : i32
      %dma_wait3A_389 = arith.constant 0 : i32
      %dma_wait3A_390 = tpu.memref_slice %arg11[%dma_wait3A_388, %dma_wait3A_389] : memref<10240x64xf32, #tpu.memory_space<vmem_shared>> -> memref<10240x64xf32, #tpu.memory_space<vmem_shared>>
      tpu.wait_indirect_dma semaphore(%arg21 : memref<!tpu.dma_semaphore, #tpu.memory_space<semaphore_mem>>) src(%dma_wait3A_384 : memref<80x64xf32, #tpu.memory_space<vmem>>) dst(%dma_wait3A_390 : memref<10240x64xf32, #tpu.memory_space<vmem_shared>>)
      %add3A_391 = arith.constant 4 : i32
      %add3A_392 = arith.addi %mul3A_143, %add3A_391 : i32
      %add3A_393 = arith.constant 5 : i32
      %add3A_394 = arith.addi %add3A_392, %add3A_393 : i32
      %min3A_395 = arith.constant 249 : i32
      %min3A_396 = arith.minsi %add3A_394, %min3A_395 : i32
      %eq3A_397 = arith.constant 0 : i32
      %eq3A_398 = arith.cmpi eq, %arg0, %eq3A_397 : i32
      %convert_element_type3A_399 = arith.extui %eq3A_398 : i1 to i32
      %cond3A_400 = arith.constant 0 : i32
      %cond3A_401 = arith.cmpi ne, %convert_element_type3A_399, %cond3A_400 : i32
      scf.if %cond3A_401 {
        %dma_start3A_407 = arith.constant 4 : i32
        %dma_start3A_408 = arith.constant 0 : i32
        %dma_start3A_409 = arith.constant 0 : i32
        %dma_start3A_410 = tpu.memref_slice %arg9[%dma_start3A_407, %dma_start3A_408, %dma_start3A_409] : memref<5x80x64xf32, #tpu.memory_space<vmem>> -> memref<1x80x64xf32, #tpu.memory_space<vmem>>
        %dma_start3A_411 = tpu.memref_squeeze %dma_start3A_410 : memref<1x80x64xf32, #tpu.memory_space<vmem>> -> memref<80x64xf32, #tpu.memory_space<vmem>>
        %dma_start3A_412 = arith.constant 0 : i32
        %dma_start3A_413 = tpu.memref_slice %arg7[%min3A_396, %dma_start3A_412] : memref<250x80xi32, #tpu.memory_space<vmem>> -> memref<1x80xi32, #tpu.memory_space<vmem>>
        %dma_start3A_414 = tpu.memref_squeeze %dma_start3A_413 : memref<1x80xi32, #tpu.memory_space<vmem>> -> memref<80xi32, #tpu.memory_space<vmem>>
        %dma_start3A_415 = arith.constant 0 : i32
        %dma_start3A_416 = arith.constant 0 : i32
        %dma_start3A_417 = tpu.memref_slice %arg2[%dma_start3A_415, %dma_start3A_416] : memref<10000x64xf32, #tpu.memory_space<hbm>> -> memref<10000x64xf32, #tpu.memory_space<hbm>>
        tpu.enqueue_indirect_dma source(%dma_start3A_417 : memref<10000x64xf32, #tpu.memory_space<hbm>>) target(%dma_start3A_411 : memref<80x64xf32, #tpu.memory_space<vmem>>) offsets(%dma_start3A_414 : memref<80xi32, #tpu.memory_space<vmem>>) semaphore(%arg16 : memref<!tpu.dma_semaphore, #tpu.memory_space<semaphore_mem>>)
      } else {
      }
      %eq3A_402 = arith.constant 1 : i32
      %eq3A_403 = arith.cmpi eq, %arg0, %eq3A_402 : i32
      %convert_element_type3A_404 = arith.extui %eq3A_403 : i1 to i32
      %cond3A_405 = arith.constant 0 : i32
      %cond3A_406 = arith.cmpi ne, %convert_element_type3A_404, %cond3A_405 : i32
      scf.if %cond3A_406 {
        %dma_start3A_407 = arith.constant 4 : i32
        %dma_start3A_408 = arith.constant 0 : i32
        %dma_start3A_409 = arith.constant 0 : i32
        %dma_start3A_410 = tpu.memref_slice %arg9[%dma_start3A_407, %dma_start3A_408, %dma_start3A_409] : memref<5x80x64xf32, #tpu.memory_space<vmem>> -> memref<1x80x64xf32, #tpu.memory_space<vmem>>
        %dma_start3A_411 = tpu.memref_squeeze %dma_start3A_410 : memref<1x80x64xf32, #tpu.memory_space<vmem>> -> memref<80x64xf32, #tpu.memory_space<vmem>>
        %dma_start3A_412 = arith.constant 0 : i32
        %dma_start3A_413 = tpu.memref_slice %arg7[%min3A_396, %dma_start3A_412] : memref<250x80xi32, #tpu.memory_space<vmem>> -> memref<1x80xi32, #tpu.memory_space<vmem>>
        %dma_start3A_414 = tpu.memref_squeeze %dma_start3A_413 : memref<1x80xi32, #tpu.memory_space<vmem>> -> memref<80xi32, #tpu.memory_space<vmem>>
        %dma_start3A_415 = arith.constant 0 : i32
        %dma_start3A_416 = arith.constant 0 : i32
        %dma_start3A_417 = tpu.memref_slice %arg3[%dma_start3A_415, %dma_start3A_416] : memref<10000x64xf32, #tpu.memory_space<hbm>> -> memref<10000x64xf32, #tpu.memory_space<hbm>>
        tpu.enqueue_indirect_dma source(%dma_start3A_417 : memref<10000x64xf32, #tpu.memory_space<hbm>>) target(%dma_start3A_411 : memref<80x64xf32, #tpu.memory_space<vmem>>) offsets(%dma_start3A_414 : memref<80xi32, #tpu.memory_space<vmem>>) semaphore(%arg16 : memref<!tpu.dma_semaphore, #tpu.memory_space<semaphore_mem>>)
      } else {
      }
    }
    %scan3A_76 = arith.constant 50 : i32
    %dma_wait3A = arith.constant 0 : i32
    %dma_wait3A_77 = arith.constant 0 : i32
    %dma_wait3A_78 = arith.constant 0 : i32
    %dma_wait3A_79 = arith.constant 0 : i32
    %dma_wait3A_80 = tpu.memref_slice %arg9[%dma_wait3A_77, %dma_wait3A_78, %dma_wait3A_79] : memref<5x80x64xf32, #tpu.memory_space<vmem>> -> memref<1x80x64xf32, #tpu.memory_space<vmem>>
    %dma_wait3A_81 = tpu.memref_squeeze %dma_wait3A_80 : memref<1x80x64xf32, #tpu.memory_space<vmem>> -> memref<80x64xf32, #tpu.memory_space<vmem>>
    %dma_wait3A_82 = arith.constant 0 : i32
    %dma_wait3A_83 = tpu.memref_slice %arg7[%dma_wait3A, %dma_wait3A_82] : memref<250x80xi32, #tpu.memory_space<vmem>> -> memref<1x80xi32, #tpu.memory_space<vmem>>
    %dma_wait3A_84 = tpu.memref_squeeze %dma_wait3A_83 : memref<1x80xi32, #tpu.memory_space<vmem>> -> memref<80xi32, #tpu.memory_space<vmem>>
    %dma_wait3A_85 = arith.constant 0 : i32
    %dma_wait3A_86 = arith.constant 0 : i32
    %dma_wait3A_87 = tpu.memref_slice %arg2[%dma_wait3A_85, %dma_wait3A_86] : memref<10000x64xf32, #tpu.memory_space<hbm>> -> memref<10000x64xf32, #tpu.memory_space<hbm>>
    tpu.wait_indirect_dma semaphore(%arg12 : memref<!tpu.dma_semaphore, #tpu.memory_space<semaphore_mem>>) src(%dma_wait3A_87 : memref<10000x64xf32, #tpu.memory_space<hbm>>) dst(%dma_wait3A_81 : memref<80x64xf32, #tpu.memory_space<vmem>>)
    %dma_wait3A_88 = arith.constant 0 : i32
    %dma_wait3A_89 = arith.constant 1 : i32
    %dma_wait3A_90 = arith.constant 0 : i32
    %dma_wait3A_91 = arith.constant 0 : i32
    %dma_wait3A_92 = tpu.memref_slice %arg9[%dma_wait3A_89, %dma_wait3A_90, %dma_wait3A_91] : memref<5x80x64xf32, #tpu.memory_space<vmem>> -> memref<1x80x64xf32, #tpu.memory_space<vmem>>
    %dma_wait3A_93 = tpu.memref_squeeze %dma_wait3A_92 : memref<1x80x64xf32, #tpu.memory_space<vmem>> -> memref<80x64xf32, #tpu.memory_space<vmem>>
    %dma_wait3A_94 = arith.constant 0 : i32
    %dma_wait3A_95 = tpu.memref_slice %arg7[%dma_wait3A_88, %dma_wait3A_94] : memref<250x80xi32, #tpu.memory_space<vmem>> -> memref<1x80xi32, #tpu.memory_space<vmem>>
    %dma_wait3A_96 = tpu.memref_squeeze %dma_wait3A_95 : memref<1x80xi32, #tpu.memory_space<vmem>> -> memref<80xi32, #tpu.memory_space<vmem>>
    %dma_wait3A_97 = arith.constant 0 : i32
    %dma_wait3A_98 = arith.constant 0 : i32
    %dma_wait3A_99 = tpu.memref_slice %arg2[%dma_wait3A_97, %dma_wait3A_98] : memref<10000x64xf32, #tpu.memory_space<hbm>> -> memref<10000x64xf32, #tpu.memory_space<hbm>>
    tpu.wait_indirect_dma semaphore(%arg13 : memref<!tpu.dma_semaphore, #tpu.memory_space<semaphore_mem>>) src(%dma_wait3A_99 : memref<10000x64xf32, #tpu.memory_space<hbm>>) dst(%dma_wait3A_93 : memref<80x64xf32, #tpu.memory_space<vmem>>)
    %dma_wait3A_100 = arith.constant 0 : i32
    %dma_wait3A_101 = arith.constant 2 : i32
    %dma_wait3A_102 = arith.constant 0 : i32
    %dma_wait3A_103 = arith.constant 0 : i32
    %dma_wait3A_104 = tpu.memref_slice %arg9[%dma_wait3A_101, %dma_wait3A_102, %dma_wait3A_103] : memref<5x80x64xf32, #tpu.memory_space<vmem>> -> memref<1x80x64xf32, #tpu.memory_space<vmem>>
    %dma_wait3A_105 = tpu.memref_squeeze %dma_wait3A_104 : memref<1x80x64xf32, #tpu.memory_space<vmem>> -> memref<80x64xf32, #tpu.memory_space<vmem>>
    %dma_wait3A_106 = arith.constant 0 : i32
    %dma_wait3A_107 = tpu.memref_slice %arg7[%dma_wait3A_100, %dma_wait3A_106] : memref<250x80xi32, #tpu.memory_space<vmem>> -> memref<1x80xi32, #tpu.memory_space<vmem>>
    %dma_wait3A_108 = tpu.memref_squeeze %dma_wait3A_107 : memref<1x80xi32, #tpu.memory_space<vmem>> -> memref<80xi32, #tpu.memory_space<vmem>>
    %dma_wait3A_109 = arith.constant 0 : i32
    %dma_wait3A_110 = arith.constant 0 : i32
    %dma_wait3A_111 = tpu.memref_slice %arg2[%dma_wait3A_109, %dma_wait3A_110] : memref<10000x64xf32, #tpu.memory_space<hbm>> -> memref<10000x64xf32, #tpu.memory_space<hbm>>
    tpu.wait_indirect_dma semaphore(%arg14 : memref<!tpu.dma_semaphore, #tpu.memory_space<semaphore_mem>>) src(%dma_wait3A_111 : memref<10000x64xf32, #tpu.memory_space<hbm>>) dst(%dma_wait3A_105 : memref<80x64xf32, #tpu.memory_space<vmem>>)
    %dma_wait3A_112 = arith.constant 0 : i32
    %dma_wait3A_113 = arith.constant 3 : i32
    %dma_wait3A_114 = arith.constant 0 : i32
    %dma_wait3A_115 = arith.constant 0 : i32
    %dma_wait3A_116 = tpu.memref_slice %arg9[%dma_wait3A_113, %dma_wait3A_114, %dma_wait3A_115] : memref<5x80x64xf32, #tpu.memory_space<vmem>> -> memref<1x80x64xf32, #tpu.memory_space<vmem>>
    %dma_wait3A_117 = tpu.memref_squeeze %dma_wait3A_116 : memref<1x80x64xf32, #tpu.memory_space<vmem>> -> memref<80x64xf32, #tpu.memory_space<vmem>>
    %dma_wait3A_118 = arith.constant 0 : i32
    %dma_wait3A_119 = tpu.memref_slice %arg7[%dma_wait3A_112, %dma_wait3A_118] : memref<250x80xi32, #tpu.memory_space<vmem>> -> memref<1x80xi32, #tpu.memory_space<vmem>>
    %dma_wait3A_120 = tpu.memref_squeeze %dma_wait3A_119 : memref<1x80xi32, #tpu.memory_space<vmem>> -> memref<80xi32, #tpu.memory_space<vmem>>
    %dma_wait3A_121 = arith.constant 0 : i32
    %dma_wait3A_122 = arith.constant 0 : i32
    %dma_wait3A_123 = tpu.memref_slice %arg2[%dma_wait3A_121, %dma_wait3A_122] : memref<10000x64xf32, #tpu.memory_space<hbm>> -> memref<10000x64xf32, #tpu.memory_space<hbm>>
    tpu.wait_indirect_dma semaphore(%arg15 : memref<!tpu.dma_semaphore, #tpu.memory_space<semaphore_mem>>) src(%dma_wait3A_123 : memref<10000x64xf32, #tpu.memory_space<hbm>>) dst(%dma_wait3A_117 : memref<80x64xf32, #tpu.memory_space<vmem>>)
    %dma_wait3A_124 = arith.constant 0 : i32
    %dma_wait3A_125 = arith.constant 4 : i32
    %dma_wait3A_126 = arith.constant 0 : i32
    %dma_wait3A_127 = arith.constant 0 : i32
    %dma_wait3A_128 = tpu.memref_slice %arg9[%dma_wait3A_125, %dma_wait3A_126, %dma_wait3A_127] : memref<5x80x64xf32, #tpu.memory_space<vmem>> -> memref<1x80x64xf32, #tpu.memory_space<vmem>>
    %dma_wait3A_129 = tpu.memref_squeeze %dma_wait3A_128 : memref<1x80x64xf32, #tpu.memory_space<vmem>> -> memref<80x64xf32, #tpu.memory_space<vmem>>
    %dma_wait3A_130 = arith.constant 0 : i32
    %dma_wait3A_131 = tpu.memref_slice %arg7[%dma_wait3A_124, %dma_wait3A_130] : memref<250x80xi32, #tpu.memory_space<vmem>> -> memref<1x80xi32, #tpu.memory_space<vmem>>
    %dma_wait3A_132 = tpu.memref_squeeze %dma_wait3A_131 : memref<1x80xi32, #tpu.memory_space<vmem>> -> memref<80xi32, #tpu.memory_space<vmem>>
    %dma_wait3A_133 = arith.constant 0 : i32
    %dma_wait3A_134 = arith.constant 0 : i32
    %dma_wait3A_135 = tpu.memref_slice %arg2[%dma_wait3A_133, %dma_wait3A_134] : memref<10000x64xf32, #tpu.memory_space<hbm>> -> memref<10000x64xf32, #tpu.memory_space<hbm>>
    tpu.wait_indirect_dma semaphore(%arg16 : memref<!tpu.dma_semaphore, #tpu.memory_space<semaphore_mem>>) src(%dma_wait3A_135 : memref<10000x64xf32, #tpu.memory_space<hbm>>) dst(%dma_wait3A_129 : memref<80x64xf32, #tpu.memory_space<vmem>>)
    %barrier3A_136 = arith.constant 0 : index
    tpu.barrier barrier_id(%barrier3A_136)
    %mul3A_137 = arith.constant 640 : i32
    %mul3A_138 = arith.muli %arg1, %mul3A_137 : i32
    %mul3A_139 = arith.constant 640 : i32
    %mul3A_140 = arith.muli %arg1, %mul3A_139 : i32
    "tpu.region"() ({
      %run_scoped3A = tpu.sem_alloc : memref<!tpu.dma_semaphore, #tpu.memory_space<semaphore_mem>>
      %dma_start3A = arith.constant 0 : i32
      %dma_start3A_141 = tpu.memref_slice %arg6[%arg0, %mul3A_140, %dma_start3A] : memref<2x10240x64xf32, #tpu.memory_space<hbm>> -> memref<1x640x64xf32, #tpu.memory_space<hbm>>
      %dma_start3A_142 = tpu.memref_squeeze %dma_start3A_141 : memref<1x640x64xf32, #tpu.memory_space<hbm>> -> memref<640x64xf32, #tpu.memory_space<hbm>>
      %dma_start3A_143 = arith.constant 0 : i32
      %dma_start3A_144 = tpu.memref_slice %arg11[%mul3A_138, %dma_start3A_143] : memref<10240x64xf32, #tpu.memory_space<vmem_shared>> -> memref<640x64xf32, #tpu.memory_space<vmem_shared>>
      tpu.enqueue_dma source(%dma_start3A_144 : memref<640x64xf32, #tpu.memory_space<vmem_shared>>) target(%dma_start3A_142 : memref<640x64xf32, #tpu.memory_space<hbm>>) target_semaphore(%run_scoped3A : memref<!tpu.dma_semaphore, #tpu.memory_space<semaphore_mem>>)
      %dma_wait3A_145 = arith.constant 0 : i32
      %dma_wait3A_146 = tpu.memref_slice %arg6[%arg0, %mul3A_140, %dma_wait3A_145] : memref<2x10240x64xf32, #tpu.memory_space<hbm>> -> memref<1x640x64xf32, #tpu.memory_space<hbm>>
      %dma_wait3A_147 = tpu.memref_squeeze %dma_wait3A_146 : memref<1x640x64xf32, #tpu.memory_space<hbm>> -> memref<640x64xf32, #tpu.memory_space<hbm>>
      %dma_wait3A_148 = arith.constant 0 : i32
      %dma_wait3A_149 = tpu.memref_slice %arg11[%mul3A_138, %dma_wait3A_148] : memref<10240x64xf32, #tpu.memory_space<vmem_shared>> -> memref<640x64xf32, #tpu.memory_space<vmem_shared>>
      tpu.wait_dma2 semaphore(%run_scoped3A : memref<!tpu.dma_semaphore, #tpu.memory_space<semaphore_mem>>) src(%dma_wait3A_149 : memref<640x64xf32, #tpu.memory_space<vmem_shared>>) dst(%dma_wait3A_147 : memref<640x64xf32, #tpu.memory_space<hbm>>)
      tpu.yield
    }) : () -> ()
    return
  }
}

module attributes {stable_mosaic.version = 14 : i64} {
  func.func @_tc1_body(%arg0: i32, %arg1: memref<2000x128xf32, #tpu.memory_space<vmem>>, %arg2: memref<128x128xf32, #tpu.memory_space<vmem>>, %arg3: memref<2000x1xf32, #tpu.memory_space<vmem>>, %arg4: memref<2000x64xf32, #tpu.memory_space<vmem>>, %arg5: memref<2000x64xf32, #tpu.memory_space<vmem>>) attributes {dimension_semantics = [#tpu.dimension_semantics<arbitrary>], iteration_bounds = array<i64: 5>, scalar_prefetch = 0 : i64, scratch_operands = 0 : i64, tpu.core_type = #tpu.core_type<tc>, window_params = [{transform_indices = @transform_0, window_bounds = array<i64: 2000, 128>}, {pipeline_mode = #tpu.pipeline_mode<synchronous>, transform_indices = @transform_1, window_bounds = array<i64: 128, 128>}, {transform_indices = @transform_2, window_bounds = array<i64: 2000, 1>}, {transform_indices = @transform_3, window_bounds = array<i64: 2000, 64>}, {transform_indices = @transform_4, window_bounds = array<i64: 2000, 64>}]} {
    %get3A = arith.constant 0 : index
    %get3A_0 = arith.constant 0 : index
    %get3A_1 = vector.load %arg3[%get3A, %get3A_0] : memref<2000x1xf32, #tpu.memory_space<vmem>>, vector<2000x1xf32>
    %rsqrt3A = math.rsqrt %get3A_1 : vector<2000x1xf32>
    %get3A_2 = arith.constant 0 : index
    %get3A_3 = arith.constant 0 : index
    %get3A_4 = vector.load %arg1[%get3A_2, %get3A_3] : memref<2000x128xf32, #tpu.memory_space<vmem>>, vector<2000x128xf32>
    %get3A_5 = arith.constant 0 : index
    %get3A_6 = arith.constant 0 : index
    %get3A_7 = vector.load %arg2[%get3A_5, %get3A_6] : memref<128x128xf32, #tpu.memory_space<vmem>>, vector<128x128xf32>
    %dot_general3A = arith.constant dense<0.000000e+00> : vector<2000x128xf32>
    %dot_general3A_8 = tpu.matmul %get3A_4, %get3A_7, %dot_general3A {dimension_numbers = #tpu.dot_dimension_numbers<[1], [0], [0], [1], [0, 0, 1, 1], [], []>, transpose_lhs_hint = false} : vector<2000x128xf32>, vector<128x128xf32>, vector<2000x128xf32> -> vector<2000x128xf32>
    %mul3A = vector.broadcast %rsqrt3A : vector<2000x1xf32> to vector<2000x128xf32>
    %mul3A_9 = arith.mulf %dot_general3A_8, %mul3A : vector<2000x128xf32>
    %slice3A = vector.extract_strided_slice %mul3A_9 {offsets = [0, 0], sizes = [2000, 64], strides = [1, 1]} : vector<2000x128xf32> to vector<2000x64xf32>
    %swap3A = arith.constant 0 : index
    %swap3A_10 = arith.constant 0 : index
    %swap3A_11 = vector.load %arg4[%swap3A, %swap3A_10] : memref<2000x64xf32, #tpu.memory_space<vmem>>, vector<2000x64xf32>
    tpu.vector_store %arg4[%swap3A, %swap3A_10], %slice3A {strides = array<i32>} : memref<2000x64xf32, #tpu.memory_space<vmem>>, vector<2000x64xf32>,
    %slice3A_12 = vector.extract_strided_slice %mul3A_9 {offsets = [0, 64], sizes = [2000, 64], strides = [1, 1]} : vector<2000x128xf32> to vector<2000x64xf32>
    %swap3A_13 = arith.constant 0 : index
    %swap3A_14 = arith.constant 0 : index
    %swap3A_15 = vector.load %arg5[%swap3A_13, %swap3A_14] : memref<2000x64xf32, #tpu.memory_space<vmem>>, vector<2000x64xf32>
    tpu.vector_store %arg5[%swap3A_13, %swap3A_14], %slice3A_12 {strides = array<i32>} : memref<2000x64xf32, #tpu.memory_space<vmem>>, vector<2000x64xf32>,
    return
  }
  func.func @transform_0(%arg0: i32) -> (i32, i32) {
    %c0_i32 = arith.constant 0 : i32
    %c0_i32_0 = arith.constant 0 : i32
    return %arg0, %c0_i32 : i32, i32
  }
  func.func @transform_1(%arg0: i32) -> (i32, i32) {
    %c0_i32 = arith.constant 0 : i32
    %c0_i32_0 = arith.constant 0 : i32
    %c0_i32_1 = arith.constant 0 : i32
    return %c0_i32, %c0_i32_0 : i32, i32
  }
  func.func @transform_2(%arg0: i32) -> (i32, i32) {
    %c0_i32 = arith.constant 0 : i32
    %c0_i32_0 = arith.constant 0 : i32
    return %arg0, %c0_i32 : i32, i32
  }
  func.func @transform_3(%arg0: i32) -> (i32, i32) {
    %c0_i32 = arith.constant 0 : i32
    %c0_i32_0 = arith.constant 0 : i32
    return %arg0, %c0_i32 : i32, i32
  }
  func.func @transform_4(%arg0: i32) -> (i32, i32) {
    %c0_i32 = arith.constant 0 : i32
    %c0_i32_0 = arith.constant 0 : i32
    return %arg0, %c0_i32 : i32, i32
  }
}

module attributes {stable_mosaic.version = 14 : i64} {
  func.func @_tc2_body(%arg0: i32, %arg1: memref<1x2000x64xf32, #tpu.memory_space<vmem>>, %arg2: memref<1x2000x64xf32, #tpu.memory_space<vmem>>, %arg3: memref<2000x64xf32, #tpu.memory_space<vmem>>, %arg4: memref<2000x64xf32, #tpu.memory_space<vmem>>, %arg5: memref<2000x1xf32, #tpu.memory_space<vmem>>, %arg6: memref<1x128xf32, #tpu.memory_space<vmem>>, %arg7: memref<1x128xf32, #tpu.memory_space<vmem>>, %arg8: memref<128x128xf32, #tpu.memory_space<vmem>>, %arg9: memref<2000x64xf32, #tpu.memory_space<vmem>>, %arg10: memref<2000x64xf32, #tpu.memory_space<vmem>>) attributes {dimension_semantics = [#tpu.dimension_semantics<arbitrary>], iteration_bounds = array<i64: 5>, scalar_prefetch = 0 : i64, scratch_operands = 0 : i64, tpu.core_type = #tpu.core_type<tc>, window_params = [{transform_indices = @transform_0, window_bounds = array<i64: 1, 2000, 64>}, {transform_indices = @transform_1, window_bounds = array<i64: 1, 2000, 64>}, {transform_indices = @transform_2, window_bounds = array<i64: 2000, 64>}, {transform_indices = @transform_3, window_bounds = array<i64: 2000, 64>}, {transform_indices = @transform_4, window_bounds = array<i64: 2000, 1>}, {pipeline_mode = #tpu.pipeline_mode<synchronous>, transform_indices = @transform_5, window_bounds = array<i64: 1, 128>}, {pipeline_mode = #tpu.pipeline_mode<synchronous>, transform_indices = @transform_6, window_bounds = array<i64: 1, 128>}, {pipeline_mode = #tpu.pipeline_mode<synchronous>, transform_indices = @transform_7, window_bounds = array<i64: 128, 128>}, {transform_indices = @transform_8, window_bounds = array<i64: 2000, 64>}, {transform_indices = @transform_9, window_bounds = array<i64: 2000, 64>}]} {
    %get3A = arith.constant 0 : index
    %get3A_0 = arith.constant 0 : index
    %get3A_1 = vector.load %arg5[%get3A, %get3A_0] : memref<2000x1xf32, #tpu.memory_space<vmem>>, vector<2000x1xf32>
    %rsqrt3A = math.rsqrt %get3A_1 : vector<2000x1xf32>
    %get3A_2 = arith.constant 0 : index
    %get3A_3 = arith.constant 0 : index
    %get3A_4 = arith.constant 0 : index
    %get3A_5 = vector.load %arg1[%get3A_2, %get3A_3, %get3A_4] : memref<1x2000x64xf32, #tpu.memory_space<vmem>>, vector<1x2000x64xf32>
    %get3A_6 = vector.shape_cast %get3A_5 : vector<1x2000x64xf32> to vector<2000x64xf32>
    %get3A_7 = arith.constant 0 : index
    %get3A_8 = arith.constant 0 : index
    %get3A_9 = vector.load %arg3[%get3A_7, %get3A_8] : memref<2000x64xf32, #tpu.memory_space<vmem>>, vector<2000x64xf32>
    %add3A = arith.addf %get3A_6, %get3A_9 : vector<2000x64xf32>
    %mul3A = vector.broadcast %rsqrt3A : vector<2000x1xf32> to vector<2000x64xf32>
    %mul3A_10 = arith.mulf %mul3A, %add3A : vector<2000x64xf32>
    %get3A_11 = arith.constant 0 : index
    %get3A_12 = arith.constant 0 : index
    %get3A_13 = vector.load %arg6[%get3A_11, %get3A_12] : memref<1x128xf32, #tpu.memory_space<vmem>>, vector<1x64xf32>
    %add3A_14 = vector.broadcast %get3A_13 : vector<1x64xf32> to vector<2000x64xf32>
    %add3A_15 = arith.addf %mul3A_10, %add3A_14 : vector<2000x64xf32>
    %get3A_16 = arith.constant 0 : index
    %get3A_17 = arith.constant 0 : index
    %get3A_18 = arith.constant 0 : index
    %get3A_19 = vector.load %arg2[%get3A_16, %get3A_17, %get3A_18] : memref<1x2000x64xf32, #tpu.memory_space<vmem>>, vector<1x2000x64xf32>
    %get3A_20 = vector.shape_cast %get3A_19 : vector<1x2000x64xf32> to vector<2000x64xf32>
    %get3A_21 = arith.constant 0 : index
    %get3A_22 = arith.constant 0 : index
    %get3A_23 = vector.load %arg4[%get3A_21, %get3A_22] : memref<2000x64xf32, #tpu.memory_space<vmem>>, vector<2000x64xf32>
    %add3A_24 = arith.addf %get3A_20, %get3A_23 : vector<2000x64xf32>
    %mul3A_25 = vector.broadcast %rsqrt3A : vector<2000x1xf32> to vector<2000x64xf32>
    %mul3A_26 = arith.mulf %mul3A_25, %add3A_24 : vector<2000x64xf32>
    %get3A_27 = arith.constant 0 : index
    %get3A_28 = arith.constant 64 : index
    %get3A_29 = vector.load %arg6[%get3A_27, %get3A_28] : memref<1x128xf32, #tpu.memory_space<vmem>>, vector<1x64xf32>
    %add3A_30 = vector.broadcast %get3A_29 : vector<1x64xf32> to vector<2000x64xf32>
    %add3A_31 = arith.addf %mul3A_26, %add3A_30 : vector<2000x64xf32>
    %ge3A = arith.constant 0.000000e+00 : f32
    %ge3A_32 = vector.broadcast %ge3A : f32 to vector<2000x64xf32>
    %ge3A_33 = arith.cmpf oge, %add3A_15, %ge3A_32 : vector<2000x64xf32>
    %get3A_34 = arith.constant 0 : index
    %get3A_35 = arith.constant 0 : index
    %get3A_36 = vector.load %arg7[%get3A_34, %get3A_35] : memref<1x128xf32, #tpu.memory_space<vmem>>, vector<1x64xf32>
    %mul3A_37 = vector.broadcast %get3A_36 : vector<1x64xf32> to vector<2000x64xf32>
    %mul3A_38 = arith.mulf %mul3A_37, %add3A_15 : vector<2000x64xf32>
    %select_n3A = arith.select %ge3A_33, %add3A_15, %mul3A_38 : vector<2000x64xi1>, vector<2000x64xf32>
    %ge3A_39 = arith.constant 0.000000e+00 : f32
    %ge3A_40 = vector.broadcast %ge3A_39 : f32 to vector<2000x64xf32>
    %ge3A_41 = arith.cmpf oge, %add3A_31, %ge3A_40 : vector<2000x64xf32>
    %get3A_42 = arith.constant 0 : index
    %get3A_43 = arith.constant 64 : index
    %get3A_44 = vector.load %arg7[%get3A_42, %get3A_43] : memref<1x128xf32, #tpu.memory_space<vmem>>, vector<1x64xf32>
    %mul3A_45 = vector.broadcast %get3A_44 : vector<1x64xf32> to vector<2000x64xf32>
    %mul3A_46 = arith.mulf %mul3A_45, %add3A_31 : vector<2000x64xf32>
    %select_n3A_47 = arith.select %ge3A_41, %add3A_31, %mul3A_46 : vector<2000x64xi1>, vector<2000x64xf32>
    %get3A_48 = arith.constant 0 : index
    %get3A_49 = arith.constant 0 : index
    %get3A_50 = vector.load %arg8[%get3A_48, %get3A_49] : memref<128x128xf32, #tpu.memory_space<vmem>>, vector<64x128xf32>
    %dot_general3A = arith.constant dense<0.000000e+00> : vector<2000x128xf32>
    %dot_general3A_51 = tpu.matmul %select_n3A, %get3A_50, %dot_general3A {dimension_numbers = #tpu.dot_dimension_numbers<[1], [0], [0], [1], [0, 0, 1, 1], [], []>, transpose_lhs_hint = false} : vector<2000x64xf32>, vector<64x128xf32>, vector<2000x128xf32> -> vector<2000x128xf32>
    %get3A_52 = arith.constant 64 : index
    %get3A_53 = arith.constant 0 : index
    %get3A_54 = vector.load %arg8[%get3A_52, %get3A_53] : memref<128x128xf32, #tpu.memory_space<vmem>>, vector<64x128xf32>
    %dot_general3A_55 = arith.constant dense<0.000000e+00> : vector<2000x128xf32>
    %dot_general3A_56 = tpu.matmul %select_n3A_47, %get3A_54, %dot_general3A_55 {dimension_numbers = #tpu.dot_dimension_numbers<[1], [0], [0], [1], [0, 0, 1, 1], [], []>, transpose_lhs_hint = false} : vector<2000x64xf32>, vector<64x128xf32>, vector<2000x128xf32> -> vector<2000x128xf32>
    %add3A_57 = arith.addf %dot_general3A_51, %dot_general3A_56 : vector<2000x128xf32>
    %mul3A_58 = vector.broadcast %rsqrt3A : vector<2000x1xf32> to vector<2000x128xf32>
    %mul3A_59 = arith.mulf %add3A_57, %mul3A_58 : vector<2000x128xf32>
    %slice3A = vector.extract_strided_slice %mul3A_59 {offsets = [0, 0], sizes = [2000, 64], strides = [1, 1]} : vector<2000x128xf32> to vector<2000x64xf32>
    %swap3A = arith.constant 0 : index
    %swap3A_60 = arith.constant 0 : index
    %swap3A_61 = vector.load %arg9[%swap3A, %swap3A_60] : memref<2000x64xf32, #tpu.memory_space<vmem>>, vector<2000x64xf32>
    tpu.vector_store %arg9[%swap3A, %swap3A_60], %slice3A {strides = array<i32>} : memref<2000x64xf32, #tpu.memory_space<vmem>>, vector<2000x64xf32>,
    %slice3A_62 = vector.extract_strided_slice %mul3A_59 {offsets = [0, 64], sizes = [2000, 64], strides = [1, 1]} : vector<2000x128xf32> to vector<2000x64xf32>
    %swap3A_63 = arith.constant 0 : index
    %swap3A_64 = arith.constant 0 : index
    %swap3A_65 = vector.load %arg10[%swap3A_63, %swap3A_64] : memref<2000x64xf32, #tpu.memory_space<vmem>>, vector<2000x64xf32>
    tpu.vector_store %arg10[%swap3A_63, %swap3A_64], %slice3A_62 {strides = array<i32>} : memref<2000x64xf32, #tpu.memory_space<vmem>>, vector<2000x64xf32>,
    return
  }
  func.func @transform_0(%arg0: i32) -> (i32, i32, i32) {
    %c0_i32 = arith.constant 0 : i32
    %c0_i32_0 = arith.constant 0 : i32
    %c0_i32_1 = arith.constant 0 : i32
    return %c0_i32, %arg0, %c0_i32_0 : i32, i32, i32
  }
  func.func @transform_1(%arg0: i32) -> (i32, i32, i32) {
    %c1_i32 = arith.constant 1 : i32
    %c0_i32 = arith.constant 0 : i32
    %c0_i32_0 = arith.constant 0 : i32
    return %c1_i32, %arg0, %c0_i32 : i32, i32, i32
  }
  func.func @transform_2(%arg0: i32) -> (i32, i32) {
    %c0_i32 = arith.constant 0 : i32
    %c0_i32_0 = arith.constant 0 : i32
    return %arg0, %c0_i32 : i32, i32
  }
  func.func @transform_3(%arg0: i32) -> (i32, i32) {
    %c0_i32 = arith.constant 0 : i32
    %c0_i32_0 = arith.constant 0 : i32
    return %arg0, %c0_i32 : i32, i32
  }
  func.func @transform_4(%arg0: i32) -> (i32, i32) {
    %c0_i32 = arith.constant 0 : i32
    %c0_i32_0 = arith.constant 0 : i32
    return %arg0, %c0_i32 : i32, i32
  }
  func.func @transform_5(%arg0: i32) -> (i32, i32) {
    %c0_i32 = arith.constant 0 : i32
    %c0_i32_0 = arith.constant 0 : i32
    %c0_i32_1 = arith.constant 0 : i32
    return %c0_i32, %c0_i32_0 : i32, i32
  }
  func.func @transform_6(%arg0: i32) -> (i32, i32) {
    %c0_i32 = arith.constant 0 : i32
    %c0_i32_0 = arith.constant 0 : i32
    %c0_i32_1 = arith.constant 0 : i32
    return %c0_i32, %c0_i32_0 : i32, i32
  }
  func.func @transform_7(%arg0: i32) -> (i32, i32) {
    %c0_i32 = arith.constant 0 : i32
    %c0_i32_0 = arith.constant 0 : i32
    %c0_i32_1 = arith.constant 0 : i32
    return %c0_i32, %c0_i32_0 : i32, i32
  }
  func.func @transform_8(%arg0: i32) -> (i32, i32) {
    %c0_i32 = arith.constant 0 : i32
    %c0_i32_0 = arith.constant 0 : i32
    return %arg0, %c0_i32 : i32, i32
  }
  func.func @transform_9(%arg0: i32) -> (i32, i32) {
    %c0_i32 = arith.constant 0 : i32
    %c0_i32_0 = arith.constant 0 : i32
    return %arg0, %c0_i32 : i32, i32
  }
}

module attributes {stable_mosaic.version = 14 : i64} {
  func.func @_tc3_body(%arg0: i32, %arg1: memref<1x2000x64xf32, #tpu.memory_space<vmem>>, %arg2: memref<1x2000x64xf32, #tpu.memory_space<vmem>>, %arg3: memref<2000x64xf32, #tpu.memory_space<vmem>>, %arg4: memref<2000x64xf32, #tpu.memory_space<vmem>>, %arg5: memref<2000x1xf32, #tpu.memory_space<vmem>>, %arg6: memref<1x128xf32, #tpu.memory_space<vmem>>, %arg7: memref<2000x128xf32, #tpu.memory_space<vmem>>) attributes {dimension_semantics = [#tpu.dimension_semantics<arbitrary>], iteration_bounds = array<i64: 5>, scalar_prefetch = 0 : i64, scratch_operands = 0 : i64, tpu.core_type = #tpu.core_type<tc>, window_params = [{transform_indices = @transform_0, window_bounds = array<i64: 1, 2000, 64>}, {transform_indices = @transform_1, window_bounds = array<i64: 1, 2000, 64>}, {transform_indices = @transform_2, window_bounds = array<i64: 2000, 64>}, {transform_indices = @transform_3, window_bounds = array<i64: 2000, 64>}, {transform_indices = @transform_4, window_bounds = array<i64: 2000, 1>}, {pipeline_mode = #tpu.pipeline_mode<synchronous>, transform_indices = @transform_5, window_bounds = array<i64: 1, 128>}, {transform_indices = @transform_6, window_bounds = array<i64: 2000, 128>}]} {
    %get3A = arith.constant 0 : index
    %get3A_0 = arith.constant 0 : index
    %get3A_1 = vector.load %arg5[%get3A, %get3A_0] : memref<2000x1xf32, #tpu.memory_space<vmem>>, vector<2000x1xf32>
    %rsqrt3A = math.rsqrt %get3A_1 : vector<2000x1xf32>
    %get3A_2 = arith.constant 0 : index
    %get3A_3 = arith.constant 0 : index
    %get3A_4 = arith.constant 0 : index
    %get3A_5 = vector.load %arg1[%get3A_2, %get3A_3, %get3A_4] : memref<1x2000x64xf32, #tpu.memory_space<vmem>>, vector<1x2000x64xf32>
    %get3A_6 = vector.shape_cast %get3A_5 : vector<1x2000x64xf32> to vector<2000x64xf32>
    %get3A_7 = arith.constant 0 : index
    %get3A_8 = arith.constant 0 : index
    %get3A_9 = vector.load %arg3[%get3A_7, %get3A_8] : memref<2000x64xf32, #tpu.memory_space<vmem>>, vector<2000x64xf32>
    %add3A = arith.addf %get3A_6, %get3A_9 : vector<2000x64xf32>
    %mul3A = vector.broadcast %rsqrt3A : vector<2000x1xf32> to vector<2000x64xf32>
    %mul3A_10 = arith.mulf %mul3A, %add3A : vector<2000x64xf32>
    %get3A_11 = arith.constant 0 : index
    %get3A_12 = arith.constant 0 : index
    %get3A_13 = vector.load %arg6[%get3A_11, %get3A_12] : memref<1x128xf32, #tpu.memory_space<vmem>>, vector<1x64xf32>
    %add3A_14 = vector.broadcast %get3A_13 : vector<1x64xf32> to vector<2000x64xf32>
    %add3A_15 = arith.addf %mul3A_10, %add3A_14 : vector<2000x64xf32>
    %swap3A = arith.constant 0 : index
    %swap3A_16 = arith.constant 0 : index
    %swap3A_17 = vector.load %arg7[%swap3A, %swap3A_16] : memref<2000x128xf32, #tpu.memory_space<vmem>>, vector<2000x64xf32>
    tpu.vector_store %arg7[%swap3A, %swap3A_16], %add3A_15 {strides = array<i32>} : memref<2000x128xf32, #tpu.memory_space<vmem>>, vector<2000x64xf32>,
    %get3A_18 = arith.constant 0 : index
    %get3A_19 = arith.constant 0 : index
    %get3A_20 = arith.constant 0 : index
    %get3A_21 = vector.load %arg2[%get3A_18, %get3A_19, %get3A_20] : memref<1x2000x64xf32, #tpu.memory_space<vmem>>, vector<1x2000x64xf32>
    %get3A_22 = vector.shape_cast %get3A_21 : vector<1x2000x64xf32> to vector<2000x64xf32>
    %get3A_23 = arith.constant 0 : index
    %get3A_24 = arith.constant 0 : index
    %get3A_25 = vector.load %arg4[%get3A_23, %get3A_24] : memref<2000x64xf32, #tpu.memory_space<vmem>>, vector<2000x64xf32>
    %add3A_26 = arith.addf %get3A_22, %get3A_25 : vector<2000x64xf32>
    %mul3A_27 = vector.broadcast %rsqrt3A : vector<2000x1xf32> to vector<2000x64xf32>
    %mul3A_28 = arith.mulf %mul3A_27, %add3A_26 : vector<2000x64xf32>
    %get3A_29 = arith.constant 0 : index
    %get3A_30 = arith.constant 64 : index
    %get3A_31 = vector.load %arg6[%get3A_29, %get3A_30] : memref<1x128xf32, #tpu.memory_space<vmem>>, vector<1x64xf32>
    %add3A_32 = vector.broadcast %get3A_31 : vector<1x64xf32> to vector<2000x64xf32>
    %add3A_33 = arith.addf %mul3A_28, %add3A_32 : vector<2000x64xf32>
    %swap3A_34 = arith.constant 0 : index
    %swap3A_35 = arith.constant 64 : index
    %swap3A_36 = vector.load %arg7[%swap3A_34, %swap3A_35] : memref<2000x128xf32, #tpu.memory_space<vmem>>, vector<2000x64xf32>
    tpu.vector_store %arg7[%swap3A_34, %swap3A_35], %add3A_33 {strides = array<i32>} : memref<2000x128xf32, #tpu.memory_space<vmem>>, vector<2000x64xf32>,
    return
  }
  func.func @transform_0(%arg0: i32) -> (i32, i32, i32) {
    %c0_i32 = arith.constant 0 : i32
    %c0_i32_0 = arith.constant 0 : i32
    %c0_i32_1 = arith.constant 0 : i32
    return %c0_i32, %arg0, %c0_i32_0 : i32, i32, i32
  }
  func.func @transform_1(%arg0: i32) -> (i32, i32, i32) {
    %c1_i32 = arith.constant 1 : i32
    %c0_i32 = arith.constant 0 : i32
    %c0_i32_0 = arith.constant 0 : i32
    return %c1_i32, %arg0, %c0_i32 : i32, i32, i32
  }
  func.func @transform_2(%arg0: i32) -> (i32, i32) {
    %c0_i32 = arith.constant 0 : i32
    %c0_i32_0 = arith.constant 0 : i32
    return %arg0, %c0_i32 : i32, i32
  }
  func.func @transform_3(%arg0: i32) -> (i32, i32) {
    %c0_i32 = arith.constant 0 : i32
    %c0_i32_0 = arith.constant 0 : i32
    return %arg0, %c0_i32 : i32, i32
  }
  func.func @transform_4(%arg0: i32) -> (i32, i32) {
    %c0_i32 = arith.constant 0 : i32
    %c0_i32_0 = arith.constant 0 : i32
    return %arg0, %c0_i32 : i32, i32
  }
  func.func @transform_5(%arg0: i32) -> (i32, i32) {
    %c0_i32 = arith.constant 0 : i32
    %c0_i32_0 = arith.constant 0 : i32
    %c0_i32_1 = arith.constant 0 : i32
    return %c0_i32, %c0_i32_0 : i32, i32
  }
  func.func @transform_6(%arg0: i32) -> (i32, i32) {
    %c0_i32 = arith.constant 0 : i32
    %c0_i32_0 = arith.constant 0 : i32
    return %arg0, %c0_i32 : i32, i32
  }
}

</mosaic_0001>

<sc_bundles>
// kernel: kernel.11.cloned.1.call-start
scs
__scs_entry_jumppad:
0x0: {  	(pc) =	sbr.rel $0x88, $3  }
0x1: {  	(tag) =	ssettag $0x0;
	lr =	simm.s32 $0x1  }
0x2: {  	[smem:$0x3F9A] =	sst lr;
	_ =	strace $0xD0000000  }
0x3: {  	_ = 	snop  }
0x4: {  	_ = 	snop  }
0x5: {  	_ = 	snop  }
0x6: {  	_ = 	snop  }
0x7: {  	_ = 	snop  }
__scs_overlays_trampoline_lowered:
0x8: {  	[smem:$0x3FA9] =	sst s0  }
0x9: {  	[smem:$0x3FAA] =	sst s1  }
0xa: {  	[smem:$0x3FAB] =	sst s2  }
0xb: {  	[smem:$0x3FAC] =	sst s3  }
0xc: {  	[smem:$0x3FAD] =	sst s4  }
0xd: {  	[smem:$0x3FAE] =	sst s5  }
0xe: {  	[smem:$0x3FAF] =	sst s6  }
0xf: {  	[smem:$0x3FB0] =	sst s7  }
0x10: {  	[smem:$0x3FB1] =	sst s8  }
0x11: {  	[smem:$0x3FB2] =	sst s9;
	s0 =	simm.s32 @!p0 $0x0  }
0x12: {  	s1 =	sld [smem:$0x3F98];
	s0 =	simm.s32 @p0 $0x1  }
0x13: {  	[smem:$0x3FB3] =	sst s0;
	s0 =	simm.s32 @!p1 $0x0  }
0x14: {  	s2 =	sld [smem:$0x3F97];
	s0 =	simm.s32 @p1 $0x1  }
0x15: {  	[smem:$0x3FB4] =	sst s0;
	s0 =	simm.s32 @!p2 $0x0  }
0x16: {  	s3 =	sld [smem:$0x3FDB];
	s0 =	simm.s32 @p2 $0x1  }
0x17: {  	s4 =	simm.s32 $0x1BF5;
	[smem:$0x3FB6] =	sst s0  }
0x18: {  	s0 =	sld [smem:$0x3F99];
	_ =	swait.ge [sflag:s4], $0x0  }
0x19: {  	s7 =	sld [smem:$0x3F9A]  }
0x1a: {  	s8 =	sadd.s32 $0xFFFFE003, lr  }
0x1b: {  	s9 =	sadd.s32 $0xFFFFFEF7, lr;
	s5 =	simm.s32 $0xFFFFFFFF;
	p2 =	slt.u32 s8, $0xFFFFF086  }
0x1c: {  	p1 =	slt.u32 s9, $0xF7A;
	s5 =	simm.s32 @!p2 $0x0  }
0x1d: {  	s5 =	simm.s32 @p1 $0x1;
	p0 =	seq.s32 s7, s2  }
0x1e: {  	s7 =	smul.u32 @!p0 $0xF7A, s2;
	p2 =	seq.s32 @!p0 s5, $0x0  }
0x1f: {  	s9 =	smul.u32 $0xF7A, s1;
	s8 =	simm.s32 @!p0 $0x1BF5;
	p2 =	por !p2, p0  }
0x20: {  	[sflag:s8] =	ssyncset.s32 @!p0 $0xFFFFF086;
	s6 =	sadd.s32 @!p0 s3, s7;
	s7 =	simm.s32 @!p0 $0x108  }
0x21: {  	s3 =	sadd.s32 s3, s9;
	s6 =	sadd.s32 @!p0 $0x88, s6;
	s7 =	simm.s32 @p2 $0x1082  }
0x22: {  	[simem:s7], [sflag:s8] =	dma.local @!p0 [hbm:s6], $0xF7A  }
0x23: {  	s9 =	sor.u32 $0xD0000000, s2;
	s6 =	simm.s32 $0x108;
	_ =	swait.ge @!p0 [sflag:s8], $0x0  }
0x24: {  	s3 =	sadd.s32 $0x88, s3;
	s6 =	simm.s32 @!p1 $0x1082;
	[sflag:s4] =	ssyncset.s32 $0xFFFFF086  }
0x25: {  	[simem:s6], [sflag:s4] =	dma.local [hbm:s3], $0xF7A  }
0x26: {  	[smem:$0x3F9A] =	sst s1;
	(tag) =	ssettag s2;
	_ =	strace s9  }
0x27: {  	s1 =	sld [smem:$0x3FAA]  }
0x28: {  	s2 =	sld [smem:$0x3FAB]  }
0x29: {  	s4 =	sld [smem:$0x3FAD]  }
0x2a: {  	p0 =	seq.s32 s5, $0x0;
	s5 =	sld [smem:$0x3FAE]  }
0x2b: {  	s6 =	sld [smem:$0x3FAF]  }
0x2c: {  	s7 =	sld [smem:$0x3FB0]  }
0x2d: {  	s3 =	simm.s32 $0x108;
	s8 =	sld [smem:$0x3FB1]  }
0x2e: {  	s3 =	simm.s32 @!p0 $0x1082;
	s9 =	sld [smem:$0x3FB2]  }
0x2f: {  	lr =	sadd.s32 s0, s3;
	s0 =	sld [smem:$0x3FA9]  }
0x30: {  	s3 =	sld [smem:$0x3FAC]  }
0x31: {  	[smem:$0x3FB5] =	sst s10  }
0x32: {  	s10 =	sld [smem:$0x3FB3];
	_ =	sdelay $0x3  }
0x33: {  	p0 =	seq.s32 s10, $0x1;
	s10 =	sld [smem:$0x3FB5];
	_ =	sdelay $0x3  }
0x34: {  	[smem:$0x3FB5] =	sst s10  }
0x35: {  	s10 =	sld [smem:$0x3FB4];
	_ =	sdelay $0x3  }
0x36: {  	p1 =	seq.s32 s10, $0x1;
	s10 =	sld [smem:$0x3FB5];
	_ =	sdelay $0x3  }
0x37: {  	[smem:$0x3FB5] =	sst s10  }
0x38: {  	s10 =	sld [smem:$0x3FB6]  }
0x39: {  	_ = 	snop;
	(pc) =	sbr.ind lr, $3  }
0x3a: {  	_ = 	snop  }
0x3b: {  	_ = 	snop  }
0x3c: {  	p2 =	seq.s32 s10, $0x1;
	s10 =	sld [smem:$0x3FB5]  }
0x3d: {  	_ =	shalt  }
0x3e: {  	_ =	shalt  }
0x3f: {  	_ =	shalt  }
0x40: {  	_ =	shalt  }
0x41: {  	_ =	shalt  }
0x42: {  	_ =	shalt  }
0x43: {  	_ =	shalt  }
0x44: {  	_ =	shalt  }
0x45: {  	_ =	shalt  }
0x46: {  	_ =	shalt  }
0x47: {  	_ =	shalt  }
0x48: {  	_ =	shalt  }
0x49: {  	_ =	shalt  }
0x4a: {  	_ =	shalt  }
0x4b: {  	_ =	shalt  }
0x4c: {  	_ =	shalt  }
0x4d: {  	_ =	shalt  }
0x4e: {  	_ =	shalt  }
0x4f: {  	_ =	shalt  }
0x50: {  	_ =	shalt  }
0x51: {  	_ =	shalt  }
0x52: {  	_ =	shalt  }
0x53: {  	_ =	shalt  }
0x54: {  	_ =	shalt  }
0x55: {  	_ =	shalt  }
0x56: {  	_ =	shalt  }
0x57: {  	_ =	shalt  }
0x58: {  	_ =	shalt  }
0x59: {  	_ =	shalt  }
0x5a: {  	_ =	shalt  }
0x5b: {  	_ =	shalt  }
0x5c: {  	_ =	shalt  }
0x5d: {  	_ =	shalt  }
0x5e: {  	_ =	shalt  }
0x5f: {  	_ =	shalt  }
0x60: {  	_ =	shalt  }
0x61: {  	_ =	shalt  }
0x62: {  	_ =	shalt  }
0x63: {  	_ =	shalt  }
0x64: {  	_ =	shalt  }
0x65: {  	_ =	shalt  }
0x66: {  	_ =	shalt  }
0x67: {  	_ =	shalt  }
0x68: {  	_ =	shalt  }
0x69: {  	_ =	shalt  }
0x6a: {  	_ =	shalt  }
0x6b: {  	_ =	shalt  }
0x6c: {  	_ =	shalt  }
0x6d: {  	_ =	shalt  }
0x6e: {  	_ =	shalt  }
0x6f: {  	_ =	shalt  }
0x70: {  	_ =	shalt  }
0x71: {  	_ =	shalt  }
0x72: {  	_ =	shalt  }
0x73: {  	_ =	shalt  }
0x74: {  	_ =	shalt  }
0x75: {  	_ =	shalt  }
0x76: {  	_ =	shalt  }
0x77: {  	_ =	shalt  }
0x78: {  	_ =	shalt  }
0x79: {  	_ =	shalt  }
0x7a: {  	_ =	shalt  }
0x7b: {  	_ =	shalt  }
0x7c: {  	_ =	shalt  }
0x7d: {  	_ =	shalt  }
0x7e: {  	_ =	shalt  }
0x7f: {  	_ =	shalt  }
0x80: {  	_ =	shalt  }
0x81: {  	_ =	shalt  }
0x82: {  	_ =	shalt  }
0x83: {  	_ =	shalt  }
0x84: {  	_ =	shalt  }
0x85: {  	_ =	shalt  }
0x86: {  	_ =	shalt  }
0x87: {  	_ =	shalt  }
.Lfunc_end0:
.L_simem_size_0:
called_computation.1_lowered:
.L_overlay_start_0:
0x88: {  	s2 =	sld [smem:$0x3FD9]  }
0x89: {  	s3 =	sld [smem:$0x3FFE];
	_ =	sdelay $0x1  }
0x8a: {  	s1 =	srdreg.scid  }
0x8b: {  	s0 =	sand.u32 $0x1, s1  }
0x8c: {  	s16 =	sshll.u32 s0, $0xA;
	s2 =	sadd.s32 s3, s2  }
0x8d: {  	s2 =	sadd.s32 s2, s16  }
0x8e: {  	[smem:$0x3FC1] =	sst s2  }
0x8f: {  	_ = 	snop  }
0x90: {  	(tm) =	ssettm $0x1  }
0x91: {  	s17 =	sld [smem:$0x3FFB];
	_ =	sdelay $0x3  }
0x92: {  	_ =	strace s17  }
0x93: {  	s2 =	sld [smem:$0x3FFC];
	_ =	sdelay $0x3  }
0x94: {  	_ =	strace s2  }
0x95: {  	s2 =	sld [smem:$0x3FFD];
	_ =	sdelay $0x3  }
0x96: {  	_ =	strace s2  }
0x97: {  	_ =	strace $0x8FFFFFFF  }
0x98: {  	s18 =	sld [smem:$0x3FDB];
	_ =	sdelay $0x1  }
0x99: {  	s19 =	simm.s32 $_scs_section_size  }
0x9a: {  	s4 =	simm.s32 $_size__tile_overlayer_lowered;
	s5 =	simm.s32 $_tile_overlayer_lowered  }
0x9b: {  	s22 =	simm.s32 $0x1BFF;
	s21 =	sshll.u32 s5, $0x1;
	s2 =	sadd.s32 s19, s18  }
0x9c: {  	s6 =	simm.s32 $0x0;
	s20 =	sshll.u32 s4, $0x1;
	s4 =	sadd.s32 s21, s2  }
0x9d: {  	[timem:s6], [sflag:s22] =	dma.local [hbm:s4], s20  }
0x9e: {  	_ =	swait.ge [sflag:s22], s20  }
0x9f: {  	s3 =	ssub.s32 $0x0, s20;
	[sflag:s22] =	ssyncset.done $0x0  }
0xa0: {  	[sflag:s22] =	ssyncadd.s32 s3;
	_ =	sdelay $0x1  }
0xa1: {  	s23 =	simm.s32 $0x1B8B  }
0xa2: {  	_ =	swait.ge [sflag:s23], $0x1  }
0xa3: {  	[sflag:s23] =	ssyncset.done $0x0  }
0xa4: {  	s25 =	simm.s32 $0x1B8E;
	s24 =	sld [smem:$0x3FFE];
	[sflag:s23] =	ssyncadd.s32 $0xFFFFFFFF  }
0xa5: {  	s26 =	simm.s32 $execute0_lowered;
	[smem:$0x3FD2] =	sst s25  }
0xa6: {  	s4 =	sshll.u32 s26, $0x1;
	_ =	strace $0x80000049;
	[dreg:$0x1] =	wrdreg $0xFFFFFFFF  }
0xa7: {  	s28 =	simm.s32 $_size_execute0_lowered;
	s2 =	sadd.s32 s2, s4;
	[dreg:$0x0] =	wrdreg $0x0  }
0xa8: {  	s4 =	sshll.u32 s28, $0x1;
	[dreg:$0x2] =	wrdreg s2  }
0xa9: {  	[dreg:$0x3] =	wrdreg s4  }
0xaa: {  	[dreg:$0x4] =	wrdreg $0xC0  }
0xab: {  	_ =	task [dreg:s6], $0x5FFFF  }
0xac: {  	[dreg:$0x1] =	wrdreg $0xFFFFFFFF  }
0xad: {  	[dreg:$0x0] =	wrdreg $0x60  }
0xae: {  	[dreg:$0x2] =	wrdreg s24  }
0xaf: {  	[dreg:$0x3] =	wrdreg $0x120400  }
0xb0: {  	[dreg:$0x4] =	wrdreg $0x9  }
0xb1: {  	_ =	task.clear_ibuf [dreg:s6], $0x5FFFF;
	_ =	strace $0x90000049  }
0xb2: {  	s29 =	simm.s32 $0x9;
	_ =	strace $0x8000004B  }
0xb3: {  	_ =	swait.ge [sflag:s29], $0x1  }
0xb4: {  	[sflag:s29] =	ssyncadd.s32 $0xFFFFFFFF  }
0xb5: {  	_ =	strace $0x9000004B  }
0xb6: {  	_ =	sfence  }
0xb7: {  	s30 =	sld [smem:$0x0];
	_ =	sdelay $0x2  }
0xb8: {  	s31 =	sshll.u32 s1, $0xD;
	s1 =	sshrl.u32 s1, $0x2  }
0xb9: {  	s3 =	sand.u32 $0x4000, s31;
	s1 =	sadd.s32 s1, s30  }
0xba: {  	s0 =	sor.u32 s3, s0;
	s1 =	sshll.u32 s1, $0x11  }
0xbb: {  	s0 =	sor.u32 s1, s0  }
0xbc: {  	s0 =	sadd.s32 $0x8F2B, s0  }
0xbd: {  	[sflag:s0] =	ssyncadd.remote.s32 $0x1  }
0xbe: {  	_ =	sfence.sel $0xFFFF  }
0xbf: {  	[dreg:$0x0] =	wrdreg $0xFFFFFFFF;
	(pc) =	sbr.abs _section_cstart, $3  }
0xc0: {  	[dreg:$0x1] =	wrdreg $0xFFFFFFFF  }
0xc1: {  	_ =	task.clear_ibuf [dreg:s6], $0x2FFFF;
	_ =	strace $0x9FFFFFFF  }
0xc2: {  	(tm) =	ssettm $0x7FFFFFFF  }
0xc3: {  	_ =	shalt  }
tec
execute0_lowered:
.L_overlay_start_1:
0x0: {  	(tag) =	ssettag $0x1  }
0x1: {  	s0 =	rddreg [dreg:$0x0]  }
0x2: {  	s2 =	rddreg [dreg:$0x1]  }
0x3: {  	s7 =	stileid.u32;
	s4 =	srdreg.scid;
	s3 =	simm.s32 $0x0  }
0x4: {  	s14 =	simm.s32 $0x10040;
	s15 =	simm.s32 $0xB;
	s17 =	simm.s32 $0x50  }
0x5: {  	s18 =	simm.s32 $0x9C40;
	s19 =	simm.s32 $0xB040;
	s21 =	simm.s32 $0xC440  }
0x6: {  	s28 =	simm.s32 $0x2;
	s29 =	simm.s32 $0x3;
	s30 =	simm.s32 $0x4  }
0x7: {  	s31 =	simm.s32 $0x5;
	s16 =	simm.s32 $0x7;
	s1 =	smul.u32 $0x9C4, s7  }
0x8: {  	s20 =	simm.s32 $0x9;
	s22 =	simm.s32 $0xA;
	s23 =	smul.u32 $0xA000, s7  }
0x9: {  	s5 =	sand.u32 $0x1, s4;
	[smem:$0x7FF] =	sst s3;
	s7 =	smul.u32 $0x28000, s7  }
0xa: {  	s6 =	smul.u32 $0xA0000, s5;
	_ =	strace $0x8000004A;
	s8 =	ssub.s32 $0x2, s5  }
0xb: {  	p0 =	seq.s32 s5, $0x0;
	s1 =	sadd.s32 s1, s0;
	s9 =	sshrl.u32 s8, $0x1  }
0xc: {  	s7 =	sshrl.u32 s7, $0x2;
	s4 =	sadd.s32 s23, s2;
	s6 =	sadd.s32 s23, s6  }
0xd: {  	s12 =	ssub.s32 s8, s9;
	s24 =	sadd.s32 s7, s2;
	s9 =	sadd.s32 $0x2E00, s1  }
0xe: {  	s10 =	sadd.s32 $0xCC00, s1;
	s1 =	simm.s32 $0x3DC00;
	s23 =	simm.s32 $0xD840  }
0xf: {  	s6 =	sshrl.u32 s6, $0x3;
	s7 =	sadd.s32 $0x2000, s24;
	s25 =	sadd.s32 $0x4000, s24  }
0x10: {  	s26 =	sadd.s32 $0x6000, s24;
	s8 =	sadd.s32 $0x8000, s24;
	[dreg:$0x3] =	wrdreg s7  }
0x11: {  	s12 =	smax.u32 s12, $0x1;
	s1 =	simm.s32 @!p0 $0x51600;
	[dreg:$0x4] =	wrdreg s25  }
0x12: {  	s24 =	simm.s32 $0x4DD0;
	s6 =	sadd.s32 s6, s0;
	[dreg:$0x5] =	wrdreg s26  }
0x13: {  	s13 =	sadd.s32 s1, s0;
	s25 =	simm.s32 $0xEC40;
	s26 =	simm.s32 $0x1  }
0x14: {  	v0 =	vimm.f32 $0.0e+00;
	s0 =	simm.s32 $0x6;
	s1 =	simm.s32 $0x8;
	s11 =	sadd.s32 $0x65000, s6  }
.LBB2_1:
0x15: {  	s6 =	simm.s32 $0x100;
	s5 =	simm.s32 $0x0  }
.LBB2_2:
0x16: {  	p0 =	sne.s32 s6, $0x7F00;
	[tilespmem:s5+$0x10070] =	vst v0;
	s7 =	smov.u32 s6;
	s6 =	sadd.s32 $0x100, s6  }
.Ltmp0:
0x17: {  	[tilespmem:s5+$0x10060] =	vst v0;
	(pc) =	sbr.rel @p0 .LBB2_2-.Ltmp0, $3  }
0x18: {  	[tilespmem:s5+$0x10040] =	vst v0  }
0x19: {  	[tilespmem:s5+$0x10050] =	vst v0;
	_ =	sdelay $0x1  }
0x1a: {  	s5 =	sshra.s32 s7, $0x2  }
0x1b: {  	[tilespmem:s5+$0x10070] =	vst v0  }
0x1c: {  	[tilespmem:s5+$0x10060] =	vst v0  }
0x1d: {  	[tilespmem:s5+$0x10040] =	vst v0  }
0x1e: {  	[tilespmem:s5+$0x10050] =	vst v0  }
0x1f: {  	[spmem:s4] =	stream.linear.scatter [tilespmem:s14], [sflag:$0xB], $0x2000, $0x38;
	[tilespmem:$0x1C040] =	vst v63  }
0x20: {  	_ =	swait.ge [sflag:s15], $0x2000  }
0x21: {  	[sflag:s15] =	ssyncset.done $0x0  }
0x22: {  	s6 =	rddreg [dreg:$0x3];
	[sflag:s15] =	ssyncadd.s32 $0xFFFFE000  }
0x23: {  	[spmem:s6] =	stream.linear.scatter [tilespmem:s14], [sflag:$0xB], $0x2000, $0x38;
	[tilespmem:$0x1C040] =	vst v63  }
0x24: {  	_ =	swait.ge [sflag:s15], $0x2000  }
0x25: {  	[sflag:s15] =	ssyncset.done $0x0  }
0x26: {  	s7 =	rddreg [dreg:$0x4];
	[sflag:s15] =	ssyncadd.s32 $0xFFFFE000  }
0x27: {  	[spmem:s7] =	stream.linear.scatter [tilespmem:s14], [sflag:$0xB], $0x2000, $0x38;
	[tilespmem:$0x1C040] =	vst v63  }
0x28: {  	_ =	swait.ge [sflag:s15], $0x2000  }
0x29: {  	[sflag:s15] =	ssyncset.done $0x0  }
0x2a: {  	s6 =	rddreg [dreg:$0x5];
	[sflag:s15] =	ssyncadd.s32 $0xFFFFE000  }
0x2b: {  	[spmem:s6] =	stream.linear.scatter [tilespmem:s14], [sflag:$0xB], $0x2000, $0x38;
	[tilespmem:$0x1C040] =	vst v63  }
0x2c: {  	_ =	swait.ge [sflag:s15], $0x2000  }
0x2d: {  	[sflag:s15] =	ssyncset.done $0x0  }
0x2e: {  	[sflag:s15] =	ssyncadd.s32 $0xFFFFE000  }
0x2f: {  	[spmem:s8] =	stream.linear.scatter [tilespmem:s14], [sflag:$0xB], $0x2000, $0x38;
	[tilespmem:$0x1C040] =	vst v63  }
0x30: {  	_ =	swait.ge [sflag:s15], $0x2000  }
0x31: {  	[sflag:s15] =	ssyncset.done $0x0  }
0x32: {  	s7 =	simm.s32 $0x0;
	[sflag:s15] =	ssyncadd.s32 $0xFFFFE000  }
0x33: {  	[tilespmem:s7], [sflag:$0xB] =	stream.linear.gather [hbm4b:s9+s7], $0x4E20, $0x38;
	[tilespmem:$0x1C040] =	vst v63  }
0x34: {  	_ =	swait.ge [sflag:s15], $0x4E20  }
0x35: {  	[sflag:s15] =	ssyncset.done $0x0  }
0x36: {  	s6 =	simm.s32 $0x4E20;
	[sflag:s15] =	ssyncadd.s32 $0xFFFFB1E0  }
0x37: {  	[tilespmem:s6], [sflag:$0xB] =	stream.linear.gather [hbm4b:s10+s7], $0x4E20, $0x38;
	[tilespmem:$0x1C040] =	vst v63  }
0x38: {  	_ =	swait.ge [sflag:s15], $0x4E20  }
0x39: {  	[sflag:s15] =	ssyncset.done $0x0  }
0x3a: {  	[sflag:s15] =	ssyncadd.s32 $0xFFFFB1E0  }
0x3b: {  	[bflag:$0x0] =	sbarrier.arrive $0xFFFF  }
0x3c: {  	[tilespmem:s18], [sflag:$0x1] =	stream.indirect.gather [hbm4b:s13+s17], $0x40, s7, s17, $0xb8;
	[tilespmem:$0x1C040] =	vst v63  }
0x3d: {  	_ = 	snop  }
0x3e: {  	[tilespmem:s19], [sflag:$0x2] =	stream.indirect.gather [hbm4b:s13+s17], $0x40, s17, s17, $0xb8;
	[tilespmem:$0x1C040] =	vst v63  }
0x3f: {  	s6 =	simm.s32 $0xA0  }
0x40: {  	[tilespmem:s21], [sflag:$0x3] =	stream.indirect.gather [hbm4b:s13+s17], $0x40, s6, s17, $0xb8;
	[tilespmem:$0x1C040] =	vst v63  }
0x41: {  	s7 =	simm.s32 $0xF0  }
0x42: {  	[tilespmem:s23], [sflag:$0x4] =	stream.indirect.gather [hbm4b:s13+s17], $0x40, s7, s17, $0xb8;
	[tilespmem:$0x1C040] =	vst v63  }
0x43: {  	s6 =	simm.s32 $0x140  }
0x44: {  	[tilespmem:s25], [sflag:$0x5] =	stream.indirect.gather [hbm4b:s13+s17], $0x40, s6, s17, $0xb8;
	[tilespmem:$0x1C040] =	vst v63  }
0x45: {  	_ =	swait.ge [sflag:s26], $0x1400  }
0x46: {  	[sflag:s26] =	ssyncset.done $0x0  }
0x47: {  	s7 =	simm.s32 $0x4E20;
	[sflag:s26] =	ssyncadd.s32 $0xFFFFEC00  }
0x48: {  	[spmem:s2] =	stream.indirect.scatter.add.f32 [tilespmem:s18], [sflag:$0x6], $0x40, s7, s17, $0xb8;
	[tilespmem:$0x1C040] =	vst v63  }
0x49: {  	_ =	swait.ge [sflag:s28], $0x1400  }
0x4a: {  	[sflag:s28] =	ssyncset.done $0x0  }
0x4b: {  	s6 =	simm.s32 $0x4E70;
	[sflag:s28] =	ssyncadd.s32 $0xFFFFEC00  }
0x4c: {  	[spmem:s2] =	stream.indirect.scatter.add.f32 [tilespmem:s19], [sflag:$0x7], $0x40, s6, s17, $0xb8;
	[tilespmem:$0x1C040] =	vst v63  }
0x4d: {  	_ =	swait.ge [sflag:s29], $0x1400  }
0x4e: {  	[sflag:s29] =	ssyncset.done $0x0  }
0x4f: {  	s7 =	simm.s32 $0x4EC0;
	[sflag:s29] =	ssyncadd.s32 $0xFFFFEC00  }
0x50: {  	[spmem:s2] =	stream.indirect.scatter.add.f32 [tilespmem:s21], [sflag:$0x8], $0x40, s7, s17, $0xb8;
	[tilespmem:$0x1C040] =	vst v63  }
0x51: {  	_ =	swait.ge [sflag:s30], $0x1400  }
0x52: {  	[sflag:s30] =	ssyncset.done $0x0  }
0x53: {  	s6 =	simm.s32 $0x4F10;
	[sflag:s30] =	ssyncadd.s32 $0xFFFFEC00  }
0x54: {  	[spmem:s2] =	stream.indirect.scatter.add.f32 [tilespmem:s23], [sflag:$0x9], $0x40, s6, s17, $0xb8;
	[tilespmem:$0x1C040] =	vst v63  }
0x55: {  	_ =	swait.ge [sflag:s31], $0x1400  }
0x56: {  	[sflag:s31] =	ssyncset.done $0x0  }
0x57: {  	s7 =	simm.s32 $0x4F60;
	[sflag:s31] =	ssyncadd.s32 $0xFFFFEC00  }
0x58: {  	[spmem:s2] =	stream.indirect.scatter.add.f32 [tilespmem:s25], [sflag:$0xA], $0x40, s7, s17, $0xb8;
	[tilespmem:$0x1C040] =	vst v63  }
0x59: {  	_ =	swait.ge [sflag:s0], $0x1400  }
0x5a: {  	[sflag:s0] =	ssyncset.done $0x0  }
0x5b: {  	s6 =	simm.s32 $0x190;
	[sflag:s0] =	ssyncadd.s32 $0xFFFFEC00  }
0x5c: {  	[tilespmem:s18], [sflag:$0x1] =	stream.indirect.gather [hbm4b:s13+s17], $0x40, s6, s17, $0xb8;
	[tilespmem:$0x1C040] =	vst v63  }
0x5d: {  	_ =	swait.ge [sflag:s16], $0x1400  }
0x5e: {  	[sflag:s16] =	ssyncset.done $0x0  }
0x5f: {  	s7 =	simm.s32 $0x1E0;
	[sflag:s16] =	ssyncadd.s32 $0xFFFFEC00  }
0x60: {  	[tilespmem:s19], [sflag:$0x2] =	stream.indirect.gather [hbm4b:s13+s17], $0x40, s7, s17, $0xb8;
	[tilespmem:$0x1C040] =	vst v63  }
0x61: {  	_ =	swait.ge [sflag:s1], $0x1400  }
0x62: {  	[sflag:s1] =	ssyncset.done $0x0  }
0x63: {  	s6 =	simm.s32 $0x230;
	[sflag:s1] =	ssyncadd.s32 $0xFFFFEC00  }
0x64: {  	[tilespmem:s21], [sflag:$0x3] =	stream.indirect.gather [hbm4b:s13+s17], $0x40, s6, s17, $0xb8;
	[tilespmem:$0x1C040] =	vst v63  }
0x65: {  	_ =	swait.ge [sflag:s20], $0x1400  }
0x66: {  	[sflag:s20] =	ssyncset.done $0x0  }
0x67: {  	s7 =	simm.s32 $0x280;
	[sflag:s20] =	ssyncadd.s32 $0xFFFFEC00  }
0x68: {  	[tilespmem:s23], [sflag:$0x4] =	stream.indirect.gather [hbm4b:s13+s17], $0x40, s7, s17, $0xb8;
	[tilespmem:$0x1C040] =	vst v63  }
0x69: {  	_ =	swait.ge [sflag:s22], $0x1400  }
0x6a: {  	[sflag:s22] =	ssyncset.done $0x0  }
0x6b: {  	s5 =	simm.s32 $0x640;
	s6 =	simm.s32 $0x2D0;
	[sflag:s22] =	ssyncadd.s32 $0xFFFFEC00  }
.LBB2_4:
0x6c: {  	[tilespmem:s25], [sflag:$0x5] =	stream.indirect.gather [hbm4b:s13+s17], $0x40, s6, s17, $0xb8;
	[tilespmem:$0x1C040] =	vst v63  }
0x6d: {  	s6 =	smov.u32 s5;
	s5 =	sadd.s32 $0x640, s5;
	_ =	swait.ge [sflag:s26], $0x1400  }
0x6e: {  	s6 =	sshra.s32 s6, $0x2;
	p0 =	sne.s32 s5, $0x13240;
	[sflag:s26] =	ssyncset.done $0x0  }
0x6f: {  	s7 =	sadd.s32 $0x4E20, s6;
	[sflag:s26] =	ssyncadd.s32 $0xFFFFEC00  }
0x70: {  	[spmem:s2] =	stream.indirect.scatter.add.f32 [tilespmem:s18], [sflag:$0x6], $0x40, s7, s17, $0xb8;
	[tilespmem:$0x1C040] =	vst v63  }
0x71: {  	_ =	swait.ge [sflag:s28], $0x1400  }
0x72: {  	[sflag:s28] =	ssyncset.done $0x0  }
0x73: {  	s7 =	sadd.s32 $0x4E70, s6;
	[sflag:s28] =	ssyncadd.s32 $0xFFFFEC00  }
0x74: {  	[spmem:s2] =	stream.indirect.scatter.add.f32 [tilespmem:s19], [sflag:$0x7], $0x40, s7, s17, $0xb8;
	[tilespmem:$0x1C040] =	vst v63  }
0x75: {  	_ =	swait.ge [sflag:s29], $0x1400  }
0x76: {  	[sflag:s29] =	ssyncset.done $0x0  }
0x77: {  	s7 =	sadd.s32 $0x4EC0, s6;
	[sflag:s29] =	ssyncadd.s32 $0xFFFFEC00  }
0x78: {  	[spmem:s2] =	stream.indirect.scatter.add.f32 [tilespmem:s21], [sflag:$0x8], $0x40, s7, s17, $0xb8;
	[tilespmem:$0x1C040] =	vst v63  }
0x79: {  	_ =	swait.ge [sflag:s30], $0x1400  }
0x7a: {  	[sflag:s30] =	ssyncset.done $0x0  }
0x7b: {  	s7 =	sadd.s32 $0x4F10, s6;
	[sflag:s30] =	ssyncadd.s32 $0xFFFFEC00  }
0x7c: {  	[spmem:s2] =	stream.indirect.scatter.add.f32 [tilespmem:s23], [sflag:$0x9], $0x40, s7, s17, $0xb8;
	[tilespmem:$0x1C040] =	vst v63  }
0x7d: {  	_ =	swait.ge [sflag:s31], $0x1400  }
0x7e: {  	[sflag:s31] =	ssyncset.done $0x0  }
0x7f: {  	s7 =	sadd.s32 $0x4F60, s6;
	[sflag:s31] =	ssyncadd.s32 $0xFFFFEC00  }
0x80: {  	[spmem:s2] =	stream.indirect.scatter.add.f32 [tilespmem:s25], [sflag:$0xA], $0x40, s7, s17, $0xb8;
	[tilespmem:$0x1C040] =	vst v63  }
0x81: {  	_ =	swait.ge [sflag:s0], $0x1400  }
0x82: {  	[sflag:s0] =	ssyncset.done $0x0  }
0x83: {  	s7 =	sadd.s32 $0x190, s6;
	[sflag:s0] =	ssyncadd.s32 $0xFFFFEC00  }
0x84: {  	[tilespmem:s18], [sflag:$0x1] =	stream.indirect.gather [hbm4b:s13+s17], $0x40, s7, s17, $0xb8;
	[tilespmem:$0x1C040] =	vst v63  }
0x85: {  	_ =	swait.ge [sflag:s16], $0x1400  }
0x86: {  	[sflag:s16] =	ssyncset.done $0x0  }
0x87: {  	s7 =	sadd.s32 $0x1E0, s6;
	[sflag:s16] =	ssyncadd.s32 $0xFFFFEC00  }
0x88: {  	[tilespmem:s19], [sflag:$0x2] =	stream.indirect.gather [hbm4b:s13+s17], $0x40, s7, s17, $0xb8;
	[tilespmem:$0x1C040] =	vst v63  }
0x89: {  	_ =	swait.ge [sflag:s1], $0x1400  }
0x8a: {  	[sflag:s1] =	ssyncset.done $0x0  }
0x8b: {  	s7 =	sadd.s32 $0x230, s6;
	[sflag:s1] =	ssyncadd.s32 $0xFFFFEC00  }
0x8c: {  	[tilespmem:s21], [sflag:$0x3] =	stream.indirect.gather [hbm4b:s13+s17], $0x40, s7, s17, $0xb8;
	[tilespmem:$0x1C040] =	vst v63  }
0x8d: {  	_ =	swait.ge [sflag:s20], $0x1400  }
0x8e: {  	[sflag:s20] =	ssyncset.done $0x0  }
.Ltmp1:
0x8f: {  	s7 =	sadd.s32 $0x280, s6;
	[sflag:s20] =	ssyncadd.s32 $0xFFFFEC00;
	(pc) =	sbr.rel @p0 .LBB2_4-.Ltmp1, $4  }
0x90: {  	[tilespmem:s23], [sflag:$0x4] =	stream.indirect.gather [hbm4b:s13+s17], $0x40, s7, s17, $0xb8;
	[tilespmem:$0x1C040] =	vst v63  }
0x91: {  	_ =	swait.ge [sflag:s22], $0x1400  }
0x92: {  	[sflag:s22] =	ssyncset.done $0x0  }
0x93: {  	s6 =	sadd.s32 $0x2D0, s6;
	[sflag:s22] =	ssyncadd.s32 $0xFFFFEC00  }
0x94: {  	[tilespmem:s25], [sflag:$0x5] =	stream.indirect.gather [hbm4b:s13+s17], $0x40, s6, s17, $0xb8;
	[tilespmem:$0x1C040] =	vst v63  }
0x95: {  	_ =	swait.ge [sflag:s26], $0x1400  }
0x96: {  	s5 =	sshra.s32 s5, $0x2;
	[sflag:s26] =	ssyncset.done $0x0  }
0x97: {  	s7 =	sadd.s32 $0x4E20, s5;
	[sflag:s26] =	ssyncadd.s32 $0xFFFFEC00  }
0x98: {  	[spmem:s2] =	stream.indirect.scatter.add.f32 [tilespmem:s18], [sflag:$0x6], $0x40, s7, s17, $0xb8;
	[tilespmem:$0x1C040] =	vst v63  }
0x99: {  	_ =	swait.ge [sflag:s28], $0x1400  }
0x9a: {  	[sflag:s28] =	ssyncset.done $0x0  }
0x9b: {  	s7 =	sadd.s32 $0x4E70, s5;
	[sflag:s28] =	ssyncadd.s32 $0xFFFFEC00  }
0x9c: {  	[spmem:s2] =	stream.indirect.scatter.add.f32 [tilespmem:s19], [sflag:$0x7], $0x40, s7, s17, $0xb8;
	[tilespmem:$0x1C040] =	vst v63  }
0x9d: {  	_ =	swait.ge [sflag:s29], $0x1400  }
0x9e: {  	[sflag:s29] =	ssyncset.done $0x0  }
0x9f: {  	s7 =	sadd.s32 $0x4EC0, s5;
	[sflag:s29] =	ssyncadd.s32 $0xFFFFEC00  }
0xa0: {  	[spmem:s2] =	stream.indirect.scatter.add.f32 [tilespmem:s21], [sflag:$0x8], $0x40, s7, s17, $0xb8;
	[tilespmem:$0x1C040] =	vst v63  }
0xa1: {  	_ =	swait.ge [sflag:s30], $0x1400  }
0xa2: {  	[sflag:s30] =	ssyncset.done $0x0  }
0xa3: {  	s7 =	sadd.s32 $0x4F10, s5;
	[sflag:s30] =	ssyncadd.s32 $0xFFFFEC00  }
0xa4: {  	[spmem:s2] =	stream.indirect.scatter.add.f32 [tilespmem:s23], [sflag:$0x9], $0x40, s7, s17, $0xb8;
	[tilespmem:$0x1C040] =	vst v63  }
0xa5: {  	_ =	swait.ge [sflag:s31], $0x1400  }
0xa6: {  	[sflag:s31] =	ssyncset.done $0x0  }
0xa7: {  	s5 =	sadd.s32 $0x4F60, s5;
	[sflag:s31] =	ssyncadd.s32 $0xFFFFEC00  }
0xa8: {  	[spmem:s2] =	stream.indirect.scatter.add.f32 [tilespmem:s25], [sflag:$0xA], $0x40, s5, s17, $0xb8;
	[tilespmem:$0x1C040] =	vst v63  }
0xa9: {  	_ =	swait.ge [sflag:s0], $0x1400  }
0xaa: {  	[sflag:s0] =	ssyncset.done $0x0  }
0xab: {  	[sflag:s0] =	ssyncadd.s32 $0xFFFFEC00  }
0xac: {  	[tilespmem:s18], [sflag:$0x1] =	stream.indirect.gather [hbm4b:s13+s17], $0x40, s24, s17, $0xb8;
	[tilespmem:$0x1C040] =	vst v63  }
0xad: {  	_ =	swait.ge [sflag:s16], $0x1400  }
0xae: {  	[sflag:s16] =	ssyncset.done $0x0  }
0xaf: {  	[sflag:s16] =	ssyncadd.s32 $0xFFFFEC00  }
0xb0: {  	[tilespmem:s19], [sflag:$0x2] =	stream.indirect.gather [hbm4b:s13+s17], $0x40, s24, s17, $0xb8;
	[tilespmem:$0x1C040] =	vst v63  }
0xb1: {  	_ =	swait.ge [sflag:s1], $0x1400  }
0xb2: {  	[sflag:s1] =	ssyncset.done $0x0  }
0xb3: {  	[sflag:s1] =	ssyncadd.s32 $0xFFFFEC00  }
0xb4: {  	[tilespmem:s21], [sflag:$0x3] =	stream.indirect.gather [hbm4b:s13+s17], $0x40, s24, s17, $0xb8;
	[tilespmem:$0x1C040] =	vst v63  }
0xb5: {  	_ =	swait.ge [sflag:s20], $0x1400  }
0xb6: {  	[sflag:s20] =	ssyncset.done $0x0  }
0xb7: {  	[sflag:s20] =	ssyncadd.s32 $0xFFFFEC00  }
0xb8: {  	[tilespmem:s23], [sflag:$0x4] =	stream.indirect.gather [hbm4b:s13+s17], $0x40, s24, s17, $0xb8;
	[tilespmem:$0x1C040] =	vst v63  }
0xb9: {  	_ =	swait.ge [sflag:s22], $0x1400  }
0xba: {  	[sflag:s22] =	ssyncset.done $0x0  }
0xbb: {  	[sflag:s22] =	ssyncadd.s32 $0xFFFFEC00  }
0xbc: {  	[tilespmem:s25], [sflag:$0x5] =	stream.indirect.gather [hbm4b:s13+s17], $0x40, s24, s17, $0xb8;
	[tilespmem:$0x1C040] =	vst v63  }
0xbd: {  	_ =	swait.ge [sflag:s26], $0x1400  }
0xbe: {  	[sflag:s26] =	ssyncset.done $0x0  }
0xbf: {  	[sflag:s26] =	ssyncadd.s32 $0xFFFFEC00  }
0xc0: {  	_ =	swait.ge [sflag:s28], $0x1400  }
0xc1: {  	[sflag:s28] =	ssyncset.done $0x0  }
0xc2: {  	[sflag:s28] =	ssyncadd.s32 $0xFFFFEC00  }
0xc3: {  	_ =	swait.ge [sflag:s29], $0x1400  }
0xc4: {  	[sflag:s29] =	ssyncset.done $0x0  }
0xc5: {  	[sflag:s29] =	ssyncadd.s32 $0xFFFFEC00  }
0xc6: {  	_ =	swait.ge [sflag:s30], $0x1400  }
0xc7: {  	[sflag:s30] =	ssyncset.done $0x0  }
0xc8: {  	[sflag:s30] =	ssyncadd.s32 $0xFFFFEC00  }
0xc9: {  	s3 =	sadd.s32 $0x1, s3;
	_ =	swait.ge [sflag:s31], $0x1400  }
0xca: {  	s6 =	stileid.u32;
	p0 =	sne.s32 s3, s12;
	[sflag:s31] =	ssyncset.done $0x0  }
0xcb: {  	s7 =	sshrl.u32 s4, $0x3;
	s5 =	sshll.u32 s6, $0x6;
	[sflag:s31] =	ssyncadd.s32 $0xFFFFEC00  }
.Ltmp2:
0xcc: {  	s5 =	sor.u32 $0x1C0B, s5;
	[bflag:$0x0] =	sbarrier.arrive $0xFFFF;
	(pc) =	sbr.rel @p0 .LBB2_1-.Ltmp2, $4  }
0xcd: {  	[hbm:s11], [sflag:s5] =	dma.local [spmem:s7], $0x1400  }
0xce: {  	_ =	swait.ge [sflag:s15], $0x1400  }
0xcf: {  	[sflag:s15] =	ssyncset.done $0x0  }
0xd0: {  	[sflag:s15] =	ssyncadd.s32 $0xFFFFEC00  }
0xd1: {  	_ =	sfence.sel $0x180000  }
0xd2: {  	[bflag:$0x0] =	sbarrier.arrive $0xFFFF  }
0xd3: {  	_ =	strace $0x9000004A  }
0xd4: {  	s0 =	stileid.u32;
	[bflag:$0x2] =	sbarrier.arrive $0xFFFF  }
0xd5: {  	p0 =	sne.s32 s0, $0x0;
	s0 =	rddreg [dreg:$0x2]  }
0xd6: {  	s0 =	sadd.s32 @!p0 $0x100000, s0  }
0xd7: {  	[sflag:s0] =	ssyncadd.tile.s32 @!p0 $0x1;
	_ =	shalt  }
.Lfunc_end2:
_tile_overlayer_lowered:
.L_overlay_start_2:
0xd8: {  	(tag) =	ssettag $0x2  }
0xd9: {  	s0 =	rddreg [dreg:$0x0];
	s2 =	stileid.u32  }
0xda: {  	s1 =	rddreg [dreg:$0x1];
	p0 =	sne.s32 s2, $0x0  }
0xdb: {  	s3 =	rddreg [dreg:$0x2];
	[bflag:$0x3] =	sbarrier.arrive $0xFFFF;
	s2 =	simm.s32 @!p0 $0x1C0B  }
0xdc: {  	[timem:s3], [sflag:s2] =	dma.local @!p0 [hbm:s0], s1  }
0xdd: {  	s0 =	simm.s32 @!p0 $0xB  }
0xde: {  	_ =	swait.ge @!p0 [sflag:s0], s1  }
0xdf: {  	s1 =	ssub.s32 @!p0 $0x0, s1;
	[sflag:s0] =	ssyncset.done @!p0 $0x0  }
0xe0: {  	[sflag:s0] =	ssyncadd.s32 @!p0 s1  }
0xe1: {  	[bflag:$0x3] =	sbarrier.arrive $0xFFFF  }
0xe2: {  	_ =	shalt  }

// kernel: kernel.14.cloned.1.call-start
scs
__scs_entry_jumppad:
0x0: {  	(pc) =	sbr.rel $0x88, $3  }
0x1: {  	(tag) =	ssettag $0x0;
	lr =	simm.s32 $0x1  }
0x2: {  	[smem:$0x3F9A] =	sst lr;
	_ =	strace $0xD0000000  }
0x3: {  	_ = 	snop  }
0x4: {  	_ = 	snop  }
0x5: {  	_ = 	snop  }
0x6: {  	_ = 	snop  }
0x7: {  	_ = 	snop  }
__scs_overlays_trampoline_lowered:
0x8: {  	[smem:$0x3FA9] =	sst s0  }
0x9: {  	[smem:$0x3FAA] =	sst s1  }
0xa: {  	[smem:$0x3FAB] =	sst s2  }
0xb: {  	[smem:$0x3FAC] =	sst s3  }
0xc: {  	[smem:$0x3FAD] =	sst s4  }
0xd: {  	[smem:$0x3FAE] =	sst s5  }
0xe: {  	[smem:$0x3FAF] =	sst s6  }
0xf: {  	[smem:$0x3FB0] =	sst s7  }
0x10: {  	[smem:$0x3FB1] =	sst s8  }
0x11: {  	[smem:$0x3FB2] =	sst s9;
	s0 =	simm.s32 @!p0 $0x0  }
0x12: {  	s1 =	sld [smem:$0x3F98];
	s0 =	simm.s32 @p0 $0x1  }
0x13: {  	[smem:$0x3FB3] =	sst s0;
	s0 =	simm.s32 @!p1 $0x0  }
0x14: {  	s2 =	sld [smem:$0x3F97];
	s0 =	simm.s32 @p1 $0x1  }
0x15: {  	[smem:$0x3FB4] =	sst s0;
	s0 =	simm.s32 @!p2 $0x0  }
0x16: {  	s3 =	sld [smem:$0x3FDB];
	s0 =	simm.s32 @p2 $0x1  }
0x17: {  	s4 =	simm.s32 $0x1BF5;
	[smem:$0x3FB6] =	sst s0  }
0x18: {  	s0 =	sld [smem:$0x3F99];
	_ =	swait.ge [sflag:s4], $0x0  }
0x19: {  	s7 =	sld [smem:$0x3F9A]  }
0x1a: {  	s8 =	sadd.s32 $0xFFFFE003, lr  }
0x1b: {  	s9 =	sadd.s32 $0xFFFFFEF7, lr;
	s5 =	simm.s32 $0xFFFFFFFF;
	p2 =	slt.u32 s8, $0xFFFFF086  }
0x1c: {  	p1 =	slt.u32 s9, $0xF7A;
	s5 =	simm.s32 @!p2 $0x0  }
0x1d: {  	s5 =	simm.s32 @p1 $0x1;
	p0 =	seq.s32 s7, s2  }
0x1e: {  	s7 =	smul.u32 @!p0 $0xF7A, s2;
	p2 =	seq.s32 @!p0 s5, $0x0  }
0x1f: {  	s9 =	smul.u32 $0xF7A, s1;
	s8 =	simm.s32 @!p0 $0x1BF5;
	p2 =	por !p2, p0  }
0x20: {  	[sflag:s8] =	ssyncset.s32 @!p0 $0xFFFFF086;
	s6 =	sadd.s32 @!p0 s3, s7;
	s7 =	simm.s32 @!p0 $0x108  }
0x21: {  	s3 =	sadd.s32 s3, s9;
	s6 =	sadd.s32 @!p0 $0x88, s6;
	s7 =	simm.s32 @p2 $0x1082  }
0x22: {  	[simem:s7], [sflag:s8] =	dma.local @!p0 [hbm:s6], $0xF7A  }
0x23: {  	s9 =	sor.u32 $0xD0000000, s2;
	s6 =	simm.s32 $0x108;
	_ =	swait.ge @!p0 [sflag:s8], $0x0  }
0x24: {  	s3 =	sadd.s32 $0x88, s3;
	s6 =	simm.s32 @!p1 $0x1082;
	[sflag:s4] =	ssyncset.s32 $0xFFFFF086  }
0x25: {  	[simem:s6], [sflag:s4] =	dma.local [hbm:s3], $0xF7A  }
0x26: {  	[smem:$0x3F9A] =	sst s1;
	(tag) =	ssettag s2;
	_ =	strace s9  }
0x27: {  	s1 =	sld [smem:$0x3FAA]  }
0x28: {  	s2 =	sld [smem:$0x3FAB]  }
0x29: {  	s4 =	sld [smem:$0x3FAD]  }
0x2a: {  	p0 =	seq.s32 s5, $0x0;
	s5 =	sld [smem:$0x3FAE]  }
0x2b: {  	s6 =	sld [smem:$0x3FAF]  }
0x2c: {  	s7 =	sld [smem:$0x3FB0]  }
0x2d: {  	s3 =	simm.s32 $0x108;
	s8 =	sld [smem:$0x3FB1]  }
0x2e: {  	s3 =	simm.s32 @!p0 $0x1082;
	s9 =	sld [smem:$0x3FB2]  }
0x2f: {  	lr =	sadd.s32 s0, s3;
	s0 =	sld [smem:$0x3FA9]  }
0x30: {  	s3 =	sld [smem:$0x3FAC]  }
0x31: {  	[smem:$0x3FB5] =	sst s10  }
0x32: {  	s10 =	sld [smem:$0x3FB3];
	_ =	sdelay $0x3  }
0x33: {  	p0 =	seq.s32 s10, $0x1;
	s10 =	sld [smem:$0x3FB5];
	_ =	sdelay $0x3  }
0x34: {  	[smem:$0x3FB5] =	sst s10  }
0x35: {  	s10 =	sld [smem:$0x3FB4];
	_ =	sdelay $0x3  }
0x36: {  	p1 =	seq.s32 s10, $0x1;
	s10 =	sld [smem:$0x3FB5];
	_ =	sdelay $0x3  }
0x37: {  	[smem:$0x3FB5] =	sst s10  }
0x38: {  	s10 =	sld [smem:$0x3FB6]  }
0x39: {  	_ = 	snop;
	(pc) =	sbr.ind lr, $3  }
0x3a: {  	_ = 	snop  }
0x3b: {  	_ = 	snop  }
0x3c: {  	p2 =	seq.s32 s10, $0x1;
	s10 =	sld [smem:$0x3FB5]  }
0x3d: {  	_ =	shalt  }
0x3e: {  	_ =	shalt  }
0x3f: {  	_ =	shalt  }
0x40: {  	_ =	shalt  }
0x41: {  	_ =	shalt  }
0x42: {  	_ =	shalt  }
0x43: {  	_ =	shalt  }
0x44: {  	_ =	shalt  }
0x45: {  	_ =	shalt  }
0x46: {  	_ =	shalt  }
0x47: {  	_ =	shalt  }
0x48: {  	_ =	shalt  }
0x49: {  	_ =	shalt  }
0x4a: {  	_ =	shalt  }
0x4b: {  	_ =	shalt  }
0x4c: {  	_ =	shalt  }
0x4d: {  	_ =	shalt  }
0x4e: {  	_ =	shalt  }
0x4f: {  	_ =	shalt  }
0x50: {  	_ =	shalt  }
0x51: {  	_ =	shalt  }
0x52: {  	_ =	shalt  }
0x53: {  	_ =	shalt  }
0x54: {  	_ =	shalt  }
0x55: {  	_ =	shalt  }
0x56: {  	_ =	shalt  }
0x57: {  	_ =	shalt  }
0x58: {  	_ =	shalt  }
0x59: {  	_ =	shalt  }
0x5a: {  	_ =	shalt  }
0x5b: {  	_ =	shalt  }
0x5c: {  	_ =	shalt  }
0x5d: {  	_ =	shalt  }
0x5e: {  	_ =	shalt  }
0x5f: {  	_ =	shalt  }
0x60: {  	_ =	shalt  }
0x61: {  	_ =	shalt  }
0x62: {  	_ =	shalt  }
0x63: {  	_ =	shalt  }
0x64: {  	_ =	shalt  }
0x65: {  	_ =	shalt  }
0x66: {  	_ =	shalt  }
0x67: {  	_ =	shalt  }
0x68: {  	_ =	shalt  }
0x69: {  	_ =	shalt  }
0x6a: {  	_ =	shalt  }
0x6b: {  	_ =	shalt  }
0x6c: {  	_ =	shalt  }
0x6d: {  	_ =	shalt  }
0x6e: {  	_ =	shalt  }
0x6f: {  	_ =	shalt  }
0x70: {  	_ =	shalt  }
0x71: {  	_ =	shalt  }
0x72: {  	_ =	shalt  }
0x73: {  	_ =	shalt  }
0x74: {  	_ =	shalt  }
0x75: {  	_ =	shalt  }
0x76: {  	_ =	shalt  }
0x77: {  	_ =	shalt  }
0x78: {  	_ =	shalt  }
0x79: {  	_ =	shalt  }
0x7a: {  	_ =	shalt  }
0x7b: {  	_ =	shalt  }
0x7c: {  	_ =	shalt  }
0x7d: {  	_ =	shalt  }
0x7e: {  	_ =	shalt  }
0x7f: {  	_ =	shalt  }
0x80: {  	_ =	shalt  }
0x81: {  	_ =	shalt  }
0x82: {  	_ =	shalt  }
0x83: {  	_ =	shalt  }
0x84: {  	_ =	shalt  }
0x85: {  	_ =	shalt  }
0x86: {  	_ =	shalt  }
0x87: {  	_ =	shalt  }
.Lfunc_end0:
.L_simem_size_0:
called_computation.2_lowered:
.L_overlay_start_0:
0x88: {  	s2 =	sld [smem:$0x3FD9]  }
0x89: {  	s3 =	sld [smem:$0x3FFE];
	_ =	sdelay $0x1  }
0x8a: {  	s1 =	srdreg.scid  }
0x8b: {  	s0 =	sand.u32 $0x1, s1  }
0x8c: {  	s17 =	sshll.u32 s0, $0xA;
	s2 =	sadd.s32 s3, s2  }
0x8d: {  	s2 =	sadd.s32 s2, s17  }
0x8e: {  	[smem:$0x3FC1] =	sst s2  }
0x8f: {  	_ = 	snop  }
0x90: {  	s2 =	sld [smem:$0x3FD0];
	(tm) =	ssettm $0x1  }
0x91: {  	s18 =	sld [smem:$0x3FFB];
	_ =	sdelay $0x3  }
0x92: {  	_ =	strace s18  }
0x93: {  	s3 =	sld [smem:$0x3FFC];
	_ =	sdelay $0x3  }
0x94: {  	_ =	strace s3  }
0x95: {  	s3 =	sld [smem:$0x3FFD];
	_ =	sdelay $0x3  }
0x96: {  	_ =	strace s3  }
0x97: {  	_ =	strace $0x8FFFFFFF  }
0x98: {  	s19 =	sld [smem:$0x3FDB];
	_ =	sdelay $0x1  }
0x99: {  	s4 =	simm.s32 $_scs_section_size  }
0x9a: {  	s5 =	simm.s32 $_size__tile_overlayer_lowered;
	s6 =	simm.s32 $_tile_overlayer_lowered  }
0x9b: {  	s22 =	simm.s32 $0x1BFF;
	s21 =	sshll.u32 s6, $0x1;
	s3 =	sadd.s32 s4, s19  }
0x9c: {  	s7 =	simm.s32 $0x0;
	s20 =	sshll.u32 s5, $0x1;
	s5 =	sadd.s32 s21, s3  }
0x9d: {  	[timem:s7], [sflag:s22] =	dma.local [hbm:s5], s20  }
0x9e: {  	_ =	swait.ge [sflag:s22], s20  }
0x9f: {  	s4 =	ssub.s32 $0x0, s20;
	[sflag:s22] =	ssyncset.done $0x0  }
0xa0: {  	[sflag:s22] =	ssyncadd.s32 s4;
	_ =	sdelay $0x1  }
0xa1: {  	s23 =	simm.s32 $0x1B8B  }
0xa2: {  	_ =	swait.ge [sflag:s23], $0x1  }
0xa3: {  	[sflag:s23] =	ssyncset.done $0x0  }
0xa4: {  	s25 =	simm.s32 $0x1B8E;
	s24 =	sld [smem:$0x3FFE];
	[sflag:s23] =	ssyncadd.s32 $0xFFFFFFFF  }
0xa5: {  	s26 =	simm.s32 $execute0_lowered;
	[smem:$0x3FD2] =	sst s25  }
0xa6: {  	s5 =	sshll.u32 s26, $0x1;
	_ =	strace $0x8000004C;
	[dreg:$0x1] =	wrdreg $0xFFFFFFFF  }
0xa7: {  	s28 =	simm.s32 $_size_execute0_lowered;
	s3 =	sadd.s32 s3, s5;
	[dreg:$0x0] =	wrdreg $0x0  }
0xa8: {  	s5 =	sshll.u32 s28, $0x1;
	[dreg:$0x2] =	wrdreg s3  }
0xa9: {  	[dreg:$0x3] =	wrdreg s5  }
0xaa: {  	[dreg:$0x4] =	wrdreg $0xC0  }
0xab: {  	_ =	task [dreg:s7], $0x5FFFF  }
0xac: {  	[dreg:$0x1] =	wrdreg $0xFFFFFFFF  }
0xad: {  	[dreg:$0x0] =	wrdreg $0x60  }
0xae: {  	[dreg:$0x2] =	wrdreg s2  }
0xaf: {  	[dreg:$0x3] =	wrdreg s24  }
0xb0: {  	[dreg:$0x4] =	wrdreg $0x120400  }
0xb1: {  	[dreg:$0x5] =	wrdreg $0x9  }
0xb2: {  	_ =	task.clear_ibuf [dreg:s7], $0x6FFFF;
	_ =	strace $0x9000004C  }
0xb3: {  	s29 =	simm.s32 $0x9;
	_ =	strace $0x8000004E  }
0xb4: {  	_ =	swait.ge [sflag:s29], $0x1  }
0xb5: {  	[sflag:s29] =	ssyncadd.s32 $0xFFFFFFFF  }
0xb6: {  	_ =	strace $0x9000004E  }
0xb7: {  	_ =	sfence  }
0xb8: {  	s30 =	sld [smem:$0x0];
	_ =	sdelay $0x2  }
0xb9: {  	s31 =	sshll.u32 s1, $0xD;
	s1 =	sshrl.u32 s1, $0x2  }
0xba: {  	s3 =	sand.u32 $0x4000, s31;
	s1 =	sadd.s32 s1, s30  }
0xbb: {  	s0 =	sor.u32 s3, s0;
	s1 =	sshll.u32 s1, $0x11  }
0xbc: {  	s0 =	sor.u32 s1, s0  }
0xbd: {  	s0 =	sadd.s32 $0x8F2B, s0  }
0xbe: {  	[sflag:s0] =	ssyncadd.remote.s32 $0x1  }
0xbf: {  	_ =	sfence.sel $0xFFFF  }
0xc0: {  	[dreg:$0x0] =	wrdreg $0xFFFFFFFF;
	(pc) =	sbr.abs _section_cstart, $3  }
0xc1: {  	[dreg:$0x1] =	wrdreg $0xFFFFFFFF  }
0xc2: {  	_ =	task.clear_ibuf [dreg:s7], $0x2FFFF;
	_ =	strace $0x9FFFFFFF  }
0xc3: {  	(tm) =	ssettm $0x7FFFFFFF  }
tec
execute0_lowered:
.L_overlay_start_1:
0x0: {  	(tag) =	ssettag $0x1  }
0x1: {  	s0 =	rddreg [dreg:$0x0]  }
0x2: {  	s1 =	rddreg [dreg:$0x1]  }
0x3: {  	s2 =	rddreg [dreg:$0x2]  }
0x4: {  	s9 =	stileid.u32;
	s4 =	srdreg.scid  }
0x5: {  	s3 =	simm.s32 $0x0;
	s14 =	simm.s32 $0x10040;
	s15 =	simm.s32 $0xB  }
0x6: {  	s17 =	simm.s32 $0x50;
	s18 =	simm.s32 $0x9C40;
	s19 =	simm.s32 $0xB040  }
0x7: {  	s21 =	simm.s32 $0xC440;
	s28 =	simm.s32 $0x2;
	s29 =	simm.s32 $0x3  }
0x8: {  	s30 =	simm.s32 $0x4;
	s31 =	simm.s32 $0x5;
	s5 =	smul.u32 $0xA000, s9  }
0x9: {  	s16 =	simm.s32 $0x7;
	s20 =	simm.s32 $0x9;
	s8 =	smul.u32 $0x9C4, s9  }
0xa: {  	s6 =	sand.u32 $0x1, s4;
	[smem:$0x7FF] =	sst s3;
	s9 =	smul.u32 $0x28000, s9  }
0xb: {  	s4 =	sadd.s32 $0x3DC00, s1;
	s7 =	smul.u32 $0xA0000, s6;
	_ =	strace $0x8000004D  }
0xc: {  	s22 =	ssub.s32 $0x2, s6;
	p0 =	seq.s32 s6, $0x0;
	s11 =	sadd.s32 s8, s1  }
0xd: {  	s23 =	sshrl.u32 s22, $0x1;
	s9 =	sshrl.u32 s9, $0x2;
	s4 =	smov.u32 @p0 s0  }
0xe: {  	s0 =	simm.s32 $0x6;
	s7 =	sadd.s32 s5, s7;
	s5 =	sadd.s32 s5, s2  }
0xf: {  	s9 =	sadd.s32 s9, s2;
	s10 =	sadd.s32 $0x2E00, s11;
	s11 =	sadd.s32 $0xCC00, s11  }
0x10: {  	s7 =	sshrl.u32 s7, $0x3;
	s24 =	sadd.s32 $0x2000, s9;
	s25 =	sadd.s32 $0x4000, s9  }
0x11: {  	s26 =	sadd.s32 $0x6000, s9;
	s9 =	sadd.s32 $0x8000, s9;
	[dreg:$0x4] =	wrdreg s24  }
0x12: {  	s1 =	sadd.s32 s7, s1;
	s7 =	ssub.s32 s22, s23;
	[dreg:$0x5] =	wrdreg s25  }
0x13: {  	[dreg:$0x6] =	wrdreg s26;
	s23 =	simm.s32 $0xD840;
	s25 =	simm.s32 $0xEC40  }
0x14: {  	s26 =	simm.s32 $0x1;
	s22 =	simm.s32 $0xA;
	s24 =	simm.s32 $0x4DD0  }
0x15: {  	v0 =	vimm.f32 $0.0e+00;
	s12 =	sadd.s32 $0x51600, s1;
	s13 =	smax.u32 s7, $0x1;
	s1 =	simm.s32 $0x8  }
.LBB2_1:
0x16: {  	s7 =	simm.s32 $0x100;
	s6 =	simm.s32 $0x0  }
.LBB2_2:
0x17: {  	p0 =	sne.s32 s7, $0x7F00;
	[tilespmem:s6+$0x10070] =	vst v0;
	s8 =	smov.u32 s7;
	s7 =	sadd.s32 $0x100, s7  }
.Ltmp0:
0x18: {  	[tilespmem:s6+$0x10060] =	vst v0;
	(pc) =	sbr.rel @p0 .LBB2_2-.Ltmp0, $3  }
0x19: {  	[tilespmem:s6+$0x10040] =	vst v0  }
0x1a: {  	[tilespmem:s6+$0x10050] =	vst v0;
	_ =	sdelay $0x1  }
0x1b: {  	s6 =	sshra.s32 s8, $0x2  }
0x1c: {  	[tilespmem:s6+$0x10070] =	vst v0  }
0x1d: {  	[tilespmem:s6+$0x10060] =	vst v0  }
0x1e: {  	[tilespmem:s6+$0x10040] =	vst v0  }
0x1f: {  	[tilespmem:s6+$0x10050] =	vst v0  }
0x20: {  	[spmem:s5] =	stream.linear.scatter [tilespmem:s14], [sflag:$0xB], $0x2000, $0x38;
	[tilespmem:$0x1C040] =	vst v63  }
0x21: {  	_ =	swait.ge [sflag:s15], $0x2000  }
0x22: {  	[sflag:s15] =	ssyncset.done $0x0  }
0x23: {  	s7 =	rddreg [dreg:$0x4];
	[sflag:s15] =	ssyncadd.s32 $0xFFFFE000  }
0x24: {  	[spmem:s7] =	stream.linear.scatter [tilespmem:s14], [sflag:$0xB], $0x2000, $0x38;
	[tilespmem:$0x1C040] =	vst v63  }
0x25: {  	_ =	swait.ge [sflag:s15], $0x2000  }
0x26: {  	[sflag:s15] =	ssyncset.done $0x0  }
0x27: {  	s8 =	rddreg [dreg:$0x5];
	[sflag:s15] =	ssyncadd.s32 $0xFFFFE000  }
0x28: {  	[spmem:s8] =	stream.linear.scatter [tilespmem:s14], [sflag:$0xB], $0x2000, $0x38;
	[tilespmem:$0x1C040] =	vst v63  }
0x29: {  	_ =	swait.ge [sflag:s15], $0x2000  }
0x2a: {  	[sflag:s15] =	ssyncset.done $0x0  }
0x2b: {  	s7 =	rddreg [dreg:$0x6];
	[sflag:s15] =	ssyncadd.s32 $0xFFFFE000  }
0x2c: {  	[spmem:s7] =	stream.linear.scatter [tilespmem:s14], [sflag:$0xB], $0x2000, $0x38;
	[tilespmem:$0x1C040] =	vst v63  }
0x2d: {  	_ =	swait.ge [sflag:s15], $0x2000  }
0x2e: {  	[sflag:s15] =	ssyncset.done $0x0  }
0x2f: {  	[sflag:s15] =	ssyncadd.s32 $0xFFFFE000  }
0x30: {  	[spmem:s9] =	stream.linear.scatter [tilespmem:s14], [sflag:$0xB], $0x2000, $0x38;
	[tilespmem:$0x1C040] =	vst v63  }
0x31: {  	_ =	swait.ge [sflag:s15], $0x2000  }
0x32: {  	[sflag:s15] =	ssyncset.done $0x0  }
0x33: {  	s8 =	simm.s32 $0x0;
	[sflag:s15] =	ssyncadd.s32 $0xFFFFE000  }
0x34: {  	[tilespmem:s8], [sflag:$0xB] =	stream.linear.gather [hbm4b:s10+s8], $0x4E20, $0x38;
	[tilespmem:$0x1C040] =	vst v63  }
0x35: {  	_ =	swait.ge [sflag:s15], $0x4E20  }
0x36: {  	[sflag:s15] =	ssyncset.done $0x0  }
0x37: {  	s7 =	simm.s32 $0x4E20;
	[sflag:s15] =	ssyncadd.s32 $0xFFFFB1E0  }
0x38: {  	[tilespmem:s7], [sflag:$0xB] =	stream.linear.gather [hbm4b:s11+s8], $0x4E20, $0x38;
	[tilespmem:$0x1C040] =	vst v63  }
0x39: {  	_ =	swait.ge [sflag:s15], $0x4E20  }
0x3a: {  	[sflag:s15] =	ssyncset.done $0x0  }
0x3b: {  	[sflag:s15] =	ssyncadd.s32 $0xFFFFB1E0  }
0x3c: {  	[bflag:$0x0] =	sbarrier.arrive $0xFFFF  }
0x3d: {  	[tilespmem:s18], [sflag:$0x1] =	stream.indirect.gather [hbm4b:s4+s17], $0x40, s8, s17, $0xb8;
	[tilespmem:$0x1C040] =	vst v63  }
0x3e: {  	_ = 	snop  }
0x3f: {  	[tilespmem:s19], [sflag:$0x2] =	stream.indirect.gather [hbm4b:s4+s17], $0x40, s17, s17, $0xb8;
	[tilespmem:$0x1C040] =	vst v63  }
0x40: {  	s7 =	simm.s32 $0xA0  }
0x41: {  	[tilespmem:s21], [sflag:$0x3] =	stream.indirect.gather [hbm4b:s4+s17], $0x40, s7, s17, $0xb8;
	[tilespmem:$0x1C040] =	vst v63  }
0x42: {  	s8 =	simm.s32 $0xF0  }
0x43: {  	[tilespmem:s23], [sflag:$0x4] =	stream.indirect.gather [hbm4b:s4+s17], $0x40, s8, s17, $0xb8;
	[tilespmem:$0x1C040] =	vst v63  }
0x44: {  	s7 =	simm.s32 $0x140  }
0x45: {  	[tilespmem:s25], [sflag:$0x5] =	stream.indirect.gather [hbm4b:s4+s17], $0x40, s7, s17, $0xb8;
	[tilespmem:$0x1C040] =	vst v63  }
0x46: {  	_ =	swait.ge [sflag:s26], $0x1400  }
0x47: {  	[sflag:s26] =	ssyncset.done $0x0  }
0x48: {  	s8 =	simm.s32 $0x4E20;
	[sflag:s26] =	ssyncadd.s32 $0xFFFFEC00  }
0x49: {  	[spmem:s2] =	stream.indirect.scatter.add.f32 [tilespmem:s18], [sflag:$0x6], $0x40, s8, s17, $0xb8;
	[tilespmem:$0x1C040] =	vst v63  }
0x4a: {  	_ =	swait.ge [sflag:s28], $0x1400  }
0x4b: {  	[sflag:s28] =	ssyncset.done $0x0  }
0x4c: {  	s7 =	simm.s32 $0x4E70;
	[sflag:s28] =	ssyncadd.s32 $0xFFFFEC00  }
0x4d: {  	[spmem:s2] =	stream.indirect.scatter.add.f32 [tilespmem:s19], [sflag:$0x7], $0x40, s7, s17, $0xb8;
	[tilespmem:$0x1C040] =	vst v63  }
0x4e: {  	_ =	swait.ge [sflag:s29], $0x1400  }
0x4f: {  	[sflag:s29] =	ssyncset.done $0x0  }
0x50: {  	s8 =	simm.s32 $0x4EC0;
	[sflag:s29] =	ssyncadd.s32 $0xFFFFEC00  }
0x51: {  	[spmem:s2] =	stream.indirect.scatter.add.f32 [tilespmem:s21], [sflag:$0x8], $0x40, s8, s17, $0xb8;
	[tilespmem:$0x1C040] =	vst v63  }
0x52: {  	_ =	swait.ge [sflag:s30], $0x1400  }
0x53: {  	[sflag:s30] =	ssyncset.done $0x0  }
0x54: {  	s7 =	simm.s32 $0x4F10;
	[sflag:s30] =	ssyncadd.s32 $0xFFFFEC00  }
0x55: {  	[spmem:s2] =	stream.indirect.scatter.add.f32 [tilespmem:s23], [sflag:$0x9], $0x40, s7, s17, $0xb8;
	[tilespmem:$0x1C040] =	vst v63  }
0x56: {  	_ =	swait.ge [sflag:s31], $0x1400  }
0x57: {  	[sflag:s31] =	ssyncset.done $0x0  }
0x58: {  	s8 =	simm.s32 $0x4F60;
	[sflag:s31] =	ssyncadd.s32 $0xFFFFEC00  }
0x59: {  	[spmem:s2] =	stream.indirect.scatter.add.f32 [tilespmem:s25], [sflag:$0xA], $0x40, s8, s17, $0xb8;
	[tilespmem:$0x1C040] =	vst v63  }
0x5a: {  	_ =	swait.ge [sflag:s0], $0x1400  }
0x5b: {  	[sflag:s0] =	ssyncset.done $0x0  }
0x5c: {  	s7 =	simm.s32 $0x190;
	[sflag:s0] =	ssyncadd.s32 $0xFFFFEC00  }
0x5d: {  	[tilespmem:s18], [sflag:$0x1] =	stream.indirect.gather [hbm4b:s4+s17], $0x40, s7, s17, $0xb8;
	[tilespmem:$0x1C040] =	vst v63  }
0x5e: {  	_ =	swait.ge [sflag:s16], $0x1400  }
0x5f: {  	[sflag:s16] =	ssyncset.done $0x0  }
0x60: {  	s8 =	simm.s32 $0x1E0;
	[sflag:s16] =	ssyncadd.s32 $0xFFFFEC00  }
0x61: {  	[tilespmem:s19], [sflag:$0x2] =	stream.indirect.gather [hbm4b:s4+s17], $0x40, s8, s17, $0xb8;
	[tilespmem:$0x1C040] =	vst v63  }
0x62: {  	_ =	swait.ge [sflag:s1], $0x1400  }
0x63: {  	[sflag:s1] =	ssyncset.done $0x0  }
0x64: {  	s7 =	simm.s32 $0x230;
	[sflag:s1] =	ssyncadd.s32 $0xFFFFEC00  }
0x65: {  	[tilespmem:s21], [sflag:$0x3] =	stream.indirect.gather [hbm4b:s4+s17], $0x40, s7, s17, $0xb8;
	[tilespmem:$0x1C040] =	vst v63  }
0x66: {  	_ =	swait.ge [sflag:s20], $0x1400  }
0x67: {  	[sflag:s20] =	ssyncset.done $0x0  }
0x68: {  	s8 =	simm.s32 $0x280;
	[sflag:s20] =	ssyncadd.s32 $0xFFFFEC00  }
0x69: {  	[tilespmem:s23], [sflag:$0x4] =	stream.indirect.gather [hbm4b:s4+s17], $0x40, s8, s17, $0xb8;
	[tilespmem:$0x1C040] =	vst v63  }
0x6a: {  	_ =	swait.ge [sflag:s22], $0x1400  }
0x6b: {  	[sflag:s22] =	ssyncset.done $0x0  }
0x6c: {  	s6 =	simm.s32 $0x640;
	s7 =	simm.s32 $0x2D0;
	[sflag:s22] =	ssyncadd.s32 $0xFFFFEC00  }
.LBB2_4:
0x6d: {  	[tilespmem:s25], [sflag:$0x5] =	stream.indirect.gather [hbm4b:s4+s17], $0x40, s7, s17, $0xb8;
	[tilespmem:$0x1C040] =	vst v63  }
0x6e: {  	s7 =	smov.u32 s6;
	s6 =	sadd.s32 $0x640, s6;
	_ =	swait.ge [sflag:s26], $0x1400  }
0x6f: {  	s7 =	sshra.s32 s7, $0x2;
	p0 =	sne.s32 s6, $0x13240;
	[sflag:s26] =	ssyncset.done $0x0  }
0x70: {  	s8 =	sadd.s32 $0x4E20, s7;
	[sflag:s26] =	ssyncadd.s32 $0xFFFFEC00  }
0x71: {  	[spmem:s2] =	stream.indirect.scatter.add.f32 [tilespmem:s18], [sflag:$0x6], $0x40, s8, s17, $0xb8;
	[tilespmem:$0x1C040] =	vst v63  }
0x72: {  	_ =	swait.ge [sflag:s28], $0x1400  }
0x73: {  	[sflag:s28] =	ssyncset.done $0x0  }
0x74: {  	s8 =	sadd.s32 $0x4E70, s7;
	[sflag:s28] =	ssyncadd.s32 $0xFFFFEC00  }
0x75: {  	[spmem:s2] =	stream.indirect.scatter.add.f32 [tilespmem:s19], [sflag:$0x7], $0x40, s8, s17, $0xb8;
	[tilespmem:$0x1C040] =	vst v63  }
0x76: {  	_ =	swait.ge [sflag:s29], $0x1400  }
0x77: {  	[sflag:s29] =	ssyncset.done $0x0  }
0x78: {  	s8 =	sadd.s32 $0x4EC0, s7;
	[sflag:s29] =	ssyncadd.s32 $0xFFFFEC00  }
0x79: {  	[spmem:s2] =	stream.indirect.scatter.add.f32 [tilespmem:s21], [sflag:$0x8], $0x40, s8, s17, $0xb8;
	[tilespmem:$0x1C040] =	vst v63  }
0x7a: {  	_ =	swait.ge [sflag:s30], $0x1400  }
0x7b: {  	[sflag:s30] =	ssyncset.done $0x0  }
0x7c: {  	s8 =	sadd.s32 $0x4F10, s7;
	[sflag:s30] =	ssyncadd.s32 $0xFFFFEC00  }
0x7d: {  	[spmem:s2] =	stream.indirect.scatter.add.f32 [tilespmem:s23], [sflag:$0x9], $0x40, s8, s17, $0xb8;
	[tilespmem:$0x1C040] =	vst v63  }
0x7e: {  	_ =	swait.ge [sflag:s31], $0x1400  }
0x7f: {  	[sflag:s31] =	ssyncset.done $0x0  }
0x80: {  	s8 =	sadd.s32 $0x4F60, s7;
	[sflag:s31] =	ssyncadd.s32 $0xFFFFEC00  }
0x81: {  	[spmem:s2] =	stream.indirect.scatter.add.f32 [tilespmem:s25], [sflag:$0xA], $0x40, s8, s17, $0xb8;
	[tilespmem:$0x1C040] =	vst v63  }
0x82: {  	_ =	swait.ge [sflag:s0], $0x1400  }
0x83: {  	[sflag:s0] =	ssyncset.done $0x0  }
0x84: {  	s8 =	sadd.s32 $0x190, s7;
	[sflag:s0] =	ssyncadd.s32 $0xFFFFEC00  }
0x85: {  	[tilespmem:s18], [sflag:$0x1] =	stream.indirect.gather [hbm4b:s4+s17], $0x40, s8, s17, $0xb8;
	[tilespmem:$0x1C040] =	vst v63  }
0x86: {  	_ =	swait.ge [sflag:s16], $0x1400  }
0x87: {  	[sflag:s16] =	ssyncset.done $0x0  }
0x88: {  	s8 =	sadd.s32 $0x1E0, s7;
	[sflag:s16] =	ssyncadd.s32 $0xFFFFEC00  }
0x89: {  	[tilespmem:s19], [sflag:$0x2] =	stream.indirect.gather [hbm4b:s4+s17], $0x40, s8, s17, $0xb8;
	[tilespmem:$0x1C040] =	vst v63  }
0x8a: {  	_ =	swait.ge [sflag:s1], $0x1400  }
0x8b: {  	[sflag:s1] =	ssyncset.done $0x0  }
0x8c: {  	s8 =	sadd.s32 $0x230, s7;
	[sflag:s1] =	ssyncadd.s32 $0xFFFFEC00  }
0x8d: {  	[tilespmem:s21], [sflag:$0x3] =	stream.indirect.gather [hbm4b:s4+s17], $0x40, s8, s17, $0xb8;
	[tilespmem:$0x1C040] =	vst v63  }
0x8e: {  	_ =	swait.ge [sflag:s20], $0x1400  }
0x8f: {  	[sflag:s20] =	ssyncset.done $0x0  }
.Ltmp1:
0x90: {  	s8 =	sadd.s32 $0x280, s7;
	[sflag:s20] =	ssyncadd.s32 $0xFFFFEC00;
	(pc) =	sbr.rel @p0 .LBB2_4-.Ltmp1, $4  }
0x91: {  	[tilespmem:s23], [sflag:$0x4] =	stream.indirect.gather [hbm4b:s4+s17], $0x40, s8, s17, $0xb8;
	[tilespmem:$0x1C040] =	vst v63  }
0x92: {  	_ =	swait.ge [sflag:s22], $0x1400  }
0x93: {  	[sflag:s22] =	ssyncset.done $0x0  }
0x94: {  	s7 =	sadd.s32 $0x2D0, s7;
	[sflag:s22] =	ssyncadd.s32 $0xFFFFEC00  }
0x95: {  	[tilespmem:s25], [sflag:$0x5] =	stream.indirect.gather [hbm4b:s4+s17], $0x40, s7, s17, $0xb8;
	[tilespmem:$0x1C040] =	vst v63  }
0x96: {  	_ =	swait.ge [sflag:s26], $0x1400  }
0x97: {  	s6 =	sshra.s32 s6, $0x2;
	[sflag:s26] =	ssyncset.done $0x0  }
0x98: {  	s8 =	sadd.s32 $0x4E20, s6;
	[sflag:s26] =	ssyncadd.s32 $0xFFFFEC00  }
0x99: {  	[spmem:s2] =	stream.indirect.scatter.add.f32 [tilespmem:s18], [sflag:$0x6], $0x40, s8, s17, $0xb8;
	[tilespmem:$0x1C040] =	vst v63  }
0x9a: {  	_ =	swait.ge [sflag:s28], $0x1400  }
0x9b: {  	[sflag:s28] =	ssyncset.done $0x0  }
0x9c: {  	s8 =	sadd.s32 $0x4E70, s6;
	[sflag:s28] =	ssyncadd.s32 $0xFFFFEC00  }
0x9d: {  	[spmem:s2] =	stream.indirect.scatter.add.f32 [tilespmem:s19], [sflag:$0x7], $0x40, s8, s17, $0xb8;
	[tilespmem:$0x1C040] =	vst v63  }
0x9e: {  	_ =	swait.ge [sflag:s29], $0x1400  }
0x9f: {  	[sflag:s29] =	ssyncset.done $0x0  }
0xa0: {  	s8 =	sadd.s32 $0x4EC0, s6;
	[sflag:s29] =	ssyncadd.s32 $0xFFFFEC00  }
0xa1: {  	[spmem:s2] =	stream.indirect.scatter.add.f32 [tilespmem:s21], [sflag:$0x8], $0x40, s8, s17, $0xb8;
	[tilespmem:$0x1C040] =	vst v63  }
0xa2: {  	_ =	swait.ge [sflag:s30], $0x1400  }
0xa3: {  	[sflag:s30] =	ssyncset.done $0x0  }
0xa4: {  	s8 =	sadd.s32 $0x4F10, s6;
	[sflag:s30] =	ssyncadd.s32 $0xFFFFEC00  }
0xa5: {  	[spmem:s2] =	stream.indirect.scatter.add.f32 [tilespmem:s23], [sflag:$0x9], $0x40, s8, s17, $0xb8;
	[tilespmem:$0x1C040] =	vst v63  }
0xa6: {  	_ =	swait.ge [sflag:s31], $0x1400  }
0xa7: {  	[sflag:s31] =	ssyncset.done $0x0  }
0xa8: {  	s6 =	sadd.s32 $0x4F60, s6;
	[sflag:s31] =	ssyncadd.s32 $0xFFFFEC00  }
0xa9: {  	[spmem:s2] =	stream.indirect.scatter.add.f32 [tilespmem:s25], [sflag:$0xA], $0x40, s6, s17, $0xb8;
	[tilespmem:$0x1C040] =	vst v63  }
0xaa: {  	_ =	swait.ge [sflag:s0], $0x1400  }
0xab: {  	[sflag:s0] =	ssyncset.done $0x0  }
0xac: {  	[sflag:s0] =	ssyncadd.s32 $0xFFFFEC00  }
0xad: {  	[tilespmem:s18], [sflag:$0x1] =	stream.indirect.gather [hbm4b:s4+s17], $0x40, s24, s17, $0xb8;
	[tilespmem:$0x1C040] =	vst v63  }
0xae: {  	_ =	swait.ge [sflag:s16], $0x1400  }
0xaf: {  	[sflag:s16] =	ssyncset.done $0x0  }
0xb0: {  	[sflag:s16] =	ssyncadd.s32 $0xFFFFEC00  }
0xb1: {  	[tilespmem:s19], [sflag:$0x2] =	stream.indirect.gather [hbm4b:s4+s17], $0x40, s24, s17, $0xb8;
	[tilespmem:$0x1C040] =	vst v63  }
0xb2: {  	_ =	swait.ge [sflag:s1], $0x1400  }
0xb3: {  	[sflag:s1] =	ssyncset.done $0x0  }
0xb4: {  	[sflag:s1] =	ssyncadd.s32 $0xFFFFEC00  }
0xb5: {  	[tilespmem:s21], [sflag:$0x3] =	stream.indirect.gather [hbm4b:s4+s17], $0x40, s24, s17, $0xb8;
	[tilespmem:$0x1C040] =	vst v63  }
0xb6: {  	_ =	swait.ge [sflag:s20], $0x1400  }
0xb7: {  	[sflag:s20] =	ssyncset.done $0x0  }
0xb8: {  	[sflag:s20] =	ssyncadd.s32 $0xFFFFEC00  }
0xb9: {  	[tilespmem:s23], [sflag:$0x4] =	stream.indirect.gather [hbm4b:s4+s17], $0x40, s24, s17, $0xb8;
	[tilespmem:$0x1C040] =	vst v63  }
0xba: {  	_ =	swait.ge [sflag:s22], $0x1400  }
0xbb: {  	[sflag:s22] =	ssyncset.done $0x0  }
0xbc: {  	[sflag:s22] =	ssyncadd.s32 $0xFFFFEC00  }
0xbd: {  	[tilespmem:s25], [sflag:$0x5] =	stream.indirect.gather [hbm4b:s4+s17], $0x40, s24, s17, $0xb8;
	[tilespmem:$0x1C040] =	vst v63  }
0xbe: {  	_ =	swait.ge [sflag:s26], $0x1400  }
0xbf: {  	[sflag:s26] =	ssyncset.done $0x0  }
0xc0: {  	[sflag:s26] =	ssyncadd.s32 $0xFFFFEC00  }
0xc1: {  	_ =	swait.ge [sflag:s28], $0x1400  }
0xc2: {  	[sflag:s28] =	ssyncset.done $0x0  }
0xc3: {  	[sflag:s28] =	ssyncadd.s32 $0xFFFFEC00  }
0xc4: {  	_ =	swait.ge [sflag:s29], $0x1400  }
0xc5: {  	[sflag:s29] =	ssyncset.done $0x0  }
0xc6: {  	[sflag:s29] =	ssyncadd.s32 $0xFFFFEC00  }
0xc7: {  	_ =	swait.ge [sflag:s30], $0x1400  }
0xc8: {  	[sflag:s30] =	ssyncset.done $0x0  }
0xc9: {  	[sflag:s30] =	ssyncadd.s32 $0xFFFFEC00  }
0xca: {  	s3 =	sadd.s32 $0x1, s3;
	_ =	swait.ge [sflag:s31], $0x1400  }
0xcb: {  	s7 =	stileid.u32;
	p0 =	sne.s32 s3, s13;
	[sflag:s31] =	ssyncset.done $0x0  }
0xcc: {  	s8 =	sshrl.u32 s5, $0x3;
	s6 =	sshll.u32 s7, $0x6;
	[sflag:s31] =	ssyncadd.s32 $0xFFFFEC00  }
.Ltmp2:
0xcd: {  	s6 =	sor.u32 $0x1C0B, s6;
	[bflag:$0x0] =	sbarrier.arrive $0xFFFF;
	(pc) =	sbr.rel @p0 .LBB2_1-.Ltmp2, $4  }
0xce: {  	[hbm:s12], [sflag:s6] =	dma.local [spmem:s8], $0x1400  }
0xcf: {  	_ =	swait.ge [sflag:s15], $0x1400  }
0xd0: {  	[sflag:s15] =	ssyncset.done $0x0  }
0xd1: {  	[sflag:s15] =	ssyncadd.s32 $0xFFFFEC00  }
0xd2: {  	_ =	sfence.sel $0x180000  }
0xd3: {  	[bflag:$0x0] =	sbarrier.arrive $0xFFFF  }
0xd4: {  	_ =	strace $0x9000004D  }
0xd5: {  	s0 =	stileid.u32;
	[bflag:$0x2] =	sbarrier.arrive $0xFFFF  }
0xd6: {  	p0 =	sne.s32 s0, $0x0;
	s0 =	rddreg [dreg:$0x3]  }
0xd7: {  	s0 =	sadd.s32 @!p0 $0x100000, s0  }
0xd8: {  	[sflag:s0] =	ssyncadd.tile.s32 @!p0 $0x1;
	_ =	shalt  }
.Lfunc_end2:
_tile_overlayer_lowered:
.L_overlay_start_2:
0xd9: {  	(tag) =	ssettag $0x2  }
0xda: {  	s0 =	rddreg [dreg:$0x0];
	s2 =	stileid.u32  }
0xdb: {  	s1 =	rddreg [dreg:$0x1];
	p0 =	sne.s32 s2, $0x0  }
0xdc: {  	s3 =	rddreg [dreg:$0x2];
	[bflag:$0x3] =	sbarrier.arrive $0xFFFF;
	s2 =	simm.s32 @!p0 $0x1C0B  }
0xdd: {  	[timem:s3], [sflag:s2] =	dma.local @!p0 [hbm:s0], s1  }
0xde: {  	s0 =	simm.s32 @!p0 $0xB  }
0xdf: {  	_ =	swait.ge @!p0 [sflag:s0], s1  }
0xe0: {  	s1 =	ssub.s32 @!p0 $0x0, s1;
	[sflag:s0] =	ssyncset.done @!p0 $0x0  }
0xe1: {  	[sflag:s0] =	ssyncadd.s32 @!p0 s1  }
0xe2: {  	[bflag:$0x3] =	sbarrier.arrive $0xFFFF  }
0xe3: {  	_ =	shalt  }

// kernel: kernel.8.cloned.1.call-start
scs
__scs_entry_jumppad:
0x0: {  	(pc) =	sbr.rel $0x88, $3  }
0x1: {  	(tag) =	ssettag $0x0;
	lr =	simm.s32 $0x1  }
0x2: {  	[smem:$0x3F9A] =	sst lr;
	_ =	strace $0xD0000000  }
0x3: {  	_ = 	snop  }
0x4: {  	_ = 	snop  }
0x5: {  	_ = 	snop  }
0x6: {  	_ = 	snop  }
0x7: {  	_ = 	snop  }
__scs_overlays_trampoline_lowered:
0x8: {  	[smem:$0x3FA9] =	sst s0  }
0x9: {  	[smem:$0x3FAA] =	sst s1  }
0xa: {  	[smem:$0x3FAB] =	sst s2  }
0xb: {  	[smem:$0x3FAC] =	sst s3  }
0xc: {  	[smem:$0x3FAD] =	sst s4  }
0xd: {  	[smem:$0x3FAE] =	sst s5  }
0xe: {  	[smem:$0x3FAF] =	sst s6  }
0xf: {  	[smem:$0x3FB0] =	sst s7  }
0x10: {  	[smem:$0x3FB1] =	sst s8  }
0x11: {  	[smem:$0x3FB2] =	sst s9;
	s0 =	simm.s32 @!p0 $0x0  }
0x12: {  	s1 =	sld [smem:$0x3F98];
	s0 =	simm.s32 @p0 $0x1  }
0x13: {  	[smem:$0x3FB3] =	sst s0;
	s0 =	simm.s32 @!p1 $0x0  }
0x14: {  	s2 =	sld [smem:$0x3F97];
	s0 =	simm.s32 @p1 $0x1  }
0x15: {  	[smem:$0x3FB4] =	sst s0;
	s0 =	simm.s32 @!p2 $0x0  }
0x16: {  	s3 =	sld [smem:$0x3FDB];
	s0 =	simm.s32 @p2 $0x1  }
0x17: {  	s4 =	simm.s32 $0x1BF5;
	[smem:$0x3FB6] =	sst s0  }
0x18: {  	s0 =	sld [smem:$0x3F99];
	_ =	swait.ge [sflag:s4], $0x0  }
0x19: {  	s7 =	sld [smem:$0x3F9A]  }
0x1a: {  	s8 =	sadd.s32 $0xFFFFE003, lr  }
0x1b: {  	s9 =	sadd.s32 $0xFFFFFEF7, lr;
	s5 =	simm.s32 $0xFFFFFFFF;
	p2 =	slt.u32 s8, $0xFFFFF086  }
0x1c: {  	p1 =	slt.u32 s9, $0xF7A;
	s5 =	simm.s32 @!p2 $0x0  }
0x1d: {  	s5 =	simm.s32 @p1 $0x1;
	p0 =	seq.s32 s7, s2  }
0x1e: {  	s7 =	smul.u32 @!p0 $0xF7A, s2;
	p2 =	seq.s32 @!p0 s5, $0x0  }
0x1f: {  	s9 =	smul.u32 $0xF7A, s1;
	s8 =	simm.s32 @!p0 $0x1BF5;
	p2 =	por !p2, p0  }
0x20: {  	[sflag:s8] =	ssyncset.s32 @!p0 $0xFFFFF086;
	s6 =	sadd.s32 @!p0 s3, s7;
	s7 =	simm.s32 @!p0 $0x108  }
0x21: {  	s3 =	sadd.s32 s3, s9;
	s6 =	sadd.s32 @!p0 $0x88, s6;
	s7 =	simm.s32 @p2 $0x1082  }
0x22: {  	[simem:s7], [sflag:s8] =	dma.local @!p0 [hbm:s6], $0xF7A  }
0x23: {  	s9 =	sor.u32 $0xD0000000, s2;
	s6 =	simm.s32 $0x108;
	_ =	swait.ge @!p0 [sflag:s8], $0x0  }
0x24: {  	s3 =	sadd.s32 $0x88, s3;
	s6 =	simm.s32 @!p1 $0x1082;
	[sflag:s4] =	ssyncset.s32 $0xFFFFF086  }
0x25: {  	[simem:s6], [sflag:s4] =	dma.local [hbm:s3], $0xF7A  }
0x26: {  	[smem:$0x3F9A] =	sst s1;
	(tag) =	ssettag s2;
	_ =	strace s9  }
0x27: {  	s1 =	sld [smem:$0x3FAA]  }
0x28: {  	s2 =	sld [smem:$0x3FAB]  }
0x29: {  	s4 =	sld [smem:$0x3FAD]  }
0x2a: {  	p0 =	seq.s32 s5, $0x0;
	s5 =	sld [smem:$0x3FAE]  }
0x2b: {  	s6 =	sld [smem:$0x3FAF]  }
0x2c: {  	s7 =	sld [smem:$0x3FB0]  }
0x2d: {  	s3 =	simm.s32 $0x108;
	s8 =	sld [smem:$0x3FB1]  }
0x2e: {  	s3 =	simm.s32 @!p0 $0x1082;
	s9 =	sld [smem:$0x3FB2]  }
0x2f: {  	lr =	sadd.s32 s0, s3;
	s0 =	sld [smem:$0x3FA9]  }
0x30: {  	s3 =	sld [smem:$0x3FAC]  }
0x31: {  	[smem:$0x3FB5] =	sst s10  }
0x32: {  	s10 =	sld [smem:$0x3FB3];
	_ =	sdelay $0x3  }
0x33: {  	p0 =	seq.s32 s10, $0x1;
	s10 =	sld [smem:$0x3FB5];
	_ =	sdelay $0x3  }
0x34: {  	[smem:$0x3FB5] =	sst s10  }
0x35: {  	s10 =	sld [smem:$0x3FB4];
	_ =	sdelay $0x3  }
0x36: {  	p1 =	seq.s32 s10, $0x1;
	s10 =	sld [smem:$0x3FB5];
	_ =	sdelay $0x3  }
0x37: {  	[smem:$0x3FB5] =	sst s10  }
0x38: {  	s10 =	sld [smem:$0x3FB6]  }
0x39: {  	_ = 	snop;
	(pc) =	sbr.ind lr, $3  }
0x3a: {  	_ = 	snop  }
0x3b: {  	_ = 	snop  }
0x3c: {  	p2 =	seq.s32 s10, $0x1;
	s10 =	sld [smem:$0x3FB5]  }
0x3d: {  	_ =	shalt  }
0x3e: {  	_ =	shalt  }
0x3f: {  	_ =	shalt  }
0x40: {  	_ =	shalt  }
0x41: {  	_ =	shalt  }
0x42: {  	_ =	shalt  }
0x43: {  	_ =	shalt  }
0x44: {  	_ =	shalt  }
0x45: {  	_ =	shalt  }
0x46: {  	_ =	shalt  }
0x47: {  	_ =	shalt  }
0x48: {  	_ =	shalt  }
0x49: {  	_ =	shalt  }
0x4a: {  	_ =	shalt  }
0x4b: {  	_ =	shalt  }
0x4c: {  	_ =	shalt  }
0x4d: {  	_ =	shalt  }
0x4e: {  	_ =	shalt  }
0x4f: {  	_ =	shalt  }
0x50: {  	_ =	shalt  }
0x51: {  	_ =	shalt  }
0x52: {  	_ =	shalt  }
0x53: {  	_ =	shalt  }
0x54: {  	_ =	shalt  }
0x55: {  	_ =	shalt  }
0x56: {  	_ =	shalt  }
0x57: {  	_ =	shalt  }
0x58: {  	_ =	shalt  }
0x59: {  	_ =	shalt  }
0x5a: {  	_ =	shalt  }
0x5b: {  	_ =	shalt  }
0x5c: {  	_ =	shalt  }
0x5d: {  	_ =	shalt  }
0x5e: {  	_ =	shalt  }
0x5f: {  	_ =	shalt  }
0x60: {  	_ =	shalt  }
0x61: {  	_ =	shalt  }
0x62: {  	_ =	shalt  }
0x63: {  	_ =	shalt  }
0x64: {  	_ =	shalt  }
0x65: {  	_ =	shalt  }
0x66: {  	_ =	shalt  }
0x67: {  	_ =	shalt  }
0x68: {  	_ =	shalt  }
0x69: {  	_ =	shalt  }
0x6a: {  	_ =	shalt  }
0x6b: {  	_ =	shalt  }
0x6c: {  	_ =	shalt  }
0x6d: {  	_ =	shalt  }
0x6e: {  	_ =	shalt  }
0x6f: {  	_ =	shalt  }
0x70: {  	_ =	shalt  }
0x71: {  	_ =	shalt  }
0x72: {  	_ =	shalt  }
0x73: {  	_ =	shalt  }
0x74: {  	_ =	shalt  }
0x75: {  	_ =	shalt  }
0x76: {  	_ =	shalt  }
0x77: {  	_ =	shalt  }
0x78: {  	_ =	shalt  }
0x79: {  	_ =	shalt  }
0x7a: {  	_ =	shalt  }
0x7b: {  	_ =	shalt  }
0x7c: {  	_ =	shalt  }
0x7d: {  	_ =	shalt  }
0x7e: {  	_ =	shalt  }
0x7f: {  	_ =	shalt  }
0x80: {  	_ =	shalt  }
0x81: {  	_ =	shalt  }
0x82: {  	_ =	shalt  }
0x83: {  	_ =	shalt  }
0x84: {  	_ =	shalt  }
0x85: {  	_ =	shalt  }
0x86: {  	_ =	shalt  }
0x87: {  	_ =	shalt  }
.Lfunc_end0:
.L_simem_size_0:
called_computation_lowered:
.L_overlay_start_0:
0x88: {  	s2 =	sld [smem:$0x3FD9]  }
0x89: {  	s3 =	sld [smem:$0x3FFE];
	_ =	sdelay $0x1  }
0x8a: {  	s1 =	srdreg.scid  }
0x8b: {  	s0 =	sand.u32 $0x1, s1  }
0x8c: {  	s17 =	sshll.u32 s0, $0xA;
	s2 =	sadd.s32 s3, s2  }
0x8d: {  	s2 =	sadd.s32 s2, s17  }
0x8e: {  	[smem:$0x3FC1] =	sst s2  }
0x8f: {  	_ = 	snop  }
0x90: {  	s2 =	sld [smem:$0x3FD0];
	(tm) =	ssettm $0x1  }
0x91: {  	s18 =	sld [smem:$0x3FFB];
	_ =	sdelay $0x3  }
0x92: {  	_ =	strace s18  }
0x93: {  	s3 =	sld [smem:$0x3FFC];
	_ =	sdelay $0x3  }
0x94: {  	_ =	strace s3  }
0x95: {  	s3 =	sld [smem:$0x3FFD];
	_ =	sdelay $0x3  }
0x96: {  	_ =	strace s3  }
0x97: {  	_ =	strace $0x8FFFFFFF  }
0x98: {  	s19 =	sld [smem:$0x3FDB];
	_ =	sdelay $0x1  }
0x99: {  	s4 =	simm.s32 $_scs_section_size  }
0x9a: {  	s5 =	simm.s32 $_size__tile_overlayer_lowered;
	s6 =	simm.s32 $_tile_overlayer_lowered  }
0x9b: {  	s22 =	simm.s32 $0x1BFF;
	s21 =	sshll.u32 s6, $0x1;
	s3 =	sadd.s32 s4, s19  }
0x9c: {  	s7 =	simm.s32 $0x0;
	s20 =	sshll.u32 s5, $0x1;
	s5 =	sadd.s32 s21, s3  }
0x9d: {  	[timem:s7], [sflag:s22] =	dma.local [hbm:s5], s20  }
0x9e: {  	_ =	swait.ge [sflag:s22], s20  }
0x9f: {  	s4 =	ssub.s32 $0x0, s20;
	[sflag:s22] =	ssyncset.done $0x0  }
0xa0: {  	[sflag:s22] =	ssyncadd.s32 s4;
	_ =	sdelay $0x1  }
0xa1: {  	s23 =	simm.s32 $0x1B8B  }
0xa2: {  	_ =	swait.ge [sflag:s23], $0x1  }
0xa3: {  	[sflag:s23] =	ssyncset.done $0x0  }
0xa4: {  	s25 =	simm.s32 $0x1B8E;
	s24 =	sld [smem:$0x3FFE];
	[sflag:s23] =	ssyncadd.s32 $0xFFFFFFFF  }
0xa5: {  	s26 =	simm.s32 $execute0_lowered;
	[smem:$0x3FD2] =	sst s25  }
0xa6: {  	s5 =	sshll.u32 s26, $0x1;
	_ =	strace $0x80000046;
	[dreg:$0x1] =	wrdreg $0xFFFFFFFF  }
0xa7: {  	s28 =	simm.s32 $_size_execute0_lowered;
	s3 =	sadd.s32 s3, s5;
	[dreg:$0x0] =	wrdreg $0x0  }
0xa8: {  	s5 =	sshll.u32 s28, $0x1;
	[dreg:$0x2] =	wrdreg s3  }
0xa9: {  	[dreg:$0x3] =	wrdreg s5  }
0xaa: {  	[dreg:$0x4] =	wrdreg $0xC0  }
0xab: {  	_ =	task [dreg:s7], $0x5FFFF  }
0xac: {  	[dreg:$0x1] =	wrdreg $0xFFFFFFFF  }
0xad: {  	[dreg:$0x0] =	wrdreg $0x60  }
0xae: {  	[dreg:$0x2] =	wrdreg s24  }
0xaf: {  	[dreg:$0x3] =	wrdreg s2  }
0xb0: {  	[dreg:$0x4] =	wrdreg $0x29E00  }
0xb1: {  	[dreg:$0x5] =	wrdreg $0x9  }
0xb2: {  	_ =	task.clear_ibuf [dreg:s7], $0x6FFFF;
	_ =	strace $0x90000046  }
0xb3: {  	s29 =	simm.s32 $0x9;
	_ =	strace $0x80000048  }
0xb4: {  	_ =	swait.ge [sflag:s29], $0x1  }
0xb5: {  	[sflag:s29] =	ssyncadd.s32 $0xFFFFFFFF  }
0xb6: {  	_ =	strace $0x90000048  }
0xb7: {  	_ =	sfence  }
0xb8: {  	s30 =	sld [smem:$0x0];
	_ =	sdelay $0x2  }
0xb9: {  	s31 =	sshll.u32 s1, $0xD;
	s1 =	sshrl.u32 s1, $0x2  }
0xba: {  	s3 =	sand.u32 $0x4000, s31;
	s1 =	sadd.s32 s1, s30  }
0xbb: {  	s0 =	sor.u32 s3, s0;
	s1 =	sshll.u32 s1, $0x11  }
0xbc: {  	s0 =	sor.u32 s1, s0  }
0xbd: {  	s0 =	sadd.s32 $0x8F2B, s0  }
0xbe: {  	[sflag:s0] =	ssyncadd.remote.s32 $0x1  }
0xbf: {  	_ =	sfence.sel $0xFFFF  }
0xc0: {  	[dreg:$0x0] =	wrdreg $0xFFFFFFFF;
	(pc) =	sbr.abs _section_cstart, $3  }
0xc1: {  	[dreg:$0x1] =	wrdreg $0xFFFFFFFF  }
0xc2: {  	_ =	task.clear_ibuf [dreg:s7], $0x2FFFF;
	_ =	strace $0x9FFFFFFF  }
0xc3: {  	(tm) =	ssettm $0x7FFFFFFF  }
tec
execute0_lowered:
.L_overlay_start_1:
0x0: {  	(tag) =	ssettag $0x1  }
0x1: {  	s4 =	rddreg [dreg:$0x0]  }
0x2: {  	s1 =	srdreg.scid;
	s6 =	rddreg [dreg:$0x1]  }
0x3: {  	s0 =	stileid.u32;
	s2 =	rddreg [dreg:$0x2]  }
0x4: {  	s3 =	simm.s32 $0x0;
	s11 =	simm.s32 $0x2710;
	s12 =	simm.s32 $0xA0  }
0x5: {  	s13 =	simm.s32 $0xF0;
	s14 =	simm.s32 $0x140;
	s15 =	simm.s32 $0x1  }
0x6: {  	s16 =	simm.s32 $0x2;
	s17 =	simm.s32 $0x3;
	s18 =	simm.s32 $0x4  }
0x7: {  	s19 =	simm.s32 $0x5;
	s22 =	simm.s32 $0x0;
	s5 =	sand.u32 $0x1, s1  }
0x8: {  	s29 =	sshll.u32 s0, $0x1;
	s8 =	smul.u32 $0x280, s0;
	s20 =	sshll.u32 s0, $0x6  }
0x9: {  	s1 =	sor.u32 s5, s29;
	s9 =	ssub.s32 $0x2, s5;
	s5 =	smul.u32 $0x2800, s5  }
0xa: {  	[smem:$0x7FF] =	sst s3;
	s20 =	sor.u32 $0x1C06, s20;
	s7 =	smul.u32 $0x4E2, s1  }
0xb: {  	s1 =	rddreg [dreg:$0x3];
	_ =	strace $0x80000047;
	s10 =	sshrl.u32 s9, $0x1  }
0xc: {  	s9 =	ssub.s32 s9, s10;
	s30 =	sadd.s32 s8, s5;
	s10 =	simm.s32 $0x50  }
0xd: {  	s7 =	sadd.s32 s7, s4;
	s4 =	sadd.s32 s8, s2;
	s31 =	sshrl.u32 s30, $0x3  }
0xe: {  	s8 =	simm.s32 $0x2760;
	s5 =	sadd.s32 $0xCC00, s7;
	s6 =	sadd.s32 s6, s31  }
0xf: {  	v0 =	vimm.f32 $1.000000000e+00;
	v1 =	vimm.f32 $0.0e+00;
	s7 =	smax.u32 s9, $0x1;
	s9 =	simm.s32 $0x6;
	s21 =	sshrl.u32 s4, $0x3  }
.LBB2_1:
0x10: {  	[tilespmem:$0x2710] =	vst v0  }
0x11: {  	[tilespmem:$0x2720] =	vst v0  }
0x12: {  	[tilespmem:$0x2730] =	vst v0  }
0x13: {  	[tilespmem:$0x2740] =	vst v0  }
0x14: {  	[tilespmem:$0x2750] =	vst v0  }
0x15: {  	[tilespmem:$0x2760] =	vst v1  }
0x16: {  	[tilespmem:$0x2770] =	vst v1  }
0x17: {  	[tilespmem:$0x2780] =	vst v1  }
0x18: {  	[tilespmem:$0x2790] =	vst v1  }
0x19: {  	[tilespmem:$0x27A0] =	vst v1  }
0x1a: {  	[tilespmem:$0x27B0] =	vst v1  }
0x1b: {  	[tilespmem:$0x27C0] =	vst v1  }
0x1c: {  	[tilespmem:$0x27D0] =	vst v1  }
0x1d: {  	[tilespmem:$0x27E0] =	vst v1  }
0x1e: {  	[tilespmem:$0x27F0] =	vst v1  }
0x1f: {  	[tilespmem:$0x2800] =	vst v1  }
0x20: {  	[tilespmem:$0x2810] =	vst v1  }
0x21: {  	[tilespmem:$0x2820] =	vst v1  }
0x22: {  	[tilespmem:$0x2830] =	vst v1  }
0x23: {  	[tilespmem:$0x2840] =	vst v1  }
0x24: {  	[tilespmem:$0x2850] =	vst v1  }
0x25: {  	[tilespmem:$0x2860] =	vst v1  }
0x26: {  	[tilespmem:$0x2870] =	vst v1  }
0x27: {  	[tilespmem:$0x2880] =	vst v1  }
0x28: {  	[tilespmem:$0x2890] =	vst v1  }
0x29: {  	[tilespmem:$0x28A0] =	vst v1  }
0x2a: {  	[tilespmem:$0x28B0] =	vst v1  }
0x2b: {  	[tilespmem:$0x28C0] =	vst v1  }
0x2c: {  	[tilespmem:$0x28D0] =	vst v1  }
0x2d: {  	[tilespmem:$0x28E0] =	vst v1  }
0x2e: {  	[tilespmem:$0x28F0] =	vst v1  }
0x2f: {  	[tilespmem:$0x2900] =	vst v1  }
0x30: {  	[tilespmem:$0x2910] =	vst v1  }
0x31: {  	[tilespmem:$0x2920] =	vst v1  }
0x32: {  	[tilespmem:$0x2930] =	vst v1  }
0x33: {  	[tilespmem:$0x2940] =	vst v1  }
0x34: {  	[tilespmem:$0x2950] =	vst v1  }
0x35: {  	[tilespmem:$0x2960] =	vst v1  }
0x36: {  	[tilespmem:$0x2970] =	vst v1  }
0x37: {  	[tilespmem:$0x2980] =	vst v1  }
0x38: {  	[tilespmem:$0x2990] =	vst v1  }
0x39: {  	[tilespmem:$0x29A0] =	vst v1  }
0x3a: {  	[tilespmem:$0x29B0] =	vst v1  }
0x3b: {  	[tilespmem:$0x29C0] =	vst v1  }
0x3c: {  	[tilespmem:$0x29D0] =	vst v1  }
0x3d: {  	[spmem:s4] =	stream.linear.scatter [tilespmem:s8], [sflag:$0x6], $0x280, $0x38;
	[tilespmem:$0x2C60] =	vst v63  }
0x3e: {  	_ =	swait.ge [sflag:s9], $0x280  }
0x3f: {  	[sflag:s9] =	ssyncset.done $0x0  }
0x40: {  	[sflag:s9] =	ssyncadd.s32 $0xFFFFFD80  }
0x41: {  	[tilespmem:s3], [sflag:$0x6] =	stream.linear.gather [hbm4b:s5+s3], $0x2710, $0x38;
	[tilespmem:$0x2C60] =	vst v63  }
0x42: {  	_ =	swait.ge [sflag:s9], $0x2710  }
0x43: {  	[sflag:s9] =	ssyncset.done $0x0  }
0x44: {  	[sflag:s9] =	ssyncadd.s32 $0xFFFFD8F0  }
0x45: {  	[bflag:$0x0] =	sbarrier.arrive $0xFFFF  }
0x46: {  	[spmem:s2] =	stream.indirect.scatter.add.f32 [tilespmem:s11], [sflag:$0x1], $0x1, s3, s10, $0xb8;
	[tilespmem:$0x2C60] =	vst v63  }
0x47: {  	_ = 	snop  }
0x48: {  	[spmem:s2] =	stream.indirect.scatter.add.f32 [tilespmem:s11], [sflag:$0x2], $0x1, s10, s10, $0xb8;
	[tilespmem:$0x2C60] =	vst v63  }
0x49: {  	_ = 	snop  }
0x4a: {  	[spmem:s2] =	stream.indirect.scatter.add.f32 [tilespmem:s11], [sflag:$0x3], $0x1, s12, s10, $0xb8;
	[tilespmem:$0x2C60] =	vst v63  }
0x4b: {  	_ = 	snop  }
0x4c: {  	[spmem:s2] =	stream.indirect.scatter.add.f32 [tilespmem:s11], [sflag:$0x4], $0x1, s13, s10, $0xb8;
	[tilespmem:$0x2C60] =	vst v63  }
0x4d: {  	_ = 	snop  }
0x4e: {  	[spmem:s2] =	stream.indirect.scatter.add.f32 [tilespmem:s11], [sflag:$0x5], $0x1, s14, s10, $0xb8;
	[tilespmem:$0x2C60] =	vst v63  }
0x4f: {  	_ =	swait.ge [sflag:s15], $0x50  }
0x50: {  	[sflag:s15] =	ssyncset.done $0x0  }
0x51: {  	s23 =	simm.s32 $0x190;
	[sflag:s15] =	ssyncadd.s32 $0xFFFFFFB0  }
0x52: {  	[spmem:s2] =	stream.indirect.scatter.add.f32 [tilespmem:s11], [sflag:$0x1], $0x1, s23, s10, $0xb8;
	[tilespmem:$0x2C60] =	vst v63  }
0x53: {  	_ =	swait.ge [sflag:s16], $0x50  }
0x54: {  	[sflag:s16] =	ssyncset.done $0x0  }
0x55: {  	s29 =	simm.s32 $0x1E0;
	[sflag:s16] =	ssyncadd.s32 $0xFFFFFFB0  }
0x56: {  	[spmem:s2] =	stream.indirect.scatter.add.f32 [tilespmem:s11], [sflag:$0x2], $0x1, s29, s10, $0xb8;
	[tilespmem:$0x2C60] =	vst v63  }
0x57: {  	_ =	swait.ge [sflag:s17], $0x50  }
0x58: {  	[sflag:s17] =	ssyncset.done $0x0  }
0x59: {  	s30 =	simm.s32 $0x230;
	[sflag:s17] =	ssyncadd.s32 $0xFFFFFFB0  }
0x5a: {  	[spmem:s2] =	stream.indirect.scatter.add.f32 [tilespmem:s11], [sflag:$0x3], $0x1, s30, s10, $0xb8;
	[tilespmem:$0x2C60] =	vst v63  }
0x5b: {  	_ =	swait.ge [sflag:s18], $0x50  }
0x5c: {  	[sflag:s18] =	ssyncset.done $0x0  }
0x5d: {  	s31 =	simm.s32 $0x280;
	[sflag:s18] =	ssyncadd.s32 $0xFFFFFFB0  }
0x5e: {  	[spmem:s2] =	stream.indirect.scatter.add.f32 [tilespmem:s11], [sflag:$0x4], $0x1, s31, s10, $0xb8;
	[tilespmem:$0x2C60] =	vst v63  }
0x5f: {  	_ =	swait.ge [sflag:s19], $0x50  }
0x60: {  	[sflag:s19] =	ssyncset.done $0x0  }
0x61: {  	s24 =	simm.s32 $0x2D0;
	s23 =	simm.s32 $0xFFFF7040;
	[sflag:s19] =	ssyncadd.s32 $0xFFFFFFB0  }
.LBB2_2:
0x62: {  	[spmem:s2] =	stream.indirect.scatter.add.f32 [tilespmem:s11], [sflag:$0x5], $0x1, s24, s10, $0xb8;
	[tilespmem:$0x2C60] =	vst v63  }
0x63: {  	s24 =	smov.u32 s23  }
0x64: {  	p0 =	sne.s32 s23, $0xFFFFF9C0;
	s23 =	sadd.s32 $0x640, s23;
	_ =	swait.ge [sflag:s15], $0x50  }
0x65: {  	s24 =	sshra.s32 s24, $0x2;
	[sflag:s15] =	ssyncset.done $0x0  }
0x66: {  	s25 =	sadd.s32 $0x2710, s24;
	[sflag:s15] =	ssyncadd.s32 $0xFFFFFFB0  }
0x67: {  	[spmem:s2] =	stream.indirect.scatter.add.f32 [tilespmem:s11], [sflag:$0x1], $0x1, s25, s10, $0xb8;
	[tilespmem:$0x2C60] =	vst v63  }
0x68: {  	_ =	swait.ge [sflag:s16], $0x50  }
0x69: {  	[sflag:s16] =	ssyncset.done $0x0  }
0x6a: {  	s25 =	sadd.s32 $0x2760, s24;
	[sflag:s16] =	ssyncadd.s32 $0xFFFFFFB0  }
0x6b: {  	[spmem:s2] =	stream.indirect.scatter.add.f32 [tilespmem:s11], [sflag:$0x2], $0x1, s25, s10, $0xb8;
	[tilespmem:$0x2C60] =	vst v63  }
0x6c: {  	_ =	swait.ge [sflag:s17], $0x50  }
0x6d: {  	[sflag:s17] =	ssyncset.done $0x0  }
0x6e: {  	s25 =	sadd.s32 $0x27B0, s24;
	[sflag:s17] =	ssyncadd.s32 $0xFFFFFFB0  }
0x6f: {  	[spmem:s2] =	stream.indirect.scatter.add.f32 [tilespmem:s11], [sflag:$0x3], $0x1, s25, s10, $0xb8;
	[tilespmem:$0x2C60] =	vst v63  }
0x70: {  	_ =	swait.ge [sflag:s18], $0x50  }
0x71: {  	[sflag:s18] =	ssyncset.done $0x0  }
.Ltmp0:
0x72: {  	s25 =	sadd.s32 $0x2800, s24;
	[sflag:s18] =	ssyncadd.s32 $0xFFFFFFB0;
	(pc) =	sbr.rel @p0 .LBB2_2-.Ltmp0, $4  }
0x73: {  	[spmem:s2] =	stream.indirect.scatter.add.f32 [tilespmem:s11], [sflag:$0x4], $0x1, s25, s10, $0xb8;
	[tilespmem:$0x2C60] =	vst v63  }
0x74: {  	_ =	swait.ge [sflag:s19], $0x50  }
0x75: {  	[sflag:s19] =	ssyncset.done $0x0  }
0x76: {  	s24 =	sadd.s32 $0x2850, s24;
	[sflag:s19] =	ssyncadd.s32 $0xFFFFFFB0  }
0x77: {  	[spmem:s2] =	stream.indirect.scatter.add.f32 [tilespmem:s11], [sflag:$0x5], $0x1, s24, s10, $0xb8;
	[tilespmem:$0x2C60] =	vst v63  }
0x78: {  	_ =	swait.ge [sflag:s15], $0x50  }
0x79: {  	[sflag:s15] =	ssyncset.done $0x0  }
0x7a: {  	[sflag:s15] =	ssyncadd.s32 $0xFFFFFFB0  }
0x7b: {  	_ =	swait.ge [sflag:s16], $0x50  }
0x7c: {  	[sflag:s16] =	ssyncset.done $0x0  }
0x7d: {  	[sflag:s16] =	ssyncadd.s32 $0xFFFFFFB0  }
0x7e: {  	_ =	swait.ge [sflag:s17], $0x50  }
0x7f: {  	[sflag:s17] =	ssyncset.done $0x0  }
0x80: {  	[sflag:s17] =	ssyncadd.s32 $0xFFFFFFB0  }
0x81: {  	_ =	swait.ge [sflag:s18], $0x50  }
0x82: {  	[sflag:s18] =	ssyncset.done $0x0  }
0x83: {  	[sflag:s18] =	ssyncadd.s32 $0xFFFFFFB0  }
0x84: {  	_ =	swait.ge [sflag:s19], $0x50  }
0x85: {  	s22 =	sadd.s32 $0x1, s22;
	[sflag:s19] =	ssyncset.done $0x0  }
0x86: {  	p0 =	sne.s32 s22, s7;
	[sflag:s19] =	ssyncadd.s32 $0xFFFFFFB0  }
.Ltmp1:
0x87: {  	[bflag:$0x0] =	sbarrier.arrive $0xFFFF;
	(pc) =	sbr.rel @p0 .LBB2_1-.Ltmp1, $4  }
0x88: {  	[hbm:s6], [sflag:s20] =	dma.local [spmem:s21], $0x50  }
0x89: {  	_ =	swait.ge [sflag:s9], $0x50  }
0x8a: {  	[sflag:s9] =	ssyncset.done $0x0  }
0x8b: {  	[sflag:s9] =	ssyncadd.s32 $0xFFFFFFB0  }
0x8c: {  	_ =	sfence.sel $0x180000  }
0x8d: {  	[bflag:$0x0] =	sbarrier.arrive $0xFFFF  }
0x8e: {  	p0 =	sne.s32 s0, $0x0;
	_ =	strace $0x90000047  }
0x8f: {  	s0 =	sadd.s32 @!p0 $0x100000, s1;
	[bflag:$0x2] =	sbarrier.arrive $0xFFFF  }
0x90: {  	[sflag:s0] =	ssyncadd.tile.s32 @!p0 $0x1;
	_ =	shalt  }
.Lfunc_end2:
_tile_overlayer_lowered:
.L_overlay_start_2:
0x91: {  	(tag) =	ssettag $0x2  }
0x92: {  	s0 =	rddreg [dreg:$0x0];
	s2 =	stileid.u32  }
0x93: {  	s1 =	rddreg [dreg:$0x1];
	p0 =	sne.s32 s2, $0x0  }
0x94: {  	s3 =	rddreg [dreg:$0x2];
	[bflag:$0x3] =	sbarrier.arrive $0xFFFF;
	s2 =	simm.s32 @!p0 $0x1C06  }
0x95: {  	[timem:s3], [sflag:s2] =	dma.local @!p0 [hbm:s0], s1  }
0x96: {  	s0 =	simm.s32 @!p0 $0x6  }
0x97: {  	_ =	swait.ge @!p0 [sflag:s0], s1  }
0x98: {  	s1 =	ssub.s32 @!p0 $0x0, s1;
	[sflag:s0] =	ssyncset.done @!p0 $0x0  }
0x99: {  	[sflag:s0] =	ssyncadd.s32 @!p0 s1  }
0x9a: {  	[bflag:$0x3] =	sbarrier.arrive $0xFFFF  }
0x9b: {  	_ =	shalt  }

</sc_bundles>
